<compile_context>
chip_gen: v7x
topology: tpu7x:2x2x1
jax: 0.10.2.dev20260603
libtpu: 0.0.44.dev20260713+nightly
codegen_flags: <defaults>
</compile_context>

<pallas_src>
import functools

import jax
import jax.numpy as jnp
from jax import lax
from jax.experimental import pallas as pl
from jax.experimental.pallas import tpu as pltpu
from jax.experimental.pallas import tpu_sc as plsc

_VOCAB = 32000
_HID = 768
_B = 4
_S = 2048
_EPS = 1e-12
_NT = _B * _S
_NW = 32
_TPW = _NT // _NW
_C = 16
_NCHUNK = _TPW // _C
_G = _HID // 16
_SB = 12


def _rsqrt16(v):
    i = plsc.bitcast(v, jnp.int32)
    y = plsc.bitcast(jnp.int32(0x5F3759DF) - (i >> 1), jnp.float32)
    h = v * 0.5
    y = y * (1.5 - h * y * y)
    y = y * (1.5 - h * y * y)
    return y


def _tile_body(ids_hbm, wemb_hbm, pemb_hbm, gamma_hbm, beta_hbm, out_hbm,
               idx_all, rows_a, rows_b, pos_a, pos_b, o_a, o_b,
               gamma_v, beta_v, gsem_a, gsem_b, psem_a, psem_b,
               osem_a, osem_b, prosem):
    wid = lax.axis_index("s") * 2 + lax.axis_index("c")
    base = wid * _TPW
    s0 = base % _S

    pltpu.sync_copy(ids_hbm.at[pl.ds(base, _TPW)], idx_all)
    pltpu.async_copy(gamma_hbm, gamma_v, prosem)
    pltpu.async_copy(beta_hbm, beta_v, prosem)

    bufs = (
        (rows_a, pos_a, o_a, gsem_a, psem_a, osem_a),
        (rows_b, pos_b, o_b, gsem_b, psem_b, osem_b),
    )

    def issue_loads(ci, buf):
        rows_v, pos_v, _, gsem, psem, _ = buf
        pltpu.async_copy(wemb_hbm.at[idx_all.at[pl.ds(ci * _C, _C)]],
                         rows_v, gsem)
        pltpu.async_copy(pemb_hbm.at[pl.ds(s0 + ci * _C, _C)], pos_v, psem)

    def wait_loads(buf):
        rows_v, pos_v, _, gsem, psem, _ = buf
        pltpu.make_async_copy(wemb_hbm.at[idx_all.at[pl.ds(0, _C)]],
                              rows_v, gsem).wait()
        pltpu.make_async_copy(pemb_hbm.at[pl.ds(0, _C)], pos_v, psem).wait()

    def issue_out(ci, buf):
        _, _, o_v, _, _, osem = buf
        pltpu.async_copy(o_v, out_hbm.at[pl.ds(base + ci * _C, _C)], osem)

    def wait_out(buf):
        _, _, o_v, _, _, osem = buf
        pltpu.make_async_copy(o_v, out_hbm.at[pl.ds(0, _C)], osem).wait()

    def compute(buf):
        rows_v, pos_v, o_v, _, _, _ = buf

        @plsc.parallel_loop(0, _C, 1, unroll=2)
        def _tok(j):
            sv = jnp.zeros((16,), jnp.float32)
            qv = jnp.zeros((16,), jnp.float32)
            for g in range(_G):
                sl = pl.ds(g * 16, 16)
                x = rows_v[j, sl] + pos_v[j, sl]
                rows_v[j, sl] = x
                sv = sv + x
                qv = qv + x * x
            mean = jnp.sum(sv) * (1.0 / _HID)
            var = jnp.sum(qv) * (1.0 / _HID) - mean * mean
            v16 = jnp.full((16,), 0.0, jnp.float32) + (var + _EPS)
            rstd = _rsqrt16(v16)
            for g0 in range(0, _G, _SB):
                gs = range(g0, min(g0 + _SB, _G))
                sls = [pl.ds(g * 16, 16) for g in gs]
                gms = [gamma_v[sl] for sl in sls]
                bts = [beta_v[sl] for sl in sls]
                xs = [rows_v[j, sl] for sl in sls]
                outs = [(x - mean) * rstd * gm + bt
                        for x, gm, bt in zip(xs, gms, bts)]
                for sl, o in zip(sls, outs):
                    o_v[j, sl] = o

    issue_loads(0, bufs[0])
    issue_loads(1, bufs[1])
    pltpu.make_async_copy(gamma_hbm, gamma_v, prosem).wait()
    pltpu.make_async_copy(beta_hbm, beta_v, prosem).wait()
    n2 = _NCHUNK // 2

    def pipe_body(i, carry):
        @pl.when(i > 0)
        def _():
            wait_out(bufs[0])

        ci0 = i * 2
        wait_loads(bufs[0])
        compute(bufs[0])
        issue_out(ci0, bufs[0])

        @pl.when(i < n2 - 1)
        def _():
            issue_loads(ci0 + 2, bufs[0])

        @pl.when(i > 0)
        def _():
            wait_out(bufs[1])

        wait_loads(bufs[1])
        compute(bufs[1])
        issue_out(ci0 + 1, bufs[1])

        @pl.when(i < n2 - 1)
        def _():
            issue_loads(ci0 + 3, bufs[1])

        return carry

    lax.fori_loop(0, n2, pipe_body, 0)
    wait_out(bufs[0])
    wait_out(bufs[1])


@jax.jit
def _embed_ln(ids_flat, word_emb, pos_emb, gamma, beta):
    mesh = plsc.VectorSubcoreMesh(core_axis_name="c", subcore_axis_name="s")
    kern = functools.partial(
        pl.kernel,
        mesh=mesh,
        out_type=jax.ShapeDtypeStruct((_NT, _HID), jnp.float32),
        scratch_types=[
            pltpu.VMEM((_TPW,), jnp.int32),
            pltpu.VMEM((_C, _HID), jnp.float32),
            pltpu.VMEM((_C, _HID), jnp.float32),
            pltpu.VMEM((_C, _HID), jnp.float32),
            pltpu.VMEM((_C, _HID), jnp.float32),
            pltpu.VMEM((_C, _HID), jnp.float32),
            pltpu.VMEM((_C, _HID), jnp.float32),
            pltpu.VMEM((_HID,), jnp.float32),
            pltpu.VMEM((_HID,), jnp.float32),
            pltpu.SemaphoreType.DMA,
            pltpu.SemaphoreType.DMA,
            pltpu.SemaphoreType.DMA,
            pltpu.SemaphoreType.DMA,
            pltpu.SemaphoreType.DMA,
            pltpu.SemaphoreType.DMA,
            pltpu.SemaphoreType.DMA,
        ],
        compiler_params=pltpu.CompilerParams(needs_layout_passes=False),
    )(_tile_body)
    return kern(ids_flat, word_emb, pos_emb, gamma, beta)


def kernel(input_ids, word_emb, pos_emb, gamma, beta):
    ids_flat = input_ids.reshape(-1).astype(jnp.int32)
    out = _embed_ln(ids_flat, word_emb, pos_emb, gamma, beta)
    return out.reshape(_B, _S, _HID)

# --- scband reference (transcript-rebuilt; emitter-appended) ---
"""Pipeline reference for scband-sinhala-embeddings-87917980549666 (READ-ONLY COPY).

The authoritative reference and input builder live on the scoring server;
editing this copy changes nothing except your own understanding.
"""

import jax, jax.numpy as jnp
import numpy as np

VOCAB = 32000
HID = 768
MAXPOS = 2048
B = 4
S = 2048
EPS = 1e-12


def setup_inputs(seed: int = 0) -> dict:
    key = jax.random.key(seed)
    k1, k2, k3 = jax.random.split(key, 3)
    input_ids = jax.random.randint(k1, (B, S), 0, VOCAB)
    word_emb = jax.random.normal(k2, (VOCAB, HID), dtype=jnp.float32) * 0.02
    # padding_idx=0 -> zero row, matching nn.Embedding(padding_idx=0)
    word_emb = word_emb.at[0].set(0.0)
    pos_emb = jax.random.normal(k3, (MAXPOS, HID), dtype=jnp.float32) * 0.02
    gamma = jnp.ones((HID,), dtype=jnp.float32)
    beta = jnp.zeros((HID,), dtype=jnp.float32)
    return {"input_ids": input_ids, "word_emb": word_emb, "pos_emb": pos_emb, "gamma": gamma, "beta": beta}


def reference(input_ids, word_emb, pos_emb, gamma, beta):
    seq_len = input_ids.shape[1]
    position_ids = jnp.arange(seq_len, dtype=jnp.int32)[None, :]
    we = jnp.take(word_emb, input_ids, axis=0)
    pe = jnp.take(pos_emb, position_ids, axis=0)
    emb = we + pe
    mean = jnp.mean(emb, axis=-1, keepdims=True)
    var = jnp.var(emb, axis=-1, keepdims=True)
    norm = (emb - mean) / jnp.sqrt(var + EPS)
    # dropout is identity in eval mode
    return norm * gamma + beta

if __name__ == "__main__":
    import jax
    _d = setup_inputs()
    print(jax.jit(kernel)(*tuple(_d.values())))

</pallas_src>

<mosaic_0001>
#map = affine_map<(d0, d1) -> (0)>
#map1 = affine_map<(d0, d1) -> (0, 0)>
module attributes {stable_mosaic.version = 14 : i64} {
  func.func @_tile_body(%arg0: i32, %arg1: i32, %arg2: memref<8192xi32, #tpu.memory_space<hbm>>, %arg3: memref<32000x768xf32, #tpu.memory_space<hbm>>, %arg4: memref<2048x768xf32, #tpu.memory_space<hbm>>, %arg5: memref<768xf32, #tpu.memory_space<hbm>>, %arg6: memref<768xf32, #tpu.memory_space<hbm>>, %arg7: memref<8192x768xf32, #tpu.memory_space<hbm>>, %arg8: memref<256xi32, #tpu.memory_space<vmem>>, %arg9: memref<16x768xf32, #tpu.memory_space<vmem>>, %arg10: memref<16x768xf32, #tpu.memory_space<vmem>>, %arg11: memref<16x768xf32, #tpu.memory_space<vmem>>, %arg12: memref<16x768xf32, #tpu.memory_space<vmem>>, %arg13: memref<16x768xf32, #tpu.memory_space<vmem>>, %arg14: memref<16x768xf32, #tpu.memory_space<vmem>>, %arg15: memref<768xf32, #tpu.memory_space<vmem>>, %arg16: memref<768xf32, #tpu.memory_space<vmem>>, %arg17: memref<!tpu.dma_semaphore, #tpu.memory_space<semaphore_mem>>, %arg18: memref<!tpu.dma_semaphore, #tpu.memory_space<semaphore_mem>>, %arg19: memref<!tpu.dma_semaphore, #tpu.memory_space<semaphore_mem>>, %arg20: memref<!tpu.dma_semaphore, #tpu.memory_space<semaphore_mem>>, %arg21: memref<!tpu.dma_semaphore, #tpu.memory_space<semaphore_mem>>, %arg22: memref<!tpu.dma_semaphore, #tpu.memory_space<semaphore_mem>>, %arg23: memref<!tpu.dma_semaphore, #tpu.memory_space<semaphore_mem>>) attributes {dimension_semantics = [#tpu.dimension_semantics<core_parallel>, #tpu.dimension_semantics<subcore_parallel>], iteration_bounds = array<i64: 2, 16>, scalar_prefetch = 0 : i64, scratch_operands = 16 : i64, tpu.core_type = #tpu.core_type<sc_vector_subcore>, window_params = [{transform_indices = #map}, {transform_indices = #map1}, {transform_indices = #map1}, {transform_indices = #map}, {transform_indices = #map}, {transform_indices = #map1}]} {
    %mul3A = arith.constant 2 : i32
    %mul3A_0 = arith.muli %arg1, %mul3A : i32
    %add3A = arith.addi %mul3A_0, %arg0 : i32
    %mul3A_1 = arith.constant 256 : i32
    %mul3A_2 = arith.muli %add3A, %mul3A_1 : i32
    %jit3A = arith.constant 2048 : i32
    %eq3A = arith.constant 0 : i32
    %eq3A_3 = arith.cmpi eq, %jit3A, %eq3A : i32
    %jit3A_4 = arith.constant 1 : i32
    %select_n3A = arith.select %eq3A_3, %jit3A_4, %jit3A : i32
    %rem3A = arith.remsi %mul3A_2, %select_n3A : i32
    %ne3A = arith.constant 0 : i32
    %ne3A_5 = arith.cmpi ne, %rem3A, %ne3A : i32
    %lt3A = arith.constant 0 : i32
    %lt3A_6 = arith.cmpi slt, %rem3A, %lt3A : i32
    %lt3A_7 = arith.constant 0 : i32
    %lt3A_8 = arith.cmpi slt, %select_n3A, %lt3A_7 : i32
    %ne3A_9 = arith.xori %lt3A_6, %lt3A_8 : i1
    %and3A = arith.andi %ne3A_9, %ne3A_5 : i1
    %add3A_10 = arith.addi %rem3A, %select_n3A : i32
    %select_n3A_11 = arith.select %and3A, %add3A_10, %rem3A : i32
    "tpu.region"() ({
      %run_scoped3A = tpu.sem_alloc : memref<!tpu.dma_semaphore, #tpu.memory_space<semaphore_mem>>
      %dma_start3A_49 = tpu.memref_slice %arg2[%mul3A_2] : memref<8192xi32, #tpu.memory_space<hbm>> -> memref<256xi32, #tpu.memory_space<hbm>>
      %dma_start3A_50 = tpu.memref_slice %arg2[%mul3A_2] : memref<8192xi32, #tpu.memory_space<hbm>> -> memref<256xi32, #tpu.memory_space<hbm>>
      tpu.enqueue_dma source(%dma_start3A_50 : memref<256xi32, #tpu.memory_space<hbm>>) target(%arg8 : memref<256xi32, #tpu.memory_space<vmem>>) target_semaphore(%run_scoped3A : memref<!tpu.dma_semaphore, #tpu.memory_space<semaphore_mem>>)
      %dma_wait3A_51 = tpu.memref_slice %arg2[%mul3A_2] : memref<8192xi32, #tpu.memory_space<hbm>> -> memref<256xi32, #tpu.memory_space<hbm>>
      %dma_wait3A_52 = tpu.memref_slice %arg2[%mul3A_2] : memref<8192xi32, #tpu.memory_space<hbm>> -> memref<256xi32, #tpu.memory_space<hbm>>
      tpu.wait_dma2 semaphore(%run_scoped3A : memref<!tpu.dma_semaphore, #tpu.memory_space<semaphore_mem>>) src(%dma_wait3A_52 : memref<256xi32, #tpu.memory_space<hbm>>) dst(%arg8 : memref<256xi32, #tpu.memory_space<vmem>>)
      tpu.yield
    }) : () -> ()
    tpu.enqueue_dma source(%arg5 : memref<768xf32, #tpu.memory_space<hbm>>) target(%arg15 : memref<768xf32, #tpu.memory_space<vmem>>) target_semaphore(%arg23 : memref<!tpu.dma_semaphore, #tpu.memory_space<semaphore_mem>>)
    tpu.enqueue_dma source(%arg6 : memref<768xf32, #tpu.memory_space<hbm>>) target(%arg16 : memref<768xf32, #tpu.memory_space<vmem>>) target_semaphore(%arg23 : memref<!tpu.dma_semaphore, #tpu.memory_space<semaphore_mem>>)
    %dma_start3A = arith.constant 0 : i32
    %dma_start3A_12 = tpu.memref_slice %arg8[%dma_start3A] : memref<256xi32, #tpu.memory_space<vmem>> -> memref<16xi32, #tpu.memory_space<vmem>>
    %dma_start3A_13 = arith.constant 0 : i32
    %dma_start3A_14 = arith.constant 0 : i32
    %dma_start3A_15 = tpu.memref_slice %arg3[%dma_start3A_13, %dma_start3A_14] : memref<32000x768xf32, #tpu.memory_space<hbm>> -> memref<32000x768xf32, #tpu.memory_space<hbm>>
    tpu.enqueue_indirect_dma source(%dma_start3A_15 : memref<32000x768xf32, #tpu.memory_space<hbm>>) target(%arg9 : memref<16x768xf32, #tpu.memory_space<vmem>>) offsets(%dma_start3A_12 : memref<16xi32, #tpu.memory_space<vmem>>) semaphore(%arg17 : memref<!tpu.dma_semaphore, #tpu.memory_space<semaphore_mem>>)
    %add3A_16 = arith.constant 0 : i32
    %add3A_17 = arith.addi %select_n3A_11, %add3A_16 : i32
    %dma_start3A_18 = arith.constant 0 : i32
    %dma_start3A_19 = tpu.memref_slice %arg4[%add3A_17, %dma_start3A_18] : memref<2048x768xf32, #tpu.memory_space<hbm>> -> memref<16x768xf32, #tpu.memory_space<hbm>>
    %dma_start3A_20 = arith.constant 0 : i32
    %dma_start3A_21 = tpu.memref_slice %arg4[%add3A_17, %dma_start3A_20] : memref<2048x768xf32, #tpu.memory_space<hbm>> -> memref<16x768xf32, #tpu.memory_space<hbm>>
    tpu.enqueue_dma source(%dma_start3A_21 : memref<16x768xf32, #tpu.memory_space<hbm>>) target(%arg11 : memref<16x768xf32, #tpu.memory_space<vmem>>) target_semaphore(%arg19 : memref<!tpu.dma_semaphore, #tpu.memory_space<semaphore_mem>>)
    %dma_start3A_22 = arith.constant 16 : i32
    %dma_start3A_23 = tpu.memref_slice %arg8[%dma_start3A_22] : memref<256xi32, #tpu.memory_space<vmem>> -> memref<16xi32, #tpu.memory_space<vmem>>
    %dma_start3A_24 = arith.constant 0 : i32
    %dma_start3A_25 = arith.constant 0 : i32
    %dma_start3A_26 = tpu.memref_slice %arg3[%dma_start3A_24, %dma_start3A_25] : memref<32000x768xf32, #tpu.memory_space<hbm>> -> memref<32000x768xf32, #tpu.memory_space<hbm>>
    tpu.enqueue_indirect_dma source(%dma_start3A_26 : memref<32000x768xf32, #tpu.memory_space<hbm>>) target(%arg10 : memref<16x768xf32, #tpu.memory_space<vmem>>) offsets(%dma_start3A_23 : memref<16xi32, #tpu.memory_space<vmem>>) semaphore(%arg18 : memref<!tpu.dma_semaphore, #tpu.memory_space<semaphore_mem>>)
    %add3A_27 = arith.constant 16 : i32
    %add3A_28 = arith.addi %select_n3A_11, %add3A_27 : i32
    %dma_start3A_29 = arith.constant 0 : i32
    %dma_start3A_30 = tpu.memref_slice %arg4[%add3A_28, %dma_start3A_29] : memref<2048x768xf32, #tpu.memory_space<hbm>> -> memref<16x768xf32, #tpu.memory_space<hbm>>
    %dma_start3A_31 = arith.constant 0 : i32
    %dma_start3A_32 = tpu.memref_slice %arg4[%add3A_28, %dma_start3A_31] : memref<2048x768xf32, #tpu.memory_space<hbm>> -> memref<16x768xf32, #tpu.memory_space<hbm>>
    tpu.enqueue_dma source(%dma_start3A_32 : memref<16x768xf32, #tpu.memory_space<hbm>>) target(%arg12 : memref<16x768xf32, #tpu.memory_space<vmem>>) target_semaphore(%arg20 : memref<!tpu.dma_semaphore, #tpu.memory_space<semaphore_mem>>)
    tpu.wait_dma2 semaphore(%arg23 : memref<!tpu.dma_semaphore, #tpu.memory_space<semaphore_mem>>) src(%arg5 : memref<768xf32, #tpu.memory_space<hbm>>) dst(%arg15 : memref<768xf32, #tpu.memory_space<vmem>>)
    tpu.wait_dma2 semaphore(%arg23 : memref<!tpu.dma_semaphore, #tpu.memory_space<semaphore_mem>>) src(%arg6 : memref<768xf32, #tpu.memory_space<hbm>>) dst(%arg16 : memref<768xf32, #tpu.memory_space<vmem>>)
    %scan3A = arith.constant 0 : i32
    %scan3A_33 = arith.constant 0 : i32
    %scan3A_34 = arith.constant 8 : i32
    %scan3A_35 = arith.addi %scan3A_33, %scan3A_34 : i32
    %scan3A_36 = arith.constant 1 : i32
    scf.for %scan3A_49 = %scan3A_33 to %scan3A_35 step %scan3A_36  : i32 {
      %gt3A = arith.constant 0 : i32
      %gt3A_50 = arith.cmpi sgt, %scan3A_49, %gt3A : i32
      %convert_element_type3A = arith.extui %gt3A_50 : i1 to i32
      %cond3A = arith.constant 0 : i32
      %cond3A_51 = arith.cmpi ne, %convert_element_type3A, %cond3A : i32
      scf.if %cond3A_51 {
        %dma_wait3A_112 = arith.constant 0 : i32
        %dma_wait3A_113 = arith.constant 0 : i32
        %dma_wait3A_114 = tpu.memref_slice %arg7[%dma_wait3A_112, %dma_wait3A_113] : memref<8192x768xf32, #tpu.memory_space<hbm>> -> memref<16x768xf32, #tpu.memory_space<hbm>>
        %dma_wait3A_115 = arith.constant 0 : i32
        %dma_wait3A_116 = arith.constant 0 : i32
        %dma_wait3A_117 = tpu.memref_slice %arg7[%dma_wait3A_115, %dma_wait3A_116] : memref<8192x768xf32, #tpu.memory_space<hbm>> -> memref<16x768xf32, #tpu.memory_space<hbm>>
        tpu.wait_dma2 semaphore(%arg21 : memref<!tpu.dma_semaphore, #tpu.memory_space<semaphore_mem>>) src(%arg13 : memref<16x768xf32, #tpu.memory_space<vmem>>) dst(%dma_wait3A_117 : memref<16x768xf32, #tpu.memory_space<hbm>>)
      } else {
      }
      %mul3A_52 = arith.constant 2 : i32
      %mul3A_53 = arith.muli %scan3A_49, %mul3A_52 : i32
      %dma_wait3A_54 = arith.constant 0 : i32
      %dma_wait3A_55 = tpu.memref_slice %arg8[%dma_wait3A_54] : memref<256xi32, #tpu.memory_space<vmem>> -> memref<16xi32, #tpu.memory_space<vmem>>
      %dma_wait3A_56 = arith.constant 0 : i32
      %dma_wait3A_57 = arith.constant 0 : i32
      %dma_wait3A_58 = tpu.memref_slice %arg3[%dma_wait3A_56, %dma_wait3A_57] : memref<32000x768xf32, #tpu.memory_space<hbm>> -> memref<32000x768xf32, #tpu.memory_space<hbm>>
      tpu.wait_indirect_dma semaphore(%arg17 : memref<!tpu.dma_semaphore, #tpu.memory_space<semaphore_mem>>) src(%dma_wait3A_58 : memref<32000x768xf32, #tpu.memory_space<hbm>>) dst(%arg9 : memref<16x768xf32, #tpu.memory_space<vmem>>)
      %dma_wait3A_59 = arith.constant 0 : i32
      %dma_wait3A_60 = arith.constant 0 : i32
      %dma_wait3A_61 = tpu.memref_slice %arg4[%dma_wait3A_59, %dma_wait3A_60] : memref<2048x768xf32, #tpu.memory_space<hbm>> -> memref<16x768xf32, #tpu.memory_space<hbm>>
      %dma_wait3A_62 = arith.constant 0 : i32
      %dma_wait3A_63 = arith.constant 0 : i32
      %dma_wait3A_64 = tpu.memref_slice %arg4[%dma_wait3A_62, %dma_wait3A_63] : memref<2048x768xf32, #tpu.memory_space<hbm>> -> memref<16x768xf32, #tpu.memory_space<hbm>>
      tpu.wait_dma2 semaphore(%arg19 : memref<!tpu.dma_semaphore, #tpu.memory_space<semaphore_mem>>) src(%dma_wait3A_64 : memref<16x768xf32, #tpu.memory_space<hbm>>) dst(%arg11 : memref<16x768xf32, #tpu.memory_space<vmem>>)
      %parallel_loop3A = arith.constant 0 : i32
      %parallel_loop3A_65 = arith.constant 16 : i32
      %parallel_loop3A_66 = arith.constant 1 : i32
      scf.for %parallel_loop3A_112 = %parallel_loop3A to %parallel_loop3A_65 step %parallel_loop3A_66  : i32 {
        %parallel_loop3A_113 = arith.constant 0.000000e+00 : f32
        %parallel_loop3A_114 = vector.broadcast %parallel_loop3A_113 : f32 to vector<16xf32>
        %parallel_loop3A_115 = arith.constant 0.000000e+00 : f32
        %parallel_loop3A_116 = vector.broadcast %parallel_loop3A_115 : f32 to vector<16xf32>
        %parallel_loop3A_117 = arith.index_cast %parallel_loop3A_112 : i32 to index
        %parallel_loop3A_118 = arith.constant 0 : index
        %parallel_loop3A_119 = tpu.vector_load %arg9[%parallel_loop3A_117, %parallel_loop3A_118] {strides = array<i32>} : memref<16x768xf32, #tpu.memory_space<vmem>>, vector<16xf32>,
        %parallel_loop3A_120 = arith.index_cast %parallel_loop3A_112 : i32 to index
        %parallel_loop3A_121 = arith.constant 0 : index
        %parallel_loop3A_122 = tpu.vector_load %arg11[%parallel_loop3A_120, %parallel_loop3A_121] {strides = array<i32>} : memref<16x768xf32, #tpu.memory_space<vmem>>, vector<16xf32>,
        %parallel_loop3A_123 = arith.addf %parallel_loop3A_119, %parallel_loop3A_122 : vector<16xf32>
        %parallel_loop3A_124 = arith.index_cast %parallel_loop3A_112 : i32 to index
        %parallel_loop3A_125 = arith.constant 0 : index
        %parallel_loop3A_126 = tpu.vector_load %arg9[%parallel_loop3A_124, %parallel_loop3A_125] {strides = array<i32>} : memref<16x768xf32, #tpu.memory_space<vmem>>, vector<16xf32>,
        tpu.vector_store %arg9[%parallel_loop3A_124, %parallel_loop3A_125], %parallel_loop3A_123 {strides = array<i32>} : memref<16x768xf32, #tpu.memory_space<vmem>>, vector<16xf32>,
        %parallel_loop3A_127 = arith.addf %parallel_loop3A_114, %parallel_loop3A_123 : vector<16xf32>
        %parallel_loop3A_128 = arith.mulf %parallel_loop3A_123, %parallel_loop3A_123 : vector<16xf32>
        %parallel_loop3A_129 = arith.addf %parallel_loop3A_116, %parallel_loop3A_128 : vector<16xf32>
        %parallel_loop3A_130 = arith.index_cast %parallel_loop3A_112 : i32 to index
        %parallel_loop3A_131 = arith.constant 16 : index
        %parallel_loop3A_132 = tpu.vector_load %arg9[%parallel_loop3A_130, %parallel_loop3A_131] {strides = array<i32>} : memref<16x768xf32, #tpu.memory_space<vmem>>, vector<16xf32>,
        %parallel_loop3A_133 = arith.index_cast %parallel_loop3A_112 : i32 to index
        %parallel_loop3A_134 = arith.constant 16 : index
        %parallel_loop3A_135 = tpu.vector_load %arg11[%parallel_loop3A_133, %parallel_loop3A_134] {strides = array<i32>} : memref<16x768xf32, #tpu.memory_space<vmem>>, vector<16xf32>,
        %parallel_loop3A_136 = arith.addf %parallel_loop3A_132, %parallel_loop3A_135 : vector<16xf32>
        %parallel_loop3A_137 = arith.index_cast %parallel_loop3A_112 : i32 to index
        %parallel_loop3A_138 = arith.constant 16 : index
        %parallel_loop3A_139 = tpu.vector_load %arg9[%parallel_loop3A_137, %parallel_loop3A_138] {strides = array<i32>} : memref<16x768xf32, #tpu.memory_space<vmem>>, vector<16xf32>,
        tpu.vector_store %arg9[%parallel_loop3A_137, %parallel_loop3A_138], %parallel_loop3A_136 {strides = array<i32>} : memref<16x768xf32, #tpu.memory_space<vmem>>, vector<16xf32>,
        %parallel_loop3A_140 = arith.addf %parallel_loop3A_127, %parallel_loop3A_136 : vector<16xf32>
        %parallel_loop3A_141 = arith.mulf %parallel_loop3A_136, %parallel_loop3A_136 : vector<16xf32>
        %parallel_loop3A_142 = arith.addf %parallel_loop3A_129, %parallel_loop3A_141 : vector<16xf32>
        %parallel_loop3A_143 = arith.index_cast %parallel_loop3A_112 : i32 to index
        %parallel_loop3A_144 = arith.constant 32 : index
        %parallel_loop3A_145 = tpu.vector_load %arg9[%parallel_loop3A_143, %parallel_loop3A_144] {strides = array<i32>} : memref<16x768xf32, #tpu.memory_space<vmem>>, vector<16xf32>,
        %parallel_loop3A_146 = arith.index_cast %parallel_loop3A_112 : i32 to index
        %parallel_loop3A_147 = arith.constant 32 : index
        %parallel_loop3A_148 = tpu.vector_load %arg11[%parallel_loop3A_146, %parallel_loop3A_147] {strides = array<i32>} : memref<16x768xf32, #tpu.memory_space<vmem>>, vector<16xf32>,
        %parallel_loop3A_149 = arith.addf %parallel_loop3A_145, %parallel_loop3A_148 : vector<16xf32>
        %parallel_loop3A_150 = arith.index_cast %parallel_loop3A_112 : i32 to index
        %parallel_loop3A_151 = arith.constant 32 : index
        %parallel_loop3A_152 = tpu.vector_load %arg9[%parallel_loop3A_150, %parallel_loop3A_151] {strides = array<i32>} : memref<16x768xf32, #tpu.memory_space<vmem>>, vector<16xf32>,
        tpu.vector_store %arg9[%parallel_loop3A_150, %parallel_loop3A_151], %parallel_loop3A_149 {strides = array<i32>} : memref<16x768xf32, #tpu.memory_space<vmem>>, vector<16xf32>,
        %parallel_loop3A_153 = arith.addf %parallel_loop3A_140, %parallel_loop3A_149 : vector<16xf32>
        %parallel_loop3A_154 = arith.mulf %parallel_loop3A_149, %parallel_loop3A_149 : vector<16xf32>
        %parallel_loop3A_155 = arith.addf %parallel_loop3A_142, %parallel_loop3A_154 : vector<16xf32>
        %parallel_loop3A_156 = arith.index_cast %parallel_loop3A_112 : i32 to index
        %parallel_loop3A_157 = arith.constant 48 : index
        %parallel_loop3A_158 = tpu.vector_load %arg9[%parallel_loop3A_156, %parallel_loop3A_157] {strides = array<i32>} : memref<16x768xf32, #tpu.memory_space<vmem>>, vector<16xf32>,
        %parallel_loop3A_159 = arith.index_cast %parallel_loop3A_112 : i32 to index
        %parallel_loop3A_160 = arith.constant 48 : index
        %parallel_loop3A_161 = tpu.vector_load %arg11[%parallel_loop3A_159, %parallel_loop3A_160] {strides = array<i32>} : memref<16x768xf32, #tpu.memory_space<vmem>>, vector<16xf32>,
        %parallel_loop3A_162 = arith.addf %parallel_loop3A_158, %parallel_loop3A_161 : vector<16xf32>
        %parallel_loop3A_163 = arith.index_cast %parallel_loop3A_112 : i32 to index
        %parallel_loop3A_164 = arith.constant 48 : index
        %parallel_loop3A_165 = tpu.vector_load %arg9[%parallel_loop3A_163, %parallel_loop3A_164] {strides = array<i32>} : memref<16x768xf32, #tpu.memory_space<vmem>>, vector<16xf32>,
        tpu.vector_store %arg9[%parallel_loop3A_163, %parallel_loop3A_164], %parallel_loop3A_162 {strides = array<i32>} : memref<16x768xf32, #tpu.memory_space<vmem>>, vector<16xf32>,
        %parallel_loop3A_166 = arith.addf %parallel_loop3A_153, %parallel_loop3A_162 : vector<16xf32>
        %parallel_loop3A_167 = arith.mulf %parallel_loop3A_162, %parallel_loop3A_162 : vector<16xf32>
        %parallel_loop3A_168 = arith.addf %parallel_loop3A_155, %parallel_loop3A_167 : vector<16xf32>
        %parallel_loop3A_169 = arith.index_cast %parallel_loop3A_112 : i32 to index
        %parallel_loop3A_170 = arith.constant 64 : index
        %parallel_loop3A_171 = tpu.vector_load %arg9[%parallel_loop3A_169, %parallel_loop3A_170] {strides = array<i32>} : memref<16x768xf32, #tpu.memory_space<vmem>>, vector<16xf32>,
        %parallel_loop3A_172 = arith.index_cast %parallel_loop3A_112 : i32 to index
        %parallel_loop3A_173 = arith.constant 64 : index
        %parallel_loop3A_174 = tpu.vector_load %arg11[%parallel_loop3A_172, %parallel_loop3A_173] {strides = array<i32>} : memref<16x768xf32, #tpu.memory_space<vmem>>, vector<16xf32>,
        %parallel_loop3A_175 = arith.addf %parallel_loop3A_171, %parallel_loop3A_174 : vector<16xf32>
        %parallel_loop3A_176 = arith.index_cast %parallel_loop3A_112 : i32 to index
        %parallel_loop3A_177 = arith.constant 64 : index
        %parallel_loop3A_178 = tpu.vector_load %arg9[%parallel_loop3A_176, %parallel_loop3A_177] {strides = array<i32>} : memref<16x768xf32, #tpu.memory_space<vmem>>, vector<16xf32>,
        tpu.vector_store %arg9[%parallel_loop3A_176, %parallel_loop3A_177], %parallel_loop3A_175 {strides = array<i32>} : memref<16x768xf32, #tpu.memory_space<vmem>>, vector<16xf32>,
        %parallel_loop3A_179 = arith.addf %parallel_loop3A_166, %parallel_loop3A_175 : vector<16xf32>
        %parallel_loop3A_180 = arith.mulf %parallel_loop3A_175, %parallel_loop3A_175 : vector<16xf32>
        %parallel_loop3A_181 = arith.addf %parallel_loop3A_168, %parallel_loop3A_180 : vector<16xf32>
        %parallel_loop3A_182 = arith.index_cast %parallel_loop3A_112 : i32 to index
        %parallel_loop3A_183 = arith.constant 80 : index
        %parallel_loop3A_184 = tpu.vector_load %arg9[%parallel_loop3A_182, %parallel_loop3A_183] {strides = array<i32>} : memref<16x768xf32, #tpu.memory_space<vmem>>, vector<16xf32>,
        %parallel_loop3A_185 = arith.index_cast %parallel_loop3A_112 : i32 to index
        %parallel_loop3A_186 = arith.constant 80 : index
        %parallel_loop3A_187 = tpu.vector_load %arg11[%parallel_loop3A_185, %parallel_loop3A_186] {strides = array<i32>} : memref<16x768xf32, #tpu.memory_space<vmem>>, vector<16xf32>,
        %parallel_loop3A_188 = arith.addf %parallel_loop3A_184, %parallel_loop3A_187 : vector<16xf32>
        %parallel_loop3A_189 = arith.index_cast %parallel_loop3A_112 : i32 to index
        %parallel_loop3A_190 = arith.constant 80 : index
        %parallel_loop3A_191 = tpu.vector_load %arg9[%parallel_loop3A_189, %parallel_loop3A_190] {strides = array<i32>} : memref<16x768xf32, #tpu.memory_space<vmem>>, vector<16xf32>,
        tpu.vector_store %arg9[%parallel_loop3A_189, %parallel_loop3A_190], %parallel_loop3A_188 {strides = array<i32>} : memref<16x768xf32, #tpu.memory_space<vmem>>, vector<16xf32>,
        %parallel_loop3A_192 = arith.addf %parallel_loop3A_179, %parallel_loop3A_188 : vector<16xf32>
        %parallel_loop3A_193 = arith.mulf %parallel_loop3A_188, %parallel_loop3A_188 : vector<16xf32>
        %parallel_loop3A_194 = arith.addf %parallel_loop3A_181, %parallel_loop3A_193 : vector<16xf32>
        %parallel_loop3A_195 = arith.index_cast %parallel_loop3A_112 : i32 to index
        %parallel_loop3A_196 = arith.constant 96 : index
        %parallel_loop3A_197 = tpu.vector_load %arg9[%parallel_loop3A_195, %parallel_loop3A_196] {strides = array<i32>} : memref<16x768xf32, #tpu.memory_space<vmem>>, vector<16xf32>,
        %parallel_loop3A_198 = arith.index_cast %parallel_loop3A_112 : i32 to index
        %parallel_loop3A_199 = arith.constant 96 : index
        %parallel_loop3A_200 = tpu.vector_load %arg11[%parallel_loop3A_198, %parallel_loop3A_199] {strides = array<i32>} : memref<16x768xf32, #tpu.memory_space<vmem>>, vector<16xf32>,
        %parallel_loop3A_201 = arith.addf %parallel_loop3A_197, %parallel_loop3A_200 : vector<16xf32>
        %parallel_loop3A_202 = arith.index_cast %parallel_loop3A_112 : i32 to index
        %parallel_loop3A_203 = arith.constant 96 : index
        %parallel_loop3A_204 = tpu.vector_load %arg9[%parallel_loop3A_202, %parallel_loop3A_203] {strides = array<i32>} : memref<16x768xf32, #tpu.memory_space<vmem>>, vector<16xf32>,
        tpu.vector_store %arg9[%parallel_loop3A_202, %parallel_loop3A_203], %parallel_loop3A_201 {strides = array<i32>} : memref<16x768xf32, #tpu.memory_space<vmem>>, vector<16xf32>,
        %parallel_loop3A_205 = arith.addf %parallel_loop3A_192, %parallel_loop3A_201 : vector<16xf32>
        %parallel_loop3A_206 = arith.mulf %parallel_loop3A_201, %parallel_loop3A_201 : vector<16xf32>
        %parallel_loop3A_207 = arith.addf %parallel_loop3A_194, %parallel_loop3A_206 : vector<16xf32>
        %parallel_loop3A_208 = arith.index_cast %parallel_loop3A_112 : i32 to index
        %parallel_loop3A_209 = arith.constant 112 : index
        %parallel_loop3A_210 = tpu.vector_load %arg9[%parallel_loop3A_208, %parallel_loop3A_209] {strides = array<i32>} : memref<16x768xf32, #tpu.memory_space<vmem>>, vector<16xf32>,
        %parallel_loop3A_211 = arith.index_cast %parallel_loop3A_112 : i32 to index
        %parallel_loop3A_212 = arith.constant 112 : index
        %parallel_loop3A_213 = tpu.vector_load %arg11[%parallel_loop3A_211, %parallel_loop3A_212] {strides = array<i32>} : memref<16x768xf32, #tpu.memory_space<vmem>>, vector<16xf32>,
        %parallel_loop3A_214 = arith.addf %parallel_loop3A_210, %parallel_loop3A_213 : vector<16xf32>
        %parallel_loop3A_215 = arith.index_cast %parallel_loop3A_112 : i32 to index
        %parallel_loop3A_216 = arith.constant 112 : index
        %parallel_loop3A_217 = tpu.vector_load %arg9[%parallel_loop3A_215, %parallel_loop3A_216] {strides = array<i32>} : memref<16x768xf32, #tpu.memory_space<vmem>>, vector<16xf32>,
        tpu.vector_store %arg9[%parallel_loop3A_215, %parallel_loop3A_216], %parallel_loop3A_214 {strides = array<i32>} : memref<16x768xf32, #tpu.memory_space<vmem>>, vector<16xf32>,
        %parallel_loop3A_218 = arith.addf %parallel_loop3A_205, %parallel_loop3A_214 : vector<16xf32>
        %parallel_loop3A_219 = arith.mulf %parallel_loop3A_214, %parallel_loop3A_214 : vector<16xf32>
        %parallel_loop3A_220 = arith.addf %parallel_loop3A_207, %parallel_loop3A_219 : vector<16xf32>
        %parallel_loop3A_221 = arith.index_cast %parallel_loop3A_112 : i32 to index
        %parallel_loop3A_222 = arith.constant 128 : index
        %parallel_loop3A_223 = tpu.vector_load %arg9[%parallel_loop3A_221, %parallel_loop3A_222] {strides = array<i32>} : memref<16x768xf32, #tpu.memory_space<vmem>>, vector<16xf32>,
        %parallel_loop3A_224 = arith.index_cast %parallel_loop3A_112 : i32 to index
        %parallel_loop3A_225 = arith.constant 128 : index
        %parallel_loop3A_226 = tpu.vector_load %arg11[%parallel_loop3A_224, %parallel_loop3A_225] {strides = array<i32>} : memref<16x768xf32, #tpu.memory_space<vmem>>, vector<16xf32>,
        %parallel_loop3A_227 = arith.addf %parallel_loop3A_223, %parallel_loop3A_226 : vector<16xf32>
        %parallel_loop3A_228 = arith.index_cast %parallel_loop3A_112 : i32 to index
        %parallel_loop3A_229 = arith.constant 128 : index
        %parallel_loop3A_230 = tpu.vector_load %arg9[%parallel_loop3A_228, %parallel_loop3A_229] {strides = array<i32>} : memref<16x768xf32, #tpu.memory_space<vmem>>, vector<16xf32>,
        tpu.vector_store %arg9[%parallel_loop3A_228, %parallel_loop3A_229], %parallel_loop3A_227 {strides = array<i32>} : memref<16x768xf32, #tpu.memory_space<vmem>>, vector<16xf32>,
        %parallel_loop3A_231 = arith.addf %parallel_loop3A_218, %parallel_loop3A_227 : vector<16xf32>
        %parallel_loop3A_232 = arith.mulf %parallel_loop3A_227, %parallel_loop3A_227 : vector<16xf32>
        %parallel_loop3A_233 = arith.addf %parallel_loop3A_220, %parallel_loop3A_232 : vector<16xf32>
        %parallel_loop3A_234 = arith.index_cast %parallel_loop3A_112 : i32 to index
        %parallel_loop3A_235 = arith.constant 144 : index
        %parallel_loop3A_236 = tpu.vector_load %arg9[%parallel_loop3A_234, %parallel_loop3A_235] {strides = array<i32>} : memref<16x768xf32, #tpu.memory_space<vmem>>, vector<16xf32>,
        %parallel_loop3A_237 = arith.index_cast %parallel_loop3A_112 : i32 to index
        %parallel_loop3A_238 = arith.constant 144 : index
        %parallel_loop3A_239 = tpu.vector_load %arg11[%parallel_loop3A_237, %parallel_loop3A_238] {strides = array<i32>} : memref<16x768xf32, #tpu.memory_space<vmem>>, vector<16xf32>,
        %parallel_loop3A_240 = arith.addf %parallel_loop3A_236, %parallel_loop3A_239 : vector<16xf32>
        %parallel_loop3A_241 = arith.index_cast %parallel_loop3A_112 : i32 to index
        %parallel_loop3A_242 = arith.constant 144 : index
        %parallel_loop3A_243 = tpu.vector_load %arg9[%parallel_loop3A_241, %parallel_loop3A_242] {strides = array<i32>} : memref<16x768xf32, #tpu.memory_space<vmem>>, vector<16xf32>,
        tpu.vector_store %arg9[%parallel_loop3A_241, %parallel_loop3A_242], %parallel_loop3A_240 {strides = array<i32>} : memref<16x768xf32, #tpu.memory_space<vmem>>, vector<16xf32>,
        %parallel_loop3A_244 = arith.addf %parallel_loop3A_231, %parallel_loop3A_240 : vector<16xf32>
        %parallel_loop3A_245 = arith.mulf %parallel_loop3A_240, %parallel_loop3A_240 : vector<16xf32>
        %parallel_loop3A_246 = arith.addf %parallel_loop3A_233, %parallel_loop3A_245 : vector<16xf32>
        %parallel_loop3A_247 = arith.index_cast %parallel_loop3A_112 : i32 to index
        %parallel_loop3A_248 = arith.constant 160 : index
        %parallel_loop3A_249 = tpu.vector_load %arg9[%parallel_loop3A_247, %parallel_loop3A_248] {strides = array<i32>} : memref<16x768xf32, #tpu.memory_space<vmem>>, vector<16xf32>,
        %parallel_loop3A_250 = arith.index_cast %parallel_loop3A_112 : i32 to index
        %parallel_loop3A_251 = arith.constant 160 : index
        %parallel_loop3A_252 = tpu.vector_load %arg11[%parallel_loop3A_250, %parallel_loop3A_251] {strides = array<i32>} : memref<16x768xf32, #tpu.memory_space<vmem>>, vector<16xf32>,
        %parallel_loop3A_253 = arith.addf %parallel_loop3A_249, %parallel_loop3A_252 : vector<16xf32>
        %parallel_loop3A_254 = arith.index_cast %parallel_loop3A_112 : i32 to index
        %parallel_loop3A_255 = arith.constant 160 : index
        %parallel_loop3A_256 = tpu.vector_load %arg9[%parallel_loop3A_254, %parallel_loop3A_255] {strides = array<i32>} : memref<16x768xf32, #tpu.memory_space<vmem>>, vector<16xf32>,
        tpu.vector_store %arg9[%parallel_loop3A_254, %parallel_loop3A_255], %parallel_loop3A_253 {strides = array<i32>} : memref<16x768xf32, #tpu.memory_space<vmem>>, vector<16xf32>,
        %parallel_loop3A_257 = arith.addf %parallel_loop3A_244, %parallel_loop3A_253 : vector<16xf32>
        %parallel_loop3A_258 = arith.mulf %parallel_loop3A_253, %parallel_loop3A_253 : vector<16xf32>
        %parallel_loop3A_259 = arith.addf %parallel_loop3A_246, %parallel_loop3A_258 : vector<16xf32>
        %parallel_loop3A_260 = arith.index_cast %parallel_loop3A_112 : i32 to index
        %parallel_loop3A_261 = arith.constant 176 : index
        %parallel_loop3A_262 = tpu.vector_load %arg9[%parallel_loop3A_260, %parallel_loop3A_261] {strides = array<i32>} : memref<16x768xf32, #tpu.memory_space<vmem>>, vector<16xf32>,
        %parallel_loop3A_263 = arith.index_cast %parallel_loop3A_112 : i32 to index
        %parallel_loop3A_264 = arith.constant 176 : index
        %parallel_loop3A_265 = tpu.vector_load %arg11[%parallel_loop3A_263, %parallel_loop3A_264] {strides = array<i32>} : memref<16x768xf32, #tpu.memory_space<vmem>>, vector<16xf32>,
        %parallel_loop3A_266 = arith.addf %parallel_loop3A_262, %parallel_loop3A_265 : vector<16xf32>
        %parallel_loop3A_267 = arith.index_cast %parallel_loop3A_112 : i32 to index
        %parallel_loop3A_268 = arith.constant 176 : index
        %parallel_loop3A_269 = tpu.vector_load %arg9[%parallel_loop3A_267, %parallel_loop3A_268] {strides = array<i32>} : memref<16x768xf32, #tpu.memory_space<vmem>>, vector<16xf32>,
        tpu.vector_store %arg9[%parallel_loop3A_267, %parallel_loop3A_268], %parallel_loop3A_266 {strides = array<i32>} : memref<16x768xf32, #tpu.memory_space<vmem>>, vector<16xf32>,
        %parallel_loop3A_270 = arith.addf %parallel_loop3A_257, %parallel_loop3A_266 : vector<16xf32>
        %parallel_loop3A_271 = arith.mulf %parallel_loop3A_266, %parallel_loop3A_266 : vector<16xf32>
        %parallel_loop3A_272 = arith.addf %parallel_loop3A_259, %parallel_loop3A_271 : vector<16xf32>
        %parallel_loop3A_273 = arith.index_cast %parallel_loop3A_112 : i32 to index
        %parallel_loop3A_274 = arith.constant 192 : index
        %parallel_loop3A_275 = tpu.vector_load %arg9[%parallel_loop3A_273, %parallel_loop3A_274] {strides = array<i32>} : memref<16x768xf32, #tpu.memory_space<vmem>>, vector<16xf32>,
        %parallel_loop3A_276 = arith.index_cast %parallel_loop3A_112 : i32 to index
        %parallel_loop3A_277 = arith.constant 192 : index
        %parallel_loop3A_278 = tpu.vector_load %arg11[%parallel_loop3A_276, %parallel_loop3A_277] {strides = array<i32>} : memref<16x768xf32, #tpu.memory_space<vmem>>, vector<16xf32>,
        %parallel_loop3A_279 = arith.addf %parallel_loop3A_275, %parallel_loop3A_278 : vector<16xf32>
        %parallel_loop3A_280 = arith.index_cast %parallel_loop3A_112 : i32 to index
        %parallel_loop3A_281 = arith.constant 192 : index
        %parallel_loop3A_282 = tpu.vector_load %arg9[%parallel_loop3A_280, %parallel_loop3A_281] {strides = array<i32>} : memref<16x768xf32, #tpu.memory_space<vmem>>, vector<16xf32>,
        tpu.vector_store %arg9[%parallel_loop3A_280, %parallel_loop3A_281], %parallel_loop3A_279 {strides = array<i32>} : memref<16x768xf32, #tpu.memory_space<vmem>>, vector<16xf32>,
        %parallel_loop3A_283 = arith.addf %parallel_loop3A_270, %parallel_loop3A_279 : vector<16xf32>
        %parallel_loop3A_284 = arith.mulf %parallel_loop3A_279, %parallel_loop3A_279 : vector<16xf32>
        %parallel_loop3A_285 = arith.addf %parallel_loop3A_272, %parallel_loop3A_284 : vector<16xf32>
        %parallel_loop3A_286 = arith.index_cast %parallel_loop3A_112 : i32 to index
        %parallel_loop3A_287 = arith.constant 208 : index
        %parallel_loop3A_288 = tpu.vector_load %arg9[%parallel_loop3A_286, %parallel_loop3A_287] {strides = array<i32>} : memref<16x768xf32, #tpu.memory_space<vmem>>, vector<16xf32>,
        %parallel_loop3A_289 = arith.index_cast %parallel_loop3A_112 : i32 to index
        %parallel_loop3A_290 = arith.constant 208 : index
        %parallel_loop3A_291 = tpu.vector_load %arg11[%parallel_loop3A_289, %parallel_loop3A_290] {strides = array<i32>} : memref<16x768xf32, #tpu.memory_space<vmem>>, vector<16xf32>,
        %parallel_loop3A_292 = arith.addf %parallel_loop3A_288, %parallel_loop3A_291 : vector<16xf32>
        %parallel_loop3A_293 = arith.index_cast %parallel_loop3A_112 : i32 to index
        %parallel_loop3A_294 = arith.constant 208 : index
        %parallel_loop3A_295 = tpu.vector_load %arg9[%parallel_loop3A_293, %parallel_loop3A_294] {strides = array<i32>} : memref<16x768xf32, #tpu.memory_space<vmem>>, vector<16xf32>,
        tpu.vector_store %arg9[%parallel_loop3A_293, %parallel_loop3A_294], %parallel_loop3A_292 {strides = array<i32>} : memref<16x768xf32, #tpu.memory_space<vmem>>, vector<16xf32>,
        %parallel_loop3A_296 = arith.addf %parallel_loop3A_283, %parallel_loop3A_292 : vector<16xf32>
        %parallel_loop3A_297 = arith.mulf %parallel_loop3A_292, %parallel_loop3A_292 : vector<16xf32>
        %parallel_loop3A_298 = arith.addf %parallel_loop3A_285, %parallel_loop3A_297 : vector<16xf32>
        %parallel_loop3A_299 = arith.index_cast %parallel_loop3A_112 : i32 to index
        %parallel_loop3A_300 = arith.constant 224 : index
        %parallel_loop3A_301 = tpu.vector_load %arg9[%parallel_loop3A_299, %parallel_loop3A_300] {strides = array<i32>} : memref<16x768xf32, #tpu.memory_space<vmem>>, vector<16xf32>,
        %parallel_loop3A_302 = arith.index_cast %parallel_loop3A_112 : i32 to index
        %parallel_loop3A_303 = arith.constant 224 : index
        %parallel_loop3A_304 = tpu.vector_load %arg11[%parallel_loop3A_302, %parallel_loop3A_303] {strides = array<i32>} : memref<16x768xf32, #tpu.memory_space<vmem>>, vector<16xf32>,
        %parallel_loop3A_305 = arith.addf %parallel_loop3A_301, %parallel_loop3A_304 : vector<16xf32>
        %parallel_loop3A_306 = arith.index_cast %parallel_loop3A_112 : i32 to index
        %parallel_loop3A_307 = arith.constant 224 : index
        %parallel_loop3A_308 = tpu.vector_load %arg9[%parallel_loop3A_306, %parallel_loop3A_307] {strides = array<i32>} : memref<16x768xf32, #tpu.memory_space<vmem>>, vector<16xf32>,
        tpu.vector_store %arg9[%parallel_loop3A_306, %parallel_loop3A_307], %parallel_loop3A_305 {strides = array<i32>} : memref<16x768xf32, #tpu.memory_space<vmem>>, vector<16xf32>,
        %parallel_loop3A_309 = arith.addf %parallel_loop3A_296, %parallel_loop3A_305 : vector<16xf32>
        %parallel_loop3A_310 = arith.mulf %parallel_loop3A_305, %parallel_loop3A_305 : vector<16xf32>
        %parallel_loop3A_311 = arith.addf %parallel_loop3A_298, %parallel_loop3A_310 : vector<16xf32>
        %parallel_loop3A_312 = arith.index_cast %parallel_loop3A_112 : i32 to index
        %parallel_loop3A_313 = arith.constant 240 : index
        %parallel_loop3A_314 = tpu.vector_load %arg9[%parallel_loop3A_312, %parallel_loop3A_313] {strides = array<i32>} : memref<16x768xf32, #tpu.memory_space<vmem>>, vector<16xf32>,
        %parallel_loop3A_315 = arith.index_cast %parallel_loop3A_112 : i32 to index
        %parallel_loop3A_316 = arith.constant 240 : index
        %parallel_loop3A_317 = tpu.vector_load %arg11[%parallel_loop3A_315, %parallel_loop3A_316] {strides = array<i32>} : memref<16x768xf32, #tpu.memory_space<vmem>>, vector<16xf32>,
        %parallel_loop3A_318 = arith.addf %parallel_loop3A_314, %parallel_loop3A_317 : vector<16xf32>
        %parallel_loop3A_319 = arith.index_cast %parallel_loop3A_112 : i32 to index
        %parallel_loop3A_320 = arith.constant 240 : index
        %parallel_loop3A_321 = tpu.vector_load %arg9[%parallel_loop3A_319, %parallel_loop3A_320] {strides = array<i32>} : memref<16x768xf32, #tpu.memory_space<vmem>>, vector<16xf32>,
        tpu.vector_store %arg9[%parallel_loop3A_319, %parallel_loop3A_320], %parallel_loop3A_318 {strides = array<i32>} : memref<16x768xf32, #tpu.memory_space<vmem>>, vector<16xf32>,
        %parallel_loop3A_322 = arith.addf %parallel_loop3A_309, %parallel_loop3A_318 : vector<16xf32>
        %parallel_loop3A_323 = arith.mulf %parallel_loop3A_318, %parallel_loop3A_318 : vector<16xf32>
        %parallel_loop3A_324 = arith.addf %parallel_loop3A_311, %parallel_loop3A_323 : vector<16xf32>
        %parallel_loop3A_325 = arith.index_cast %parallel_loop3A_112 : i32 to index
        %parallel_loop3A_326 = arith.constant 256 : index
        %parallel_loop3A_327 = tpu.vector_load %arg9[%parallel_loop3A_325, %parallel_loop3A_326] {strides = array<i32>} : memref<16x768xf32, #tpu.memory_space<vmem>>, vector<16xf32>,
        %parallel_loop3A_328 = arith.index_cast %parallel_loop3A_112 : i32 to index
        %parallel_loop3A_329 = arith.constant 256 : index
        %parallel_loop3A_330 = tpu.vector_load %arg11[%parallel_loop3A_328, %parallel_loop3A_329] {strides = array<i32>} : memref<16x768xf32, #tpu.memory_space<vmem>>, vector<16xf32>,
        %parallel_loop3A_331 = arith.addf %parallel_loop3A_327, %parallel_loop3A_330 : vector<16xf32>
        %parallel_loop3A_332 = arith.index_cast %parallel_loop3A_112 : i32 to index
        %parallel_loop3A_333 = arith.constant 256 : index
        %parallel_loop3A_334 = tpu.vector_load %arg9[%parallel_loop3A_332, %parallel_loop3A_333] {strides = array<i32>} : memref<16x768xf32, #tpu.memory_space<vmem>>, vector<16xf32>,
        tpu.vector_store %arg9[%parallel_loop3A_332, %parallel_loop3A_333], %parallel_loop3A_331 {strides = array<i32>} : memref<16x768xf32, #tpu.memory_space<vmem>>, vector<16xf32>,
        %parallel_loop3A_335 = arith.addf %parallel_loop3A_322, %parallel_loop3A_331 : vector<16xf32>
        %parallel_loop3A_336 = arith.mulf %parallel_loop3A_331, %parallel_loop3A_331 : vector<16xf32>
        %parallel_loop3A_337 = arith.addf %parallel_loop3A_324, %parallel_loop3A_336 : vector<16xf32>
        %parallel_loop3A_338 = arith.index_cast %parallel_loop3A_112 : i32 to index
        %parallel_loop3A_339 = arith.constant 272 : index
        %parallel_loop3A_340 = tpu.vector_load %arg9[%parallel_loop3A_338, %parallel_loop3A_339] {strides = array<i32>} : memref<16x768xf32, #tpu.memory_space<vmem>>, vector<16xf32>,
        %parallel_loop3A_341 = arith.index_cast %parallel_loop3A_112 : i32 to index
        %parallel_loop3A_342 = arith.constant 272 : index
        %parallel_loop3A_343 = tpu.vector_load %arg11[%parallel_loop3A_341, %parallel_loop3A_342] {strides = array<i32>} : memref<16x768xf32, #tpu.memory_space<vmem>>, vector<16xf32>,
        %parallel_loop3A_344 = arith.addf %parallel_loop3A_340, %parallel_loop3A_343 : vector<16xf32>
        %parallel_loop3A_345 = arith.index_cast %parallel_loop3A_112 : i32 to index
        %parallel_loop3A_346 = arith.constant 272 : index
        %parallel_loop3A_347 = tpu.vector_load %arg9[%parallel_loop3A_345, %parallel_loop3A_346] {strides = array<i32>} : memref<16x768xf32, #tpu.memory_space<vmem>>, vector<16xf32>,
        tpu.vector_store %arg9[%parallel_loop3A_345, %parallel_loop3A_346], %parallel_loop3A_344 {strides = array<i32>} : memref<16x768xf32, #tpu.memory_space<vmem>>, vector<16xf32>,
        %parallel_loop3A_348 = arith.addf %parallel_loop3A_335, %parallel_loop3A_344 : vector<16xf32>
        %parallel_loop3A_349 = arith.mulf %parallel_loop3A_344, %parallel_loop3A_344 : vector<16xf32>
        %parallel_loop3A_350 = arith.addf %parallel_loop3A_337, %parallel_loop3A_349 : vector<16xf32>
        %parallel_loop3A_351 = arith.index_cast %parallel_loop3A_112 : i32 to index
        %parallel_loop3A_352 = arith.constant 288 : index
        %parallel_loop3A_353 = tpu.vector_load %arg9[%parallel_loop3A_351, %parallel_loop3A_352] {strides = array<i32>} : memref<16x768xf32, #tpu.memory_space<vmem>>, vector<16xf32>,
        %parallel_loop3A_354 = arith.index_cast %parallel_loop3A_112 : i32 to index
        %parallel_loop3A_355 = arith.constant 288 : index
        %parallel_loop3A_356 = tpu.vector_load %arg11[%parallel_loop3A_354, %parallel_loop3A_355] {strides = array<i32>} : memref<16x768xf32, #tpu.memory_space<vmem>>, vector<16xf32>,
        %parallel_loop3A_357 = arith.addf %parallel_loop3A_353, %parallel_loop3A_356 : vector<16xf32>
        %parallel_loop3A_358 = arith.index_cast %parallel_loop3A_112 : i32 to index
        %parallel_loop3A_359 = arith.constant 288 : index
        %parallel_loop3A_360 = tpu.vector_load %arg9[%parallel_loop3A_358, %parallel_loop3A_359] {strides = array<i32>} : memref<16x768xf32, #tpu.memory_space<vmem>>, vector<16xf32>,
        tpu.vector_store %arg9[%parallel_loop3A_358, %parallel_loop3A_359], %parallel_loop3A_357 {strides = array<i32>} : memref<16x768xf32, #tpu.memory_space<vmem>>, vector<16xf32>,
        %parallel_loop3A_361 = arith.addf %parallel_loop3A_348, %parallel_loop3A_357 : vector<16xf32>
        %parallel_loop3A_362 = arith.mulf %parallel_loop3A_357, %parallel_loop3A_357 : vector<16xf32>
        %parallel_loop3A_363 = arith.addf %parallel_loop3A_350, %parallel_loop3A_362 : vector<16xf32>
        %parallel_loop3A_364 = arith.index_cast %parallel_loop3A_112 : i32 to index
        %parallel_loop3A_365 = arith.constant 304 : index
        %parallel_loop3A_366 = tpu.vector_load %arg9[%parallel_loop3A_364, %parallel_loop3A_365] {strides = array<i32>} : memref<16x768xf32, #tpu.memory_space<vmem>>, vector<16xf32>,
        %parallel_loop3A_367 = arith.index_cast %parallel_loop3A_112 : i32 to index
        %parallel_loop3A_368 = arith.constant 304 : index
        %parallel_loop3A_369 = tpu.vector_load %arg11[%parallel_loop3A_367, %parallel_loop3A_368] {strides = array<i32>} : memref<16x768xf32, #tpu.memory_space<vmem>>, vector<16xf32>,
        %parallel_loop3A_370 = arith.addf %parallel_loop3A_366, %parallel_loop3A_369 : vector<16xf32>
        %parallel_loop3A_371 = arith.index_cast %parallel_loop3A_112 : i32 to index
        %parallel_loop3A_372 = arith.constant 304 : index
        %parallel_loop3A_373 = tpu.vector_load %arg9[%parallel_loop3A_371, %parallel_loop3A_372] {strides = array<i32>} : memref<16x768xf32, #tpu.memory_space<vmem>>, vector<16xf32>,
        tpu.vector_store %arg9[%parallel_loop3A_371, %parallel_loop3A_372], %parallel_loop3A_370 {strides = array<i32>} : memref<16x768xf32, #tpu.memory_space<vmem>>, vector<16xf32>,
        %parallel_loop3A_374 = arith.addf %parallel_loop3A_361, %parallel_loop3A_370 : vector<16xf32>
        %parallel_loop3A_375 = arith.mulf %parallel_loop3A_370, %parallel_loop3A_370 : vector<16xf32>
        %parallel_loop3A_376 = arith.addf %parallel_loop3A_363, %parallel_loop3A_375 : vector<16xf32>
        %parallel_loop3A_377 = arith.index_cast %parallel_loop3A_112 : i32 to index
        %parallel_loop3A_378 = arith.constant 320 : index
        %parallel_loop3A_379 = tpu.vector_load %arg9[%parallel_loop3A_377, %parallel_loop3A_378] {strides = array<i32>} : memref<16x768xf32, #tpu.memory_space<vmem>>, vector<16xf32>,
        %parallel_loop3A_380 = arith.index_cast %parallel_loop3A_112 : i32 to index
        %parallel_loop3A_381 = arith.constant 320 : index
        %parallel_loop3A_382 = tpu.vector_load %arg11[%parallel_loop3A_380, %parallel_loop3A_381] {strides = array<i32>} : memref<16x768xf32, #tpu.memory_space<vmem>>, vector<16xf32>,
        %parallel_loop3A_383 = arith.addf %parallel_loop3A_379, %parallel_loop3A_382 : vector<16xf32>
        %parallel_loop3A_384 = arith.index_cast %parallel_loop3A_112 : i32 to index
        %parallel_loop3A_385 = arith.constant 320 : index
        %parallel_loop3A_386 = tpu.vector_load %arg9[%parallel_loop3A_384, %parallel_loop3A_385] {strides = array<i32>} : memref<16x768xf32, #tpu.memory_space<vmem>>, vector<16xf32>,
        tpu.vector_store %arg9[%parallel_loop3A_384, %parallel_loop3A_385], %parallel_loop3A_383 {strides = array<i32>} : memref<16x768xf32, #tpu.memory_space<vmem>>, vector<16xf32>,
        %parallel_loop3A_387 = arith.addf %parallel_loop3A_374, %parallel_loop3A_383 : vector<16xf32>
        %parallel_loop3A_388 = arith.mulf %parallel_loop3A_383, %parallel_loop3A_383 : vector<16xf32>
        %parallel_loop3A_389 = arith.addf %parallel_loop3A_376, %parallel_loop3A_388 : vector<16xf32>
        %parallel_loop3A_390 = arith.index_cast %parallel_loop3A_112 : i32 to index
        %parallel_loop3A_391 = arith.constant 336 : index
        %parallel_loop3A_392 = tpu.vector_load %arg9[%parallel_loop3A_390, %parallel_loop3A_391] {strides = array<i32>} : memref<16x768xf32, #tpu.memory_space<vmem>>, vector<16xf32>,
        %parallel_loop3A_393 = arith.index_cast %parallel_loop3A_112 : i32 to index
        %parallel_loop3A_394 = arith.constant 336 : index
        %parallel_loop3A_395 = tpu.vector_load %arg11[%parallel_loop3A_393, %parallel_loop3A_394] {strides = array<i32>} : memref<16x768xf32, #tpu.memory_space<vmem>>, vector<16xf32>,
        %parallel_loop3A_396 = arith.addf %parallel_loop3A_392, %parallel_loop3A_395 : vector<16xf32>
        %parallel_loop3A_397 = arith.index_cast %parallel_loop3A_112 : i32 to index
        %parallel_loop3A_398 = arith.constant 336 : index
        %parallel_loop3A_399 = tpu.vector_load %arg9[%parallel_loop3A_397, %parallel_loop3A_398] {strides = array<i32>} : memref<16x768xf32, #tpu.memory_space<vmem>>, vector<16xf32>,
        tpu.vector_store %arg9[%parallel_loop3A_397, %parallel_loop3A_398], %parallel_loop3A_396 {strides = array<i32>} : memref<16x768xf32, #tpu.memory_space<vmem>>, vector<16xf32>,
        %parallel_loop3A_400 = arith.addf %parallel_loop3A_387, %parallel_loop3A_396 : vector<16xf32>
        %parallel_loop3A_401 = arith.mulf %parallel_loop3A_396, %parallel_loop3A_396 : vector<16xf32>
        %parallel_loop3A_402 = arith.addf %parallel_loop3A_389, %parallel_loop3A_401 : vector<16xf32>
        %parallel_loop3A_403 = arith.index_cast %parallel_loop3A_112 : i32 to index
        %parallel_loop3A_404 = arith.constant 352 : index
        %parallel_loop3A_405 = tpu.vector_load %arg9[%parallel_loop3A_403, %parallel_loop3A_404] {strides = array<i32>} : memref<16x768xf32, #tpu.memory_space<vmem>>, vector<16xf32>,
        %parallel_loop3A_406 = arith.index_cast %parallel_loop3A_112 : i32 to index
        %parallel_loop3A_407 = arith.constant 352 : index
        %parallel_loop3A_408 = tpu.vector_load %arg11[%parallel_loop3A_406, %parallel_loop3A_407] {strides = array<i32>} : memref<16x768xf32, #tpu.memory_space<vmem>>, vector<16xf32>,
        %parallel_loop3A_409 = arith.addf %parallel_loop3A_405, %parallel_loop3A_408 : vector<16xf32>
        %parallel_loop3A_410 = arith.index_cast %parallel_loop3A_112 : i32 to index
        %parallel_loop3A_411 = arith.constant 352 : index
        %parallel_loop3A_412 = tpu.vector_load %arg9[%parallel_loop3A_410, %parallel_loop3A_411] {strides = array<i32>} : memref<16x768xf32, #tpu.memory_space<vmem>>, vector<16xf32>,
        tpu.vector_store %arg9[%parallel_loop3A_410, %parallel_loop3A_411], %parallel_loop3A_409 {strides = array<i32>} : memref<16x768xf32, #tpu.memory_space<vmem>>, vector<16xf32>,
        %parallel_loop3A_413 = arith.addf %parallel_loop3A_400, %parallel_loop3A_409 : vector<16xf32>
        %parallel_loop3A_414 = arith.mulf %parallel_loop3A_409, %parallel_loop3A_409 : vector<16xf32>
        %parallel_loop3A_415 = arith.addf %parallel_loop3A_402, %parallel_loop3A_414 : vector<16xf32>
        %parallel_loop3A_416 = arith.index_cast %parallel_loop3A_112 : i32 to index
        %parallel_loop3A_417 = arith.constant 368 : index
        %parallel_loop3A_418 = tpu.vector_load %arg9[%parallel_loop3A_416, %parallel_loop3A_417] {strides = array<i32>} : memref<16x768xf32, #tpu.memory_space<vmem>>, vector<16xf32>,
        %parallel_loop3A_419 = arith.index_cast %parallel_loop3A_112 : i32 to index
        %parallel_loop3A_420 = arith.constant 368 : index
        %parallel_loop3A_421 = tpu.vector_load %arg11[%parallel_loop3A_419, %parallel_loop3A_420] {strides = array<i32>} : memref<16x768xf32, #tpu.memory_space<vmem>>, vector<16xf32>,
        %parallel_loop3A_422 = arith.addf %parallel_loop3A_418, %parallel_loop3A_421 : vector<16xf32>
        %parallel_loop3A_423 = arith.index_cast %parallel_loop3A_112 : i32 to index
        %parallel_loop3A_424 = arith.constant 368 : index
        %parallel_loop3A_425 = tpu.vector_load %arg9[%parallel_loop3A_423, %parallel_loop3A_424] {strides = array<i32>} : memref<16x768xf32, #tpu.memory_space<vmem>>, vector<16xf32>,
        tpu.vector_store %arg9[%parallel_loop3A_423, %parallel_loop3A_424], %parallel_loop3A_422 {strides = array<i32>} : memref<16x768xf32, #tpu.memory_space<vmem>>, vector<16xf32>,
        %parallel_loop3A_426 = arith.addf %parallel_loop3A_413, %parallel_loop3A_422 : vector<16xf32>
        %parallel_loop3A_427 = arith.mulf %parallel_loop3A_422, %parallel_loop3A_422 : vector<16xf32>
        %parallel_loop3A_428 = arith.addf %parallel_loop3A_415, %parallel_loop3A_427 : vector<16xf32>
        %parallel_loop3A_429 = arith.index_cast %parallel_loop3A_112 : i32 to index
        %parallel_loop3A_430 = arith.constant 384 : index
        %parallel_loop3A_431 = tpu.vector_load %arg9[%parallel_loop3A_429, %parallel_loop3A_430] {strides = array<i32>} : memref<16x768xf32, #tpu.memory_space<vmem>>, vector<16xf32>,
        %parallel_loop3A_432 = arith.index_cast %parallel_loop3A_112 : i32 to index
        %parallel_loop3A_433 = arith.constant 384 : index
        %parallel_loop3A_434 = tpu.vector_load %arg11[%parallel_loop3A_432, %parallel_loop3A_433] {strides = array<i32>} : memref<16x768xf32, #tpu.memory_space<vmem>>, vector<16xf32>,
        %parallel_loop3A_435 = arith.addf %parallel_loop3A_431, %parallel_loop3A_434 : vector<16xf32>
        %parallel_loop3A_436 = arith.index_cast %parallel_loop3A_112 : i32 to index
        %parallel_loop3A_437 = arith.constant 384 : index
        %parallel_loop3A_438 = tpu.vector_load %arg9[%parallel_loop3A_436, %parallel_loop3A_437] {strides = array<i32>} : memref<16x768xf32, #tpu.memory_space<vmem>>, vector<16xf32>,
        tpu.vector_store %arg9[%parallel_loop3A_436, %parallel_loop3A_437], %parallel_loop3A_435 {strides = array<i32>} : memref<16x768xf32, #tpu.memory_space<vmem>>, vector<16xf32>,
        %parallel_loop3A_439 = arith.addf %parallel_loop3A_426, %parallel_loop3A_435 : vector<16xf32>
        %parallel_loop3A_440 = arith.mulf %parallel_loop3A_435, %parallel_loop3A_435 : vector<16xf32>
        %parallel_loop3A_441 = arith.addf %parallel_loop3A_428, %parallel_loop3A_440 : vector<16xf32>
        %parallel_loop3A_442 = arith.index_cast %parallel_loop3A_112 : i32 to index
        %parallel_loop3A_443 = arith.constant 400 : index
        %parallel_loop3A_444 = tpu.vector_load %arg9[%parallel_loop3A_442, %parallel_loop3A_443] {strides = array<i32>} : memref<16x768xf32, #tpu.memory_space<vmem>>, vector<16xf32>,
        %parallel_loop3A_445 = arith.index_cast %parallel_loop3A_112 : i32 to index
        %parallel_loop3A_446 = arith.constant 400 : index
        %parallel_loop3A_447 = tpu.vector_load %arg11[%parallel_loop3A_445, %parallel_loop3A_446] {strides = array<i32>} : memref<16x768xf32, #tpu.memory_space<vmem>>, vector<16xf32>,
        %parallel_loop3A_448 = arith.addf %parallel_loop3A_444, %parallel_loop3A_447 : vector<16xf32>
        %parallel_loop3A_449 = arith.index_cast %parallel_loop3A_112 : i32 to index
        %parallel_loop3A_450 = arith.constant 400 : index
        %parallel_loop3A_451 = tpu.vector_load %arg9[%parallel_loop3A_449, %parallel_loop3A_450] {strides = array<i32>} : memref<16x768xf32, #tpu.memory_space<vmem>>, vector<16xf32>,
        tpu.vector_store %arg9[%parallel_loop3A_449, %parallel_loop3A_450], %parallel_loop3A_448 {strides = array<i32>} : memref<16x768xf32, #tpu.memory_space<vmem>>, vector<16xf32>,
        %parallel_loop3A_452 = arith.addf %parallel_loop3A_439, %parallel_loop3A_448 : vector<16xf32>
        %parallel_loop3A_453 = arith.mulf %parallel_loop3A_448, %parallel_loop3A_448 : vector<16xf32>
        %parallel_loop3A_454 = arith.addf %parallel_loop3A_441, %parallel_loop3A_453 : vector<16xf32>
        %parallel_loop3A_455 = arith.index_cast %parallel_loop3A_112 : i32 to index
        %parallel_loop3A_456 = arith.constant 416 : index
        %parallel_loop3A_457 = tpu.vector_load %arg9[%parallel_loop3A_455, %parallel_loop3A_456] {strides = array<i32>} : memref<16x768xf32, #tpu.memory_space<vmem>>, vector<16xf32>,
        %parallel_loop3A_458 = arith.index_cast %parallel_loop3A_112 : i32 to index
        %parallel_loop3A_459 = arith.constant 416 : index
        %parallel_loop3A_460 = tpu.vector_load %arg11[%parallel_loop3A_458, %parallel_loop3A_459] {strides = array<i32>} : memref<16x768xf32, #tpu.memory_space<vmem>>, vector<16xf32>,
        %parallel_loop3A_461 = arith.addf %parallel_loop3A_457, %parallel_loop3A_460 : vector<16xf32>
        %parallel_loop3A_462 = arith.index_cast %parallel_loop3A_112 : i32 to index
        %parallel_loop3A_463 = arith.constant 416 : index
        %parallel_loop3A_464 = tpu.vector_load %arg9[%parallel_loop3A_462, %parallel_loop3A_463] {strides = array<i32>} : memref<16x768xf32, #tpu.memory_space<vmem>>, vector<16xf32>,
        tpu.vector_store %arg9[%parallel_loop3A_462, %parallel_loop3A_463], %parallel_loop3A_461 {strides = array<i32>} : memref<16x768xf32, #tpu.memory_space<vmem>>, vector<16xf32>,
        %parallel_loop3A_465 = arith.addf %parallel_loop3A_452, %parallel_loop3A_461 : vector<16xf32>
        %parallel_loop3A_466 = arith.mulf %parallel_loop3A_461, %parallel_loop3A_461 : vector<16xf32>
        %parallel_loop3A_467 = arith.addf %parallel_loop3A_454, %parallel_loop3A_466 : vector<16xf32>
        %parallel_loop3A_468 = arith.index_cast %parallel_loop3A_112 : i32 to index
        %parallel_loop3A_469 = arith.constant 432 : index
        %parallel_loop3A_470 = tpu.vector_load %arg9[%parallel_loop3A_468, %parallel_loop3A_469] {strides = array<i32>} : memref<16x768xf32, #tpu.memory_space<vmem>>, vector<16xf32>,
        %parallel_loop3A_471 = arith.index_cast %parallel_loop3A_112 : i32 to index
        %parallel_loop3A_472 = arith.constant 432 : index
        %parallel_loop3A_473 = tpu.vector_load %arg11[%parallel_loop3A_471, %parallel_loop3A_472] {strides = array<i32>} : memref<16x768xf32, #tpu.memory_space<vmem>>, vector<16xf32>,
        %parallel_loop3A_474 = arith.addf %parallel_loop3A_470, %parallel_loop3A_473 : vector<16xf32>
        %parallel_loop3A_475 = arith.index_cast %parallel_loop3A_112 : i32 to index
        %parallel_loop3A_476 = arith.constant 432 : index
        %parallel_loop3A_477 = tpu.vector_load %arg9[%parallel_loop3A_475, %parallel_loop3A_476] {strides = array<i32>} : memref<16x768xf32, #tpu.memory_space<vmem>>, vector<16xf32>,
        tpu.vector_store %arg9[%parallel_loop3A_475, %parallel_loop3A_476], %parallel_loop3A_474 {strides = array<i32>} : memref<16x768xf32, #tpu.memory_space<vmem>>, vector<16xf32>,
        %parallel_loop3A_478 = arith.addf %parallel_loop3A_465, %parallel_loop3A_474 : vector<16xf32>
        %parallel_loop3A_479 = arith.mulf %parallel_loop3A_474, %parallel_loop3A_474 : vector<16xf32>
        %parallel_loop3A_480 = arith.addf %parallel_loop3A_467, %parallel_loop3A_479 : vector<16xf32>
        %parallel_loop3A_481 = arith.index_cast %parallel_loop3A_112 : i32 to index
        %parallel_loop3A_482 = arith.constant 448 : index
        %parallel_loop3A_483 = tpu.vector_load %arg9[%parallel_loop3A_481, %parallel_loop3A_482] {strides = array<i32>} : memref<16x768xf32, #tpu.memory_space<vmem>>, vector<16xf32>,
        %parallel_loop3A_484 = arith.index_cast %parallel_loop3A_112 : i32 to index
        %parallel_loop3A_485 = arith.constant 448 : index
        %parallel_loop3A_486 = tpu.vector_load %arg11[%parallel_loop3A_484, %parallel_loop3A_485] {strides = array<i32>} : memref<16x768xf32, #tpu.memory_space<vmem>>, vector<16xf32>,
        %parallel_loop3A_487 = arith.addf %parallel_loop3A_483, %parallel_loop3A_486 : vector<16xf32>
        %parallel_loop3A_488 = arith.index_cast %parallel_loop3A_112 : i32 to index
        %parallel_loop3A_489 = arith.constant 448 : index
        %parallel_loop3A_490 = tpu.vector_load %arg9[%parallel_loop3A_488, %parallel_loop3A_489] {strides = array<i32>} : memref<16x768xf32, #tpu.memory_space<vmem>>, vector<16xf32>,
        tpu.vector_store %arg9[%parallel_loop3A_488, %parallel_loop3A_489], %parallel_loop3A_487 {strides = array<i32>} : memref<16x768xf32, #tpu.memory_space<vmem>>, vector<16xf32>,
        %parallel_loop3A_491 = arith.addf %parallel_loop3A_478, %parallel_loop3A_487 : vector<16xf32>
        %parallel_loop3A_492 = arith.mulf %parallel_loop3A_487, %parallel_loop3A_487 : vector<16xf32>
        %parallel_loop3A_493 = arith.addf %parallel_loop3A_480, %parallel_loop3A_492 : vector<16xf32>
        %parallel_loop3A_494 = arith.index_cast %parallel_loop3A_112 : i32 to index
        %parallel_loop3A_495 = arith.constant 464 : index
        %parallel_loop3A_496 = tpu.vector_load %arg9[%parallel_loop3A_494, %parallel_loop3A_495] {strides = array<i32>} : memref<16x768xf32, #tpu.memory_space<vmem>>, vector<16xf32>,
        %parallel_loop3A_497 = arith.index_cast %parallel_loop3A_112 : i32 to index
        %parallel_loop3A_498 = arith.constant 464 : index
        %parallel_loop3A_499 = tpu.vector_load %arg11[%parallel_loop3A_497, %parallel_loop3A_498] {strides = array<i32>} : memref<16x768xf32, #tpu.memory_space<vmem>>, vector<16xf32>,
        %parallel_loop3A_500 = arith.addf %parallel_loop3A_496, %parallel_loop3A_499 : vector<16xf32>
        %parallel_loop3A_501 = arith.index_cast %parallel_loop3A_112 : i32 to index
        %parallel_loop3A_502 = arith.constant 464 : index
        %parallel_loop3A_503 = tpu.vector_load %arg9[%parallel_loop3A_501, %parallel_loop3A_502] {strides = array<i32>} : memref<16x768xf32, #tpu.memory_space<vmem>>, vector<16xf32>,
        tpu.vector_store %arg9[%parallel_loop3A_501, %parallel_loop3A_502], %parallel_loop3A_500 {strides = array<i32>} : memref<16x768xf32, #tpu.memory_space<vmem>>, vector<16xf32>,
        %parallel_loop3A_504 = arith.addf %parallel_loop3A_491, %parallel_loop3A_500 : vector<16xf32>
        %parallel_loop3A_505 = arith.mulf %parallel_loop3A_500, %parallel_loop3A_500 : vector<16xf32>
        %parallel_loop3A_506 = arith.addf %parallel_loop3A_493, %parallel_loop3A_505 : vector<16xf32>
        %parallel_loop3A_507 = arith.index_cast %parallel_loop3A_112 : i32 to index
        %parallel_loop3A_508 = arith.constant 480 : index
        %parallel_loop3A_509 = tpu.vector_load %arg9[%parallel_loop3A_507, %parallel_loop3A_508] {strides = array<i32>} : memref<16x768xf32, #tpu.memory_space<vmem>>, vector<16xf32>,
        %parallel_loop3A_510 = arith.index_cast %parallel_loop3A_112 : i32 to index
        %parallel_loop3A_511 = arith.constant 480 : index
        %parallel_loop3A_512 = tpu.vector_load %arg11[%parallel_loop3A_510, %parallel_loop3A_511] {strides = array<i32>} : memref<16x768xf32, #tpu.memory_space<vmem>>, vector<16xf32>,
        %parallel_loop3A_513 = arith.addf %parallel_loop3A_509, %parallel_loop3A_512 : vector<16xf32>
        %parallel_loop3A_514 = arith.index_cast %parallel_loop3A_112 : i32 to index
        %parallel_loop3A_515 = arith.constant 480 : index
        %parallel_loop3A_516 = tpu.vector_load %arg9[%parallel_loop3A_514, %parallel_loop3A_515] {strides = array<i32>} : memref<16x768xf32, #tpu.memory_space<vmem>>, vector<16xf32>,
        tpu.vector_store %arg9[%parallel_loop3A_514, %parallel_loop3A_515], %parallel_loop3A_513 {strides = array<i32>} : memref<16x768xf32, #tpu.memory_space<vmem>>, vector<16xf32>,
        %parallel_loop3A_517 = arith.addf %parallel_loop3A_504, %parallel_loop3A_513 : vector<16xf32>
        %parallel_loop3A_518 = arith.mulf %parallel_loop3A_513, %parallel_loop3A_513 : vector<16xf32>
        %parallel_loop3A_519 = arith.addf %parallel_loop3A_506, %parallel_loop3A_518 : vector<16xf32>
        %parallel_loop3A_520 = arith.index_cast %parallel_loop3A_112 : i32 to index
        %parallel_loop3A_521 = arith.constant 496 : index
        %parallel_loop3A_522 = tpu.vector_load %arg9[%parallel_loop3A_520, %parallel_loop3A_521] {strides = array<i32>} : memref<16x768xf32, #tpu.memory_space<vmem>>, vector<16xf32>,
        %parallel_loop3A_523 = arith.index_cast %parallel_loop3A_112 : i32 to index
        %parallel_loop3A_524 = arith.constant 496 : index
        %parallel_loop3A_525 = tpu.vector_load %arg11[%parallel_loop3A_523, %parallel_loop3A_524] {strides = array<i32>} : memref<16x768xf32, #tpu.memory_space<vmem>>, vector<16xf32>,
        %parallel_loop3A_526 = arith.addf %parallel_loop3A_522, %parallel_loop3A_525 : vector<16xf32>
        %parallel_loop3A_527 = arith.index_cast %parallel_loop3A_112 : i32 to index
        %parallel_loop3A_528 = arith.constant 496 : index
        %parallel_loop3A_529 = tpu.vector_load %arg9[%parallel_loop3A_527, %parallel_loop3A_528] {strides = array<i32>} : memref<16x768xf32, #tpu.memory_space<vmem>>, vector<16xf32>,
        tpu.vector_store %arg9[%parallel_loop3A_527, %parallel_loop3A_528], %parallel_loop3A_526 {strides = array<i32>} : memref<16x768xf32, #tpu.memory_space<vmem>>, vector<16xf32>,
        %parallel_loop3A_530 = arith.addf %parallel_loop3A_517, %parallel_loop3A_526 : vector<16xf32>
        %parallel_loop3A_531 = arith.mulf %parallel_loop3A_526, %parallel_loop3A_526 : vector<16xf32>
        %parallel_loop3A_532 = arith.addf %parallel_loop3A_519, %parallel_loop3A_531 : vector<16xf32>
        %parallel_loop3A_533 = arith.index_cast %parallel_loop3A_112 : i32 to index
        %parallel_loop3A_534 = arith.constant 512 : index
        %parallel_loop3A_535 = tpu.vector_load %arg9[%parallel_loop3A_533, %parallel_loop3A_534] {strides = array<i32>} : memref<16x768xf32, #tpu.memory_space<vmem>>, vector<16xf32>,
        %parallel_loop3A_536 = arith.index_cast %parallel_loop3A_112 : i32 to index
        %parallel_loop3A_537 = arith.constant 512 : index
        %parallel_loop3A_538 = tpu.vector_load %arg11[%parallel_loop3A_536, %parallel_loop3A_537] {strides = array<i32>} : memref<16x768xf32, #tpu.memory_space<vmem>>, vector<16xf32>,
        %parallel_loop3A_539 = arith.addf %parallel_loop3A_535, %parallel_loop3A_538 : vector<16xf32>
        %parallel_loop3A_540 = arith.index_cast %parallel_loop3A_112 : i32 to index
        %parallel_loop3A_541 = arith.constant 512 : index
        %parallel_loop3A_542 = tpu.vector_load %arg9[%parallel_loop3A_540, %parallel_loop3A_541] {strides = array<i32>} : memref<16x768xf32, #tpu.memory_space<vmem>>, vector<16xf32>,
        tpu.vector_store %arg9[%parallel_loop3A_540, %parallel_loop3A_541], %parallel_loop3A_539 {strides = array<i32>} : memref<16x768xf32, #tpu.memory_space<vmem>>, vector<16xf32>,
        %parallel_loop3A_543 = arith.addf %parallel_loop3A_530, %parallel_loop3A_539 : vector<16xf32>
        %parallel_loop3A_544 = arith.mulf %parallel_loop3A_539, %parallel_loop3A_539 : vector<16xf32>
        %parallel_loop3A_545 = arith.addf %parallel_loop3A_532, %parallel_loop3A_544 : vector<16xf32>
        %parallel_loop3A_546 = arith.index_cast %parallel_loop3A_112 : i32 to index
        %parallel_loop3A_547 = arith.constant 528 : index
        %parallel_loop3A_548 = tpu.vector_load %arg9[%parallel_loop3A_546, %parallel_loop3A_547] {strides = array<i32>} : memref<16x768xf32, #tpu.memory_space<vmem>>, vector<16xf32>,
        %parallel_loop3A_549 = arith.index_cast %parallel_loop3A_112 : i32 to index
        %parallel_loop3A_550 = arith.constant 528 : index
        %parallel_loop3A_551 = tpu.vector_load %arg11[%parallel_loop3A_549, %parallel_loop3A_550] {strides = array<i32>} : memref<16x768xf32, #tpu.memory_space<vmem>>, vector<16xf32>,
        %parallel_loop3A_552 = arith.addf %parallel_loop3A_548, %parallel_loop3A_551 : vector<16xf32>
        %parallel_loop3A_553 = arith.index_cast %parallel_loop3A_112 : i32 to index
        %parallel_loop3A_554 = arith.constant 528 : index
        %parallel_loop3A_555 = tpu.vector_load %arg9[%parallel_loop3A_553, %parallel_loop3A_554] {strides = array<i32>} : memref<16x768xf32, #tpu.memory_space<vmem>>, vector<16xf32>,
        tpu.vector_store %arg9[%parallel_loop3A_553, %parallel_loop3A_554], %parallel_loop3A_552 {strides = array<i32>} : memref<16x768xf32, #tpu.memory_space<vmem>>, vector<16xf32>,
        %parallel_loop3A_556 = arith.addf %parallel_loop3A_543, %parallel_loop3A_552 : vector<16xf32>
        %parallel_loop3A_557 = arith.mulf %parallel_loop3A_552, %parallel_loop3A_552 : vector<16xf32>
        %parallel_loop3A_558 = arith.addf %parallel_loop3A_545, %parallel_loop3A_557 : vector<16xf32>
        %parallel_loop3A_559 = arith.index_cast %parallel_loop3A_112 : i32 to index
        %parallel_loop3A_560 = arith.constant 544 : index
        %parallel_loop3A_561 = tpu.vector_load %arg9[%parallel_loop3A_559, %parallel_loop3A_560] {strides = array<i32>} : memref<16x768xf32, #tpu.memory_space<vmem>>, vector<16xf32>,
        %parallel_loop3A_562 = arith.index_cast %parallel_loop3A_112 : i32 to index
        %parallel_loop3A_563 = arith.constant 544 : index
        %parallel_loop3A_564 = tpu.vector_load %arg11[%parallel_loop3A_562, %parallel_loop3A_563] {strides = array<i32>} : memref<16x768xf32, #tpu.memory_space<vmem>>, vector<16xf32>,
        %parallel_loop3A_565 = arith.addf %parallel_loop3A_561, %parallel_loop3A_564 : vector<16xf32>
        %parallel_loop3A_566 = arith.index_cast %parallel_loop3A_112 : i32 to index
        %parallel_loop3A_567 = arith.constant 544 : index
        %parallel_loop3A_568 = tpu.vector_load %arg9[%parallel_loop3A_566, %parallel_loop3A_567] {strides = array<i32>} : memref<16x768xf32, #tpu.memory_space<vmem>>, vector<16xf32>,
        tpu.vector_store %arg9[%parallel_loop3A_566, %parallel_loop3A_567], %parallel_loop3A_565 {strides = array<i32>} : memref<16x768xf32, #tpu.memory_space<vmem>>, vector<16xf32>,
        %parallel_loop3A_569 = arith.addf %parallel_loop3A_556, %parallel_loop3A_565 : vector<16xf32>
        %parallel_loop3A_570 = arith.mulf %parallel_loop3A_565, %parallel_loop3A_565 : vector<16xf32>
        %parallel_loop3A_571 = arith.addf %parallel_loop3A_558, %parallel_loop3A_570 : vector<16xf32>
        %parallel_loop3A_572 = arith.index_cast %parallel_loop3A_112 : i32 to index
        %parallel_loop3A_573 = arith.constant 560 : index
        %parallel_loop3A_574 = tpu.vector_load %arg9[%parallel_loop3A_572, %parallel_loop3A_573] {strides = array<i32>} : memref<16x768xf32, #tpu.memory_space<vmem>>, vector<16xf32>,
        %parallel_loop3A_575 = arith.index_cast %parallel_loop3A_112 : i32 to index
        %parallel_loop3A_576 = arith.constant 560 : index
        %parallel_loop3A_577 = tpu.vector_load %arg11[%parallel_loop3A_575, %parallel_loop3A_576] {strides = array<i32>} : memref<16x768xf32, #tpu.memory_space<vmem>>, vector<16xf32>,
        %parallel_loop3A_578 = arith.addf %parallel_loop3A_574, %parallel_loop3A_577 : vector<16xf32>
        %parallel_loop3A_579 = arith.index_cast %parallel_loop3A_112 : i32 to index
        %parallel_loop3A_580 = arith.constant 560 : index
        %parallel_loop3A_581 = tpu.vector_load %arg9[%parallel_loop3A_579, %parallel_loop3A_580] {strides = array<i32>} : memref<16x768xf32, #tpu.memory_space<vmem>>, vector<16xf32>,
        tpu.vector_store %arg9[%parallel_loop3A_579, %parallel_loop3A_580], %parallel_loop3A_578 {strides = array<i32>} : memref<16x768xf32, #tpu.memory_space<vmem>>, vector<16xf32>,
        %parallel_loop3A_582 = arith.addf %parallel_loop3A_569, %parallel_loop3A_578 : vector<16xf32>
        %parallel_loop3A_583 = arith.mulf %parallel_loop3A_578, %parallel_loop3A_578 : vector<16xf32>
        %parallel_loop3A_584 = arith.addf %parallel_loop3A_571, %parallel_loop3A_583 : vector<16xf32>
        %parallel_loop3A_585 = arith.index_cast %parallel_loop3A_112 : i32 to index
        %parallel_loop3A_586 = arith.constant 576 : index
        %parallel_loop3A_587 = tpu.vector_load %arg9[%parallel_loop3A_585, %parallel_loop3A_586] {strides = array<i32>} : memref<16x768xf32, #tpu.memory_space<vmem>>, vector<16xf32>,
        %parallel_loop3A_588 = arith.index_cast %parallel_loop3A_112 : i32 to index
        %parallel_loop3A_589 = arith.constant 576 : index
        %parallel_loop3A_590 = tpu.vector_load %arg11[%parallel_loop3A_588, %parallel_loop3A_589] {strides = array<i32>} : memref<16x768xf32, #tpu.memory_space<vmem>>, vector<16xf32>,
        %parallel_loop3A_591 = arith.addf %parallel_loop3A_587, %parallel_loop3A_590 : vector<16xf32>
        %parallel_loop3A_592 = arith.index_cast %parallel_loop3A_112 : i32 to index
        %parallel_loop3A_593 = arith.constant 576 : index
        %parallel_loop3A_594 = tpu.vector_load %arg9[%parallel_loop3A_592, %parallel_loop3A_593] {strides = array<i32>} : memref<16x768xf32, #tpu.memory_space<vmem>>, vector<16xf32>,
        tpu.vector_store %arg9[%parallel_loop3A_592, %parallel_loop3A_593], %parallel_loop3A_591 {strides = array<i32>} : memref<16x768xf32, #tpu.memory_space<vmem>>, vector<16xf32>,
        %parallel_loop3A_595 = arith.addf %parallel_loop3A_582, %parallel_loop3A_591 : vector<16xf32>
        %parallel_loop3A_596 = arith.mulf %parallel_loop3A_591, %parallel_loop3A_591 : vector<16xf32>
        %parallel_loop3A_597 = arith.addf %parallel_loop3A_584, %parallel_loop3A_596 : vector<16xf32>
        %parallel_loop3A_598 = arith.index_cast %parallel_loop3A_112 : i32 to index
        %parallel_loop3A_599 = arith.constant 592 : index
        %parallel_loop3A_600 = tpu.vector_load %arg9[%parallel_loop3A_598, %parallel_loop3A_599] {strides = array<i32>} : memref<16x768xf32, #tpu.memory_space<vmem>>, vector<16xf32>,
        %parallel_loop3A_601 = arith.index_cast %parallel_loop3A_112 : i32 to index
        %parallel_loop3A_602 = arith.constant 592 : index
        %parallel_loop3A_603 = tpu.vector_load %arg11[%parallel_loop3A_601, %parallel_loop3A_602] {strides = array<i32>} : memref<16x768xf32, #tpu.memory_space<vmem>>, vector<16xf32>,
        %parallel_loop3A_604 = arith.addf %parallel_loop3A_600, %parallel_loop3A_603 : vector<16xf32>
        %parallel_loop3A_605 = arith.index_cast %parallel_loop3A_112 : i32 to index
        %parallel_loop3A_606 = arith.constant 592 : index
        %parallel_loop3A_607 = tpu.vector_load %arg9[%parallel_loop3A_605, %parallel_loop3A_606] {strides = array<i32>} : memref<16x768xf32, #tpu.memory_space<vmem>>, vector<16xf32>,
        tpu.vector_store %arg9[%parallel_loop3A_605, %parallel_loop3A_606], %parallel_loop3A_604 {strides = array<i32>} : memref<16x768xf32, #tpu.memory_space<vmem>>, vector<16xf32>,
        %parallel_loop3A_608 = arith.addf %parallel_loop3A_595, %parallel_loop3A_604 : vector<16xf32>
        %parallel_loop3A_609 = arith.mulf %parallel_loop3A_604, %parallel_loop3A_604 : vector<16xf32>
        %parallel_loop3A_610 = arith.addf %parallel_loop3A_597, %parallel_loop3A_609 : vector<16xf32>
        %parallel_loop3A_611 = arith.index_cast %parallel_loop3A_112 : i32 to index
        %parallel_loop3A_612 = arith.constant 608 : index
        %parallel_loop3A_613 = tpu.vector_load %arg9[%parallel_loop3A_611, %parallel_loop3A_612] {strides = array<i32>} : memref<16x768xf32, #tpu.memory_space<vmem>>, vector<16xf32>,
        %parallel_loop3A_614 = arith.index_cast %parallel_loop3A_112 : i32 to index
        %parallel_loop3A_615 = arith.constant 608 : index
        %parallel_loop3A_616 = tpu.vector_load %arg11[%parallel_loop3A_614, %parallel_loop3A_615] {strides = array<i32>} : memref<16x768xf32, #tpu.memory_space<vmem>>, vector<16xf32>,
        %parallel_loop3A_617 = arith.addf %parallel_loop3A_613, %parallel_loop3A_616 : vector<16xf32>
        %parallel_loop3A_618 = arith.index_cast %parallel_loop3A_112 : i32 to index
        %parallel_loop3A_619 = arith.constant 608 : index
        %parallel_loop3A_620 = tpu.vector_load %arg9[%parallel_loop3A_618, %parallel_loop3A_619] {strides = array<i32>} : memref<16x768xf32, #tpu.memory_space<vmem>>, vector<16xf32>,
        tpu.vector_store %arg9[%parallel_loop3A_618, %parallel_loop3A_619], %parallel_loop3A_617 {strides = array<i32>} : memref<16x768xf32, #tpu.memory_space<vmem>>, vector<16xf32>,
        %parallel_loop3A_621 = arith.addf %parallel_loop3A_608, %parallel_loop3A_617 : vector<16xf32>
        %parallel_loop3A_622 = arith.mulf %parallel_loop3A_617, %parallel_loop3A_617 : vector<16xf32>
        %parallel_loop3A_623 = arith.addf %parallel_loop3A_610, %parallel_loop3A_622 : vector<16xf32>
        %parallel_loop3A_624 = arith.index_cast %parallel_loop3A_112 : i32 to index
        %parallel_loop3A_625 = arith.constant 624 : index
        %parallel_loop3A_626 = tpu.vector_load %arg9[%parallel_loop3A_624, %parallel_loop3A_625] {strides = array<i32>} : memref<16x768xf32, #tpu.memory_space<vmem>>, vector<16xf32>,
        %parallel_loop3A_627 = arith.index_cast %parallel_loop3A_112 : i32 to index
        %parallel_loop3A_628 = arith.constant 624 : index
        %parallel_loop3A_629 = tpu.vector_load %arg11[%parallel_loop3A_627, %parallel_loop3A_628] {strides = array<i32>} : memref<16x768xf32, #tpu.memory_space<vmem>>, vector<16xf32>,
        %parallel_loop3A_630 = arith.addf %parallel_loop3A_626, %parallel_loop3A_629 : vector<16xf32>
        %parallel_loop3A_631 = arith.index_cast %parallel_loop3A_112 : i32 to index
        %parallel_loop3A_632 = arith.constant 624 : index
        %parallel_loop3A_633 = tpu.vector_load %arg9[%parallel_loop3A_631, %parallel_loop3A_632] {strides = array<i32>} : memref<16x768xf32, #tpu.memory_space<vmem>>, vector<16xf32>,
        tpu.vector_store %arg9[%parallel_loop3A_631, %parallel_loop3A_632], %parallel_loop3A_630 {strides = array<i32>} : memref<16x768xf32, #tpu.memory_space<vmem>>, vector<16xf32>,
        %parallel_loop3A_634 = arith.addf %parallel_loop3A_621, %parallel_loop3A_630 : vector<16xf32>
        %parallel_loop3A_635 = arith.mulf %parallel_loop3A_630, %parallel_loop3A_630 : vector<16xf32>
        %parallel_loop3A_636 = arith.addf %parallel_loop3A_623, %parallel_loop3A_635 : vector<16xf32>
        %parallel_loop3A_637 = arith.index_cast %parallel_loop3A_112 : i32 to index
        %parallel_loop3A_638 = arith.constant 640 : index
        %parallel_loop3A_639 = tpu.vector_load %arg9[%parallel_loop3A_637, %parallel_loop3A_638] {strides = array<i32>} : memref<16x768xf32, #tpu.memory_space<vmem>>, vector<16xf32>,
        %parallel_loop3A_640 = arith.index_cast %parallel_loop3A_112 : i32 to index
        %parallel_loop3A_641 = arith.constant 640 : index
        %parallel_loop3A_642 = tpu.vector_load %arg11[%parallel_loop3A_640, %parallel_loop3A_641] {strides = array<i32>} : memref<16x768xf32, #tpu.memory_space<vmem>>, vector<16xf32>,
        %parallel_loop3A_643 = arith.addf %parallel_loop3A_639, %parallel_loop3A_642 : vector<16xf32>
        %parallel_loop3A_644 = arith.index_cast %parallel_loop3A_112 : i32 to index
        %parallel_loop3A_645 = arith.constant 640 : index
        %parallel_loop3A_646 = tpu.vector_load %arg9[%parallel_loop3A_644, %parallel_loop3A_645] {strides = array<i32>} : memref<16x768xf32, #tpu.memory_space<vmem>>, vector<16xf32>,
        tpu.vector_store %arg9[%parallel_loop3A_644, %parallel_loop3A_645], %parallel_loop3A_643 {strides = array<i32>} : memref<16x768xf32, #tpu.memory_space<vmem>>, vector<16xf32>,
        %parallel_loop3A_647 = arith.addf %parallel_loop3A_634, %parallel_loop3A_643 : vector<16xf32>
        %parallel_loop3A_648 = arith.mulf %parallel_loop3A_643, %parallel_loop3A_643 : vector<16xf32>
        %parallel_loop3A_649 = arith.addf %parallel_loop3A_636, %parallel_loop3A_648 : vector<16xf32>
        %parallel_loop3A_650 = arith.index_cast %parallel_loop3A_112 : i32 to index
        %parallel_loop3A_651 = arith.constant 656 : index
        %parallel_loop3A_652 = tpu.vector_load %arg9[%parallel_loop3A_650, %parallel_loop3A_651] {strides = array<i32>} : memref<16x768xf32, #tpu.memory_space<vmem>>, vector<16xf32>,
        %parallel_loop3A_653 = arith.index_cast %parallel_loop3A_112 : i32 to index
        %parallel_loop3A_654 = arith.constant 656 : index
        %parallel_loop3A_655 = tpu.vector_load %arg11[%parallel_loop3A_653, %parallel_loop3A_654] {strides = array<i32>} : memref<16x768xf32, #tpu.memory_space<vmem>>, vector<16xf32>,
        %parallel_loop3A_656 = arith.addf %parallel_loop3A_652, %parallel_loop3A_655 : vector<16xf32>
        %parallel_loop3A_657 = arith.index_cast %parallel_loop3A_112 : i32 to index
        %parallel_loop3A_658 = arith.constant 656 : index
        %parallel_loop3A_659 = tpu.vector_load %arg9[%parallel_loop3A_657, %parallel_loop3A_658] {strides = array<i32>} : memref<16x768xf32, #tpu.memory_space<vmem>>, vector<16xf32>,
        tpu.vector_store %arg9[%parallel_loop3A_657, %parallel_loop3A_658], %parallel_loop3A_656 {strides = array<i32>} : memref<16x768xf32, #tpu.memory_space<vmem>>, vector<16xf32>,
        %parallel_loop3A_660 = arith.addf %parallel_loop3A_647, %parallel_loop3A_656 : vector<16xf32>
        %parallel_loop3A_661 = arith.mulf %parallel_loop3A_656, %parallel_loop3A_656 : vector<16xf32>
        %parallel_loop3A_662 = arith.addf %parallel_loop3A_649, %parallel_loop3A_661 : vector<16xf32>
        %parallel_loop3A_663 = arith.index_cast %parallel_loop3A_112 : i32 to index
        %parallel_loop3A_664 = arith.constant 672 : index
        %parallel_loop3A_665 = tpu.vector_load %arg9[%parallel_loop3A_663, %parallel_loop3A_664] {strides = array<i32>} : memref<16x768xf32, #tpu.memory_space<vmem>>, vector<16xf32>,
        %parallel_loop3A_666 = arith.index_cast %parallel_loop3A_112 : i32 to index
        %parallel_loop3A_667 = arith.constant 672 : index
        %parallel_loop3A_668 = tpu.vector_load %arg11[%parallel_loop3A_666, %parallel_loop3A_667] {strides = array<i32>} : memref<16x768xf32, #tpu.memory_space<vmem>>, vector<16xf32>,
        %parallel_loop3A_669 = arith.addf %parallel_loop3A_665, %parallel_loop3A_668 : vector<16xf32>
        %parallel_loop3A_670 = arith.index_cast %parallel_loop3A_112 : i32 to index
        %parallel_loop3A_671 = arith.constant 672 : index
        %parallel_loop3A_672 = tpu.vector_load %arg9[%parallel_loop3A_670, %parallel_loop3A_671] {strides = array<i32>} : memref<16x768xf32, #tpu.memory_space<vmem>>, vector<16xf32>,
        tpu.vector_store %arg9[%parallel_loop3A_670, %parallel_loop3A_671], %parallel_loop3A_669 {strides = array<i32>} : memref<16x768xf32, #tpu.memory_space<vmem>>, vector<16xf32>,
        %parallel_loop3A_673 = arith.addf %parallel_loop3A_660, %parallel_loop3A_669 : vector<16xf32>
        %parallel_loop3A_674 = arith.mulf %parallel_loop3A_669, %parallel_loop3A_669 : vector<16xf32>
        %parallel_loop3A_675 = arith.addf %parallel_loop3A_662, %parallel_loop3A_674 : vector<16xf32>
        %parallel_loop3A_676 = arith.index_cast %parallel_loop3A_112 : i32 to index
        %parallel_loop3A_677 = arith.constant 688 : index
        %parallel_loop3A_678 = tpu.vector_load %arg9[%parallel_loop3A_676, %parallel_loop3A_677] {strides = array<i32>} : memref<16x768xf32, #tpu.memory_space<vmem>>, vector<16xf32>,
        %parallel_loop3A_679 = arith.index_cast %parallel_loop3A_112 : i32 to index
        %parallel_loop3A_680 = arith.constant 688 : index
        %parallel_loop3A_681 = tpu.vector_load %arg11[%parallel_loop3A_679, %parallel_loop3A_680] {strides = array<i32>} : memref<16x768xf32, #tpu.memory_space<vmem>>, vector<16xf32>,
        %parallel_loop3A_682 = arith.addf %parallel_loop3A_678, %parallel_loop3A_681 : vector<16xf32>
        %parallel_loop3A_683 = arith.index_cast %parallel_loop3A_112 : i32 to index
        %parallel_loop3A_684 = arith.constant 688 : index
        %parallel_loop3A_685 = tpu.vector_load %arg9[%parallel_loop3A_683, %parallel_loop3A_684] {strides = array<i32>} : memref<16x768xf32, #tpu.memory_space<vmem>>, vector<16xf32>,
        tpu.vector_store %arg9[%parallel_loop3A_683, %parallel_loop3A_684], %parallel_loop3A_682 {strides = array<i32>} : memref<16x768xf32, #tpu.memory_space<vmem>>, vector<16xf32>,
        %parallel_loop3A_686 = arith.addf %parallel_loop3A_673, %parallel_loop3A_682 : vector<16xf32>
        %parallel_loop3A_687 = arith.mulf %parallel_loop3A_682, %parallel_loop3A_682 : vector<16xf32>
        %parallel_loop3A_688 = arith.addf %parallel_loop3A_675, %parallel_loop3A_687 : vector<16xf32>
        %parallel_loop3A_689 = arith.index_cast %parallel_loop3A_112 : i32 to index
        %parallel_loop3A_690 = arith.constant 704 : index
        %parallel_loop3A_691 = tpu.vector_load %arg9[%parallel_loop3A_689, %parallel_loop3A_690] {strides = array<i32>} : memref<16x768xf32, #tpu.memory_space<vmem>>, vector<16xf32>,
        %parallel_loop3A_692 = arith.index_cast %parallel_loop3A_112 : i32 to index
        %parallel_loop3A_693 = arith.constant 704 : index
        %parallel_loop3A_694 = tpu.vector_load %arg11[%parallel_loop3A_692, %parallel_loop3A_693] {strides = array<i32>} : memref<16x768xf32, #tpu.memory_space<vmem>>, vector<16xf32>,
        %parallel_loop3A_695 = arith.addf %parallel_loop3A_691, %parallel_loop3A_694 : vector<16xf32>
        %parallel_loop3A_696 = arith.index_cast %parallel_loop3A_112 : i32 to index
        %parallel_loop3A_697 = arith.constant 704 : index
        %parallel_loop3A_698 = tpu.vector_load %arg9[%parallel_loop3A_696, %parallel_loop3A_697] {strides = array<i32>} : memref<16x768xf32, #tpu.memory_space<vmem>>, vector<16xf32>,
        tpu.vector_store %arg9[%parallel_loop3A_696, %parallel_loop3A_697], %parallel_loop3A_695 {strides = array<i32>} : memref<16x768xf32, #tpu.memory_space<vmem>>, vector<16xf32>,
        %parallel_loop3A_699 = arith.addf %parallel_loop3A_686, %parallel_loop3A_695 : vector<16xf32>
        %parallel_loop3A_700 = arith.mulf %parallel_loop3A_695, %parallel_loop3A_695 : vector<16xf32>
        %parallel_loop3A_701 = arith.addf %parallel_loop3A_688, %parallel_loop3A_700 : vector<16xf32>
        %parallel_loop3A_702 = arith.index_cast %parallel_loop3A_112 : i32 to index
        %parallel_loop3A_703 = arith.constant 720 : index
        %parallel_loop3A_704 = tpu.vector_load %arg9[%parallel_loop3A_702, %parallel_loop3A_703] {strides = array<i32>} : memref<16x768xf32, #tpu.memory_space<vmem>>, vector<16xf32>,
        %parallel_loop3A_705 = arith.index_cast %parallel_loop3A_112 : i32 to index
        %parallel_loop3A_706 = arith.constant 720 : index
        %parallel_loop3A_707 = tpu.vector_load %arg11[%parallel_loop3A_705, %parallel_loop3A_706] {strides = array<i32>} : memref<16x768xf32, #tpu.memory_space<vmem>>, vector<16xf32>,
        %parallel_loop3A_708 = arith.addf %parallel_loop3A_704, %parallel_loop3A_707 : vector<16xf32>
        %parallel_loop3A_709 = arith.index_cast %parallel_loop3A_112 : i32 to index
        %parallel_loop3A_710 = arith.constant 720 : index
        %parallel_loop3A_711 = tpu.vector_load %arg9[%parallel_loop3A_709, %parallel_loop3A_710] {strides = array<i32>} : memref<16x768xf32, #tpu.memory_space<vmem>>, vector<16xf32>,
        tpu.vector_store %arg9[%parallel_loop3A_709, %parallel_loop3A_710], %parallel_loop3A_708 {strides = array<i32>} : memref<16x768xf32, #tpu.memory_space<vmem>>, vector<16xf32>,
        %parallel_loop3A_712 = arith.addf %parallel_loop3A_699, %parallel_loop3A_708 : vector<16xf32>
        %parallel_loop3A_713 = arith.mulf %parallel_loop3A_708, %parallel_loop3A_708 : vector<16xf32>
        %parallel_loop3A_714 = arith.addf %parallel_loop3A_701, %parallel_loop3A_713 : vector<16xf32>
        %parallel_loop3A_715 = arith.index_cast %parallel_loop3A_112 : i32 to index
        %parallel_loop3A_716 = arith.constant 736 : index
        %parallel_loop3A_717 = tpu.vector_load %arg9[%parallel_loop3A_715, %parallel_loop3A_716] {strides = array<i32>} : memref<16x768xf32, #tpu.memory_space<vmem>>, vector<16xf32>,
        %parallel_loop3A_718 = arith.index_cast %parallel_loop3A_112 : i32 to index
        %parallel_loop3A_719 = arith.constant 736 : index
        %parallel_loop3A_720 = tpu.vector_load %arg11[%parallel_loop3A_718, %parallel_loop3A_719] {strides = array<i32>} : memref<16x768xf32, #tpu.memory_space<vmem>>, vector<16xf32>,
        %parallel_loop3A_721 = arith.addf %parallel_loop3A_717, %parallel_loop3A_720 : vector<16xf32>
        %parallel_loop3A_722 = arith.index_cast %parallel_loop3A_112 : i32 to index
        %parallel_loop3A_723 = arith.constant 736 : index
        %parallel_loop3A_724 = tpu.vector_load %arg9[%parallel_loop3A_722, %parallel_loop3A_723] {strides = array<i32>} : memref<16x768xf32, #tpu.memory_space<vmem>>, vector<16xf32>,
        tpu.vector_store %arg9[%parallel_loop3A_722, %parallel_loop3A_723], %parallel_loop3A_721 {strides = array<i32>} : memref<16x768xf32, #tpu.memory_space<vmem>>, vector<16xf32>,
        %parallel_loop3A_725 = arith.addf %parallel_loop3A_712, %parallel_loop3A_721 : vector<16xf32>
        %parallel_loop3A_726 = arith.mulf %parallel_loop3A_721, %parallel_loop3A_721 : vector<16xf32>
        %parallel_loop3A_727 = arith.addf %parallel_loop3A_714, %parallel_loop3A_726 : vector<16xf32>
        %parallel_loop3A_728 = arith.index_cast %parallel_loop3A_112 : i32 to index
        %parallel_loop3A_729 = arith.constant 752 : index
        %parallel_loop3A_730 = tpu.vector_load %arg9[%parallel_loop3A_728, %parallel_loop3A_729] {strides = array<i32>} : memref<16x768xf32, #tpu.memory_space<vmem>>, vector<16xf32>,
        %parallel_loop3A_731 = arith.index_cast %parallel_loop3A_112 : i32 to index
        %parallel_loop3A_732 = arith.constant 752 : index
        %parallel_loop3A_733 = tpu.vector_load %arg11[%parallel_loop3A_731, %parallel_loop3A_732] {strides = array<i32>} : memref<16x768xf32, #tpu.memory_space<vmem>>, vector<16xf32>,
        %parallel_loop3A_734 = arith.addf %parallel_loop3A_730, %parallel_loop3A_733 : vector<16xf32>
        %parallel_loop3A_735 = arith.index_cast %parallel_loop3A_112 : i32 to index
        %parallel_loop3A_736 = arith.constant 752 : index
        %parallel_loop3A_737 = tpu.vector_load %arg9[%parallel_loop3A_735, %parallel_loop3A_736] {strides = array<i32>} : memref<16x768xf32, #tpu.memory_space<vmem>>, vector<16xf32>,
        tpu.vector_store %arg9[%parallel_loop3A_735, %parallel_loop3A_736], %parallel_loop3A_734 {strides = array<i32>} : memref<16x768xf32, #tpu.memory_space<vmem>>, vector<16xf32>,
        %parallel_loop3A_738 = arith.addf %parallel_loop3A_725, %parallel_loop3A_734 : vector<16xf32>
        %parallel_loop3A_739 = arith.mulf %parallel_loop3A_734, %parallel_loop3A_734 : vector<16xf32>
        %parallel_loop3A_740 = arith.addf %parallel_loop3A_727, %parallel_loop3A_739 : vector<16xf32>
        %parallel_loop3A_741 = arith.constant true
        %parallel_loop3A_742 = vector.broadcast %parallel_loop3A_741 : i1 to vector<16xi1>
        %parallel_loop3A_743 = tpu.scan <sum>, %parallel_loop3A_738 masked %parallel_loop3A_742 : vector<16xf32>, vector<16xi1> -> vector<16xf32>
        %parallel_loop3A_744 = vector.extract %parallel_loop3A_743[15] : f32 from vector<16xf32>
        %parallel_loop3A_745 = arith.constant 0.00130208337 : f32
        %parallel_loop3A_746 = arith.mulf %parallel_loop3A_744, %parallel_loop3A_745 : f32
        %parallel_loop3A_747 = arith.constant true
        %parallel_loop3A_748 = vector.broadcast %parallel_loop3A_747 : i1 to vector<16xi1>
        %parallel_loop3A_749 = tpu.scan <sum>, %parallel_loop3A_740 masked %parallel_loop3A_748 : vector<16xf32>, vector<16xi1> -> vector<16xf32>
        %parallel_loop3A_750 = vector.extract %parallel_loop3A_749[15] : f32 from vector<16xf32>
        %parallel_loop3A_751 = arith.constant 0.00130208337 : f32
        %parallel_loop3A_752 = arith.mulf %parallel_loop3A_750, %parallel_loop3A_751 : f32
        %parallel_loop3A_753 = arith.mulf %parallel_loop3A_746, %parallel_loop3A_746 : f32
        %parallel_loop3A_754 = arith.subf %parallel_loop3A_752, %parallel_loop3A_753 : f32
        %parallel_loop3A_755 = arith.constant 0.000000e+00 : f32
        %parallel_loop3A_756 = vector.broadcast %parallel_loop3A_755 : f32 to vector<16xf32>
        %parallel_loop3A_757 = arith.constant 9.99999996E-13 : f32
        %parallel_loop3A_758 = arith.addf %parallel_loop3A_754, %parallel_loop3A_757 : f32
        %parallel_loop3A_759 = vector.broadcast %parallel_loop3A_758 : f32 to vector<16xf32>
        %parallel_loop3A_760 = arith.addf %parallel_loop3A_756, %parallel_loop3A_759 : vector<16xf32>
        %parallel_loop3A_761 = vector.bitcast %parallel_loop3A_760 : vector<16xf32> to vector<16xi32>
        %parallel_loop3A_762 = arith.constant 1 : i32
        %parallel_loop3A_763 = vector.broadcast %parallel_loop3A_762 : i32 to vector<16xi32>
        %parallel_loop3A_764 = arith.shrsi %parallel_loop3A_761, %parallel_loop3A_763 : vector<16xi32>
        %parallel_loop3A_765 = arith.constant 1597463007 : i32
        %parallel_loop3A_766 = vector.broadcast %parallel_loop3A_765 : i32 to vector<16xi32>
        %parallel_loop3A_767 = arith.subi %parallel_loop3A_766, %parallel_loop3A_764 : vector<16xi32>
        %parallel_loop3A_768 = vector.bitcast %parallel_loop3A_767 : vector<16xi32> to vector<16xf32>
        %parallel_loop3A_769 = arith.constant 5.000000e-01 : f32
        %parallel_loop3A_770 = vector.broadcast %parallel_loop3A_769 : f32 to vector<16xf32>
        %parallel_loop3A_771 = arith.mulf %parallel_loop3A_760, %parallel_loop3A_770 : vector<16xf32>
        %parallel_loop3A_772 = arith.mulf %parallel_loop3A_771, %parallel_loop3A_768 : vector<16xf32>
        %parallel_loop3A_773 = arith.mulf %parallel_loop3A_772, %parallel_loop3A_768 : vector<16xf32>
        %parallel_loop3A_774 = arith.constant 1.500000e+00 : f32
        %parallel_loop3A_775 = vector.broadcast %parallel_loop3A_774 : f32 to vector<16xf32>
        %parallel_loop3A_776 = arith.subf %parallel_loop3A_775, %parallel_loop3A_773 : vector<16xf32>
        %parallel_loop3A_777 = arith.mulf %parallel_loop3A_768, %parallel_loop3A_776 : vector<16xf32>
        %parallel_loop3A_778 = arith.mulf %parallel_loop3A_771, %parallel_loop3A_777 : vector<16xf32>
        %parallel_loop3A_779 = arith.mulf %parallel_loop3A_778, %parallel_loop3A_777 : vector<16xf32>
        %parallel_loop3A_780 = arith.constant 1.500000e+00 : f32
        %parallel_loop3A_781 = vector.broadcast %parallel_loop3A_780 : f32 to vector<16xf32>
        %parallel_loop3A_782 = arith.subf %parallel_loop3A_781, %parallel_loop3A_779 : vector<16xf32>
        %parallel_loop3A_783 = arith.mulf %parallel_loop3A_777, %parallel_loop3A_782 : vector<16xf32>
        %parallel_loop3A_784 = arith.constant 0 : index
        %parallel_loop3A_785 = tpu.vector_load %arg15[%parallel_loop3A_784] {strides = array<i32>} : memref<768xf32, #tpu.memory_space<vmem>>, vector<16xf32>,
        %parallel_loop3A_786 = arith.constant 16 : index
        %parallel_loop3A_787 = tpu.vector_load %arg15[%parallel_loop3A_786] {strides = array<i32>} : memref<768xf32, #tpu.memory_space<vmem>>, vector<16xf32>,
        %parallel_loop3A_788 = arith.constant 32 : index
        %parallel_loop3A_789 = tpu.vector_load %arg15[%parallel_loop3A_788] {strides = array<i32>} : memref<768xf32, #tpu.memory_space<vmem>>, vector<16xf32>,
        %parallel_loop3A_790 = arith.constant 48 : index
        %parallel_loop3A_791 = tpu.vector_load %arg15[%parallel_loop3A_790] {strides = array<i32>} : memref<768xf32, #tpu.memory_space<vmem>>, vector<16xf32>,
        %parallel_loop3A_792 = arith.constant 64 : index
        %parallel_loop3A_793 = tpu.vector_load %arg15[%parallel_loop3A_792] {strides = array<i32>} : memref<768xf32, #tpu.memory_space<vmem>>, vector<16xf32>,
        %parallel_loop3A_794 = arith.constant 80 : index
        %parallel_loop3A_795 = tpu.vector_load %arg15[%parallel_loop3A_794] {strides = array<i32>} : memref<768xf32, #tpu.memory_space<vmem>>, vector<16xf32>,
        %parallel_loop3A_796 = arith.constant 96 : index
        %parallel_loop3A_797 = tpu.vector_load %arg15[%parallel_loop3A_796] {strides = array<i32>} : memref<768xf32, #tpu.memory_space<vmem>>, vector<16xf32>,
        %parallel_loop3A_798 = arith.constant 112 : index
        %parallel_loop3A_799 = tpu.vector_load %arg15[%parallel_loop3A_798] {strides = array<i32>} : memref<768xf32, #tpu.memory_space<vmem>>, vector<16xf32>,
        %parallel_loop3A_800 = arith.constant 128 : index
        %parallel_loop3A_801 = tpu.vector_load %arg15[%parallel_loop3A_800] {strides = array<i32>} : memref<768xf32, #tpu.memory_space<vmem>>, vector<16xf32>,
        %parallel_loop3A_802 = arith.constant 144 : index
        %parallel_loop3A_803 = tpu.vector_load %arg15[%parallel_loop3A_802] {strides = array<i32>} : memref<768xf32, #tpu.memory_space<vmem>>, vector<16xf32>,
        %parallel_loop3A_804 = arith.constant 160 : index
        %parallel_loop3A_805 = tpu.vector_load %arg15[%parallel_loop3A_804] {strides = array<i32>} : memref<768xf32, #tpu.memory_space<vmem>>, vector<16xf32>,
        %parallel_loop3A_806 = arith.constant 176 : index
        %parallel_loop3A_807 = tpu.vector_load %arg15[%parallel_loop3A_806] {strides = array<i32>} : memref<768xf32, #tpu.memory_space<vmem>>, vector<16xf32>,
        %parallel_loop3A_808 = arith.constant 0 : index
        %parallel_loop3A_809 = tpu.vector_load %arg16[%parallel_loop3A_808] {strides = array<i32>} : memref<768xf32, #tpu.memory_space<vmem>>, vector<16xf32>,
        %parallel_loop3A_810 = arith.constant 16 : index
        %parallel_loop3A_811 = tpu.vector_load %arg16[%parallel_loop3A_810] {strides = array<i32>} : memref<768xf32, #tpu.memory_space<vmem>>, vector<16xf32>,
        %parallel_loop3A_812 = arith.constant 32 : index
        %parallel_loop3A_813 = tpu.vector_load %arg16[%parallel_loop3A_812] {strides = array<i32>} : memref<768xf32, #tpu.memory_space<vmem>>, vector<16xf32>,
        %parallel_loop3A_814 = arith.constant 48 : index
        %parallel_loop3A_815 = tpu.vector_load %arg16[%parallel_loop3A_814] {strides = array<i32>} : memref<768xf32, #tpu.memory_space<vmem>>, vector<16xf32>,
        %parallel_loop3A_816 = arith.constant 64 : index
        %parallel_loop3A_817 = tpu.vector_load %arg16[%parallel_loop3A_816] {strides = array<i32>} : memref<768xf32, #tpu.memory_space<vmem>>, vector<16xf32>,
        %parallel_loop3A_818 = arith.constant 80 : index
        %parallel_loop3A_819 = tpu.vector_load %arg16[%parallel_loop3A_818] {strides = array<i32>} : memref<768xf32, #tpu.memory_space<vmem>>, vector<16xf32>,
        %parallel_loop3A_820 = arith.constant 96 : index
        %parallel_loop3A_821 = tpu.vector_load %arg16[%parallel_loop3A_820] {strides = array<i32>} : memref<768xf32, #tpu.memory_space<vmem>>, vector<16xf32>,
        %parallel_loop3A_822 = arith.constant 112 : index
        %parallel_loop3A_823 = tpu.vector_load %arg16[%parallel_loop3A_822] {strides = array<i32>} : memref<768xf32, #tpu.memory_space<vmem>>, vector<16xf32>,
        %parallel_loop3A_824 = arith.constant 128 : index
        %parallel_loop3A_825 = tpu.vector_load %arg16[%parallel_loop3A_824] {strides = array<i32>} : memref<768xf32, #tpu.memory_space<vmem>>, vector<16xf32>,
        %parallel_loop3A_826 = arith.constant 144 : index
        %parallel_loop3A_827 = tpu.vector_load %arg16[%parallel_loop3A_826] {strides = array<i32>} : memref<768xf32, #tpu.memory_space<vmem>>, vector<16xf32>,
        %parallel_loop3A_828 = arith.constant 160 : index
        %parallel_loop3A_829 = tpu.vector_load %arg16[%parallel_loop3A_828] {strides = array<i32>} : memref<768xf32, #tpu.memory_space<vmem>>, vector<16xf32>,
        %parallel_loop3A_830 = arith.constant 176 : index
        %parallel_loop3A_831 = tpu.vector_load %arg16[%parallel_loop3A_830] {strides = array<i32>} : memref<768xf32, #tpu.memory_space<vmem>>, vector<16xf32>,
        %parallel_loop3A_832 = arith.index_cast %parallel_loop3A_112 : i32 to index
        %parallel_loop3A_833 = arith.constant 0 : index
        %parallel_loop3A_834 = tpu.vector_load %arg9[%parallel_loop3A_832, %parallel_loop3A_833] {strides = array<i32>} : memref<16x768xf32, #tpu.memory_space<vmem>>, vector<16xf32>,
        %parallel_loop3A_835 = arith.index_cast %parallel_loop3A_112 : i32 to index
        %parallel_loop3A_836 = arith.constant 16 : index
        %parallel_loop3A_837 = tpu.vector_load %arg9[%parallel_loop3A_835, %parallel_loop3A_836] {strides = array<i32>} : memref<16x768xf32, #tpu.memory_space<vmem>>, vector<16xf32>,
        %parallel_loop3A_838 = arith.index_cast %parallel_loop3A_112 : i32 to index
        %parallel_loop3A_839 = arith.constant 32 : index
        %parallel_loop3A_840 = tpu.vector_load %arg9[%parallel_loop3A_838, %parallel_loop3A_839] {strides = array<i32>} : memref<16x768xf32, #tpu.memory_space<vmem>>, vector<16xf32>,
        %parallel_loop3A_841 = arith.index_cast %parallel_loop3A_112 : i32 to index
        %parallel_loop3A_842 = arith.constant 48 : index
        %parallel_loop3A_843 = tpu.vector_load %arg9[%parallel_loop3A_841, %parallel_loop3A_842] {strides = array<i32>} : memref<16x768xf32, #tpu.memory_space<vmem>>, vector<16xf32>,
        %parallel_loop3A_844 = arith.index_cast %parallel_loop3A_112 : i32 to index
        %parallel_loop3A_845 = arith.constant 64 : index
        %parallel_loop3A_846 = tpu.vector_load %arg9[%parallel_loop3A_844, %parallel_loop3A_845] {strides = array<i32>} : memref<16x768xf32, #tpu.memory_space<vmem>>, vector<16xf32>,
        %parallel_loop3A_847 = arith.index_cast %parallel_loop3A_112 : i32 to index
        %parallel_loop3A_848 = arith.constant 80 : index
        %parallel_loop3A_849 = tpu.vector_load %arg9[%parallel_loop3A_847, %parallel_loop3A_848] {strides = array<i32>} : memref<16x768xf32, #tpu.memory_space<vmem>>, vector<16xf32>,
        %parallel_loop3A_850 = arith.index_cast %parallel_loop3A_112 : i32 to index
        %parallel_loop3A_851 = arith.constant 96 : index
        %parallel_loop3A_852 = tpu.vector_load %arg9[%parallel_loop3A_850, %parallel_loop3A_851] {strides = array<i32>} : memref<16x768xf32, #tpu.memory_space<vmem>>, vector<16xf32>,
        %parallel_loop3A_853 = arith.index_cast %parallel_loop3A_112 : i32 to index
        %parallel_loop3A_854 = arith.constant 112 : index
        %parallel_loop3A_855 = tpu.vector_load %arg9[%parallel_loop3A_853, %parallel_loop3A_854] {strides = array<i32>} : memref<16x768xf32, #tpu.memory_space<vmem>>, vector<16xf32>,
        %parallel_loop3A_856 = arith.index_cast %parallel_loop3A_112 : i32 to index
        %parallel_loop3A_857 = arith.constant 128 : index
        %parallel_loop3A_858 = tpu.vector_load %arg9[%parallel_loop3A_856, %parallel_loop3A_857] {strides = array<i32>} : memref<16x768xf32, #tpu.memory_space<vmem>>, vector<16xf32>,
        %parallel_loop3A_859 = arith.index_cast %parallel_loop3A_112 : i32 to index
        %parallel_loop3A_860 = arith.constant 144 : index
        %parallel_loop3A_861 = tpu.vector_load %arg9[%parallel_loop3A_859, %parallel_loop3A_860] {strides = array<i32>} : memref<16x768xf32, #tpu.memory_space<vmem>>, vector<16xf32>,
        %parallel_loop3A_862 = arith.index_cast %parallel_loop3A_112 : i32 to index
        %parallel_loop3A_863 = arith.constant 160 : index
        %parallel_loop3A_864 = tpu.vector_load %arg9[%parallel_loop3A_862, %parallel_loop3A_863] {strides = array<i32>} : memref<16x768xf32, #tpu.memory_space<vmem>>, vector<16xf32>,
        %parallel_loop3A_865 = arith.index_cast %parallel_loop3A_112 : i32 to index
        %parallel_loop3A_866 = arith.constant 176 : index
        %parallel_loop3A_867 = tpu.vector_load %arg9[%parallel_loop3A_865, %parallel_loop3A_866] {strides = array<i32>} : memref<16x768xf32, #tpu.memory_space<vmem>>, vector<16xf32>,
        %parallel_loop3A_868 = vector.broadcast %parallel_loop3A_746 : f32 to vector<16xf32>
        %parallel_loop3A_869 = arith.subf %parallel_loop3A_834, %parallel_loop3A_868 : vector<16xf32>
        %parallel_loop3A_870 = arith.mulf %parallel_loop3A_869, %parallel_loop3A_783 : vector<16xf32>
        %parallel_loop3A_871 = arith.mulf %parallel_loop3A_870, %parallel_loop3A_785 : vector<16xf32>
        %parallel_loop3A_872 = arith.addf %parallel_loop3A_871, %parallel_loop3A_809 : vector<16xf32>
        %parallel_loop3A_873 = vector.broadcast %parallel_loop3A_746 : f32 to vector<16xf32>
        %parallel_loop3A_874 = arith.subf %parallel_loop3A_837, %parallel_loop3A_873 : vector<16xf32>
        %parallel_loop3A_875 = arith.mulf %parallel_loop3A_874, %parallel_loop3A_783 : vector<16xf32>
        %parallel_loop3A_876 = arith.mulf %parallel_loop3A_875, %parallel_loop3A_787 : vector<16xf32>
        %parallel_loop3A_877 = arith.addf %parallel_loop3A_876, %parallel_loop3A_811 : vector<16xf32>
        %parallel_loop3A_878 = vector.broadcast %parallel_loop3A_746 : f32 to vector<16xf32>
        %parallel_loop3A_879 = arith.subf %parallel_loop3A_840, %parallel_loop3A_878 : vector<16xf32>
        %parallel_loop3A_880 = arith.mulf %parallel_loop3A_879, %parallel_loop3A_783 : vector<16xf32>
        %parallel_loop3A_881 = arith.mulf %parallel_loop3A_880, %parallel_loop3A_789 : vector<16xf32>
        %parallel_loop3A_882 = arith.addf %parallel_loop3A_881, %parallel_loop3A_813 : vector<16xf32>
        %parallel_loop3A_883 = vector.broadcast %parallel_loop3A_746 : f32 to vector<16xf32>
        %parallel_loop3A_884 = arith.subf %parallel_loop3A_843, %parallel_loop3A_883 : vector<16xf32>
        %parallel_loop3A_885 = arith.mulf %parallel_loop3A_884, %parallel_loop3A_783 : vector<16xf32>
        %parallel_loop3A_886 = arith.mulf %parallel_loop3A_885, %parallel_loop3A_791 : vector<16xf32>
        %parallel_loop3A_887 = arith.addf %parallel_loop3A_886, %parallel_loop3A_815 : vector<16xf32>
        %parallel_loop3A_888 = vector.broadcast %parallel_loop3A_746 : f32 to vector<16xf32>
        %parallel_loop3A_889 = arith.subf %parallel_loop3A_846, %parallel_loop3A_888 : vector<16xf32>
        %parallel_loop3A_890 = arith.mulf %parallel_loop3A_889, %parallel_loop3A_783 : vector<16xf32>
        %parallel_loop3A_891 = arith.mulf %parallel_loop3A_890, %parallel_loop3A_793 : vector<16xf32>
        %parallel_loop3A_892 = arith.addf %parallel_loop3A_891, %parallel_loop3A_817 : vector<16xf32>
        %parallel_loop3A_893 = vector.broadcast %parallel_loop3A_746 : f32 to vector<16xf32>
        %parallel_loop3A_894 = arith.subf %parallel_loop3A_849, %parallel_loop3A_893 : vector<16xf32>
        %parallel_loop3A_895 = arith.mulf %parallel_loop3A_894, %parallel_loop3A_783 : vector<16xf32>
        %parallel_loop3A_896 = arith.mulf %parallel_loop3A_895, %parallel_loop3A_795 : vector<16xf32>
        %parallel_loop3A_897 = arith.addf %parallel_loop3A_896, %parallel_loop3A_819 : vector<16xf32>
        %parallel_loop3A_898 = vector.broadcast %parallel_loop3A_746 : f32 to vector<16xf32>
        %parallel_loop3A_899 = arith.subf %parallel_loop3A_852, %parallel_loop3A_898 : vector<16xf32>
        %parallel_loop3A_900 = arith.mulf %parallel_loop3A_899, %parallel_loop3A_783 : vector<16xf32>
        %parallel_loop3A_901 = arith.mulf %parallel_loop3A_900, %parallel_loop3A_797 : vector<16xf32>
        %parallel_loop3A_902 = arith.addf %parallel_loop3A_901, %parallel_loop3A_821 : vector<16xf32>
        %parallel_loop3A_903 = vector.broadcast %parallel_loop3A_746 : f32 to vector<16xf32>
        %parallel_loop3A_904 = arith.subf %parallel_loop3A_855, %parallel_loop3A_903 : vector<16xf32>
        %parallel_loop3A_905 = arith.mulf %parallel_loop3A_904, %parallel_loop3A_783 : vector<16xf32>
        %parallel_loop3A_906 = arith.mulf %parallel_loop3A_905, %parallel_loop3A_799 : vector<16xf32>
        %parallel_loop3A_907 = arith.addf %parallel_loop3A_906, %parallel_loop3A_823 : vector<16xf32>
        %parallel_loop3A_908 = vector.broadcast %parallel_loop3A_746 : f32 to vector<16xf32>
        %parallel_loop3A_909 = arith.subf %parallel_loop3A_858, %parallel_loop3A_908 : vector<16xf32>
        %parallel_loop3A_910 = arith.mulf %parallel_loop3A_909, %parallel_loop3A_783 : vector<16xf32>
        %parallel_loop3A_911 = arith.mulf %parallel_loop3A_910, %parallel_loop3A_801 : vector<16xf32>
        %parallel_loop3A_912 = arith.addf %parallel_loop3A_911, %parallel_loop3A_825 : vector<16xf32>
        %parallel_loop3A_913 = vector.broadcast %parallel_loop3A_746 : f32 to vector<16xf32>
        %parallel_loop3A_914 = arith.subf %parallel_loop3A_861, %parallel_loop3A_913 : vector<16xf32>
        %parallel_loop3A_915 = arith.mulf %parallel_loop3A_914, %parallel_loop3A_783 : vector<16xf32>
        %parallel_loop3A_916 = arith.mulf %parallel_loop3A_915, %parallel_loop3A_803 : vector<16xf32>
        %parallel_loop3A_917 = arith.addf %parallel_loop3A_916, %parallel_loop3A_827 : vector<16xf32>
        %parallel_loop3A_918 = vector.broadcast %parallel_loop3A_746 : f32 to vector<16xf32>
        %parallel_loop3A_919 = arith.subf %parallel_loop3A_864, %parallel_loop3A_918 : vector<16xf32>
        %parallel_loop3A_920 = arith.mulf %parallel_loop3A_919, %parallel_loop3A_783 : vector<16xf32>
        %parallel_loop3A_921 = arith.mulf %parallel_loop3A_920, %parallel_loop3A_805 : vector<16xf32>
        %parallel_loop3A_922 = arith.addf %parallel_loop3A_921, %parallel_loop3A_829 : vector<16xf32>
        %parallel_loop3A_923 = vector.broadcast %parallel_loop3A_746 : f32 to vector<16xf32>
        %parallel_loop3A_924 = arith.subf %parallel_loop3A_867, %parallel_loop3A_923 : vector<16xf32>
        %parallel_loop3A_925 = arith.mulf %parallel_loop3A_924, %parallel_loop3A_783 : vector<16xf32>
        %parallel_loop3A_926 = arith.mulf %parallel_loop3A_925, %parallel_loop3A_807 : vector<16xf32>
        %parallel_loop3A_927 = arith.addf %parallel_loop3A_926, %parallel_loop3A_831 : vector<16xf32>
        %parallel_loop3A_928 = arith.index_cast %parallel_loop3A_112 : i32 to index
        %parallel_loop3A_929 = arith.constant 0 : index
        %parallel_loop3A_930 = tpu.vector_load %arg13[%parallel_loop3A_928, %parallel_loop3A_929] {strides = array<i32>} : memref<16x768xf32, #tpu.memory_space<vmem>>, vector<16xf32>,
        tpu.vector_store %arg13[%parallel_loop3A_928, %parallel_loop3A_929], %parallel_loop3A_872 {strides = array<i32>} : memref<16x768xf32, #tpu.memory_space<vmem>>, vector<16xf32>,
        %parallel_loop3A_931 = arith.index_cast %parallel_loop3A_112 : i32 to index
        %parallel_loop3A_932 = arith.constant 16 : index
        %parallel_loop3A_933 = tpu.vector_load %arg13[%parallel_loop3A_931, %parallel_loop3A_932] {strides = array<i32>} : memref<16x768xf32, #tpu.memory_space<vmem>>, vector<16xf32>,
        tpu.vector_store %arg13[%parallel_loop3A_931, %parallel_loop3A_932], %parallel_loop3A_877 {strides = array<i32>} : memref<16x768xf32, #tpu.memory_space<vmem>>, vector<16xf32>,
        %parallel_loop3A_934 = arith.index_cast %parallel_loop3A_112 : i32 to index
        %parallel_loop3A_935 = arith.constant 32 : index
        %parallel_loop3A_936 = tpu.vector_load %arg13[%parallel_loop3A_934, %parallel_loop3A_935] {strides = array<i32>} : memref<16x768xf32, #tpu.memory_space<vmem>>, vector<16xf32>,
        tpu.vector_store %arg13[%parallel_loop3A_934, %parallel_loop3A_935], %parallel_loop3A_882 {strides = array<i32>} : memref<16x768xf32, #tpu.memory_space<vmem>>, vector<16xf32>,
        %parallel_loop3A_937 = arith.index_cast %parallel_loop3A_112 : i32 to index
        %parallel_loop3A_938 = arith.constant 48 : index
        %parallel_loop3A_939 = tpu.vector_load %arg13[%parallel_loop3A_937, %parallel_loop3A_938] {strides = array<i32>} : memref<16x768xf32, #tpu.memory_space<vmem>>, vector<16xf32>,
        tpu.vector_store %arg13[%parallel_loop3A_937, %parallel_loop3A_938], %parallel_loop3A_887 {strides = array<i32>} : memref<16x768xf32, #tpu.memory_space<vmem>>, vector<16xf32>,
        %parallel_loop3A_940 = arith.index_cast %parallel_loop3A_112 : i32 to index
        %parallel_loop3A_941 = arith.constant 64 : index
        %parallel_loop3A_942 = tpu.vector_load %arg13[%parallel_loop3A_940, %parallel_loop3A_941] {strides = array<i32>} : memref<16x768xf32, #tpu.memory_space<vmem>>, vector<16xf32>,
        tpu.vector_store %arg13[%parallel_loop3A_940, %parallel_loop3A_941], %parallel_loop3A_892 {strides = array<i32>} : memref<16x768xf32, #tpu.memory_space<vmem>>, vector<16xf32>,
        %parallel_loop3A_943 = arith.index_cast %parallel_loop3A_112 : i32 to index
        %parallel_loop3A_944 = arith.constant 80 : index
        %parallel_loop3A_945 = tpu.vector_load %arg13[%parallel_loop3A_943, %parallel_loop3A_944] {strides = array<i32>} : memref<16x768xf32, #tpu.memory_space<vmem>>, vector<16xf32>,
        tpu.vector_store %arg13[%parallel_loop3A_943, %parallel_loop3A_944], %parallel_loop3A_897 {strides = array<i32>} : memref<16x768xf32, #tpu.memory_space<vmem>>, vector<16xf32>,
        %parallel_loop3A_946 = arith.index_cast %parallel_loop3A_112 : i32 to index
        %parallel_loop3A_947 = arith.constant 96 : index
        %parallel_loop3A_948 = tpu.vector_load %arg13[%parallel_loop3A_946, %parallel_loop3A_947] {strides = array<i32>} : memref<16x768xf32, #tpu.memory_space<vmem>>, vector<16xf32>,
        tpu.vector_store %arg13[%parallel_loop3A_946, %parallel_loop3A_947], %parallel_loop3A_902 {strides = array<i32>} : memref<16x768xf32, #tpu.memory_space<vmem>>, vector<16xf32>,
        %parallel_loop3A_949 = arith.index_cast %parallel_loop3A_112 : i32 to index
        %parallel_loop3A_950 = arith.constant 112 : index
        %parallel_loop3A_951 = tpu.vector_load %arg13[%parallel_loop3A_949, %parallel_loop3A_950] {strides = array<i32>} : memref<16x768xf32, #tpu.memory_space<vmem>>, vector<16xf32>,
        tpu.vector_store %arg13[%parallel_loop3A_949, %parallel_loop3A_950], %parallel_loop3A_907 {strides = array<i32>} : memref<16x768xf32, #tpu.memory_space<vmem>>, vector<16xf32>,
        %parallel_loop3A_952 = arith.index_cast %parallel_loop3A_112 : i32 to index
        %parallel_loop3A_953 = arith.constant 128 : index
        %parallel_loop3A_954 = tpu.vector_load %arg13[%parallel_loop3A_952, %parallel_loop3A_953] {strides = array<i32>} : memref<16x768xf32, #tpu.memory_space<vmem>>, vector<16xf32>,
        tpu.vector_store %arg13[%parallel_loop3A_952, %parallel_loop3A_953], %parallel_loop3A_912 {strides = array<i32>} : memref<16x768xf32, #tpu.memory_space<vmem>>, vector<16xf32>,
        %parallel_loop3A_955 = arith.index_cast %parallel_loop3A_112 : i32 to index
        %parallel_loop3A_956 = arith.constant 144 : index
        %parallel_loop3A_957 = tpu.vector_load %arg13[%parallel_loop3A_955, %parallel_loop3A_956] {strides = array<i32>} : memref<16x768xf32, #tpu.memory_space<vmem>>, vector<16xf32>,
        tpu.vector_store %arg13[%parallel_loop3A_955, %parallel_loop3A_956], %parallel_loop3A_917 {strides = array<i32>} : memref<16x768xf32, #tpu.memory_space<vmem>>, vector<16xf32>,
        %parallel_loop3A_958 = arith.index_cast %parallel_loop3A_112 : i32 to index
        %parallel_loop3A_959 = arith.constant 160 : index
        %parallel_loop3A_960 = tpu.vector_load %arg13[%parallel_loop3A_958, %parallel_loop3A_959] {strides = array<i32>} : memref<16x768xf32, #tpu.memory_space<vmem>>, vector<16xf32>,
        tpu.vector_store %arg13[%parallel_loop3A_958, %parallel_loop3A_959], %parallel_loop3A_922 {strides = array<i32>} : memref<16x768xf32, #tpu.memory_space<vmem>>, vector<16xf32>,
        %parallel_loop3A_961 = arith.index_cast %parallel_loop3A_112 : i32 to index
        %parallel_loop3A_962 = arith.constant 176 : index
        %parallel_loop3A_963 = tpu.vector_load %arg13[%parallel_loop3A_961, %parallel_loop3A_962] {strides = array<i32>} : memref<16x768xf32, #tpu.memory_space<vmem>>, vector<16xf32>,
        tpu.vector_store %arg13[%parallel_loop3A_961, %parallel_loop3A_962], %parallel_loop3A_927 {strides = array<i32>} : memref<16x768xf32, #tpu.memory_space<vmem>>, vector<16xf32>,
        %parallel_loop3A_964 = arith.constant 192 : index
        %parallel_loop3A_965 = tpu.vector_load %arg15[%parallel_loop3A_964] {strides = array<i32>} : memref<768xf32, #tpu.memory_space<vmem>>, vector<16xf32>,
        %parallel_loop3A_966 = arith.constant 208 : index
        %parallel_loop3A_967 = tpu.vector_load %arg15[%parallel_loop3A_966] {strides = array<i32>} : memref<768xf32, #tpu.memory_space<vmem>>, vector<16xf32>,
        %parallel_loop3A_968 = arith.constant 224 : index
        %parallel_loop3A_969 = tpu.vector_load %arg15[%parallel_loop3A_968] {strides = array<i32>} : memref<768xf32, #tpu.memory_space<vmem>>, vector<16xf32>,
        %parallel_loop3A_970 = arith.constant 240 : index
        %parallel_loop3A_971 = tpu.vector_load %arg15[%parallel_loop3A_970] {strides = array<i32>} : memref<768xf32, #tpu.memory_space<vmem>>, vector<16xf32>,
        %parallel_loop3A_972 = arith.constant 256 : index
        %parallel_loop3A_973 = tpu.vector_load %arg15[%parallel_loop3A_972] {strides = array<i32>} : memref<768xf32, #tpu.memory_space<vmem>>, vector<16xf32>,
        %parallel_loop3A_974 = arith.constant 272 : index
        %parallel_loop3A_975 = tpu.vector_load %arg15[%parallel_loop3A_974] {strides = array<i32>} : memref<768xf32, #tpu.memory_space<vmem>>, vector<16xf32>,
        %parallel_loop3A_976 = arith.constant 288 : index
        %parallel_loop3A_977 = tpu.vector_load %arg15[%parallel_loop3A_976] {strides = array<i32>} : memref<768xf32, #tpu.memory_space<vmem>>, vector<16xf32>,
        %parallel_loop3A_978 = arith.constant 304 : index
        %parallel_loop3A_979 = tpu.vector_load %arg15[%parallel_loop3A_978] {strides = array<i32>} : memref<768xf32, #tpu.memory_space<vmem>>, vector<16xf32>,
        %parallel_loop3A_980 = arith.constant 320 : index
        %parallel_loop3A_981 = tpu.vector_load %arg15[%parallel_loop3A_980] {strides = array<i32>} : memref<768xf32, #tpu.memory_space<vmem>>, vector<16xf32>,
        %parallel_loop3A_982 = arith.constant 336 : index
        %parallel_loop3A_983 = tpu.vector_load %arg15[%parallel_loop3A_982] {strides = array<i32>} : memref<768xf32, #tpu.memory_space<vmem>>, vector<16xf32>,
        %parallel_loop3A_984 = arith.constant 352 : index
        %parallel_loop3A_985 = tpu.vector_load %arg15[%parallel_loop3A_984] {strides = array<i32>} : memref<768xf32, #tpu.memory_space<vmem>>, vector<16xf32>,
        %parallel_loop3A_986 = arith.constant 368 : index
        %parallel_loop3A_987 = tpu.vector_load %arg15[%parallel_loop3A_986] {strides = array<i32>} : memref<768xf32, #tpu.memory_space<vmem>>, vector<16xf32>,
        %parallel_loop3A_988 = arith.constant 192 : index
        %parallel_loop3A_989 = tpu.vector_load %arg16[%parallel_loop3A_988] {strides = array<i32>} : memref<768xf32, #tpu.memory_space<vmem>>, vector<16xf32>,
        %parallel_loop3A_990 = arith.constant 208 : index
        %parallel_loop3A_991 = tpu.vector_load %arg16[%parallel_loop3A_990] {strides = array<i32>} : memref<768xf32, #tpu.memory_space<vmem>>, vector<16xf32>,
        %parallel_loop3A_992 = arith.constant 224 : index
        %parallel_loop3A_993 = tpu.vector_load %arg16[%parallel_loop3A_992] {strides = array<i32>} : memref<768xf32, #tpu.memory_space<vmem>>, vector<16xf32>,
        %parallel_loop3A_994 = arith.constant 240 : index
        %parallel_loop3A_995 = tpu.vector_load %arg16[%parallel_loop3A_994] {strides = array<i32>} : memref<768xf32, #tpu.memory_space<vmem>>, vector<16xf32>,
        %parallel_loop3A_996 = arith.constant 256 : index
        %parallel_loop3A_997 = tpu.vector_load %arg16[%parallel_loop3A_996] {strides = array<i32>} : memref<768xf32, #tpu.memory_space<vmem>>, vector<16xf32>,
        %parallel_loop3A_998 = arith.constant 272 : index
        %parallel_loop3A_999 = tpu.vector_load %arg16[%parallel_loop3A_998] {strides = array<i32>} : memref<768xf32, #tpu.memory_space<vmem>>, vector<16xf32>,
        %parallel_loop3A_1000 = arith.constant 288 : index
        %parallel_loop3A_1001 = tpu.vector_load %arg16[%parallel_loop3A_1000] {strides = array<i32>} : memref<768xf32, #tpu.memory_space<vmem>>, vector<16xf32>,
        %parallel_loop3A_1002 = arith.constant 304 : index
        %parallel_loop3A_1003 = tpu.vector_load %arg16[%parallel_loop3A_1002] {strides = array<i32>} : memref<768xf32, #tpu.memory_space<vmem>>, vector<16xf32>,
        %parallel_loop3A_1004 = arith.constant 320 : index
        %parallel_loop3A_1005 = tpu.vector_load %arg16[%parallel_loop3A_1004] {strides = array<i32>} : memref<768xf32, #tpu.memory_space<vmem>>, vector<16xf32>,
        %parallel_loop3A_1006 = arith.constant 336 : index
        %parallel_loop3A_1007 = tpu.vector_load %arg16[%parallel_loop3A_1006] {strides = array<i32>} : memref<768xf32, #tpu.memory_space<vmem>>, vector<16xf32>,
        %parallel_loop3A_1008 = arith.constant 352 : index
        %parallel_loop3A_1009 = tpu.vector_load %arg16[%parallel_loop3A_1008] {strides = array<i32>} : memref<768xf32, #tpu.memory_space<vmem>>, vector<16xf32>,
        %parallel_loop3A_1010 = arith.constant 368 : index
        %parallel_loop3A_1011 = tpu.vector_load %arg16[%parallel_loop3A_1010] {strides = array<i32>} : memref<768xf32, #tpu.memory_space<vmem>>, vector<16xf32>,
        %parallel_loop3A_1012 = arith.index_cast %parallel_loop3A_112 : i32 to index
        %parallel_loop3A_1013 = arith.constant 192 : index
        %parallel_loop3A_1014 = tpu.vector_load %arg9[%parallel_loop3A_1012, %parallel_loop3A_1013] {strides = array<i32>} : memref<16x768xf32, #tpu.memory_space<vmem>>, vector<16xf32>,
        %parallel_loop3A_1015 = arith.index_cast %parallel_loop3A_112 : i32 to index
        %parallel_loop3A_1016 = arith.constant 208 : index
        %parallel_loop3A_1017 = tpu.vector_load %arg9[%parallel_loop3A_1015, %parallel_loop3A_1016] {strides = array<i32>} : memref<16x768xf32, #tpu.memory_space<vmem>>, vector<16xf32>,
        %parallel_loop3A_1018 = arith.index_cast %parallel_loop3A_112 : i32 to index
        %parallel_loop3A_1019 = arith.constant 224 : index
        %parallel_loop3A_1020 = tpu.vector_load %arg9[%parallel_loop3A_1018, %parallel_loop3A_1019] {strides = array<i32>} : memref<16x768xf32, #tpu.memory_space<vmem>>, vector<16xf32>,
        %parallel_loop3A_1021 = arith.index_cast %parallel_loop3A_112 : i32 to index
        %parallel_loop3A_1022 = arith.constant 240 : index
        %parallel_loop3A_1023 = tpu.vector_load %arg9[%parallel_loop3A_1021, %parallel_loop3A_1022] {strides = array<i32>} : memref<16x768xf32, #tpu.memory_space<vmem>>, vector<16xf32>,
        %parallel_loop3A_1024 = arith.index_cast %parallel_loop3A_112 : i32 to index
        %parallel_loop3A_1025 = arith.constant 256 : index
        %parallel_loop3A_1026 = tpu.vector_load %arg9[%parallel_loop3A_1024, %parallel_loop3A_1025] {strides = array<i32>} : memref<16x768xf32, #tpu.memory_space<vmem>>, vector<16xf32>,
        %parallel_loop3A_1027 = arith.index_cast %parallel_loop3A_112 : i32 to index
        %parallel_loop3A_1028 = arith.constant 272 : index
        %parallel_loop3A_1029 = tpu.vector_load %arg9[%parallel_loop3A_1027, %parallel_loop3A_1028] {strides = array<i32>} : memref<16x768xf32, #tpu.memory_space<vmem>>, vector<16xf32>,
        %parallel_loop3A_1030 = arith.index_cast %parallel_loop3A_112 : i32 to index
        %parallel_loop3A_1031 = arith.constant 288 : index
        %parallel_loop3A_1032 = tpu.vector_load %arg9[%parallel_loop3A_1030, %parallel_loop3A_1031] {strides = array<i32>} : memref<16x768xf32, #tpu.memory_space<vmem>>, vector<16xf32>,
        %parallel_loop3A_1033 = arith.index_cast %parallel_loop3A_112 : i32 to index
        %parallel_loop3A_1034 = arith.constant 304 : index
        %parallel_loop3A_1035 = tpu.vector_load %arg9[%parallel_loop3A_1033, %parallel_loop3A_1034] {strides = array<i32>} : memref<16x768xf32, #tpu.memory_space<vmem>>, vector<16xf32>,
        %parallel_loop3A_1036 = arith.index_cast %parallel_loop3A_112 : i32 to index
        %parallel_loop3A_1037 = arith.constant 320 : index
        %parallel_loop3A_1038 = tpu.vector_load %arg9[%parallel_loop3A_1036, %parallel_loop3A_1037] {strides = array<i32>} : memref<16x768xf32, #tpu.memory_space<vmem>>, vector<16xf32>,
        %parallel_loop3A_1039 = arith.index_cast %parallel_loop3A_112 : i32 to index
        %parallel_loop3A_1040 = arith.constant 336 : index
        %parallel_loop3A_1041 = tpu.vector_load %arg9[%parallel_loop3A_1039, %parallel_loop3A_1040] {strides = array<i32>} : memref<16x768xf32, #tpu.memory_space<vmem>>, vector<16xf32>,
        %parallel_loop3A_1042 = arith.index_cast %parallel_loop3A_112 : i32 to index
        %parallel_loop3A_1043 = arith.constant 352 : index
        %parallel_loop3A_1044 = tpu.vector_load %arg9[%parallel_loop3A_1042, %parallel_loop3A_1043] {strides = array<i32>} : memref<16x768xf32, #tpu.memory_space<vmem>>, vector<16xf32>,
        %parallel_loop3A_1045 = arith.index_cast %parallel_loop3A_112 : i32 to index
        %parallel_loop3A_1046 = arith.constant 368 : index
        %parallel_loop3A_1047 = tpu.vector_load %arg9[%parallel_loop3A_1045, %parallel_loop3A_1046] {strides = array<i32>} : memref<16x768xf32, #tpu.memory_space<vmem>>, vector<16xf32>,
        %parallel_loop3A_1048 = vector.broadcast %parallel_loop3A_746 : f32 to vector<16xf32>
        %parallel_loop3A_1049 = arith.subf %parallel_loop3A_1014, %parallel_loop3A_1048 : vector<16xf32>
        %parallel_loop3A_1050 = arith.mulf %parallel_loop3A_1049, %parallel_loop3A_783 : vector<16xf32>
        %parallel_loop3A_1051 = arith.mulf %parallel_loop3A_1050, %parallel_loop3A_965 : vector<16xf32>
        %parallel_loop3A_1052 = arith.addf %parallel_loop3A_1051, %parallel_loop3A_989 : vector<16xf32>
        %parallel_loop3A_1053 = vector.broadcast %parallel_loop3A_746 : f32 to vector<16xf32>
        %parallel_loop3A_1054 = arith.subf %parallel_loop3A_1017, %parallel_loop3A_1053 : vector<16xf32>
        %parallel_loop3A_1055 = arith.mulf %parallel_loop3A_1054, %parallel_loop3A_783 : vector<16xf32>
        %parallel_loop3A_1056 = arith.mulf %parallel_loop3A_1055, %parallel_loop3A_967 : vector<16xf32>
        %parallel_loop3A_1057 = arith.addf %parallel_loop3A_1056, %parallel_loop3A_991 : vector<16xf32>
        %parallel_loop3A_1058 = vector.broadcast %parallel_loop3A_746 : f32 to vector<16xf32>
        %parallel_loop3A_1059 = arith.subf %parallel_loop3A_1020, %parallel_loop3A_1058 : vector<16xf32>
        %parallel_loop3A_1060 = arith.mulf %parallel_loop3A_1059, %parallel_loop3A_783 : vector<16xf32>
        %parallel_loop3A_1061 = arith.mulf %parallel_loop3A_1060, %parallel_loop3A_969 : vector<16xf32>
        %parallel_loop3A_1062 = arith.addf %parallel_loop3A_1061, %parallel_loop3A_993 : vector<16xf32>
        %parallel_loop3A_1063 = vector.broadcast %parallel_loop3A_746 : f32 to vector<16xf32>
        %parallel_loop3A_1064 = arith.subf %parallel_loop3A_1023, %parallel_loop3A_1063 : vector<16xf32>
        %parallel_loop3A_1065 = arith.mulf %parallel_loop3A_1064, %parallel_loop3A_783 : vector<16xf32>
        %parallel_loop3A_1066 = arith.mulf %parallel_loop3A_1065, %parallel_loop3A_971 : vector<16xf32>
        %parallel_loop3A_1067 = arith.addf %parallel_loop3A_1066, %parallel_loop3A_995 : vector<16xf32>
        %parallel_loop3A_1068 = vector.broadcast %parallel_loop3A_746 : f32 to vector<16xf32>
        %parallel_loop3A_1069 = arith.subf %parallel_loop3A_1026, %parallel_loop3A_1068 : vector<16xf32>
        %parallel_loop3A_1070 = arith.mulf %parallel_loop3A_1069, %parallel_loop3A_783 : vector<16xf32>
        %parallel_loop3A_1071 = arith.mulf %parallel_loop3A_1070, %parallel_loop3A_973 : vector<16xf32>
        %parallel_loop3A_1072 = arith.addf %parallel_loop3A_1071, %parallel_loop3A_997 : vector<16xf32>
        %parallel_loop3A_1073 = vector.broadcast %parallel_loop3A_746 : f32 to vector<16xf32>
        %parallel_loop3A_1074 = arith.subf %parallel_loop3A_1029, %parallel_loop3A_1073 : vector<16xf32>
        %parallel_loop3A_1075 = arith.mulf %parallel_loop3A_1074, %parallel_loop3A_783 : vector<16xf32>
        %parallel_loop3A_1076 = arith.mulf %parallel_loop3A_1075, %parallel_loop3A_975 : vector<16xf32>
        %parallel_loop3A_1077 = arith.addf %parallel_loop3A_1076, %parallel_loop3A_999 : vector<16xf32>
        %parallel_loop3A_1078 = vector.broadcast %parallel_loop3A_746 : f32 to vector<16xf32>
        %parallel_loop3A_1079 = arith.subf %parallel_loop3A_1032, %parallel_loop3A_1078 : vector<16xf32>
        %parallel_loop3A_1080 = arith.mulf %parallel_loop3A_1079, %parallel_loop3A_783 : vector<16xf32>
        %parallel_loop3A_1081 = arith.mulf %parallel_loop3A_1080, %parallel_loop3A_977 : vector<16xf32>
        %parallel_loop3A_1082 = arith.addf %parallel_loop3A_1081, %parallel_loop3A_1001 : vector<16xf32>
        %parallel_loop3A_1083 = vector.broadcast %parallel_loop3A_746 : f32 to vector<16xf32>
        %parallel_loop3A_1084 = arith.subf %parallel_loop3A_1035, %parallel_loop3A_1083 : vector<16xf32>
        %parallel_loop3A_1085 = arith.mulf %parallel_loop3A_1084, %parallel_loop3A_783 : vector<16xf32>
        %parallel_loop3A_1086 = arith.mulf %parallel_loop3A_1085, %parallel_loop3A_979 : vector<16xf32>
        %parallel_loop3A_1087 = arith.addf %parallel_loop3A_1086, %parallel_loop3A_1003 : vector<16xf32>
        %parallel_loop3A_1088 = vector.broadcast %parallel_loop3A_746 : f32 to vector<16xf32>
        %parallel_loop3A_1089 = arith.subf %parallel_loop3A_1038, %parallel_loop3A_1088 : vector<16xf32>
        %parallel_loop3A_1090 = arith.mulf %parallel_loop3A_1089, %parallel_loop3A_783 : vector<16xf32>
        %parallel_loop3A_1091 = arith.mulf %parallel_loop3A_1090, %parallel_loop3A_981 : vector<16xf32>
        %parallel_loop3A_1092 = arith.addf %parallel_loop3A_1091, %parallel_loop3A_1005 : vector<16xf32>
        %parallel_loop3A_1093 = vector.broadcast %parallel_loop3A_746 : f32 to vector<16xf32>
        %parallel_loop3A_1094 = arith.subf %parallel_loop3A_1041, %parallel_loop3A_1093 : vector<16xf32>
        %parallel_loop3A_1095 = arith.mulf %parallel_loop3A_1094, %parallel_loop3A_783 : vector<16xf32>
        %parallel_loop3A_1096 = arith.mulf %parallel_loop3A_1095, %parallel_loop3A_983 : vector<16xf32>
        %parallel_loop3A_1097 = arith.addf %parallel_loop3A_1096, %parallel_loop3A_1007 : vector<16xf32>
        %parallel_loop3A_1098 = vector.broadcast %parallel_loop3A_746 : f32 to vector<16xf32>
        %parallel_loop3A_1099 = arith.subf %parallel_loop3A_1044, %parallel_loop3A_1098 : vector<16xf32>
        %parallel_loop3A_1100 = arith.mulf %parallel_loop3A_1099, %parallel_loop3A_783 : vector<16xf32>
        %parallel_loop3A_1101 = arith.mulf %parallel_loop3A_1100, %parallel_loop3A_985 : vector<16xf32>
        %parallel_loop3A_1102 = arith.addf %parallel_loop3A_1101, %parallel_loop3A_1009 : vector<16xf32>
        %parallel_loop3A_1103 = vector.broadcast %parallel_loop3A_746 : f32 to vector<16xf32>
        %parallel_loop3A_1104 = arith.subf %parallel_loop3A_1047, %parallel_loop3A_1103 : vector<16xf32>
        %parallel_loop3A_1105 = arith.mulf %parallel_loop3A_1104, %parallel_loop3A_783 : vector<16xf32>
        %parallel_loop3A_1106 = arith.mulf %parallel_loop3A_1105, %parallel_loop3A_987 : vector<16xf32>
        %parallel_loop3A_1107 = arith.addf %parallel_loop3A_1106, %parallel_loop3A_1011 : vector<16xf32>
        %parallel_loop3A_1108 = arith.index_cast %parallel_loop3A_112 : i32 to index
        %parallel_loop3A_1109 = arith.constant 192 : index
        %parallel_loop3A_1110 = tpu.vector_load %arg13[%parallel_loop3A_1108, %parallel_loop3A_1109] {strides = array<i32>} : memref<16x768xf32, #tpu.memory_space<vmem>>, vector<16xf32>,
        tpu.vector_store %arg13[%parallel_loop3A_1108, %parallel_loop3A_1109], %parallel_loop3A_1052 {strides = array<i32>} : memref<16x768xf32, #tpu.memory_space<vmem>>, vector<16xf32>,
        %parallel_loop3A_1111 = arith.index_cast %parallel_loop3A_112 : i32 to index
        %parallel_loop3A_1112 = arith.constant 208 : index
        %parallel_loop3A_1113 = tpu.vector_load %arg13[%parallel_loop3A_1111, %parallel_loop3A_1112] {strides = array<i32>} : memref<16x768xf32, #tpu.memory_space<vmem>>, vector<16xf32>,
        tpu.vector_store %arg13[%parallel_loop3A_1111, %parallel_loop3A_1112], %parallel_loop3A_1057 {strides = array<i32>} : memref<16x768xf32, #tpu.memory_space<vmem>>, vector<16xf32>,
        %parallel_loop3A_1114 = arith.index_cast %parallel_loop3A_112 : i32 to index
        %parallel_loop3A_1115 = arith.constant 224 : index
        %parallel_loop3A_1116 = tpu.vector_load %arg13[%parallel_loop3A_1114, %parallel_loop3A_1115] {strides = array<i32>} : memref<16x768xf32, #tpu.memory_space<vmem>>, vector<16xf32>,
        tpu.vector_store %arg13[%parallel_loop3A_1114, %parallel_loop3A_1115], %parallel_loop3A_1062 {strides = array<i32>} : memref<16x768xf32, #tpu.memory_space<vmem>>, vector<16xf32>,
        %parallel_loop3A_1117 = arith.index_cast %parallel_loop3A_112 : i32 to index
        %parallel_loop3A_1118 = arith.constant 240 : index
        %parallel_loop3A_1119 = tpu.vector_load %arg13[%parallel_loop3A_1117, %parallel_loop3A_1118] {strides = array<i32>} : memref<16x768xf32, #tpu.memory_space<vmem>>, vector<16xf32>,
        tpu.vector_store %arg13[%parallel_loop3A_1117, %parallel_loop3A_1118], %parallel_loop3A_1067 {strides = array<i32>} : memref<16x768xf32, #tpu.memory_space<vmem>>, vector<16xf32>,
        %parallel_loop3A_1120 = arith.index_cast %parallel_loop3A_112 : i32 to index
        %parallel_loop3A_1121 = arith.constant 256 : index
        %parallel_loop3A_1122 = tpu.vector_load %arg13[%parallel_loop3A_1120, %parallel_loop3A_1121] {strides = array<i32>} : memref<16x768xf32, #tpu.memory_space<vmem>>, vector<16xf32>,
        tpu.vector_store %arg13[%parallel_loop3A_1120, %parallel_loop3A_1121], %parallel_loop3A_1072 {strides = array<i32>} : memref<16x768xf32, #tpu.memory_space<vmem>>, vector<16xf32>,
        %parallel_loop3A_1123 = arith.index_cast %parallel_loop3A_112 : i32 to index
        %parallel_loop3A_1124 = arith.constant 272 : index
        %parallel_loop3A_1125 = tpu.vector_load %arg13[%parallel_loop3A_1123, %parallel_loop3A_1124] {strides = array<i32>} : memref<16x768xf32, #tpu.memory_space<vmem>>, vector<16xf32>,
        tpu.vector_store %arg13[%parallel_loop3A_1123, %parallel_loop3A_1124], %parallel_loop3A_1077 {strides = array<i32>} : memref<16x768xf32, #tpu.memory_space<vmem>>, vector<16xf32>,
        %parallel_loop3A_1126 = arith.index_cast %parallel_loop3A_112 : i32 to index
        %parallel_loop3A_1127 = arith.constant 288 : index
        %parallel_loop3A_1128 = tpu.vector_load %arg13[%parallel_loop3A_1126, %parallel_loop3A_1127] {strides = array<i32>} : memref<16x768xf32, #tpu.memory_space<vmem>>, vector<16xf32>,
        tpu.vector_store %arg13[%parallel_loop3A_1126, %parallel_loop3A_1127], %parallel_loop3A_1082 {strides = array<i32>} : memref<16x768xf32, #tpu.memory_space<vmem>>, vector<16xf32>,
        %parallel_loop3A_1129 = arith.index_cast %parallel_loop3A_112 : i32 to index
        %parallel_loop3A_1130 = arith.constant 304 : index
        %parallel_loop3A_1131 = tpu.vector_load %arg13[%parallel_loop3A_1129, %parallel_loop3A_1130] {strides = array<i32>} : memref<16x768xf32, #tpu.memory_space<vmem>>, vector<16xf32>,
        tpu.vector_store %arg13[%parallel_loop3A_1129, %parallel_loop3A_1130], %parallel_loop3A_1087 {strides = array<i32>} : memref<16x768xf32, #tpu.memory_space<vmem>>, vector<16xf32>,
        %parallel_loop3A_1132 = arith.index_cast %parallel_loop3A_112 : i32 to index
        %parallel_loop3A_1133 = arith.constant 320 : index
        %parallel_loop3A_1134 = tpu.vector_load %arg13[%parallel_loop3A_1132, %parallel_loop3A_1133] {strides = array<i32>} : memref<16x768xf32, #tpu.memory_space<vmem>>, vector<16xf32>,
        tpu.vector_store %arg13[%parallel_loop3A_1132, %parallel_loop3A_1133], %parallel_loop3A_1092 {strides = array<i32>} : memref<16x768xf32, #tpu.memory_space<vmem>>, vector<16xf32>,
        %parallel_loop3A_1135 = arith.index_cast %parallel_loop3A_112 : i32 to index
        %parallel_loop3A_1136 = arith.constant 336 : index
        %parallel_loop3A_1137 = tpu.vector_load %arg13[%parallel_loop3A_1135, %parallel_loop3A_1136] {strides = array<i32>} : memref<16x768xf32, #tpu.memory_space<vmem>>, vector<16xf32>,
        tpu.vector_store %arg13[%parallel_loop3A_1135, %parallel_loop3A_1136], %parallel_loop3A_1097 {strides = array<i32>} : memref<16x768xf32, #tpu.memory_space<vmem>>, vector<16xf32>,
        %parallel_loop3A_1138 = arith.index_cast %parallel_loop3A_112 : i32 to index
        %parallel_loop3A_1139 = arith.constant 352 : index
        %parallel_loop3A_1140 = tpu.vector_load %arg13[%parallel_loop3A_1138, %parallel_loop3A_1139] {strides = array<i32>} : memref<16x768xf32, #tpu.memory_space<vmem>>, vector<16xf32>,
        tpu.vector_store %arg13[%parallel_loop3A_1138, %parallel_loop3A_1139], %parallel_loop3A_1102 {strides = array<i32>} : memref<16x768xf32, #tpu.memory_space<vmem>>, vector<16xf32>,
        %parallel_loop3A_1141 = arith.index_cast %parallel_loop3A_112 : i32 to index
        %parallel_loop3A_1142 = arith.constant 368 : index
        %parallel_loop3A_1143 = tpu.vector_load %arg13[%parallel_loop3A_1141, %parallel_loop3A_1142] {strides = array<i32>} : memref<16x768xf32, #tpu.memory_space<vmem>>, vector<16xf32>,
        tpu.vector_store %arg13[%parallel_loop3A_1141, %parallel_loop3A_1142], %parallel_loop3A_1107 {strides = array<i32>} : memref<16x768xf32, #tpu.memory_space<vmem>>, vector<16xf32>,
        %parallel_loop3A_1144 = arith.constant 384 : index
        %parallel_loop3A_1145 = tpu.vector_load %arg15[%parallel_loop3A_1144] {strides = array<i32>} : memref<768xf32, #tpu.memory_space<vmem>>, vector<16xf32>,
        %parallel_loop3A_1146 = arith.constant 400 : index
        %parallel_loop3A_1147 = tpu.vector_load %arg15[%parallel_loop3A_1146] {strides = array<i32>} : memref<768xf32, #tpu.memory_space<vmem>>, vector<16xf32>,
        %parallel_loop3A_1148 = arith.constant 416 : index
        %parallel_loop3A_1149 = tpu.vector_load %arg15[%parallel_loop3A_1148] {strides = array<i32>} : memref<768xf32, #tpu.memory_space<vmem>>, vector<16xf32>,
        %parallel_loop3A_1150 = arith.constant 432 : index
        %parallel_loop3A_1151 = tpu.vector_load %arg15[%parallel_loop3A_1150] {strides = array<i32>} : memref<768xf32, #tpu.memory_space<vmem>>, vector<16xf32>,
        %parallel_loop3A_1152 = arith.constant 448 : index
        %parallel_loop3A_1153 = tpu.vector_load %arg15[%parallel_loop3A_1152] {strides = array<i32>} : memref<768xf32, #tpu.memory_space<vmem>>, vector<16xf32>,
        %parallel_loop3A_1154 = arith.constant 464 : index
        %parallel_loop3A_1155 = tpu.vector_load %arg15[%parallel_loop3A_1154] {strides = array<i32>} : memref<768xf32, #tpu.memory_space<vmem>>, vector<16xf32>,
        %parallel_loop3A_1156 = arith.constant 480 : index
        %parallel_loop3A_1157 = tpu.vector_load %arg15[%parallel_loop3A_1156] {strides = array<i32>} : memref<768xf32, #tpu.memory_space<vmem>>, vector<16xf32>,
        %parallel_loop3A_1158 = arith.constant 496 : index
        %parallel_loop3A_1159 = tpu.vector_load %arg15[%parallel_loop3A_1158] {strides = array<i32>} : memref<768xf32, #tpu.memory_space<vmem>>, vector<16xf32>,
        %parallel_loop3A_1160 = arith.constant 512 : index
        %parallel_loop3A_1161 = tpu.vector_load %arg15[%parallel_loop3A_1160] {strides = array<i32>} : memref<768xf32, #tpu.memory_space<vmem>>, vector<16xf32>,
        %parallel_loop3A_1162 = arith.constant 528 : index
        %parallel_loop3A_1163 = tpu.vector_load %arg15[%parallel_loop3A_1162] {strides = array<i32>} : memref<768xf32, #tpu.memory_space<vmem>>, vector<16xf32>,
        %parallel_loop3A_1164 = arith.constant 544 : index
        %parallel_loop3A_1165 = tpu.vector_load %arg15[%parallel_loop3A_1164] {strides = array<i32>} : memref<768xf32, #tpu.memory_space<vmem>>, vector<16xf32>,
        %parallel_loop3A_1166 = arith.constant 560 : index
        %parallel_loop3A_1167 = tpu.vector_load %arg15[%parallel_loop3A_1166] {strides = array<i32>} : memref<768xf32, #tpu.memory_space<vmem>>, vector<16xf32>,
        %parallel_loop3A_1168 = arith.constant 384 : index
        %parallel_loop3A_1169 = tpu.vector_load %arg16[%parallel_loop3A_1168] {strides = array<i32>} : memref<768xf32, #tpu.memory_space<vmem>>, vector<16xf32>,
        %parallel_loop3A_1170 = arith.constant 400 : index
        %parallel_loop3A_1171 = tpu.vector_load %arg16[%parallel_loop3A_1170] {strides = array<i32>} : memref<768xf32, #tpu.memory_space<vmem>>, vector<16xf32>,
        %parallel_loop3A_1172 = arith.constant 416 : index
        %parallel_loop3A_1173 = tpu.vector_load %arg16[%parallel_loop3A_1172] {strides = array<i32>} : memref<768xf32, #tpu.memory_space<vmem>>, vector<16xf32>,
        %parallel_loop3A_1174 = arith.constant 432 : index
        %parallel_loop3A_1175 = tpu.vector_load %arg16[%parallel_loop3A_1174] {strides = array<i32>} : memref<768xf32, #tpu.memory_space<vmem>>, vector<16xf32>,
        %parallel_loop3A_1176 = arith.constant 448 : index
        %parallel_loop3A_1177 = tpu.vector_load %arg16[%parallel_loop3A_1176] {strides = array<i32>} : memref<768xf32, #tpu.memory_space<vmem>>, vector<16xf32>,
        %parallel_loop3A_1178 = arith.constant 464 : index
        %parallel_loop3A_1179 = tpu.vector_load %arg16[%parallel_loop3A_1178] {strides = array<i32>} : memref<768xf32, #tpu.memory_space<vmem>>, vector<16xf32>,
        %parallel_loop3A_1180 = arith.constant 480 : index
        %parallel_loop3A_1181 = tpu.vector_load %arg16[%parallel_loop3A_1180] {strides = array<i32>} : memref<768xf32, #tpu.memory_space<vmem>>, vector<16xf32>,
        %parallel_loop3A_1182 = arith.constant 496 : index
        %parallel_loop3A_1183 = tpu.vector_load %arg16[%parallel_loop3A_1182] {strides = array<i32>} : memref<768xf32, #tpu.memory_space<vmem>>, vector<16xf32>,
        %parallel_loop3A_1184 = arith.constant 512 : index
        %parallel_loop3A_1185 = tpu.vector_load %arg16[%parallel_loop3A_1184] {strides = array<i32>} : memref<768xf32, #tpu.memory_space<vmem>>, vector<16xf32>,
        %parallel_loop3A_1186 = arith.constant 528 : index
        %parallel_loop3A_1187 = tpu.vector_load %arg16[%parallel_loop3A_1186] {strides = array<i32>} : memref<768xf32, #tpu.memory_space<vmem>>, vector<16xf32>,
        %parallel_loop3A_1188 = arith.constant 544 : index
        %parallel_loop3A_1189 = tpu.vector_load %arg16[%parallel_loop3A_1188] {strides = array<i32>} : memref<768xf32, #tpu.memory_space<vmem>>, vector<16xf32>,
        %parallel_loop3A_1190 = arith.constant 560 : index
        %parallel_loop3A_1191 = tpu.vector_load %arg16[%parallel_loop3A_1190] {strides = array<i32>} : memref<768xf32, #tpu.memory_space<vmem>>, vector<16xf32>,
        %parallel_loop3A_1192 = arith.index_cast %parallel_loop3A_112 : i32 to index
        %parallel_loop3A_1193 = arith.constant 384 : index
        %parallel_loop3A_1194 = tpu.vector_load %arg9[%parallel_loop3A_1192, %parallel_loop3A_1193] {strides = array<i32>} : memref<16x768xf32, #tpu.memory_space<vmem>>, vector<16xf32>,
        %parallel_loop3A_1195 = arith.index_cast %parallel_loop3A_112 : i32 to index
        %parallel_loop3A_1196 = arith.constant 400 : index
        %parallel_loop3A_1197 = tpu.vector_load %arg9[%parallel_loop3A_1195, %parallel_loop3A_1196] {strides = array<i32>} : memref<16x768xf32, #tpu.memory_space<vmem>>, vector<16xf32>,
        %parallel_loop3A_1198 = arith.index_cast %parallel_loop3A_112 : i32 to index
        %parallel_loop3A_1199 = arith.constant 416 : index
        %parallel_loop3A_1200 = tpu.vector_load %arg9[%parallel_loop3A_1198, %parallel_loop3A_1199] {strides = array<i32>} : memref<16x768xf32, #tpu.memory_space<vmem>>, vector<16xf32>,
        %parallel_loop3A_1201 = arith.index_cast %parallel_loop3A_112 : i32 to index
        %parallel_loop3A_1202 = arith.constant 432 : index
        %parallel_loop3A_1203 = tpu.vector_load %arg9[%parallel_loop3A_1201, %parallel_loop3A_1202] {strides = array<i32>} : memref<16x768xf32, #tpu.memory_space<vmem>>, vector<16xf32>,
        %parallel_loop3A_1204 = arith.index_cast %parallel_loop3A_112 : i32 to index
        %parallel_loop3A_1205 = arith.constant 448 : index
        %parallel_loop3A_1206 = tpu.vector_load %arg9[%parallel_loop3A_1204, %parallel_loop3A_1205] {strides = array<i32>} : memref<16x768xf32, #tpu.memory_space<vmem>>, vector<16xf32>,
        %parallel_loop3A_1207 = arith.index_cast %parallel_loop3A_112 : i32 to index
        %parallel_loop3A_1208 = arith.constant 464 : index
        %parallel_loop3A_1209 = tpu.vector_load %arg9[%parallel_loop3A_1207, %parallel_loop3A_1208] {strides = array<i32>} : memref<16x768xf32, #tpu.memory_space<vmem>>, vector<16xf32>,
        %parallel_loop3A_1210 = arith.index_cast %parallel_loop3A_112 : i32 to index
        %parallel_loop3A_1211 = arith.constant 480 : index
        %parallel_loop3A_1212 = tpu.vector_load %arg9[%parallel_loop3A_1210, %parallel_loop3A_1211] {strides = array<i32>} : memref<16x768xf32, #tpu.memory_space<vmem>>, vector<16xf32>,
        %parallel_loop3A_1213 = arith.index_cast %parallel_loop3A_112 : i32 to index
        %parallel_loop3A_1214 = arith.constant 496 : index
        %parallel_loop3A_1215 = tpu.vector_load %arg9[%parallel_loop3A_1213, %parallel_loop3A_1214] {strides = array<i32>} : memref<16x768xf32, #tpu.memory_space<vmem>>, vector<16xf32>,
        %parallel_loop3A_1216 = arith.index_cast %parallel_loop3A_112 : i32 to index
        %parallel_loop3A_1217 = arith.constant 512 : index
        %parallel_loop3A_1218 = tpu.vector_load %arg9[%parallel_loop3A_1216, %parallel_loop3A_1217] {strides = array<i32>} : memref<16x768xf32, #tpu.memory_space<vmem>>, vector<16xf32>,
        %parallel_loop3A_1219 = arith.index_cast %parallel_loop3A_112 : i32 to index
        %parallel_loop3A_1220 = arith.constant 528 : index
        %parallel_loop3A_1221 = tpu.vector_load %arg9[%parallel_loop3A_1219, %parallel_loop3A_1220] {strides = array<i32>} : memref<16x768xf32, #tpu.memory_space<vmem>>, vector<16xf32>,
        %parallel_loop3A_1222 = arith.index_cast %parallel_loop3A_112 : i32 to index
        %parallel_loop3A_1223 = arith.constant 544 : index
        %parallel_loop3A_1224 = tpu.vector_load %arg9[%parallel_loop3A_1222, %parallel_loop3A_1223] {strides = array<i32>} : memref<16x768xf32, #tpu.memory_space<vmem>>, vector<16xf32>,
        %parallel_loop3A_1225 = arith.index_cast %parallel_loop3A_112 : i32 to index
        %parallel_loop3A_1226 = arith.constant 560 : index
        %parallel_loop3A_1227 = tpu.vector_load %arg9[%parallel_loop3A_1225, %parallel_loop3A_1226] {strides = array<i32>} : memref<16x768xf32, #tpu.memory_space<vmem>>, vector<16xf32>,
        %parallel_loop3A_1228 = vector.broadcast %parallel_loop3A_746 : f32 to vector<16xf32>
        %parallel_loop3A_1229 = arith.subf %parallel_loop3A_1194, %parallel_loop3A_1228 : vector<16xf32>
        %parallel_loop3A_1230 = arith.mulf %parallel_loop3A_1229, %parallel_loop3A_783 : vector<16xf32>
        %parallel_loop3A_1231 = arith.mulf %parallel_loop3A_1230, %parallel_loop3A_1145 : vector<16xf32>
        %parallel_loop3A_1232 = arith.addf %parallel_loop3A_1231, %parallel_loop3A_1169 : vector<16xf32>
        %parallel_loop3A_1233 = vector.broadcast %parallel_loop3A_746 : f32 to vector<16xf32>
        %parallel_loop3A_1234 = arith.subf %parallel_loop3A_1197, %parallel_loop3A_1233 : vector<16xf32>
        %parallel_loop3A_1235 = arith.mulf %parallel_loop3A_1234, %parallel_loop3A_783 : vector<16xf32>
        %parallel_loop3A_1236 = arith.mulf %parallel_loop3A_1235, %parallel_loop3A_1147 : vector<16xf32>
        %parallel_loop3A_1237 = arith.addf %parallel_loop3A_1236, %parallel_loop3A_1171 : vector<16xf32>
        %parallel_loop3A_1238 = vector.broadcast %parallel_loop3A_746 : f32 to vector<16xf32>
        %parallel_loop3A_1239 = arith.subf %parallel_loop3A_1200, %parallel_loop3A_1238 : vector<16xf32>
        %parallel_loop3A_1240 = arith.mulf %parallel_loop3A_1239, %parallel_loop3A_783 : vector<16xf32>
        %parallel_loop3A_1241 = arith.mulf %parallel_loop3A_1240, %parallel_loop3A_1149 : vector<16xf32>
        %parallel_loop3A_1242 = arith.addf %parallel_loop3A_1241, %parallel_loop3A_1173 : vector<16xf32>
        %parallel_loop3A_1243 = vector.broadcast %parallel_loop3A_746 : f32 to vector<16xf32>
        %parallel_loop3A_1244 = arith.subf %parallel_loop3A_1203, %parallel_loop3A_1243 : vector<16xf32>
        %parallel_loop3A_1245 = arith.mulf %parallel_loop3A_1244, %parallel_loop3A_783 : vector<16xf32>
        %parallel_loop3A_1246 = arith.mulf %parallel_loop3A_1245, %parallel_loop3A_1151 : vector<16xf32>
        %parallel_loop3A_1247 = arith.addf %parallel_loop3A_1246, %parallel_loop3A_1175 : vector<16xf32>
        %parallel_loop3A_1248 = vector.broadcast %parallel_loop3A_746 : f32 to vector<16xf32>
        %parallel_loop3A_1249 = arith.subf %parallel_loop3A_1206, %parallel_loop3A_1248 : vector<16xf32>
        %parallel_loop3A_1250 = arith.mulf %parallel_loop3A_1249, %parallel_loop3A_783 : vector<16xf32>
        %parallel_loop3A_1251 = arith.mulf %parallel_loop3A_1250, %parallel_loop3A_1153 : vector<16xf32>
        %parallel_loop3A_1252 = arith.addf %parallel_loop3A_1251, %parallel_loop3A_1177 : vector<16xf32>
        %parallel_loop3A_1253 = vector.broadcast %parallel_loop3A_746 : f32 to vector<16xf32>
        %parallel_loop3A_1254 = arith.subf %parallel_loop3A_1209, %parallel_loop3A_1253 : vector<16xf32>
        %parallel_loop3A_1255 = arith.mulf %parallel_loop3A_1254, %parallel_loop3A_783 : vector<16xf32>
        %parallel_loop3A_1256 = arith.mulf %parallel_loop3A_1255, %parallel_loop3A_1155 : vector<16xf32>
        %parallel_loop3A_1257 = arith.addf %parallel_loop3A_1256, %parallel_loop3A_1179 : vector<16xf32>
        %parallel_loop3A_1258 = vector.broadcast %parallel_loop3A_746 : f32 to vector<16xf32>
        %parallel_loop3A_1259 = arith.subf %parallel_loop3A_1212, %parallel_loop3A_1258 : vector<16xf32>
        %parallel_loop3A_1260 = arith.mulf %parallel_loop3A_1259, %parallel_loop3A_783 : vector<16xf32>
        %parallel_loop3A_1261 = arith.mulf %parallel_loop3A_1260, %parallel_loop3A_1157 : vector<16xf32>
        %parallel_loop3A_1262 = arith.addf %parallel_loop3A_1261, %parallel_loop3A_1181 : vector<16xf32>
        %parallel_loop3A_1263 = vector.broadcast %parallel_loop3A_746 : f32 to vector<16xf32>
        %parallel_loop3A_1264 = arith.subf %parallel_loop3A_1215, %parallel_loop3A_1263 : vector<16xf32>
        %parallel_loop3A_1265 = arith.mulf %parallel_loop3A_1264, %parallel_loop3A_783 : vector<16xf32>
        %parallel_loop3A_1266 = arith.mulf %parallel_loop3A_1265, %parallel_loop3A_1159 : vector<16xf32>
        %parallel_loop3A_1267 = arith.addf %parallel_loop3A_1266, %parallel_loop3A_1183 : vector<16xf32>
        %parallel_loop3A_1268 = vector.broadcast %parallel_loop3A_746 : f32 to vector<16xf32>
        %parallel_loop3A_1269 = arith.subf %parallel_loop3A_1218, %parallel_loop3A_1268 : vector<16xf32>
        %parallel_loop3A_1270 = arith.mulf %parallel_loop3A_1269, %parallel_loop3A_783 : vector<16xf32>
        %parallel_loop3A_1271 = arith.mulf %parallel_loop3A_1270, %parallel_loop3A_1161 : vector<16xf32>
        %parallel_loop3A_1272 = arith.addf %parallel_loop3A_1271, %parallel_loop3A_1185 : vector<16xf32>
        %parallel_loop3A_1273 = vector.broadcast %parallel_loop3A_746 : f32 to vector<16xf32>
        %parallel_loop3A_1274 = arith.subf %parallel_loop3A_1221, %parallel_loop3A_1273 : vector<16xf32>
        %parallel_loop3A_1275 = arith.mulf %parallel_loop3A_1274, %parallel_loop3A_783 : vector<16xf32>
        %parallel_loop3A_1276 = arith.mulf %parallel_loop3A_1275, %parallel_loop3A_1163 : vector<16xf32>
        %parallel_loop3A_1277 = arith.addf %parallel_loop3A_1276, %parallel_loop3A_1187 : vector<16xf32>
        %parallel_loop3A_1278 = vector.broadcast %parallel_loop3A_746 : f32 to vector<16xf32>
        %parallel_loop3A_1279 = arith.subf %parallel_loop3A_1224, %parallel_loop3A_1278 : vector<16xf32>
        %parallel_loop3A_1280 = arith.mulf %parallel_loop3A_1279, %parallel_loop3A_783 : vector<16xf32>
        %parallel_loop3A_1281 = arith.mulf %parallel_loop3A_1280, %parallel_loop3A_1165 : vector<16xf32>
        %parallel_loop3A_1282 = arith.addf %parallel_loop3A_1281, %parallel_loop3A_1189 : vector<16xf32>
        %parallel_loop3A_1283 = vector.broadcast %parallel_loop3A_746 : f32 to vector<16xf32>
        %parallel_loop3A_1284 = arith.subf %parallel_loop3A_1227, %parallel_loop3A_1283 : vector<16xf32>
        %parallel_loop3A_1285 = arith.mulf %parallel_loop3A_1284, %parallel_loop3A_783 : vector<16xf32>
        %parallel_loop3A_1286 = arith.mulf %parallel_loop3A_1285, %parallel_loop3A_1167 : vector<16xf32>
        %parallel_loop3A_1287 = arith.addf %parallel_loop3A_1286, %parallel_loop3A_1191 : vector<16xf32>
        %parallel_loop3A_1288 = arith.index_cast %parallel_loop3A_112 : i32 to index
        %parallel_loop3A_1289 = arith.constant 384 : index
        %parallel_loop3A_1290 = tpu.vector_load %arg13[%parallel_loop3A_1288, %parallel_loop3A_1289] {strides = array<i32>} : memref<16x768xf32, #tpu.memory_space<vmem>>, vector<16xf32>,
        tpu.vector_store %arg13[%parallel_loop3A_1288, %parallel_loop3A_1289], %parallel_loop3A_1232 {strides = array<i32>} : memref<16x768xf32, #tpu.memory_space<vmem>>, vector<16xf32>,
        %parallel_loop3A_1291 = arith.index_cast %parallel_loop3A_112 : i32 to index
        %parallel_loop3A_1292 = arith.constant 400 : index
        %parallel_loop3A_1293 = tpu.vector_load %arg13[%parallel_loop3A_1291, %parallel_loop3A_1292] {strides = array<i32>} : memref<16x768xf32, #tpu.memory_space<vmem>>, vector<16xf32>,
        tpu.vector_store %arg13[%parallel_loop3A_1291, %parallel_loop3A_1292], %parallel_loop3A_1237 {strides = array<i32>} : memref<16x768xf32, #tpu.memory_space<vmem>>, vector<16xf32>,
        %parallel_loop3A_1294 = arith.index_cast %parallel_loop3A_112 : i32 to index
        %parallel_loop3A_1295 = arith.constant 416 : index
        %parallel_loop3A_1296 = tpu.vector_load %arg13[%parallel_loop3A_1294, %parallel_loop3A_1295] {strides = array<i32>} : memref<16x768xf32, #tpu.memory_space<vmem>>, vector<16xf32>,
        tpu.vector_store %arg13[%parallel_loop3A_1294, %parallel_loop3A_1295], %parallel_loop3A_1242 {strides = array<i32>} : memref<16x768xf32, #tpu.memory_space<vmem>>, vector<16xf32>,
        %parallel_loop3A_1297 = arith.index_cast %parallel_loop3A_112 : i32 to index
        %parallel_loop3A_1298 = arith.constant 432 : index
        %parallel_loop3A_1299 = tpu.vector_load %arg13[%parallel_loop3A_1297, %parallel_loop3A_1298] {strides = array<i32>} : memref<16x768xf32, #tpu.memory_space<vmem>>, vector<16xf32>,
        tpu.vector_store %arg13[%parallel_loop3A_1297, %parallel_loop3A_1298], %parallel_loop3A_1247 {strides = array<i32>} : memref<16x768xf32, #tpu.memory_space<vmem>>, vector<16xf32>,
        %parallel_loop3A_1300 = arith.index_cast %parallel_loop3A_112 : i32 to index
        %parallel_loop3A_1301 = arith.constant 448 : index
        %parallel_loop3A_1302 = tpu.vector_load %arg13[%parallel_loop3A_1300, %parallel_loop3A_1301] {strides = array<i32>} : memref<16x768xf32, #tpu.memory_space<vmem>>, vector<16xf32>,
        tpu.vector_store %arg13[%parallel_loop3A_1300, %parallel_loop3A_1301], %parallel_loop3A_1252 {strides = array<i32>} : memref<16x768xf32, #tpu.memory_space<vmem>>, vector<16xf32>,
        %parallel_loop3A_1303 = arith.index_cast %parallel_loop3A_112 : i32 to index
        %parallel_loop3A_1304 = arith.constant 464 : index
        %parallel_loop3A_1305 = tpu.vector_load %arg13[%parallel_loop3A_1303, %parallel_loop3A_1304] {strides = array<i32>} : memref<16x768xf32, #tpu.memory_space<vmem>>, vector<16xf32>,
        tpu.vector_store %arg13[%parallel_loop3A_1303, %parallel_loop3A_1304], %parallel_loop3A_1257 {strides = array<i32>} : memref<16x768xf32, #tpu.memory_space<vmem>>, vector<16xf32>,
        %parallel_loop3A_1306 = arith.index_cast %parallel_loop3A_112 : i32 to index
        %parallel_loop3A_1307 = arith.constant 480 : index
        %parallel_loop3A_1308 = tpu.vector_load %arg13[%parallel_loop3A_1306, %parallel_loop3A_1307] {strides = array<i32>} : memref<16x768xf32, #tpu.memory_space<vmem>>, vector<16xf32>,
        tpu.vector_store %arg13[%parallel_loop3A_1306, %parallel_loop3A_1307], %parallel_loop3A_1262 {strides = array<i32>} : memref<16x768xf32, #tpu.memory_space<vmem>>, vector<16xf32>,
        %parallel_loop3A_1309 = arith.index_cast %parallel_loop3A_112 : i32 to index
        %parallel_loop3A_1310 = arith.constant 496 : index
        %parallel_loop3A_1311 = tpu.vector_load %arg13[%parallel_loop3A_1309, %parallel_loop3A_1310] {strides = array<i32>} : memref<16x768xf32, #tpu.memory_space<vmem>>, vector<16xf32>,
        tpu.vector_store %arg13[%parallel_loop3A_1309, %parallel_loop3A_1310], %parallel_loop3A_1267 {strides = array<i32>} : memref<16x768xf32, #tpu.memory_space<vmem>>, vector<16xf32>,
        %parallel_loop3A_1312 = arith.index_cast %parallel_loop3A_112 : i32 to index
        %parallel_loop3A_1313 = arith.constant 512 : index
        %parallel_loop3A_1314 = tpu.vector_load %arg13[%parallel_loop3A_1312, %parallel_loop3A_1313] {strides = array<i32>} : memref<16x768xf32, #tpu.memory_space<vmem>>, vector<16xf32>,
        tpu.vector_store %arg13[%parallel_loop3A_1312, %parallel_loop3A_1313], %parallel_loop3A_1272 {strides = array<i32>} : memref<16x768xf32, #tpu.memory_space<vmem>>, vector<16xf32>,
        %parallel_loop3A_1315 = arith.index_cast %parallel_loop3A_112 : i32 to index
        %parallel_loop3A_1316 = arith.constant 528 : index
        %parallel_loop3A_1317 = tpu.vector_load %arg13[%parallel_loop3A_1315, %parallel_loop3A_1316] {strides = array<i32>} : memref<16x768xf32, #tpu.memory_space<vmem>>, vector<16xf32>,
        tpu.vector_store %arg13[%parallel_loop3A_1315, %parallel_loop3A_1316], %parallel_loop3A_1277 {strides = array<i32>} : memref<16x768xf32, #tpu.memory_space<vmem>>, vector<16xf32>,
        %parallel_loop3A_1318 = arith.index_cast %parallel_loop3A_112 : i32 to index
        %parallel_loop3A_1319 = arith.constant 544 : index
        %parallel_loop3A_1320 = tpu.vector_load %arg13[%parallel_loop3A_1318, %parallel_loop3A_1319] {strides = array<i32>} : memref<16x768xf32, #tpu.memory_space<vmem>>, vector<16xf32>,
        tpu.vector_store %arg13[%parallel_loop3A_1318, %parallel_loop3A_1319], %parallel_loop3A_1282 {strides = array<i32>} : memref<16x768xf32, #tpu.memory_space<vmem>>, vector<16xf32>,
        %parallel_loop3A_1321 = arith.index_cast %parallel_loop3A_112 : i32 to index
        %parallel_loop3A_1322 = arith.constant 560 : index
        %parallel_loop3A_1323 = tpu.vector_load %arg13[%parallel_loop3A_1321, %parallel_loop3A_1322] {strides = array<i32>} : memref<16x768xf32, #tpu.memory_space<vmem>>, vector<16xf32>,
        tpu.vector_store %arg13[%parallel_loop3A_1321, %parallel_loop3A_1322], %parallel_loop3A_1287 {strides = array<i32>} : memref<16x768xf32, #tpu.memory_space<vmem>>, vector<16xf32>,
        %parallel_loop3A_1324 = arith.constant 576 : index
        %parallel_loop3A_1325 = tpu.vector_load %arg15[%parallel_loop3A_1324] {strides = array<i32>} : memref<768xf32, #tpu.memory_space<vmem>>, vector<16xf32>,
        %parallel_loop3A_1326 = arith.constant 592 : index
        %parallel_loop3A_1327 = tpu.vector_load %arg15[%parallel_loop3A_1326] {strides = array<i32>} : memref<768xf32, #tpu.memory_space<vmem>>, vector<16xf32>,
        %parallel_loop3A_1328 = arith.constant 608 : index
        %parallel_loop3A_1329 = tpu.vector_load %arg15[%parallel_loop3A_1328] {strides = array<i32>} : memref<768xf32, #tpu.memory_space<vmem>>, vector<16xf32>,
        %parallel_loop3A_1330 = arith.constant 624 : index
        %parallel_loop3A_1331 = tpu.vector_load %arg15[%parallel_loop3A_1330] {strides = array<i32>} : memref<768xf32, #tpu.memory_space<vmem>>, vector<16xf32>,
        %parallel_loop3A_1332 = arith.constant 640 : index
        %parallel_loop3A_1333 = tpu.vector_load %arg15[%parallel_loop3A_1332] {strides = array<i32>} : memref<768xf32, #tpu.memory_space<vmem>>, vector<16xf32>,
        %parallel_loop3A_1334 = arith.constant 656 : index
        %parallel_loop3A_1335 = tpu.vector_load %arg15[%parallel_loop3A_1334] {strides = array<i32>} : memref<768xf32, #tpu.memory_space<vmem>>, vector<16xf32>,
        %parallel_loop3A_1336 = arith.constant 672 : index
        %parallel_loop3A_1337 = tpu.vector_load %arg15[%parallel_loop3A_1336] {strides = array<i32>} : memref<768xf32, #tpu.memory_space<vmem>>, vector<16xf32>,
        %parallel_loop3A_1338 = arith.constant 688 : index
        %parallel_loop3A_1339 = tpu.vector_load %arg15[%parallel_loop3A_1338] {strides = array<i32>} : memref<768xf32, #tpu.memory_space<vmem>>, vector<16xf32>,
        %parallel_loop3A_1340 = arith.constant 704 : index
        %parallel_loop3A_1341 = tpu.vector_load %arg15[%parallel_loop3A_1340] {strides = array<i32>} : memref<768xf32, #tpu.memory_space<vmem>>, vector<16xf32>,
        %parallel_loop3A_1342 = arith.constant 720 : index
        %parallel_loop3A_1343 = tpu.vector_load %arg15[%parallel_loop3A_1342] {strides = array<i32>} : memref<768xf32, #tpu.memory_space<vmem>>, vector<16xf32>,
        %parallel_loop3A_1344 = arith.constant 736 : index
        %parallel_loop3A_1345 = tpu.vector_load %arg15[%parallel_loop3A_1344] {strides = array<i32>} : memref<768xf32, #tpu.memory_space<vmem>>, vector<16xf32>,
        %parallel_loop3A_1346 = arith.constant 752 : index
        %parallel_loop3A_1347 = tpu.vector_load %arg15[%parallel_loop3A_1346] {strides = array<i32>} : memref<768xf32, #tpu.memory_space<vmem>>, vector<16xf32>,
        %parallel_loop3A_1348 = arith.constant 576 : index
        %parallel_loop3A_1349 = tpu.vector_load %arg16[%parallel_loop3A_1348] {strides = array<i32>} : memref<768xf32, #tpu.memory_space<vmem>>, vector<16xf32>,
        %parallel_loop3A_1350 = arith.constant 592 : index
        %parallel_loop3A_1351 = tpu.vector_load %arg16[%parallel_loop3A_1350] {strides = array<i32>} : memref<768xf32, #tpu.memory_space<vmem>>, vector<16xf32>,
        %parallel_loop3A_1352 = arith.constant 608 : index
        %parallel_loop3A_1353 = tpu.vector_load %arg16[%parallel_loop3A_1352] {strides = array<i32>} : memref<768xf32, #tpu.memory_space<vmem>>, vector<16xf32>,
        %parallel_loop3A_1354 = arith.constant 624 : index
        %parallel_loop3A_1355 = tpu.vector_load %arg16[%parallel_loop3A_1354] {strides = array<i32>} : memref<768xf32, #tpu.memory_space<vmem>>, vector<16xf32>,
        %parallel_loop3A_1356 = arith.constant 640 : index
        %parallel_loop3A_1357 = tpu.vector_load %arg16[%parallel_loop3A_1356] {strides = array<i32>} : memref<768xf32, #tpu.memory_space<vmem>>, vector<16xf32>,
        %parallel_loop3A_1358 = arith.constant 656 : index
        %parallel_loop3A_1359 = tpu.vector_load %arg16[%parallel_loop3A_1358] {strides = array<i32>} : memref<768xf32, #tpu.memory_space<vmem>>, vector<16xf32>,
        %parallel_loop3A_1360 = arith.constant 672 : index
        %parallel_loop3A_1361 = tpu.vector_load %arg16[%parallel_loop3A_1360] {strides = array<i32>} : memref<768xf32, #tpu.memory_space<vmem>>, vector<16xf32>,
        %parallel_loop3A_1362 = arith.constant 688 : index
        %parallel_loop3A_1363 = tpu.vector_load %arg16[%parallel_loop3A_1362] {strides = array<i32>} : memref<768xf32, #tpu.memory_space<vmem>>, vector<16xf32>,
        %parallel_loop3A_1364 = arith.constant 704 : index
        %parallel_loop3A_1365 = tpu.vector_load %arg16[%parallel_loop3A_1364] {strides = array<i32>} : memref<768xf32, #tpu.memory_space<vmem>>, vector<16xf32>,
        %parallel_loop3A_1366 = arith.constant 720 : index
        %parallel_loop3A_1367 = tpu.vector_load %arg16[%parallel_loop3A_1366] {strides = array<i32>} : memref<768xf32, #tpu.memory_space<vmem>>, vector<16xf32>,
        %parallel_loop3A_1368 = arith.constant 736 : index
        %parallel_loop3A_1369 = tpu.vector_load %arg16[%parallel_loop3A_1368] {strides = array<i32>} : memref<768xf32, #tpu.memory_space<vmem>>, vector<16xf32>,
        %parallel_loop3A_1370 = arith.constant 752 : index
        %parallel_loop3A_1371 = tpu.vector_load %arg16[%parallel_loop3A_1370] {strides = array<i32>} : memref<768xf32, #tpu.memory_space<vmem>>, vector<16xf32>,
        %parallel_loop3A_1372 = arith.index_cast %parallel_loop3A_112 : i32 to index
        %parallel_loop3A_1373 = arith.constant 576 : index
        %parallel_loop3A_1374 = tpu.vector_load %arg9[%parallel_loop3A_1372, %parallel_loop3A_1373] {strides = array<i32>} : memref<16x768xf32, #tpu.memory_space<vmem>>, vector<16xf32>,
        %parallel_loop3A_1375 = arith.index_cast %parallel_loop3A_112 : i32 to index
        %parallel_loop3A_1376 = arith.constant 592 : index
        %parallel_loop3A_1377 = tpu.vector_load %arg9[%parallel_loop3A_1375, %parallel_loop3A_1376] {strides = array<i32>} : memref<16x768xf32, #tpu.memory_space<vmem>>, vector<16xf32>,
        %parallel_loop3A_1378 = arith.index_cast %parallel_loop3A_112 : i32 to index
        %parallel_loop3A_1379 = arith.constant 608 : index
        %parallel_loop3A_1380 = tpu.vector_load %arg9[%parallel_loop3A_1378, %parallel_loop3A_1379] {strides = array<i32>} : memref<16x768xf32, #tpu.memory_space<vmem>>, vector<16xf32>,
        %parallel_loop3A_1381 = arith.index_cast %parallel_loop3A_112 : i32 to index
        %parallel_loop3A_1382 = arith.constant 624 : index
        %parallel_loop3A_1383 = tpu.vector_load %arg9[%parallel_loop3A_1381, %parallel_loop3A_1382] {strides = array<i32>} : memref<16x768xf32, #tpu.memory_space<vmem>>, vector<16xf32>,
        %parallel_loop3A_1384 = arith.index_cast %parallel_loop3A_112 : i32 to index
        %parallel_loop3A_1385 = arith.constant 640 : index
        %parallel_loop3A_1386 = tpu.vector_load %arg9[%parallel_loop3A_1384, %parallel_loop3A_1385] {strides = array<i32>} : memref<16x768xf32, #tpu.memory_space<vmem>>, vector<16xf32>,
        %parallel_loop3A_1387 = arith.index_cast %parallel_loop3A_112 : i32 to index
        %parallel_loop3A_1388 = arith.constant 656 : index
        %parallel_loop3A_1389 = tpu.vector_load %arg9[%parallel_loop3A_1387, %parallel_loop3A_1388] {strides = array<i32>} : memref<16x768xf32, #tpu.memory_space<vmem>>, vector<16xf32>,
        %parallel_loop3A_1390 = arith.index_cast %parallel_loop3A_112 : i32 to index
        %parallel_loop3A_1391 = arith.constant 672 : index
        %parallel_loop3A_1392 = tpu.vector_load %arg9[%parallel_loop3A_1390, %parallel_loop3A_1391] {strides = array<i32>} : memref<16x768xf32, #tpu.memory_space<vmem>>, vector<16xf32>,
        %parallel_loop3A_1393 = arith.index_cast %parallel_loop3A_112 : i32 to index
        %parallel_loop3A_1394 = arith.constant 688 : index
        %parallel_loop3A_1395 = tpu.vector_load %arg9[%parallel_loop3A_1393, %parallel_loop3A_1394] {strides = array<i32>} : memref<16x768xf32, #tpu.memory_space<vmem>>, vector<16xf32>,
        %parallel_loop3A_1396 = arith.index_cast %parallel_loop3A_112 : i32 to index
        %parallel_loop3A_1397 = arith.constant 704 : index
        %parallel_loop3A_1398 = tpu.vector_load %arg9[%parallel_loop3A_1396, %parallel_loop3A_1397] {strides = array<i32>} : memref<16x768xf32, #tpu.memory_space<vmem>>, vector<16xf32>,
        %parallel_loop3A_1399 = arith.index_cast %parallel_loop3A_112 : i32 to index
        %parallel_loop3A_1400 = arith.constant 720 : index
        %parallel_loop3A_1401 = tpu.vector_load %arg9[%parallel_loop3A_1399, %parallel_loop3A_1400] {strides = array<i32>} : memref<16x768xf32, #tpu.memory_space<vmem>>, vector<16xf32>,
        %parallel_loop3A_1402 = arith.index_cast %parallel_loop3A_112 : i32 to index
        %parallel_loop3A_1403 = arith.constant 736 : index
        %parallel_loop3A_1404 = tpu.vector_load %arg9[%parallel_loop3A_1402, %parallel_loop3A_1403] {strides = array<i32>} : memref<16x768xf32, #tpu.memory_space<vmem>>, vector<16xf32>,
        %parallel_loop3A_1405 = arith.index_cast %parallel_loop3A_112 : i32 to index
        %parallel_loop3A_1406 = arith.constant 752 : index
        %parallel_loop3A_1407 = tpu.vector_load %arg9[%parallel_loop3A_1405, %parallel_loop3A_1406] {strides = array<i32>} : memref<16x768xf32, #tpu.memory_space<vmem>>, vector<16xf32>,
        %parallel_loop3A_1408 = vector.broadcast %parallel_loop3A_746 : f32 to vector<16xf32>
        %parallel_loop3A_1409 = arith.subf %parallel_loop3A_1374, %parallel_loop3A_1408 : vector<16xf32>
        %parallel_loop3A_1410 = arith.mulf %parallel_loop3A_1409, %parallel_loop3A_783 : vector<16xf32>
        %parallel_loop3A_1411 = arith.mulf %parallel_loop3A_1410, %parallel_loop3A_1325 : vector<16xf32>
        %parallel_loop3A_1412 = arith.addf %parallel_loop3A_1411, %parallel_loop3A_1349 : vector<16xf32>
        %parallel_loop3A_1413 = vector.broadcast %parallel_loop3A_746 : f32 to vector<16xf32>
        %parallel_loop3A_1414 = arith.subf %parallel_loop3A_1377, %parallel_loop3A_1413 : vector<16xf32>
        %parallel_loop3A_1415 = arith.mulf %parallel_loop3A_1414, %parallel_loop3A_783 : vector<16xf32>
        %parallel_loop3A_1416 = arith.mulf %parallel_loop3A_1415, %parallel_loop3A_1327 : vector<16xf32>
        %parallel_loop3A_1417 = arith.addf %parallel_loop3A_1416, %parallel_loop3A_1351 : vector<16xf32>
        %parallel_loop3A_1418 = vector.broadcast %parallel_loop3A_746 : f32 to vector<16xf32>
        %parallel_loop3A_1419 = arith.subf %parallel_loop3A_1380, %parallel_loop3A_1418 : vector<16xf32>
        %parallel_loop3A_1420 = arith.mulf %parallel_loop3A_1419, %parallel_loop3A_783 : vector<16xf32>
        %parallel_loop3A_1421 = arith.mulf %parallel_loop3A_1420, %parallel_loop3A_1329 : vector<16xf32>
        %parallel_loop3A_1422 = arith.addf %parallel_loop3A_1421, %parallel_loop3A_1353 : vector<16xf32>
        %parallel_loop3A_1423 = vector.broadcast %parallel_loop3A_746 : f32 to vector<16xf32>
        %parallel_loop3A_1424 = arith.subf %parallel_loop3A_1383, %parallel_loop3A_1423 : vector<16xf32>
        %parallel_loop3A_1425 = arith.mulf %parallel_loop3A_1424, %parallel_loop3A_783 : vector<16xf32>
        %parallel_loop3A_1426 = arith.mulf %parallel_loop3A_1425, %parallel_loop3A_1331 : vector<16xf32>
        %parallel_loop3A_1427 = arith.addf %parallel_loop3A_1426, %parallel_loop3A_1355 : vector<16xf32>
        %parallel_loop3A_1428 = vector.broadcast %parallel_loop3A_746 : f32 to vector<16xf32>
        %parallel_loop3A_1429 = arith.subf %parallel_loop3A_1386, %parallel_loop3A_1428 : vector<16xf32>
        %parallel_loop3A_1430 = arith.mulf %parallel_loop3A_1429, %parallel_loop3A_783 : vector<16xf32>
        %parallel_loop3A_1431 = arith.mulf %parallel_loop3A_1430, %parallel_loop3A_1333 : vector<16xf32>
        %parallel_loop3A_1432 = arith.addf %parallel_loop3A_1431, %parallel_loop3A_1357 : vector<16xf32>
        %parallel_loop3A_1433 = vector.broadcast %parallel_loop3A_746 : f32 to vector<16xf32>
        %parallel_loop3A_1434 = arith.subf %parallel_loop3A_1389, %parallel_loop3A_1433 : vector<16xf32>
        %parallel_loop3A_1435 = arith.mulf %parallel_loop3A_1434, %parallel_loop3A_783 : vector<16xf32>
        %parallel_loop3A_1436 = arith.mulf %parallel_loop3A_1435, %parallel_loop3A_1335 : vector<16xf32>
        %parallel_loop3A_1437 = arith.addf %parallel_loop3A_1436, %parallel_loop3A_1359 : vector<16xf32>
        %parallel_loop3A_1438 = vector.broadcast %parallel_loop3A_746 : f32 to vector<16xf32>
        %parallel_loop3A_1439 = arith.subf %parallel_loop3A_1392, %parallel_loop3A_1438 : vector<16xf32>
        %parallel_loop3A_1440 = arith.mulf %parallel_loop3A_1439, %parallel_loop3A_783 : vector<16xf32>
        %parallel_loop3A_1441 = arith.mulf %parallel_loop3A_1440, %parallel_loop3A_1337 : vector<16xf32>
        %parallel_loop3A_1442 = arith.addf %parallel_loop3A_1441, %parallel_loop3A_1361 : vector<16xf32>
        %parallel_loop3A_1443 = vector.broadcast %parallel_loop3A_746 : f32 to vector<16xf32>
        %parallel_loop3A_1444 = arith.subf %parallel_loop3A_1395, %parallel_loop3A_1443 : vector<16xf32>
        %parallel_loop3A_1445 = arith.mulf %parallel_loop3A_1444, %parallel_loop3A_783 : vector<16xf32>
        %parallel_loop3A_1446 = arith.mulf %parallel_loop3A_1445, %parallel_loop3A_1339 : vector<16xf32>
        %parallel_loop3A_1447 = arith.addf %parallel_loop3A_1446, %parallel_loop3A_1363 : vector<16xf32>
        %parallel_loop3A_1448 = vector.broadcast %parallel_loop3A_746 : f32 to vector<16xf32>
        %parallel_loop3A_1449 = arith.subf %parallel_loop3A_1398, %parallel_loop3A_1448 : vector<16xf32>
        %parallel_loop3A_1450 = arith.mulf %parallel_loop3A_1449, %parallel_loop3A_783 : vector<16xf32>
        %parallel_loop3A_1451 = arith.mulf %parallel_loop3A_1450, %parallel_loop3A_1341 : vector<16xf32>
        %parallel_loop3A_1452 = arith.addf %parallel_loop3A_1451, %parallel_loop3A_1365 : vector<16xf32>
        %parallel_loop3A_1453 = vector.broadcast %parallel_loop3A_746 : f32 to vector<16xf32>
        %parallel_loop3A_1454 = arith.subf %parallel_loop3A_1401, %parallel_loop3A_1453 : vector<16xf32>
        %parallel_loop3A_1455 = arith.mulf %parallel_loop3A_1454, %parallel_loop3A_783 : vector<16xf32>
        %parallel_loop3A_1456 = arith.mulf %parallel_loop3A_1455, %parallel_loop3A_1343 : vector<16xf32>
        %parallel_loop3A_1457 = arith.addf %parallel_loop3A_1456, %parallel_loop3A_1367 : vector<16xf32>
        %parallel_loop3A_1458 = vector.broadcast %parallel_loop3A_746 : f32 to vector<16xf32>
        %parallel_loop3A_1459 = arith.subf %parallel_loop3A_1404, %parallel_loop3A_1458 : vector<16xf32>
        %parallel_loop3A_1460 = arith.mulf %parallel_loop3A_1459, %parallel_loop3A_783 : vector<16xf32>
        %parallel_loop3A_1461 = arith.mulf %parallel_loop3A_1460, %parallel_loop3A_1345 : vector<16xf32>
        %parallel_loop3A_1462 = arith.addf %parallel_loop3A_1461, %parallel_loop3A_1369 : vector<16xf32>
        %parallel_loop3A_1463 = vector.broadcast %parallel_loop3A_746 : f32 to vector<16xf32>
        %parallel_loop3A_1464 = arith.subf %parallel_loop3A_1407, %parallel_loop3A_1463 : vector<16xf32>
        %parallel_loop3A_1465 = arith.mulf %parallel_loop3A_1464, %parallel_loop3A_783 : vector<16xf32>
        %parallel_loop3A_1466 = arith.mulf %parallel_loop3A_1465, %parallel_loop3A_1347 : vector<16xf32>
        %parallel_loop3A_1467 = arith.addf %parallel_loop3A_1466, %parallel_loop3A_1371 : vector<16xf32>
        %parallel_loop3A_1468 = arith.index_cast %parallel_loop3A_112 : i32 to index
        %parallel_loop3A_1469 = arith.constant 576 : index
        %parallel_loop3A_1470 = tpu.vector_load %arg13[%parallel_loop3A_1468, %parallel_loop3A_1469] {strides = array<i32>} : memref<16x768xf32, #tpu.memory_space<vmem>>, vector<16xf32>,
        tpu.vector_store %arg13[%parallel_loop3A_1468, %parallel_loop3A_1469], %parallel_loop3A_1412 {strides = array<i32>} : memref<16x768xf32, #tpu.memory_space<vmem>>, vector<16xf32>,
        %parallel_loop3A_1471 = arith.index_cast %parallel_loop3A_112 : i32 to index
        %parallel_loop3A_1472 = arith.constant 592 : index
        %parallel_loop3A_1473 = tpu.vector_load %arg13[%parallel_loop3A_1471, %parallel_loop3A_1472] {strides = array<i32>} : memref<16x768xf32, #tpu.memory_space<vmem>>, vector<16xf32>,
        tpu.vector_store %arg13[%parallel_loop3A_1471, %parallel_loop3A_1472], %parallel_loop3A_1417 {strides = array<i32>} : memref<16x768xf32, #tpu.memory_space<vmem>>, vector<16xf32>,
        %parallel_loop3A_1474 = arith.index_cast %parallel_loop3A_112 : i32 to index
        %parallel_loop3A_1475 = arith.constant 608 : index
        %parallel_loop3A_1476 = tpu.vector_load %arg13[%parallel_loop3A_1474, %parallel_loop3A_1475] {strides = array<i32>} : memref<16x768xf32, #tpu.memory_space<vmem>>, vector<16xf32>,
        tpu.vector_store %arg13[%parallel_loop3A_1474, %parallel_loop3A_1475], %parallel_loop3A_1422 {strides = array<i32>} : memref<16x768xf32, #tpu.memory_space<vmem>>, vector<16xf32>,
        %parallel_loop3A_1477 = arith.index_cast %parallel_loop3A_112 : i32 to index
        %parallel_loop3A_1478 = arith.constant 624 : index
        %parallel_loop3A_1479 = tpu.vector_load %arg13[%parallel_loop3A_1477, %parallel_loop3A_1478] {strides = array<i32>} : memref<16x768xf32, #tpu.memory_space<vmem>>, vector<16xf32>,
        tpu.vector_store %arg13[%parallel_loop3A_1477, %parallel_loop3A_1478], %parallel_loop3A_1427 {strides = array<i32>} : memref<16x768xf32, #tpu.memory_space<vmem>>, vector<16xf32>,
        %parallel_loop3A_1480 = arith.index_cast %parallel_loop3A_112 : i32 to index
        %parallel_loop3A_1481 = arith.constant 640 : index
        %parallel_loop3A_1482 = tpu.vector_load %arg13[%parallel_loop3A_1480, %parallel_loop3A_1481] {strides = array<i32>} : memref<16x768xf32, #tpu.memory_space<vmem>>, vector<16xf32>,
        tpu.vector_store %arg13[%parallel_loop3A_1480, %parallel_loop3A_1481], %parallel_loop3A_1432 {strides = array<i32>} : memref<16x768xf32, #tpu.memory_space<vmem>>, vector<16xf32>,
        %parallel_loop3A_1483 = arith.index_cast %parallel_loop3A_112 : i32 to index
        %parallel_loop3A_1484 = arith.constant 656 : index
        %parallel_loop3A_1485 = tpu.vector_load %arg13[%parallel_loop3A_1483, %parallel_loop3A_1484] {strides = array<i32>} : memref<16x768xf32, #tpu.memory_space<vmem>>, vector<16xf32>,
        tpu.vector_store %arg13[%parallel_loop3A_1483, %parallel_loop3A_1484], %parallel_loop3A_1437 {strides = array<i32>} : memref<16x768xf32, #tpu.memory_space<vmem>>, vector<16xf32>,
        %parallel_loop3A_1486 = arith.index_cast %parallel_loop3A_112 : i32 to index
        %parallel_loop3A_1487 = arith.constant 672 : index
        %parallel_loop3A_1488 = tpu.vector_load %arg13[%parallel_loop3A_1486, %parallel_loop3A_1487] {strides = array<i32>} : memref<16x768xf32, #tpu.memory_space<vmem>>, vector<16xf32>,
        tpu.vector_store %arg13[%parallel_loop3A_1486, %parallel_loop3A_1487], %parallel_loop3A_1442 {strides = array<i32>} : memref<16x768xf32, #tpu.memory_space<vmem>>, vector<16xf32>,
        %parallel_loop3A_1489 = arith.index_cast %parallel_loop3A_112 : i32 to index
        %parallel_loop3A_1490 = arith.constant 688 : index
        %parallel_loop3A_1491 = tpu.vector_load %arg13[%parallel_loop3A_1489, %parallel_loop3A_1490] {strides = array<i32>} : memref<16x768xf32, #tpu.memory_space<vmem>>, vector<16xf32>,
        tpu.vector_store %arg13[%parallel_loop3A_1489, %parallel_loop3A_1490], %parallel_loop3A_1447 {strides = array<i32>} : memref<16x768xf32, #tpu.memory_space<vmem>>, vector<16xf32>,
        %parallel_loop3A_1492 = arith.index_cast %parallel_loop3A_112 : i32 to index
        %parallel_loop3A_1493 = arith.constant 704 : index
        %parallel_loop3A_1494 = tpu.vector_load %arg13[%parallel_loop3A_1492, %parallel_loop3A_1493] {strides = array<i32>} : memref<16x768xf32, #tpu.memory_space<vmem>>, vector<16xf32>,
        tpu.vector_store %arg13[%parallel_loop3A_1492, %parallel_loop3A_1493], %parallel_loop3A_1452 {strides = array<i32>} : memref<16x768xf32, #tpu.memory_space<vmem>>, vector<16xf32>,
        %parallel_loop3A_1495 = arith.index_cast %parallel_loop3A_112 : i32 to index
        %parallel_loop3A_1496 = arith.constant 720 : index
        %parallel_loop3A_1497 = tpu.vector_load %arg13[%parallel_loop3A_1495, %parallel_loop3A_1496] {strides = array<i32>} : memref<16x768xf32, #tpu.memory_space<vmem>>, vector<16xf32>,
        tpu.vector_store %arg13[%parallel_loop3A_1495, %parallel_loop3A_1496], %parallel_loop3A_1457 {strides = array<i32>} : memref<16x768xf32, #tpu.memory_space<vmem>>, vector<16xf32>,
        %parallel_loop3A_1498 = arith.index_cast %parallel_loop3A_112 : i32 to index
        %parallel_loop3A_1499 = arith.constant 736 : index
        %parallel_loop3A_1500 = tpu.vector_load %arg13[%parallel_loop3A_1498, %parallel_loop3A_1499] {strides = array<i32>} : memref<16x768xf32, #tpu.memory_space<vmem>>, vector<16xf32>,
        tpu.vector_store %arg13[%parallel_loop3A_1498, %parallel_loop3A_1499], %parallel_loop3A_1462 {strides = array<i32>} : memref<16x768xf32, #tpu.memory_space<vmem>>, vector<16xf32>,
        %parallel_loop3A_1501 = arith.index_cast %parallel_loop3A_112 : i32 to index
        %parallel_loop3A_1502 = arith.constant 752 : index
        %parallel_loop3A_1503 = tpu.vector_load %arg13[%parallel_loop3A_1501, %parallel_loop3A_1502] {strides = array<i32>} : memref<16x768xf32, #tpu.memory_space<vmem>>, vector<16xf32>,
        tpu.vector_store %arg13[%parallel_loop3A_1501, %parallel_loop3A_1502], %parallel_loop3A_1467 {strides = array<i32>} : memref<16x768xf32, #tpu.memory_space<vmem>>, vector<16xf32>,
      } {sc.loop_unroll_factor = 2 : i64, sc.parallel_access}
      %mul3A_67 = arith.constant 16 : i32
      %mul3A_68 = arith.muli %mul3A_53, %mul3A_67 : i32
      %add3A_69 = arith.addi %mul3A_2, %mul3A_68 : i32
      %dma_start3A_70 = arith.constant 0 : i32
      %dma_start3A_71 = tpu.memref_slice %arg7[%add3A_69, %dma_start3A_70] : memref<8192x768xf32, #tpu.memory_space<hbm>> -> memref<16x768xf32, #tpu.memory_space<hbm>>
      %dma_start3A_72 = arith.constant 0 : i32
      %dma_start3A_73 = tpu.memref_slice %arg7[%add3A_69, %dma_start3A_72] : memref<8192x768xf32, #tpu.memory_space<hbm>> -> memref<16x768xf32, #tpu.memory_space<hbm>>
      tpu.enqueue_dma source(%arg13 : memref<16x768xf32, #tpu.memory_space<vmem>>) target(%dma_start3A_73 : memref<16x768xf32, #tpu.memory_space<hbm>>) target_semaphore(%arg21 : memref<!tpu.dma_semaphore, #tpu.memory_space<semaphore_mem>>)
      %lt3A_74 = arith.constant 7 : i32
      %lt3A_75 = arith.cmpi slt, %scan3A_49, %lt3A_74 : i32
      %convert_element_type3A_76 = arith.extui %lt3A_75 : i1 to i32
      %cond3A_77 = arith.constant 0 : i32
      %cond3A_78 = arith.cmpi ne, %convert_element_type3A_76, %cond3A_77 : i32
      scf.if %cond3A_78 {
        %add3A_112 = arith.constant 2 : i32
        %add3A_113 = arith.addi %mul3A_53, %add3A_112 : i32
        %mul3A_114 = arith.constant 16 : i32
        %mul3A_115 = arith.muli %add3A_113, %mul3A_114 : i32
        %dma_start3A_116 = tpu.memref_slice %arg8[%mul3A_115] : memref<256xi32, #tpu.memory_space<vmem>> -> memref<16xi32, #tpu.memory_space<vmem>>
        %dma_start3A_117 = arith.constant 0 : i32
        %dma_start3A_118 = arith.constant 0 : i32
        %dma_start3A_119 = tpu.memref_slice %arg3[%dma_start3A_117, %dma_start3A_118] : memref<32000x768xf32, #tpu.memory_space<hbm>> -> memref<32000x768xf32, #tpu.memory_space<hbm>>
        tpu.enqueue_indirect_dma source(%dma_start3A_119 : memref<32000x768xf32, #tpu.memory_space<hbm>>) target(%arg9 : memref<16x768xf32, #tpu.memory_space<vmem>>) offsets(%dma_start3A_116 : memref<16xi32, #tpu.memory_space<vmem>>) semaphore(%arg17 : memref<!tpu.dma_semaphore, #tpu.memory_space<semaphore_mem>>)
        %mul3A_120 = arith.constant 16 : i32
        %mul3A_121 = arith.muli %add3A_113, %mul3A_120 : i32
        %add3A_122 = arith.addi %select_n3A_11, %mul3A_121 : i32
        %dma_start3A_123 = arith.constant 0 : i32
        %dma_start3A_124 = tpu.memref_slice %arg4[%add3A_122, %dma_start3A_123] : memref<2048x768xf32, #tpu.memory_space<hbm>> -> memref<16x768xf32, #tpu.memory_space<hbm>>
        %dma_start3A_125 = arith.constant 0 : i32
        %dma_start3A_126 = tpu.memref_slice %arg4[%add3A_122, %dma_start3A_125] : memref<2048x768xf32, #tpu.memory_space<hbm>> -> memref<16x768xf32, #tpu.memory_space<hbm>>
        tpu.enqueue_dma source(%dma_start3A_126 : memref<16x768xf32, #tpu.memory_space<hbm>>) target(%arg11 : memref<16x768xf32, #tpu.memory_space<vmem>>) target_semaphore(%arg19 : memref<!tpu.dma_semaphore, #tpu.memory_space<semaphore_mem>>)
      } else {
      }
      %gt3A_79 = arith.constant 0 : i32
      %gt3A_80 = arith.cmpi sgt, %scan3A_49, %gt3A_79 : i32
      %convert_element_type3A_81 = arith.extui %gt3A_80 : i1 to i32
      %cond3A_82 = arith.constant 0 : i32
      %cond3A_83 = arith.cmpi ne, %convert_element_type3A_81, %cond3A_82 : i32
      scf.if %cond3A_83 {
        %dma_wait3A_112 = arith.constant 0 : i32
        %dma_wait3A_113 = arith.constant 0 : i32
        %dma_wait3A_114 = tpu.memref_slice %arg7[%dma_wait3A_112, %dma_wait3A_113] : memref<8192x768xf32, #tpu.memory_space<hbm>> -> memref<16x768xf32, #tpu.memory_space<hbm>>
        %dma_wait3A_115 = arith.constant 0 : i32
        %dma_wait3A_116 = arith.constant 0 : i32
        %dma_wait3A_117 = tpu.memref_slice %arg7[%dma_wait3A_115, %dma_wait3A_116] : memref<8192x768xf32, #tpu.memory_space<hbm>> -> memref<16x768xf32, #tpu.memory_space<hbm>>
        tpu.wait_dma2 semaphore(%arg22 : memref<!tpu.dma_semaphore, #tpu.memory_space<semaphore_mem>>) src(%arg14 : memref<16x768xf32, #tpu.memory_space<vmem>>) dst(%dma_wait3A_117 : memref<16x768xf32, #tpu.memory_space<hbm>>)
      } else {
      }
      %dma_wait3A_84 = arith.constant 0 : i32
      %dma_wait3A_85 = tpu.memref_slice %arg8[%dma_wait3A_84] : memref<256xi32, #tpu.memory_space<vmem>> -> memref<16xi32, #tpu.memory_space<vmem>>
      %dma_wait3A_86 = arith.constant 0 : i32
      %dma_wait3A_87 = arith.constant 0 : i32
      %dma_wait3A_88 = tpu.memref_slice %arg3[%dma_wait3A_86, %dma_wait3A_87] : memref<32000x768xf32, #tpu.memory_space<hbm>> -> memref<32000x768xf32, #tpu.memory_space<hbm>>
      tpu.wait_indirect_dma semaphore(%arg18 : memref<!tpu.dma_semaphore, #tpu.memory_space<semaphore_mem>>) src(%dma_wait3A_88 : memref<32000x768xf32, #tpu.memory_space<hbm>>) dst(%arg10 : memref<16x768xf32, #tpu.memory_space<vmem>>)
      %dma_wait3A_89 = arith.constant 0 : i32
      %dma_wait3A_90 = arith.constant 0 : i32
      %dma_wait3A_91 = tpu.memref_slice %arg4[%dma_wait3A_89, %dma_wait3A_90] : memref<2048x768xf32, #tpu.memory_space<hbm>> -> memref<16x768xf32, #tpu.memory_space<hbm>>
      %dma_wait3A_92 = arith.constant 0 : i32
      %dma_wait3A_93 = arith.constant 0 : i32
      %dma_wait3A_94 = tpu.memref_slice %arg4[%dma_wait3A_92, %dma_wait3A_93] : memref<2048x768xf32, #tpu.memory_space<hbm>> -> memref<16x768xf32, #tpu.memory_space<hbm>>
      tpu.wait_dma2 semaphore(%arg20 : memref<!tpu.dma_semaphore, #tpu.memory_space<semaphore_mem>>) src(%dma_wait3A_94 : memref<16x768xf32, #tpu.memory_space<hbm>>) dst(%arg12 : memref<16x768xf32, #tpu.memory_space<vmem>>)
      %parallel_loop3A_95 = arith.constant 0 : i32
      %parallel_loop3A_96 = arith.constant 16 : i32
      %parallel_loop3A_97 = arith.constant 1 : i32
      scf.for %parallel_loop3A_112 = %parallel_loop3A_95 to %parallel_loop3A_96 step %parallel_loop3A_97  : i32 {
        %parallel_loop3A_113 = arith.constant 0.000000e+00 : f32
        %parallel_loop3A_114 = vector.broadcast %parallel_loop3A_113 : f32 to vector<16xf32>
        %parallel_loop3A_115 = arith.constant 0.000000e+00 : f32
        %parallel_loop3A_116 = vector.broadcast %parallel_loop3A_115 : f32 to vector<16xf32>
        %parallel_loop3A_117 = arith.index_cast %parallel_loop3A_112 : i32 to index
        %parallel_loop3A_118 = arith.constant 0 : index
        %parallel_loop3A_119 = tpu.vector_load %arg10[%parallel_loop3A_117, %parallel_loop3A_118] {strides = array<i32>} : memref<16x768xf32, #tpu.memory_space<vmem>>, vector<16xf32>,
        %parallel_loop3A_120 = arith.index_cast %parallel_loop3A_112 : i32 to index
        %parallel_loop3A_121 = arith.constant 0 : index
        %parallel_loop3A_122 = tpu.vector_load %arg12[%parallel_loop3A_120, %parallel_loop3A_121] {strides = array<i32>} : memref<16x768xf32, #tpu.memory_space<vmem>>, vector<16xf32>,
        %parallel_loop3A_123 = arith.addf %parallel_loop3A_119, %parallel_loop3A_122 : vector<16xf32>
        %parallel_loop3A_124 = arith.index_cast %parallel_loop3A_112 : i32 to index
        %parallel_loop3A_125 = arith.constant 0 : index
        %parallel_loop3A_126 = tpu.vector_load %arg10[%parallel_loop3A_124, %parallel_loop3A_125] {strides = array<i32>} : memref<16x768xf32, #tpu.memory_space<vmem>>, vector<16xf32>,
        tpu.vector_store %arg10[%parallel_loop3A_124, %parallel_loop3A_125], %parallel_loop3A_123 {strides = array<i32>} : memref<16x768xf32, #tpu.memory_space<vmem>>, vector<16xf32>,
        %parallel_loop3A_127 = arith.addf %parallel_loop3A_114, %parallel_loop3A_123 : vector<16xf32>
        %parallel_loop3A_128 = arith.mulf %parallel_loop3A_123, %parallel_loop3A_123 : vector<16xf32>
        %parallel_loop3A_129 = arith.addf %parallel_loop3A_116, %parallel_loop3A_128 : vector<16xf32>
        %parallel_loop3A_130 = arith.index_cast %parallel_loop3A_112 : i32 to index
        %parallel_loop3A_131 = arith.constant 16 : index
        %parallel_loop3A_132 = tpu.vector_load %arg10[%parallel_loop3A_130, %parallel_loop3A_131] {strides = array<i32>} : memref<16x768xf32, #tpu.memory_space<vmem>>, vector<16xf32>,
        %parallel_loop3A_133 = arith.index_cast %parallel_loop3A_112 : i32 to index
        %parallel_loop3A_134 = arith.constant 16 : index
        %parallel_loop3A_135 = tpu.vector_load %arg12[%parallel_loop3A_133, %parallel_loop3A_134] {strides = array<i32>} : memref<16x768xf32, #tpu.memory_space<vmem>>, vector<16xf32>,
        %parallel_loop3A_136 = arith.addf %parallel_loop3A_132, %parallel_loop3A_135 : vector<16xf32>
        %parallel_loop3A_137 = arith.index_cast %parallel_loop3A_112 : i32 to index
        %parallel_loop3A_138 = arith.constant 16 : index
        %parallel_loop3A_139 = tpu.vector_load %arg10[%parallel_loop3A_137, %parallel_loop3A_138] {strides = array<i32>} : memref<16x768xf32, #tpu.memory_space<vmem>>, vector<16xf32>,
        tpu.vector_store %arg10[%parallel_loop3A_137, %parallel_loop3A_138], %parallel_loop3A_136 {strides = array<i32>} : memref<16x768xf32, #tpu.memory_space<vmem>>, vector<16xf32>,
        %parallel_loop3A_140 = arith.addf %parallel_loop3A_127, %parallel_loop3A_136 : vector<16xf32>
        %parallel_loop3A_141 = arith.mulf %parallel_loop3A_136, %parallel_loop3A_136 : vector<16xf32>
        %parallel_loop3A_142 = arith.addf %parallel_loop3A_129, %parallel_loop3A_141 : vector<16xf32>
        %parallel_loop3A_143 = arith.index_cast %parallel_loop3A_112 : i32 to index
        %parallel_loop3A_144 = arith.constant 32 : index
        %parallel_loop3A_145 = tpu.vector_load %arg10[%parallel_loop3A_143, %parallel_loop3A_144] {strides = array<i32>} : memref<16x768xf32, #tpu.memory_space<vmem>>, vector<16xf32>,
        %parallel_loop3A_146 = arith.index_cast %parallel_loop3A_112 : i32 to index
        %parallel_loop3A_147 = arith.constant 32 : index
        %parallel_loop3A_148 = tpu.vector_load %arg12[%parallel_loop3A_146, %parallel_loop3A_147] {strides = array<i32>} : memref<16x768xf32, #tpu.memory_space<vmem>>, vector<16xf32>,
        %parallel_loop3A_149 = arith.addf %parallel_loop3A_145, %parallel_loop3A_148 : vector<16xf32>
        %parallel_loop3A_150 = arith.index_cast %parallel_loop3A_112 : i32 to index
        %parallel_loop3A_151 = arith.constant 32 : index
        %parallel_loop3A_152 = tpu.vector_load %arg10[%parallel_loop3A_150, %parallel_loop3A_151] {strides = array<i32>} : memref<16x768xf32, #tpu.memory_space<vmem>>, vector<16xf32>,
        tpu.vector_store %arg10[%parallel_loop3A_150, %parallel_loop3A_151], %parallel_loop3A_149 {strides = array<i32>} : memref<16x768xf32, #tpu.memory_space<vmem>>, vector<16xf32>,
        %parallel_loop3A_153 = arith.addf %parallel_loop3A_140, %parallel_loop3A_149 : vector<16xf32>
        %parallel_loop3A_154 = arith.mulf %parallel_loop3A_149, %parallel_loop3A_149 : vector<16xf32>
        %parallel_loop3A_155 = arith.addf %parallel_loop3A_142, %parallel_loop3A_154 : vector<16xf32>
        %parallel_loop3A_156 = arith.index_cast %parallel_loop3A_112 : i32 to index
        %parallel_loop3A_157 = arith.constant 48 : index
        %parallel_loop3A_158 = tpu.vector_load %arg10[%parallel_loop3A_156, %parallel_loop3A_157] {strides = array<i32>} : memref<16x768xf32, #tpu.memory_space<vmem>>, vector<16xf32>,
        %parallel_loop3A_159 = arith.index_cast %parallel_loop3A_112 : i32 to index
        %parallel_loop3A_160 = arith.constant 48 : index
        %parallel_loop3A_161 = tpu.vector_load %arg12[%parallel_loop3A_159, %parallel_loop3A_160] {strides = array<i32>} : memref<16x768xf32, #tpu.memory_space<vmem>>, vector<16xf32>,
        %parallel_loop3A_162 = arith.addf %parallel_loop3A_158, %parallel_loop3A_161 : vector<16xf32>
        %parallel_loop3A_163 = arith.index_cast %parallel_loop3A_112 : i32 to index
        %parallel_loop3A_164 = arith.constant 48 : index
        %parallel_loop3A_165 = tpu.vector_load %arg10[%parallel_loop3A_163, %parallel_loop3A_164] {strides = array<i32>} : memref<16x768xf32, #tpu.memory_space<vmem>>, vector<16xf32>,
        tpu.vector_store %arg10[%parallel_loop3A_163, %parallel_loop3A_164], %parallel_loop3A_162 {strides = array<i32>} : memref<16x768xf32, #tpu.memory_space<vmem>>, vector<16xf32>,
        %parallel_loop3A_166 = arith.addf %parallel_loop3A_153, %parallel_loop3A_162 : vector<16xf32>
        %parallel_loop3A_167 = arith.mulf %parallel_loop3A_162, %parallel_loop3A_162 : vector<16xf32>
        %parallel_loop3A_168 = arith.addf %parallel_loop3A_155, %parallel_loop3A_167 : vector<16xf32>
        %parallel_loop3A_169 = arith.index_cast %parallel_loop3A_112 : i32 to index
        %parallel_loop3A_170 = arith.constant 64 : index
        %parallel_loop3A_171 = tpu.vector_load %arg10[%parallel_loop3A_169, %parallel_loop3A_170] {strides = array<i32>} : memref<16x768xf32, #tpu.memory_space<vmem>>, vector<16xf32>,
        %parallel_loop3A_172 = arith.index_cast %parallel_loop3A_112 : i32 to index
        %parallel_loop3A_173 = arith.constant 64 : index
        %parallel_loop3A_174 = tpu.vector_load %arg12[%parallel_loop3A_172, %parallel_loop3A_173] {strides = array<i32>} : memref<16x768xf32, #tpu.memory_space<vmem>>, vector<16xf32>,
        %parallel_loop3A_175 = arith.addf %parallel_loop3A_171, %parallel_loop3A_174 : vector<16xf32>
        %parallel_loop3A_176 = arith.index_cast %parallel_loop3A_112 : i32 to index
        %parallel_loop3A_177 = arith.constant 64 : index
        %parallel_loop3A_178 = tpu.vector_load %arg10[%parallel_loop3A_176, %parallel_loop3A_177] {strides = array<i32>} : memref<16x768xf32, #tpu.memory_space<vmem>>, vector<16xf32>,
        tpu.vector_store %arg10[%parallel_loop3A_176, %parallel_loop3A_177], %parallel_loop3A_175 {strides = array<i32>} : memref<16x768xf32, #tpu.memory_space<vmem>>, vector<16xf32>,
        %parallel_loop3A_179 = arith.addf %parallel_loop3A_166, %parallel_loop3A_175 : vector<16xf32>
        %parallel_loop3A_180 = arith.mulf %parallel_loop3A_175, %parallel_loop3A_175 : vector<16xf32>
        %parallel_loop3A_181 = arith.addf %parallel_loop3A_168, %parallel_loop3A_180 : vector<16xf32>
        %parallel_loop3A_182 = arith.index_cast %parallel_loop3A_112 : i32 to index
        %parallel_loop3A_183 = arith.constant 80 : index
        %parallel_loop3A_184 = tpu.vector_load %arg10[%parallel_loop3A_182, %parallel_loop3A_183] {strides = array<i32>} : memref<16x768xf32, #tpu.memory_space<vmem>>, vector<16xf32>,
        %parallel_loop3A_185 = arith.index_cast %parallel_loop3A_112 : i32 to index
        %parallel_loop3A_186 = arith.constant 80 : index
        %parallel_loop3A_187 = tpu.vector_load %arg12[%parallel_loop3A_185, %parallel_loop3A_186] {strides = array<i32>} : memref<16x768xf32, #tpu.memory_space<vmem>>, vector<16xf32>,
        %parallel_loop3A_188 = arith.addf %parallel_loop3A_184, %parallel_loop3A_187 : vector<16xf32>
        %parallel_loop3A_189 = arith.index_cast %parallel_loop3A_112 : i32 to index
        %parallel_loop3A_190 = arith.constant 80 : index
        %parallel_loop3A_191 = tpu.vector_load %arg10[%parallel_loop3A_189, %parallel_loop3A_190] {strides = array<i32>} : memref<16x768xf32, #tpu.memory_space<vmem>>, vector<16xf32>,
        tpu.vector_store %arg10[%parallel_loop3A_189, %parallel_loop3A_190], %parallel_loop3A_188 {strides = array<i32>} : memref<16x768xf32, #tpu.memory_space<vmem>>, vector<16xf32>,
        %parallel_loop3A_192 = arith.addf %parallel_loop3A_179, %parallel_loop3A_188 : vector<16xf32>
        %parallel_loop3A_193 = arith.mulf %parallel_loop3A_188, %parallel_loop3A_188 : vector<16xf32>
        %parallel_loop3A_194 = arith.addf %parallel_loop3A_181, %parallel_loop3A_193 : vector<16xf32>
        %parallel_loop3A_195 = arith.index_cast %parallel_loop3A_112 : i32 to index
        %parallel_loop3A_196 = arith.constant 96 : index
        %parallel_loop3A_197 = tpu.vector_load %arg10[%parallel_loop3A_195, %parallel_loop3A_196] {strides = array<i32>} : memref<16x768xf32, #tpu.memory_space<vmem>>, vector<16xf32>,
        %parallel_loop3A_198 = arith.index_cast %parallel_loop3A_112 : i32 to index
        %parallel_loop3A_199 = arith.constant 96 : index
        %parallel_loop3A_200 = tpu.vector_load %arg12[%parallel_loop3A_198, %parallel_loop3A_199] {strides = array<i32>} : memref<16x768xf32, #tpu.memory_space<vmem>>, vector<16xf32>,
        %parallel_loop3A_201 = arith.addf %parallel_loop3A_197, %parallel_loop3A_200 : vector<16xf32>
        %parallel_loop3A_202 = arith.index_cast %parallel_loop3A_112 : i32 to index
        %parallel_loop3A_203 = arith.constant 96 : index
        %parallel_loop3A_204 = tpu.vector_load %arg10[%parallel_loop3A_202, %parallel_loop3A_203] {strides = array<i32>} : memref<16x768xf32, #tpu.memory_space<vmem>>, vector<16xf32>,
        tpu.vector_store %arg10[%parallel_loop3A_202, %parallel_loop3A_203], %parallel_loop3A_201 {strides = array<i32>} : memref<16x768xf32, #tpu.memory_space<vmem>>, vector<16xf32>,
        %parallel_loop3A_205 = arith.addf %parallel_loop3A_192, %parallel_loop3A_201 : vector<16xf32>
        %parallel_loop3A_206 = arith.mulf %parallel_loop3A_201, %parallel_loop3A_201 : vector<16xf32>
        %parallel_loop3A_207 = arith.addf %parallel_loop3A_194, %parallel_loop3A_206 : vector<16xf32>
        %parallel_loop3A_208 = arith.index_cast %parallel_loop3A_112 : i32 to index
        %parallel_loop3A_209 = arith.constant 112 : index
        %parallel_loop3A_210 = tpu.vector_load %arg10[%parallel_loop3A_208, %parallel_loop3A_209] {strides = array<i32>} : memref<16x768xf32, #tpu.memory_space<vmem>>, vector<16xf32>,
        %parallel_loop3A_211 = arith.index_cast %parallel_loop3A_112 : i32 to index
        %parallel_loop3A_212 = arith.constant 112 : index
        %parallel_loop3A_213 = tpu.vector_load %arg12[%parallel_loop3A_211, %parallel_loop3A_212] {strides = array<i32>} : memref<16x768xf32, #tpu.memory_space<vmem>>, vector<16xf32>,
        %parallel_loop3A_214 = arith.addf %parallel_loop3A_210, %parallel_loop3A_213 : vector<16xf32>
        %parallel_loop3A_215 = arith.index_cast %parallel_loop3A_112 : i32 to index
        %parallel_loop3A_216 = arith.constant 112 : index
        %parallel_loop3A_217 = tpu.vector_load %arg10[%parallel_loop3A_215, %parallel_loop3A_216] {strides = array<i32>} : memref<16x768xf32, #tpu.memory_space<vmem>>, vector<16xf32>,
        tpu.vector_store %arg10[%parallel_loop3A_215, %parallel_loop3A_216], %parallel_loop3A_214 {strides = array<i32>} : memref<16x768xf32, #tpu.memory_space<vmem>>, vector<16xf32>,
        %parallel_loop3A_218 = arith.addf %parallel_loop3A_205, %parallel_loop3A_214 : vector<16xf32>
        %parallel_loop3A_219 = arith.mulf %parallel_loop3A_214, %parallel_loop3A_214 : vector<16xf32>
        %parallel_loop3A_220 = arith.addf %parallel_loop3A_207, %parallel_loop3A_219 : vector<16xf32>
        %parallel_loop3A_221 = arith.index_cast %parallel_loop3A_112 : i32 to index
        %parallel_loop3A_222 = arith.constant 128 : index
        %parallel_loop3A_223 = tpu.vector_load %arg10[%parallel_loop3A_221, %parallel_loop3A_222] {strides = array<i32>} : memref<16x768xf32, #tpu.memory_space<vmem>>, vector<16xf32>,
        %parallel_loop3A_224 = arith.index_cast %parallel_loop3A_112 : i32 to index
        %parallel_loop3A_225 = arith.constant 128 : index
        %parallel_loop3A_226 = tpu.vector_load %arg12[%parallel_loop3A_224, %parallel_loop3A_225] {strides = array<i32>} : memref<16x768xf32, #tpu.memory_space<vmem>>, vector<16xf32>,
        %parallel_loop3A_227 = arith.addf %parallel_loop3A_223, %parallel_loop3A_226 : vector<16xf32>
        %parallel_loop3A_228 = arith.index_cast %parallel_loop3A_112 : i32 to index
        %parallel_loop3A_229 = arith.constant 128 : index
        %parallel_loop3A_230 = tpu.vector_load %arg10[%parallel_loop3A_228, %parallel_loop3A_229] {strides = array<i32>} : memref<16x768xf32, #tpu.memory_space<vmem>>, vector<16xf32>,
        tpu.vector_store %arg10[%parallel_loop3A_228, %parallel_loop3A_229], %parallel_loop3A_227 {strides = array<i32>} : memref<16x768xf32, #tpu.memory_space<vmem>>, vector<16xf32>,
        %parallel_loop3A_231 = arith.addf %parallel_loop3A_218, %parallel_loop3A_227 : vector<16xf32>
        %parallel_loop3A_232 = arith.mulf %parallel_loop3A_227, %parallel_loop3A_227 : vector<16xf32>
        %parallel_loop3A_233 = arith.addf %parallel_loop3A_220, %parallel_loop3A_232 : vector<16xf32>
        %parallel_loop3A_234 = arith.index_cast %parallel_loop3A_112 : i32 to index
        %parallel_loop3A_235 = arith.constant 144 : index
        %parallel_loop3A_236 = tpu.vector_load %arg10[%parallel_loop3A_234, %parallel_loop3A_235] {strides = array<i32>} : memref<16x768xf32, #tpu.memory_space<vmem>>, vector<16xf32>,
        %parallel_loop3A_237 = arith.index_cast %parallel_loop3A_112 : i32 to index
        %parallel_loop3A_238 = arith.constant 144 : index
        %parallel_loop3A_239 = tpu.vector_load %arg12[%parallel_loop3A_237, %parallel_loop3A_238] {strides = array<i32>} : memref<16x768xf32, #tpu.memory_space<vmem>>, vector<16xf32>,
        %parallel_loop3A_240 = arith.addf %parallel_loop3A_236, %parallel_loop3A_239 : vector<16xf32>
        %parallel_loop3A_241 = arith.index_cast %parallel_loop3A_112 : i32 to index
        %parallel_loop3A_242 = arith.constant 144 : index
        %parallel_loop3A_243 = tpu.vector_load %arg10[%parallel_loop3A_241, %parallel_loop3A_242] {strides = array<i32>} : memref<16x768xf32, #tpu.memory_space<vmem>>, vector<16xf32>,
        tpu.vector_store %arg10[%parallel_loop3A_241, %parallel_loop3A_242], %parallel_loop3A_240 {strides = array<i32>} : memref<16x768xf32, #tpu.memory_space<vmem>>, vector<16xf32>,
        %parallel_loop3A_244 = arith.addf %parallel_loop3A_231, %parallel_loop3A_240 : vector<16xf32>
        %parallel_loop3A_245 = arith.mulf %parallel_loop3A_240, %parallel_loop3A_240 : vector<16xf32>
        %parallel_loop3A_246 = arith.addf %parallel_loop3A_233, %parallel_loop3A_245 : vector<16xf32>
        %parallel_loop3A_247 = arith.index_cast %parallel_loop3A_112 : i32 to index
        %parallel_loop3A_248 = arith.constant 160 : index
        %parallel_loop3A_249 = tpu.vector_load %arg10[%parallel_loop3A_247, %parallel_loop3A_248] {strides = array<i32>} : memref<16x768xf32, #tpu.memory_space<vmem>>, vector<16xf32>,
        %parallel_loop3A_250 = arith.index_cast %parallel_loop3A_112 : i32 to index
        %parallel_loop3A_251 = arith.constant 160 : index
        %parallel_loop3A_252 = tpu.vector_load %arg12[%parallel_loop3A_250, %parallel_loop3A_251] {strides = array<i32>} : memref<16x768xf32, #tpu.memory_space<vmem>>, vector<16xf32>,
        %parallel_loop3A_253 = arith.addf %parallel_loop3A_249, %parallel_loop3A_252 : vector<16xf32>
        %parallel_loop3A_254 = arith.index_cast %parallel_loop3A_112 : i32 to index
        %parallel_loop3A_255 = arith.constant 160 : index
        %parallel_loop3A_256 = tpu.vector_load %arg10[%parallel_loop3A_254, %parallel_loop3A_255] {strides = array<i32>} : memref<16x768xf32, #tpu.memory_space<vmem>>, vector<16xf32>,
        tpu.vector_store %arg10[%parallel_loop3A_254, %parallel_loop3A_255], %parallel_loop3A_253 {strides = array<i32>} : memref<16x768xf32, #tpu.memory_space<vmem>>, vector<16xf32>,
        %parallel_loop3A_257 = arith.addf %parallel_loop3A_244, %parallel_loop3A_253 : vector<16xf32>
        %parallel_loop3A_258 = arith.mulf %parallel_loop3A_253, %parallel_loop3A_253 : vector<16xf32>
        %parallel_loop3A_259 = arith.addf %parallel_loop3A_246, %parallel_loop3A_258 : vector<16xf32>
        %parallel_loop3A_260 = arith.index_cast %parallel_loop3A_112 : i32 to index
        %parallel_loop3A_261 = arith.constant 176 : index
        %parallel_loop3A_262 = tpu.vector_load %arg10[%parallel_loop3A_260, %parallel_loop3A_261] {strides = array<i32>} : memref<16x768xf32, #tpu.memory_space<vmem>>, vector<16xf32>,
        %parallel_loop3A_263 = arith.index_cast %parallel_loop3A_112 : i32 to index
        %parallel_loop3A_264 = arith.constant 176 : index
        %parallel_loop3A_265 = tpu.vector_load %arg12[%parallel_loop3A_263, %parallel_loop3A_264] {strides = array<i32>} : memref<16x768xf32, #tpu.memory_space<vmem>>, vector<16xf32>,
        %parallel_loop3A_266 = arith.addf %parallel_loop3A_262, %parallel_loop3A_265 : vector<16xf32>
        %parallel_loop3A_267 = arith.index_cast %parallel_loop3A_112 : i32 to index
        %parallel_loop3A_268 = arith.constant 176 : index
        %parallel_loop3A_269 = tpu.vector_load %arg10[%parallel_loop3A_267, %parallel_loop3A_268] {strides = array<i32>} : memref<16x768xf32, #tpu.memory_space<vmem>>, vector<16xf32>,
        tpu.vector_store %arg10[%parallel_loop3A_267, %parallel_loop3A_268], %parallel_loop3A_266 {strides = array<i32>} : memref<16x768xf32, #tpu.memory_space<vmem>>, vector<16xf32>,
        %parallel_loop3A_270 = arith.addf %parallel_loop3A_257, %parallel_loop3A_266 : vector<16xf32>
        %parallel_loop3A_271 = arith.mulf %parallel_loop3A_266, %parallel_loop3A_266 : vector<16xf32>
        %parallel_loop3A_272 = arith.addf %parallel_loop3A_259, %parallel_loop3A_271 : vector<16xf32>
        %parallel_loop3A_273 = arith.index_cast %parallel_loop3A_112 : i32 to index
        %parallel_loop3A_274 = arith.constant 192 : index
        %parallel_loop3A_275 = tpu.vector_load %arg10[%parallel_loop3A_273, %parallel_loop3A_274] {strides = array<i32>} : memref<16x768xf32, #tpu.memory_space<vmem>>, vector<16xf32>,
        %parallel_loop3A_276 = arith.index_cast %parallel_loop3A_112 : i32 to index
        %parallel_loop3A_277 = arith.constant 192 : index
        %parallel_loop3A_278 = tpu.vector_load %arg12[%parallel_loop3A_276, %parallel_loop3A_277] {strides = array<i32>} : memref<16x768xf32, #tpu.memory_space<vmem>>, vector<16xf32>,
        %parallel_loop3A_279 = arith.addf %parallel_loop3A_275, %parallel_loop3A_278 : vector<16xf32>
        %parallel_loop3A_280 = arith.index_cast %parallel_loop3A_112 : i32 to index
        %parallel_loop3A_281 = arith.constant 192 : index
        %parallel_loop3A_282 = tpu.vector_load %arg10[%parallel_loop3A_280, %parallel_loop3A_281] {strides = array<i32>} : memref<16x768xf32, #tpu.memory_space<vmem>>, vector<16xf32>,
        tpu.vector_store %arg10[%parallel_loop3A_280, %parallel_loop3A_281], %parallel_loop3A_279 {strides = array<i32>} : memref<16x768xf32, #tpu.memory_space<vmem>>, vector<16xf32>,
        %parallel_loop3A_283 = arith.addf %parallel_loop3A_270, %parallel_loop3A_279 : vector<16xf32>
        %parallel_loop3A_284 = arith.mulf %parallel_loop3A_279, %parallel_loop3A_279 : vector<16xf32>
        %parallel_loop3A_285 = arith.addf %parallel_loop3A_272, %parallel_loop3A_284 : vector<16xf32>
        %parallel_loop3A_286 = arith.index_cast %parallel_loop3A_112 : i32 to index
        %parallel_loop3A_287 = arith.constant 208 : index
        %parallel_loop3A_288 = tpu.vector_load %arg10[%parallel_loop3A_286, %parallel_loop3A_287] {strides = array<i32>} : memref<16x768xf32, #tpu.memory_space<vmem>>, vector<16xf32>,
        %parallel_loop3A_289 = arith.index_cast %parallel_loop3A_112 : i32 to index
        %parallel_loop3A_290 = arith.constant 208 : index
        %parallel_loop3A_291 = tpu.vector_load %arg12[%parallel_loop3A_289, %parallel_loop3A_290] {strides = array<i32>} : memref<16x768xf32, #tpu.memory_space<vmem>>, vector<16xf32>,
        %parallel_loop3A_292 = arith.addf %parallel_loop3A_288, %parallel_loop3A_291 : vector<16xf32>
        %parallel_loop3A_293 = arith.index_cast %parallel_loop3A_112 : i32 to index
        %parallel_loop3A_294 = arith.constant 208 : index
        %parallel_loop3A_295 = tpu.vector_load %arg10[%parallel_loop3A_293, %parallel_loop3A_294] {strides = array<i32>} : memref<16x768xf32, #tpu.memory_space<vmem>>, vector<16xf32>,
        tpu.vector_store %arg10[%parallel_loop3A_293, %parallel_loop3A_294], %parallel_loop3A_292 {strides = array<i32>} : memref<16x768xf32, #tpu.memory_space<vmem>>, vector<16xf32>,
        %parallel_loop3A_296 = arith.addf %parallel_loop3A_283, %parallel_loop3A_292 : vector<16xf32>
        %parallel_loop3A_297 = arith.mulf %parallel_loop3A_292, %parallel_loop3A_292 : vector<16xf32>
        %parallel_loop3A_298 = arith.addf %parallel_loop3A_285, %parallel_loop3A_297 : vector<16xf32>
        %parallel_loop3A_299 = arith.index_cast %parallel_loop3A_112 : i32 to index
        %parallel_loop3A_300 = arith.constant 224 : index
        %parallel_loop3A_301 = tpu.vector_load %arg10[%parallel_loop3A_299, %parallel_loop3A_300] {strides = array<i32>} : memref<16x768xf32, #tpu.memory_space<vmem>>, vector<16xf32>,
        %parallel_loop3A_302 = arith.index_cast %parallel_loop3A_112 : i32 to index
        %parallel_loop3A_303 = arith.constant 224 : index
        %parallel_loop3A_304 = tpu.vector_load %arg12[%parallel_loop3A_302, %parallel_loop3A_303] {strides = array<i32>} : memref<16x768xf32, #tpu.memory_space<vmem>>, vector<16xf32>,
        %parallel_loop3A_305 = arith.addf %parallel_loop3A_301, %parallel_loop3A_304 : vector<16xf32>
        %parallel_loop3A_306 = arith.index_cast %parallel_loop3A_112 : i32 to index
        %parallel_loop3A_307 = arith.constant 224 : index
        %parallel_loop3A_308 = tpu.vector_load %arg10[%parallel_loop3A_306, %parallel_loop3A_307] {strides = array<i32>} : memref<16x768xf32, #tpu.memory_space<vmem>>, vector<16xf32>,
        tpu.vector_store %arg10[%parallel_loop3A_306, %parallel_loop3A_307], %parallel_loop3A_305 {strides = array<i32>} : memref<16x768xf32, #tpu.memory_space<vmem>>, vector<16xf32>,
        %parallel_loop3A_309 = arith.addf %parallel_loop3A_296, %parallel_loop3A_305 : vector<16xf32>
        %parallel_loop3A_310 = arith.mulf %parallel_loop3A_305, %parallel_loop3A_305 : vector<16xf32>
        %parallel_loop3A_311 = arith.addf %parallel_loop3A_298, %parallel_loop3A_310 : vector<16xf32>
        %parallel_loop3A_312 = arith.index_cast %parallel_loop3A_112 : i32 to index
        %parallel_loop3A_313 = arith.constant 240 : index
        %parallel_loop3A_314 = tpu.vector_load %arg10[%parallel_loop3A_312, %parallel_loop3A_313] {strides = array<i32>} : memref<16x768xf32, #tpu.memory_space<vmem>>, vector<16xf32>,
        %parallel_loop3A_315 = arith.index_cast %parallel_loop3A_112 : i32 to index
        %parallel_loop3A_316 = arith.constant 240 : index
        %parallel_loop3A_317 = tpu.vector_load %arg12[%parallel_loop3A_315, %parallel_loop3A_316] {strides = array<i32>} : memref<16x768xf32, #tpu.memory_space<vmem>>, vector<16xf32>,
        %parallel_loop3A_318 = arith.addf %parallel_loop3A_314, %parallel_loop3A_317 : vector<16xf32>
        %parallel_loop3A_319 = arith.index_cast %parallel_loop3A_112 : i32 to index
        %parallel_loop3A_320 = arith.constant 240 : index
        %parallel_loop3A_321 = tpu.vector_load %arg10[%parallel_loop3A_319, %parallel_loop3A_320] {strides = array<i32>} : memref<16x768xf32, #tpu.memory_space<vmem>>, vector<16xf32>,
        tpu.vector_store %arg10[%parallel_loop3A_319, %parallel_loop3A_320], %parallel_loop3A_318 {strides = array<i32>} : memref<16x768xf32, #tpu.memory_space<vmem>>, vector<16xf32>,
        %parallel_loop3A_322 = arith.addf %parallel_loop3A_309, %parallel_loop3A_318 : vector<16xf32>
        %parallel_loop3A_323 = arith.mulf %parallel_loop3A_318, %parallel_loop3A_318 : vector<16xf32>
        %parallel_loop3A_324 = arith.addf %parallel_loop3A_311, %parallel_loop3A_323 : vector<16xf32>
        %parallel_loop3A_325 = arith.index_cast %parallel_loop3A_112 : i32 to index
        %parallel_loop3A_326 = arith.constant 256 : index
        %parallel_loop3A_327 = tpu.vector_load %arg10[%parallel_loop3A_325, %parallel_loop3A_326] {strides = array<i32>} : memref<16x768xf32, #tpu.memory_space<vmem>>, vector<16xf32>,
        %parallel_loop3A_328 = arith.index_cast %parallel_loop3A_112 : i32 to index
        %parallel_loop3A_329 = arith.constant 256 : index
        %parallel_loop3A_330 = tpu.vector_load %arg12[%parallel_loop3A_328, %parallel_loop3A_329] {strides = array<i32>} : memref<16x768xf32, #tpu.memory_space<vmem>>, vector<16xf32>,
        %parallel_loop3A_331 = arith.addf %parallel_loop3A_327, %parallel_loop3A_330 : vector<16xf32>
        %parallel_loop3A_332 = arith.index_cast %parallel_loop3A_112 : i32 to index
        %parallel_loop3A_333 = arith.constant 256 : index
        %parallel_loop3A_334 = tpu.vector_load %arg10[%parallel_loop3A_332, %parallel_loop3A_333] {strides = array<i32>} : memref<16x768xf32, #tpu.memory_space<vmem>>, vector<16xf32>,
        tpu.vector_store %arg10[%parallel_loop3A_332, %parallel_loop3A_333], %parallel_loop3A_331 {strides = array<i32>} : memref<16x768xf32, #tpu.memory_space<vmem>>, vector<16xf32>,
        %parallel_loop3A_335 = arith.addf %parallel_loop3A_322, %parallel_loop3A_331 : vector<16xf32>
        %parallel_loop3A_336 = arith.mulf %parallel_loop3A_331, %parallel_loop3A_331 : vector<16xf32>
        %parallel_loop3A_337 = arith.addf %parallel_loop3A_324, %parallel_loop3A_336 : vector<16xf32>
        %parallel_loop3A_338 = arith.index_cast %parallel_loop3A_112 : i32 to index
        %parallel_loop3A_339 = arith.constant 272 : index
        %parallel_loop3A_340 = tpu.vector_load %arg10[%parallel_loop3A_338, %parallel_loop3A_339] {strides = array<i32>} : memref<16x768xf32, #tpu.memory_space<vmem>>, vector<16xf32>,
        %parallel_loop3A_341 = arith.index_cast %parallel_loop3A_112 : i32 to index
        %parallel_loop3A_342 = arith.constant 272 : index
        %parallel_loop3A_343 = tpu.vector_load %arg12[%parallel_loop3A_341, %parallel_loop3A_342] {strides = array<i32>} : memref<16x768xf32, #tpu.memory_space<vmem>>, vector<16xf32>,
        %parallel_loop3A_344 = arith.addf %parallel_loop3A_340, %parallel_loop3A_343 : vector<16xf32>
        %parallel_loop3A_345 = arith.index_cast %parallel_loop3A_112 : i32 to index
        %parallel_loop3A_346 = arith.constant 272 : index
        %parallel_loop3A_347 = tpu.vector_load %arg10[%parallel_loop3A_345, %parallel_loop3A_346] {strides = array<i32>} : memref<16x768xf32, #tpu.memory_space<vmem>>, vector<16xf32>,
        tpu.vector_store %arg10[%parallel_loop3A_345, %parallel_loop3A_346], %parallel_loop3A_344 {strides = array<i32>} : memref<16x768xf32, #tpu.memory_space<vmem>>, vector<16xf32>,
        %parallel_loop3A_348 = arith.addf %parallel_loop3A_335, %parallel_loop3A_344 : vector<16xf32>
        %parallel_loop3A_349 = arith.mulf %parallel_loop3A_344, %parallel_loop3A_344 : vector<16xf32>
        %parallel_loop3A_350 = arith.addf %parallel_loop3A_337, %parallel_loop3A_349 : vector<16xf32>
        %parallel_loop3A_351 = arith.index_cast %parallel_loop3A_112 : i32 to index
        %parallel_loop3A_352 = arith.constant 288 : index
        %parallel_loop3A_353 = tpu.vector_load %arg10[%parallel_loop3A_351, %parallel_loop3A_352] {strides = array<i32>} : memref<16x768xf32, #tpu.memory_space<vmem>>, vector<16xf32>,
        %parallel_loop3A_354 = arith.index_cast %parallel_loop3A_112 : i32 to index
        %parallel_loop3A_355 = arith.constant 288 : index
        %parallel_loop3A_356 = tpu.vector_load %arg12[%parallel_loop3A_354, %parallel_loop3A_355] {strides = array<i32>} : memref<16x768xf32, #tpu.memory_space<vmem>>, vector<16xf32>,
        %parallel_loop3A_357 = arith.addf %parallel_loop3A_353, %parallel_loop3A_356 : vector<16xf32>
        %parallel_loop3A_358 = arith.index_cast %parallel_loop3A_112 : i32 to index
        %parallel_loop3A_359 = arith.constant 288 : index
        %parallel_loop3A_360 = tpu.vector_load %arg10[%parallel_loop3A_358, %parallel_loop3A_359] {strides = array<i32>} : memref<16x768xf32, #tpu.memory_space<vmem>>, vector<16xf32>,
        tpu.vector_store %arg10[%parallel_loop3A_358, %parallel_loop3A_359], %parallel_loop3A_357 {strides = array<i32>} : memref<16x768xf32, #tpu.memory_space<vmem>>, vector<16xf32>,
        %parallel_loop3A_361 = arith.addf %parallel_loop3A_348, %parallel_loop3A_357 : vector<16xf32>
        %parallel_loop3A_362 = arith.mulf %parallel_loop3A_357, %parallel_loop3A_357 : vector<16xf32>
        %parallel_loop3A_363 = arith.addf %parallel_loop3A_350, %parallel_loop3A_362 : vector<16xf32>
        %parallel_loop3A_364 = arith.index_cast %parallel_loop3A_112 : i32 to index
        %parallel_loop3A_365 = arith.constant 304 : index
        %parallel_loop3A_366 = tpu.vector_load %arg10[%parallel_loop3A_364, %parallel_loop3A_365] {strides = array<i32>} : memref<16x768xf32, #tpu.memory_space<vmem>>, vector<16xf32>,
        %parallel_loop3A_367 = arith.index_cast %parallel_loop3A_112 : i32 to index
        %parallel_loop3A_368 = arith.constant 304 : index
        %parallel_loop3A_369 = tpu.vector_load %arg12[%parallel_loop3A_367, %parallel_loop3A_368] {strides = array<i32>} : memref<16x768xf32, #tpu.memory_space<vmem>>, vector<16xf32>,
        %parallel_loop3A_370 = arith.addf %parallel_loop3A_366, %parallel_loop3A_369 : vector<16xf32>
        %parallel_loop3A_371 = arith.index_cast %parallel_loop3A_112 : i32 to index
        %parallel_loop3A_372 = arith.constant 304 : index
        %parallel_loop3A_373 = tpu.vector_load %arg10[%parallel_loop3A_371, %parallel_loop3A_372] {strides = array<i32>} : memref<16x768xf32, #tpu.memory_space<vmem>>, vector<16xf32>,
        tpu.vector_store %arg10[%parallel_loop3A_371, %parallel_loop3A_372], %parallel_loop3A_370 {strides = array<i32>} : memref<16x768xf32, #tpu.memory_space<vmem>>, vector<16xf32>,
        %parallel_loop3A_374 = arith.addf %parallel_loop3A_361, %parallel_loop3A_370 : vector<16xf32>
        %parallel_loop3A_375 = arith.mulf %parallel_loop3A_370, %parallel_loop3A_370 : vector<16xf32>
        %parallel_loop3A_376 = arith.addf %parallel_loop3A_363, %parallel_loop3A_375 : vector<16xf32>
        %parallel_loop3A_377 = arith.index_cast %parallel_loop3A_112 : i32 to index
        %parallel_loop3A_378 = arith.constant 320 : index
        %parallel_loop3A_379 = tpu.vector_load %arg10[%parallel_loop3A_377, %parallel_loop3A_378] {strides = array<i32>} : memref<16x768xf32, #tpu.memory_space<vmem>>, vector<16xf32>,
        %parallel_loop3A_380 = arith.index_cast %parallel_loop3A_112 : i32 to index
        %parallel_loop3A_381 = arith.constant 320 : index
        %parallel_loop3A_382 = tpu.vector_load %arg12[%parallel_loop3A_380, %parallel_loop3A_381] {strides = array<i32>} : memref<16x768xf32, #tpu.memory_space<vmem>>, vector<16xf32>,
        %parallel_loop3A_383 = arith.addf %parallel_loop3A_379, %parallel_loop3A_382 : vector<16xf32>
        %parallel_loop3A_384 = arith.index_cast %parallel_loop3A_112 : i32 to index
        %parallel_loop3A_385 = arith.constant 320 : index
        %parallel_loop3A_386 = tpu.vector_load %arg10[%parallel_loop3A_384, %parallel_loop3A_385] {strides = array<i32>} : memref<16x768xf32, #tpu.memory_space<vmem>>, vector<16xf32>,
        tpu.vector_store %arg10[%parallel_loop3A_384, %parallel_loop3A_385], %parallel_loop3A_383 {strides = array<i32>} : memref<16x768xf32, #tpu.memory_space<vmem>>, vector<16xf32>,
        %parallel_loop3A_387 = arith.addf %parallel_loop3A_374, %parallel_loop3A_383 : vector<16xf32>
        %parallel_loop3A_388 = arith.mulf %parallel_loop3A_383, %parallel_loop3A_383 : vector<16xf32>
        %parallel_loop3A_389 = arith.addf %parallel_loop3A_376, %parallel_loop3A_388 : vector<16xf32>
        %parallel_loop3A_390 = arith.index_cast %parallel_loop3A_112 : i32 to index
        %parallel_loop3A_391 = arith.constant 336 : index
        %parallel_loop3A_392 = tpu.vector_load %arg10[%parallel_loop3A_390, %parallel_loop3A_391] {strides = array<i32>} : memref<16x768xf32, #tpu.memory_space<vmem>>, vector<16xf32>,
        %parallel_loop3A_393 = arith.index_cast %parallel_loop3A_112 : i32 to index
        %parallel_loop3A_394 = arith.constant 336 : index
        %parallel_loop3A_395 = tpu.vector_load %arg12[%parallel_loop3A_393, %parallel_loop3A_394] {strides = array<i32>} : memref<16x768xf32, #tpu.memory_space<vmem>>, vector<16xf32>,
        %parallel_loop3A_396 = arith.addf %parallel_loop3A_392, %parallel_loop3A_395 : vector<16xf32>
        %parallel_loop3A_397 = arith.index_cast %parallel_loop3A_112 : i32 to index
        %parallel_loop3A_398 = arith.constant 336 : index
        %parallel_loop3A_399 = tpu.vector_load %arg10[%parallel_loop3A_397, %parallel_loop3A_398] {strides = array<i32>} : memref<16x768xf32, #tpu.memory_space<vmem>>, vector<16xf32>,
        tpu.vector_store %arg10[%parallel_loop3A_397, %parallel_loop3A_398], %parallel_loop3A_396 {strides = array<i32>} : memref<16x768xf32, #tpu.memory_space<vmem>>, vector<16xf32>,
        %parallel_loop3A_400 = arith.addf %parallel_loop3A_387, %parallel_loop3A_396 : vector<16xf32>
        %parallel_loop3A_401 = arith.mulf %parallel_loop3A_396, %parallel_loop3A_396 : vector<16xf32>
        %parallel_loop3A_402 = arith.addf %parallel_loop3A_389, %parallel_loop3A_401 : vector<16xf32>
        %parallel_loop3A_403 = arith.index_cast %parallel_loop3A_112 : i32 to index
        %parallel_loop3A_404 = arith.constant 352 : index
        %parallel_loop3A_405 = tpu.vector_load %arg10[%parallel_loop3A_403, %parallel_loop3A_404] {strides = array<i32>} : memref<16x768xf32, #tpu.memory_space<vmem>>, vector<16xf32>,
        %parallel_loop3A_406 = arith.index_cast %parallel_loop3A_112 : i32 to index
        %parallel_loop3A_407 = arith.constant 352 : index
        %parallel_loop3A_408 = tpu.vector_load %arg12[%parallel_loop3A_406, %parallel_loop3A_407] {strides = array<i32>} : memref<16x768xf32, #tpu.memory_space<vmem>>, vector<16xf32>,
        %parallel_loop3A_409 = arith.addf %parallel_loop3A_405, %parallel_loop3A_408 : vector<16xf32>
        %parallel_loop3A_410 = arith.index_cast %parallel_loop3A_112 : i32 to index
        %parallel_loop3A_411 = arith.constant 352 : index
        %parallel_loop3A_412 = tpu.vector_load %arg10[%parallel_loop3A_410, %parallel_loop3A_411] {strides = array<i32>} : memref<16x768xf32, #tpu.memory_space<vmem>>, vector<16xf32>,
        tpu.vector_store %arg10[%parallel_loop3A_410, %parallel_loop3A_411], %parallel_loop3A_409 {strides = array<i32>} : memref<16x768xf32, #tpu.memory_space<vmem>>, vector<16xf32>,
        %parallel_loop3A_413 = arith.addf %parallel_loop3A_400, %parallel_loop3A_409 : vector<16xf32>
        %parallel_loop3A_414 = arith.mulf %parallel_loop3A_409, %parallel_loop3A_409 : vector<16xf32>
        %parallel_loop3A_415 = arith.addf %parallel_loop3A_402, %parallel_loop3A_414 : vector<16xf32>
        %parallel_loop3A_416 = arith.index_cast %parallel_loop3A_112 : i32 to index
        %parallel_loop3A_417 = arith.constant 368 : index
        %parallel_loop3A_418 = tpu.vector_load %arg10[%parallel_loop3A_416, %parallel_loop3A_417] {strides = array<i32>} : memref<16x768xf32, #tpu.memory_space<vmem>>, vector<16xf32>,
        %parallel_loop3A_419 = arith.index_cast %parallel_loop3A_112 : i32 to index
        %parallel_loop3A_420 = arith.constant 368 : index
        %parallel_loop3A_421 = tpu.vector_load %arg12[%parallel_loop3A_419, %parallel_loop3A_420] {strides = array<i32>} : memref<16x768xf32, #tpu.memory_space<vmem>>, vector<16xf32>,
        %parallel_loop3A_422 = arith.addf %parallel_loop3A_418, %parallel_loop3A_421 : vector<16xf32>
        %parallel_loop3A_423 = arith.index_cast %parallel_loop3A_112 : i32 to index
        %parallel_loop3A_424 = arith.constant 368 : index
        %parallel_loop3A_425 = tpu.vector_load %arg10[%parallel_loop3A_423, %parallel_loop3A_424] {strides = array<i32>} : memref<16x768xf32, #tpu.memory_space<vmem>>, vector<16xf32>,
        tpu.vector_store %arg10[%parallel_loop3A_423, %parallel_loop3A_424], %parallel_loop3A_422 {strides = array<i32>} : memref<16x768xf32, #tpu.memory_space<vmem>>, vector<16xf32>,
        %parallel_loop3A_426 = arith.addf %parallel_loop3A_413, %parallel_loop3A_422 : vector<16xf32>
        %parallel_loop3A_427 = arith.mulf %parallel_loop3A_422, %parallel_loop3A_422 : vector<16xf32>
        %parallel_loop3A_428 = arith.addf %parallel_loop3A_415, %parallel_loop3A_427 : vector<16xf32>
        %parallel_loop3A_429 = arith.index_cast %parallel_loop3A_112 : i32 to index
        %parallel_loop3A_430 = arith.constant 384 : index
        %parallel_loop3A_431 = tpu.vector_load %arg10[%parallel_loop3A_429, %parallel_loop3A_430] {strides = array<i32>} : memref<16x768xf32, #tpu.memory_space<vmem>>, vector<16xf32>,
        %parallel_loop3A_432 = arith.index_cast %parallel_loop3A_112 : i32 to index
        %parallel_loop3A_433 = arith.constant 384 : index
        %parallel_loop3A_434 = tpu.vector_load %arg12[%parallel_loop3A_432, %parallel_loop3A_433] {strides = array<i32>} : memref<16x768xf32, #tpu.memory_space<vmem>>, vector<16xf32>,
        %parallel_loop3A_435 = arith.addf %parallel_loop3A_431, %parallel_loop3A_434 : vector<16xf32>
        %parallel_loop3A_436 = arith.index_cast %parallel_loop3A_112 : i32 to index
        %parallel_loop3A_437 = arith.constant 384 : index
        %parallel_loop3A_438 = tpu.vector_load %arg10[%parallel_loop3A_436, %parallel_loop3A_437] {strides = array<i32>} : memref<16x768xf32, #tpu.memory_space<vmem>>, vector<16xf32>,
        tpu.vector_store %arg10[%parallel_loop3A_436, %parallel_loop3A_437], %parallel_loop3A_435 {strides = array<i32>} : memref<16x768xf32, #tpu.memory_space<vmem>>, vector<16xf32>,
        %parallel_loop3A_439 = arith.addf %parallel_loop3A_426, %parallel_loop3A_435 : vector<16xf32>
        %parallel_loop3A_440 = arith.mulf %parallel_loop3A_435, %parallel_loop3A_435 : vector<16xf32>
        %parallel_loop3A_441 = arith.addf %parallel_loop3A_428, %parallel_loop3A_440 : vector<16xf32>
        %parallel_loop3A_442 = arith.index_cast %parallel_loop3A_112 : i32 to index
        %parallel_loop3A_443 = arith.constant 400 : index
        %parallel_loop3A_444 = tpu.vector_load %arg10[%parallel_loop3A_442, %parallel_loop3A_443] {strides = array<i32>} : memref<16x768xf32, #tpu.memory_space<vmem>>, vector<16xf32>,
        %parallel_loop3A_445 = arith.index_cast %parallel_loop3A_112 : i32 to index
        %parallel_loop3A_446 = arith.constant 400 : index
        %parallel_loop3A_447 = tpu.vector_load %arg12[%parallel_loop3A_445, %parallel_loop3A_446] {strides = array<i32>} : memref<16x768xf32, #tpu.memory_space<vmem>>, vector<16xf32>,
        %parallel_loop3A_448 = arith.addf %parallel_loop3A_444, %parallel_loop3A_447 : vector<16xf32>
        %parallel_loop3A_449 = arith.index_cast %parallel_loop3A_112 : i32 to index
        %parallel_loop3A_450 = arith.constant 400 : index
        %parallel_loop3A_451 = tpu.vector_load %arg10[%parallel_loop3A_449, %parallel_loop3A_450] {strides = array<i32>} : memref<16x768xf32, #tpu.memory_space<vmem>>, vector<16xf32>,
        tpu.vector_store %arg10[%parallel_loop3A_449, %parallel_loop3A_450], %parallel_loop3A_448 {strides = array<i32>} : memref<16x768xf32, #tpu.memory_space<vmem>>, vector<16xf32>,
        %parallel_loop3A_452 = arith.addf %parallel_loop3A_439, %parallel_loop3A_448 : vector<16xf32>
        %parallel_loop3A_453 = arith.mulf %parallel_loop3A_448, %parallel_loop3A_448 : vector<16xf32>
        %parallel_loop3A_454 = arith.addf %parallel_loop3A_441, %parallel_loop3A_453 : vector<16xf32>
        %parallel_loop3A_455 = arith.index_cast %parallel_loop3A_112 : i32 to index
        %parallel_loop3A_456 = arith.constant 416 : index
        %parallel_loop3A_457 = tpu.vector_load %arg10[%parallel_loop3A_455, %parallel_loop3A_456] {strides = array<i32>} : memref<16x768xf32, #tpu.memory_space<vmem>>, vector<16xf32>,
        %parallel_loop3A_458 = arith.index_cast %parallel_loop3A_112 : i32 to index
        %parallel_loop3A_459 = arith.constant 416 : index
        %parallel_loop3A_460 = tpu.vector_load %arg12[%parallel_loop3A_458, %parallel_loop3A_459] {strides = array<i32>} : memref<16x768xf32, #tpu.memory_space<vmem>>, vector<16xf32>,
        %parallel_loop3A_461 = arith.addf %parallel_loop3A_457, %parallel_loop3A_460 : vector<16xf32>
        %parallel_loop3A_462 = arith.index_cast %parallel_loop3A_112 : i32 to index
        %parallel_loop3A_463 = arith.constant 416 : index
        %parallel_loop3A_464 = tpu.vector_load %arg10[%parallel_loop3A_462, %parallel_loop3A_463] {strides = array<i32>} : memref<16x768xf32, #tpu.memory_space<vmem>>, vector<16xf32>,
        tpu.vector_store %arg10[%parallel_loop3A_462, %parallel_loop3A_463], %parallel_loop3A_461 {strides = array<i32>} : memref<16x768xf32, #tpu.memory_space<vmem>>, vector<16xf32>,
        %parallel_loop3A_465 = arith.addf %parallel_loop3A_452, %parallel_loop3A_461 : vector<16xf32>
        %parallel_loop3A_466 = arith.mulf %parallel_loop3A_461, %parallel_loop3A_461 : vector<16xf32>
        %parallel_loop3A_467 = arith.addf %parallel_loop3A_454, %parallel_loop3A_466 : vector<16xf32>
        %parallel_loop3A_468 = arith.index_cast %parallel_loop3A_112 : i32 to index
        %parallel_loop3A_469 = arith.constant 432 : index
        %parallel_loop3A_470 = tpu.vector_load %arg10[%parallel_loop3A_468, %parallel_loop3A_469] {strides = array<i32>} : memref<16x768xf32, #tpu.memory_space<vmem>>, vector<16xf32>,
        %parallel_loop3A_471 = arith.index_cast %parallel_loop3A_112 : i32 to index
        %parallel_loop3A_472 = arith.constant 432 : index
        %parallel_loop3A_473 = tpu.vector_load %arg12[%parallel_loop3A_471, %parallel_loop3A_472] {strides = array<i32>} : memref<16x768xf32, #tpu.memory_space<vmem>>, vector<16xf32>,
        %parallel_loop3A_474 = arith.addf %parallel_loop3A_470, %parallel_loop3A_473 : vector<16xf32>
        %parallel_loop3A_475 = arith.index_cast %parallel_loop3A_112 : i32 to index
        %parallel_loop3A_476 = arith.constant 432 : index
        %parallel_loop3A_477 = tpu.vector_load %arg10[%parallel_loop3A_475, %parallel_loop3A_476] {strides = array<i32>} : memref<16x768xf32, #tpu.memory_space<vmem>>, vector<16xf32>,
        tpu.vector_store %arg10[%parallel_loop3A_475, %parallel_loop3A_476], %parallel_loop3A_474 {strides = array<i32>} : memref<16x768xf32, #tpu.memory_space<vmem>>, vector<16xf32>,
        %parallel_loop3A_478 = arith.addf %parallel_loop3A_465, %parallel_loop3A_474 : vector<16xf32>
        %parallel_loop3A_479 = arith.mulf %parallel_loop3A_474, %parallel_loop3A_474 : vector<16xf32>
        %parallel_loop3A_480 = arith.addf %parallel_loop3A_467, %parallel_loop3A_479 : vector<16xf32>
        %parallel_loop3A_481 = arith.index_cast %parallel_loop3A_112 : i32 to index
        %parallel_loop3A_482 = arith.constant 448 : index
        %parallel_loop3A_483 = tpu.vector_load %arg10[%parallel_loop3A_481, %parallel_loop3A_482] {strides = array<i32>} : memref<16x768xf32, #tpu.memory_space<vmem>>, vector<16xf32>,
        %parallel_loop3A_484 = arith.index_cast %parallel_loop3A_112 : i32 to index
        %parallel_loop3A_485 = arith.constant 448 : index
        %parallel_loop3A_486 = tpu.vector_load %arg12[%parallel_loop3A_484, %parallel_loop3A_485] {strides = array<i32>} : memref<16x768xf32, #tpu.memory_space<vmem>>, vector<16xf32>,
        %parallel_loop3A_487 = arith.addf %parallel_loop3A_483, %parallel_loop3A_486 : vector<16xf32>
        %parallel_loop3A_488 = arith.index_cast %parallel_loop3A_112 : i32 to index
        %parallel_loop3A_489 = arith.constant 448 : index
        %parallel_loop3A_490 = tpu.vector_load %arg10[%parallel_loop3A_488, %parallel_loop3A_489] {strides = array<i32>} : memref<16x768xf32, #tpu.memory_space<vmem>>, vector<16xf32>,
        tpu.vector_store %arg10[%parallel_loop3A_488, %parallel_loop3A_489], %parallel_loop3A_487 {strides = array<i32>} : memref<16x768xf32, #tpu.memory_space<vmem>>, vector<16xf32>,
        %parallel_loop3A_491 = arith.addf %parallel_loop3A_478, %parallel_loop3A_487 : vector<16xf32>
        %parallel_loop3A_492 = arith.mulf %parallel_loop3A_487, %parallel_loop3A_487 : vector<16xf32>
        %parallel_loop3A_493 = arith.addf %parallel_loop3A_480, %parallel_loop3A_492 : vector<16xf32>
        %parallel_loop3A_494 = arith.index_cast %parallel_loop3A_112 : i32 to index
        %parallel_loop3A_495 = arith.constant 464 : index
        %parallel_loop3A_496 = tpu.vector_load %arg10[%parallel_loop3A_494, %parallel_loop3A_495] {strides = array<i32>} : memref<16x768xf32, #tpu.memory_space<vmem>>, vector<16xf32>,
        %parallel_loop3A_497 = arith.index_cast %parallel_loop3A_112 : i32 to index
        %parallel_loop3A_498 = arith.constant 464 : index
        %parallel_loop3A_499 = tpu.vector_load %arg12[%parallel_loop3A_497, %parallel_loop3A_498] {strides = array<i32>} : memref<16x768xf32, #tpu.memory_space<vmem>>, vector<16xf32>,
        %parallel_loop3A_500 = arith.addf %parallel_loop3A_496, %parallel_loop3A_499 : vector<16xf32>
        %parallel_loop3A_501 = arith.index_cast %parallel_loop3A_112 : i32 to index
        %parallel_loop3A_502 = arith.constant 464 : index
        %parallel_loop3A_503 = tpu.vector_load %arg10[%parallel_loop3A_501, %parallel_loop3A_502] {strides = array<i32>} : memref<16x768xf32, #tpu.memory_space<vmem>>, vector<16xf32>,
        tpu.vector_store %arg10[%parallel_loop3A_501, %parallel_loop3A_502], %parallel_loop3A_500 {strides = array<i32>} : memref<16x768xf32, #tpu.memory_space<vmem>>, vector<16xf32>,
        %parallel_loop3A_504 = arith.addf %parallel_loop3A_491, %parallel_loop3A_500 : vector<16xf32>
        %parallel_loop3A_505 = arith.mulf %parallel_loop3A_500, %parallel_loop3A_500 : vector<16xf32>
        %parallel_loop3A_506 = arith.addf %parallel_loop3A_493, %parallel_loop3A_505 : vector<16xf32>
        %parallel_loop3A_507 = arith.index_cast %parallel_loop3A_112 : i32 to index
        %parallel_loop3A_508 = arith.constant 480 : index
        %parallel_loop3A_509 = tpu.vector_load %arg10[%parallel_loop3A_507, %parallel_loop3A_508] {strides = array<i32>} : memref<16x768xf32, #tpu.memory_space<vmem>>, vector<16xf32>,
        %parallel_loop3A_510 = arith.index_cast %parallel_loop3A_112 : i32 to index
        %parallel_loop3A_511 = arith.constant 480 : index
        %parallel_loop3A_512 = tpu.vector_load %arg12[%parallel_loop3A_510, %parallel_loop3A_511] {strides = array<i32>} : memref<16x768xf32, #tpu.memory_space<vmem>>, vector<16xf32>,
        %parallel_loop3A_513 = arith.addf %parallel_loop3A_509, %parallel_loop3A_512 : vector<16xf32>
        %parallel_loop3A_514 = arith.index_cast %parallel_loop3A_112 : i32 to index
        %parallel_loop3A_515 = arith.constant 480 : index
        %parallel_loop3A_516 = tpu.vector_load %arg10[%parallel_loop3A_514, %parallel_loop3A_515] {strides = array<i32>} : memref<16x768xf32, #tpu.memory_space<vmem>>, vector<16xf32>,
        tpu.vector_store %arg10[%parallel_loop3A_514, %parallel_loop3A_515], %parallel_loop3A_513 {strides = array<i32>} : memref<16x768xf32, #tpu.memory_space<vmem>>, vector<16xf32>,
        %parallel_loop3A_517 = arith.addf %parallel_loop3A_504, %parallel_loop3A_513 : vector<16xf32>
        %parallel_loop3A_518 = arith.mulf %parallel_loop3A_513, %parallel_loop3A_513 : vector<16xf32>
        %parallel_loop3A_519 = arith.addf %parallel_loop3A_506, %parallel_loop3A_518 : vector<16xf32>
        %parallel_loop3A_520 = arith.index_cast %parallel_loop3A_112 : i32 to index
        %parallel_loop3A_521 = arith.constant 496 : index
        %parallel_loop3A_522 = tpu.vector_load %arg10[%parallel_loop3A_520, %parallel_loop3A_521] {strides = array<i32>} : memref<16x768xf32, #tpu.memory_space<vmem>>, vector<16xf32>,
        %parallel_loop3A_523 = arith.index_cast %parallel_loop3A_112 : i32 to index
        %parallel_loop3A_524 = arith.constant 496 : index
        %parallel_loop3A_525 = tpu.vector_load %arg12[%parallel_loop3A_523, %parallel_loop3A_524] {strides = array<i32>} : memref<16x768xf32, #tpu.memory_space<vmem>>, vector<16xf32>,
        %parallel_loop3A_526 = arith.addf %parallel_loop3A_522, %parallel_loop3A_525 : vector<16xf32>
        %parallel_loop3A_527 = arith.index_cast %parallel_loop3A_112 : i32 to index
        %parallel_loop3A_528 = arith.constant 496 : index
        %parallel_loop3A_529 = tpu.vector_load %arg10[%parallel_loop3A_527, %parallel_loop3A_528] {strides = array<i32>} : memref<16x768xf32, #tpu.memory_space<vmem>>, vector<16xf32>,
        tpu.vector_store %arg10[%parallel_loop3A_527, %parallel_loop3A_528], %parallel_loop3A_526 {strides = array<i32>} : memref<16x768xf32, #tpu.memory_space<vmem>>, vector<16xf32>,
        %parallel_loop3A_530 = arith.addf %parallel_loop3A_517, %parallel_loop3A_526 : vector<16xf32>
        %parallel_loop3A_531 = arith.mulf %parallel_loop3A_526, %parallel_loop3A_526 : vector<16xf32>
        %parallel_loop3A_532 = arith.addf %parallel_loop3A_519, %parallel_loop3A_531 : vector<16xf32>
        %parallel_loop3A_533 = arith.index_cast %parallel_loop3A_112 : i32 to index
        %parallel_loop3A_534 = arith.constant 512 : index
        %parallel_loop3A_535 = tpu.vector_load %arg10[%parallel_loop3A_533, %parallel_loop3A_534] {strides = array<i32>} : memref<16x768xf32, #tpu.memory_space<vmem>>, vector<16xf32>,
        %parallel_loop3A_536 = arith.index_cast %parallel_loop3A_112 : i32 to index
        %parallel_loop3A_537 = arith.constant 512 : index
        %parallel_loop3A_538 = tpu.vector_load %arg12[%parallel_loop3A_536, %parallel_loop3A_537] {strides = array<i32>} : memref<16x768xf32, #tpu.memory_space<vmem>>, vector<16xf32>,
        %parallel_loop3A_539 = arith.addf %parallel_loop3A_535, %parallel_loop3A_538 : vector<16xf32>
        %parallel_loop3A_540 = arith.index_cast %parallel_loop3A_112 : i32 to index
        %parallel_loop3A_541 = arith.constant 512 : index
        %parallel_loop3A_542 = tpu.vector_load %arg10[%parallel_loop3A_540, %parallel_loop3A_541] {strides = array<i32>} : memref<16x768xf32, #tpu.memory_space<vmem>>, vector<16xf32>,
        tpu.vector_store %arg10[%parallel_loop3A_540, %parallel_loop3A_541], %parallel_loop3A_539 {strides = array<i32>} : memref<16x768xf32, #tpu.memory_space<vmem>>, vector<16xf32>,
        %parallel_loop3A_543 = arith.addf %parallel_loop3A_530, %parallel_loop3A_539 : vector<16xf32>
        %parallel_loop3A_544 = arith.mulf %parallel_loop3A_539, %parallel_loop3A_539 : vector<16xf32>
        %parallel_loop3A_545 = arith.addf %parallel_loop3A_532, %parallel_loop3A_544 : vector<16xf32>
        %parallel_loop3A_546 = arith.index_cast %parallel_loop3A_112 : i32 to index
        %parallel_loop3A_547 = arith.constant 528 : index
        %parallel_loop3A_548 = tpu.vector_load %arg10[%parallel_loop3A_546, %parallel_loop3A_547] {strides = array<i32>} : memref<16x768xf32, #tpu.memory_space<vmem>>, vector<16xf32>,
        %parallel_loop3A_549 = arith.index_cast %parallel_loop3A_112 : i32 to index
        %parallel_loop3A_550 = arith.constant 528 : index
        %parallel_loop3A_551 = tpu.vector_load %arg12[%parallel_loop3A_549, %parallel_loop3A_550] {strides = array<i32>} : memref<16x768xf32, #tpu.memory_space<vmem>>, vector<16xf32>,
        %parallel_loop3A_552 = arith.addf %parallel_loop3A_548, %parallel_loop3A_551 : vector<16xf32>
        %parallel_loop3A_553 = arith.index_cast %parallel_loop3A_112 : i32 to index
        %parallel_loop3A_554 = arith.constant 528 : index
        %parallel_loop3A_555 = tpu.vector_load %arg10[%parallel_loop3A_553, %parallel_loop3A_554] {strides = array<i32>} : memref<16x768xf32, #tpu.memory_space<vmem>>, vector<16xf32>,
        tpu.vector_store %arg10[%parallel_loop3A_553, %parallel_loop3A_554], %parallel_loop3A_552 {strides = array<i32>} : memref<16x768xf32, #tpu.memory_space<vmem>>, vector<16xf32>,
        %parallel_loop3A_556 = arith.addf %parallel_loop3A_543, %parallel_loop3A_552 : vector<16xf32>
        %parallel_loop3A_557 = arith.mulf %parallel_loop3A_552, %parallel_loop3A_552 : vector<16xf32>
        %parallel_loop3A_558 = arith.addf %parallel_loop3A_545, %parallel_loop3A_557 : vector<16xf32>
        %parallel_loop3A_559 = arith.index_cast %parallel_loop3A_112 : i32 to index
        %parallel_loop3A_560 = arith.constant 544 : index
        %parallel_loop3A_561 = tpu.vector_load %arg10[%parallel_loop3A_559, %parallel_loop3A_560] {strides = array<i32>} : memref<16x768xf32, #tpu.memory_space<vmem>>, vector<16xf32>,
        %parallel_loop3A_562 = arith.index_cast %parallel_loop3A_112 : i32 to index
        %parallel_loop3A_563 = arith.constant 544 : index
        %parallel_loop3A_564 = tpu.vector_load %arg12[%parallel_loop3A_562, %parallel_loop3A_563] {strides = array<i32>} : memref<16x768xf32, #tpu.memory_space<vmem>>, vector<16xf32>,
        %parallel_loop3A_565 = arith.addf %parallel_loop3A_561, %parallel_loop3A_564 : vector<16xf32>
        %parallel_loop3A_566 = arith.index_cast %parallel_loop3A_112 : i32 to index
        %parallel_loop3A_567 = arith.constant 544 : index
        %parallel_loop3A_568 = tpu.vector_load %arg10[%parallel_loop3A_566, %parallel_loop3A_567] {strides = array<i32>} : memref<16x768xf32, #tpu.memory_space<vmem>>, vector<16xf32>,
        tpu.vector_store %arg10[%parallel_loop3A_566, %parallel_loop3A_567], %parallel_loop3A_565 {strides = array<i32>} : memref<16x768xf32, #tpu.memory_space<vmem>>, vector<16xf32>,
        %parallel_loop3A_569 = arith.addf %parallel_loop3A_556, %parallel_loop3A_565 : vector<16xf32>
        %parallel_loop3A_570 = arith.mulf %parallel_loop3A_565, %parallel_loop3A_565 : vector<16xf32>
        %parallel_loop3A_571 = arith.addf %parallel_loop3A_558, %parallel_loop3A_570 : vector<16xf32>
        %parallel_loop3A_572 = arith.index_cast %parallel_loop3A_112 : i32 to index
        %parallel_loop3A_573 = arith.constant 560 : index
        %parallel_loop3A_574 = tpu.vector_load %arg10[%parallel_loop3A_572, %parallel_loop3A_573] {strides = array<i32>} : memref<16x768xf32, #tpu.memory_space<vmem>>, vector<16xf32>,
        %parallel_loop3A_575 = arith.index_cast %parallel_loop3A_112 : i32 to index
        %parallel_loop3A_576 = arith.constant 560 : index
        %parallel_loop3A_577 = tpu.vector_load %arg12[%parallel_loop3A_575, %parallel_loop3A_576] {strides = array<i32>} : memref<16x768xf32, #tpu.memory_space<vmem>>, vector<16xf32>,
        %parallel_loop3A_578 = arith.addf %parallel_loop3A_574, %parallel_loop3A_577 : vector<16xf32>
        %parallel_loop3A_579 = arith.index_cast %parallel_loop3A_112 : i32 to index
        %parallel_loop3A_580 = arith.constant 560 : index
        %parallel_loop3A_581 = tpu.vector_load %arg10[%parallel_loop3A_579, %parallel_loop3A_580] {strides = array<i32>} : memref<16x768xf32, #tpu.memory_space<vmem>>, vector<16xf32>,
        tpu.vector_store %arg10[%parallel_loop3A_579, %parallel_loop3A_580], %parallel_loop3A_578 {strides = array<i32>} : memref<16x768xf32, #tpu.memory_space<vmem>>, vector<16xf32>,
        %parallel_loop3A_582 = arith.addf %parallel_loop3A_569, %parallel_loop3A_578 : vector<16xf32>
        %parallel_loop3A_583 = arith.mulf %parallel_loop3A_578, %parallel_loop3A_578 : vector<16xf32>
        %parallel_loop3A_584 = arith.addf %parallel_loop3A_571, %parallel_loop3A_583 : vector<16xf32>
        %parallel_loop3A_585 = arith.index_cast %parallel_loop3A_112 : i32 to index
        %parallel_loop3A_586 = arith.constant 576 : index
        %parallel_loop3A_587 = tpu.vector_load %arg10[%parallel_loop3A_585, %parallel_loop3A_586] {strides = array<i32>} : memref<16x768xf32, #tpu.memory_space<vmem>>, vector<16xf32>,
        %parallel_loop3A_588 = arith.index_cast %parallel_loop3A_112 : i32 to index
        %parallel_loop3A_589 = arith.constant 576 : index
        %parallel_loop3A_590 = tpu.vector_load %arg12[%parallel_loop3A_588, %parallel_loop3A_589] {strides = array<i32>} : memref<16x768xf32, #tpu.memory_space<vmem>>, vector<16xf32>,
        %parallel_loop3A_591 = arith.addf %parallel_loop3A_587, %parallel_loop3A_590 : vector<16xf32>
        %parallel_loop3A_592 = arith.index_cast %parallel_loop3A_112 : i32 to index
        %parallel_loop3A_593 = arith.constant 576 : index
        %parallel_loop3A_594 = tpu.vector_load %arg10[%parallel_loop3A_592, %parallel_loop3A_593] {strides = array<i32>} : memref<16x768xf32, #tpu.memory_space<vmem>>, vector<16xf32>,
        tpu.vector_store %arg10[%parallel_loop3A_592, %parallel_loop3A_593], %parallel_loop3A_591 {strides = array<i32>} : memref<16x768xf32, #tpu.memory_space<vmem>>, vector<16xf32>,
        %parallel_loop3A_595 = arith.addf %parallel_loop3A_582, %parallel_loop3A_591 : vector<16xf32>
        %parallel_loop3A_596 = arith.mulf %parallel_loop3A_591, %parallel_loop3A_591 : vector<16xf32>
        %parallel_loop3A_597 = arith.addf %parallel_loop3A_584, %parallel_loop3A_596 : vector<16xf32>
        %parallel_loop3A_598 = arith.index_cast %parallel_loop3A_112 : i32 to index
        %parallel_loop3A_599 = arith.constant 592 : index
        %parallel_loop3A_600 = tpu.vector_load %arg10[%parallel_loop3A_598, %parallel_loop3A_599] {strides = array<i32>} : memref<16x768xf32, #tpu.memory_space<vmem>>, vector<16xf32>,
        %parallel_loop3A_601 = arith.index_cast %parallel_loop3A_112 : i32 to index
        %parallel_loop3A_602 = arith.constant 592 : index
        %parallel_loop3A_603 = tpu.vector_load %arg12[%parallel_loop3A_601, %parallel_loop3A_602] {strides = array<i32>} : memref<16x768xf32, #tpu.memory_space<vmem>>, vector<16xf32>,
        %parallel_loop3A_604 = arith.addf %parallel_loop3A_600, %parallel_loop3A_603 : vector<16xf32>
        %parallel_loop3A_605 = arith.index_cast %parallel_loop3A_112 : i32 to index
        %parallel_loop3A_606 = arith.constant 592 : index
        %parallel_loop3A_607 = tpu.vector_load %arg10[%parallel_loop3A_605, %parallel_loop3A_606] {strides = array<i32>} : memref<16x768xf32, #tpu.memory_space<vmem>>, vector<16xf32>,
        tpu.vector_store %arg10[%parallel_loop3A_605, %parallel_loop3A_606], %parallel_loop3A_604 {strides = array<i32>} : memref<16x768xf32, #tpu.memory_space<vmem>>, vector<16xf32>,
        %parallel_loop3A_608 = arith.addf %parallel_loop3A_595, %parallel_loop3A_604 : vector<16xf32>
        %parallel_loop3A_609 = arith.mulf %parallel_loop3A_604, %parallel_loop3A_604 : vector<16xf32>
        %parallel_loop3A_610 = arith.addf %parallel_loop3A_597, %parallel_loop3A_609 : vector<16xf32>
        %parallel_loop3A_611 = arith.index_cast %parallel_loop3A_112 : i32 to index
        %parallel_loop3A_612 = arith.constant 608 : index
        %parallel_loop3A_613 = tpu.vector_load %arg10[%parallel_loop3A_611, %parallel_loop3A_612] {strides = array<i32>} : memref<16x768xf32, #tpu.memory_space<vmem>>, vector<16xf32>,
        %parallel_loop3A_614 = arith.index_cast %parallel_loop3A_112 : i32 to index
        %parallel_loop3A_615 = arith.constant 608 : index
        %parallel_loop3A_616 = tpu.vector_load %arg12[%parallel_loop3A_614, %parallel_loop3A_615] {strides = array<i32>} : memref<16x768xf32, #tpu.memory_space<vmem>>, vector<16xf32>,
        %parallel_loop3A_617 = arith.addf %parallel_loop3A_613, %parallel_loop3A_616 : vector<16xf32>
        %parallel_loop3A_618 = arith.index_cast %parallel_loop3A_112 : i32 to index
        %parallel_loop3A_619 = arith.constant 608 : index
        %parallel_loop3A_620 = tpu.vector_load %arg10[%parallel_loop3A_618, %parallel_loop3A_619] {strides = array<i32>} : memref<16x768xf32, #tpu.memory_space<vmem>>, vector<16xf32>,
        tpu.vector_store %arg10[%parallel_loop3A_618, %parallel_loop3A_619], %parallel_loop3A_617 {strides = array<i32>} : memref<16x768xf32, #tpu.memory_space<vmem>>, vector<16xf32>,
        %parallel_loop3A_621 = arith.addf %parallel_loop3A_608, %parallel_loop3A_617 : vector<16xf32>
        %parallel_loop3A_622 = arith.mulf %parallel_loop3A_617, %parallel_loop3A_617 : vector<16xf32>
        %parallel_loop3A_623 = arith.addf %parallel_loop3A_610, %parallel_loop3A_622 : vector<16xf32>
        %parallel_loop3A_624 = arith.index_cast %parallel_loop3A_112 : i32 to index
        %parallel_loop3A_625 = arith.constant 624 : index
        %parallel_loop3A_626 = tpu.vector_load %arg10[%parallel_loop3A_624, %parallel_loop3A_625] {strides = array<i32>} : memref<16x768xf32, #tpu.memory_space<vmem>>, vector<16xf32>,
        %parallel_loop3A_627 = arith.index_cast %parallel_loop3A_112 : i32 to index
        %parallel_loop3A_628 = arith.constant 624 : index
        %parallel_loop3A_629 = tpu.vector_load %arg12[%parallel_loop3A_627, %parallel_loop3A_628] {strides = array<i32>} : memref<16x768xf32, #tpu.memory_space<vmem>>, vector<16xf32>,
        %parallel_loop3A_630 = arith.addf %parallel_loop3A_626, %parallel_loop3A_629 : vector<16xf32>
        %parallel_loop3A_631 = arith.index_cast %parallel_loop3A_112 : i32 to index
        %parallel_loop3A_632 = arith.constant 624 : index
        %parallel_loop3A_633 = tpu.vector_load %arg10[%parallel_loop3A_631, %parallel_loop3A_632] {strides = array<i32>} : memref<16x768xf32, #tpu.memory_space<vmem>>, vector<16xf32>,
        tpu.vector_store %arg10[%parallel_loop3A_631, %parallel_loop3A_632], %parallel_loop3A_630 {strides = array<i32>} : memref<16x768xf32, #tpu.memory_space<vmem>>, vector<16xf32>,
        %parallel_loop3A_634 = arith.addf %parallel_loop3A_621, %parallel_loop3A_630 : vector<16xf32>
        %parallel_loop3A_635 = arith.mulf %parallel_loop3A_630, %parallel_loop3A_630 : vector<16xf32>
        %parallel_loop3A_636 = arith.addf %parallel_loop3A_623, %parallel_loop3A_635 : vector<16xf32>
        %parallel_loop3A_637 = arith.index_cast %parallel_loop3A_112 : i32 to index
        %parallel_loop3A_638 = arith.constant 640 : index
        %parallel_loop3A_639 = tpu.vector_load %arg10[%parallel_loop3A_637, %parallel_loop3A_638] {strides = array<i32>} : memref<16x768xf32, #tpu.memory_space<vmem>>, vector<16xf32>,
        %parallel_loop3A_640 = arith.index_cast %parallel_loop3A_112 : i32 to index
        %parallel_loop3A_641 = arith.constant 640 : index
        %parallel_loop3A_642 = tpu.vector_load %arg12[%parallel_loop3A_640, %parallel_loop3A_641] {strides = array<i32>} : memref<16x768xf32, #tpu.memory_space<vmem>>, vector<16xf32>,
        %parallel_loop3A_643 = arith.addf %parallel_loop3A_639, %parallel_loop3A_642 : vector<16xf32>
        %parallel_loop3A_644 = arith.index_cast %parallel_loop3A_112 : i32 to index
        %parallel_loop3A_645 = arith.constant 640 : index
        %parallel_loop3A_646 = tpu.vector_load %arg10[%parallel_loop3A_644, %parallel_loop3A_645] {strides = array<i32>} : memref<16x768xf32, #tpu.memory_space<vmem>>, vector<16xf32>,
        tpu.vector_store %arg10[%parallel_loop3A_644, %parallel_loop3A_645], %parallel_loop3A_643 {strides = array<i32>} : memref<16x768xf32, #tpu.memory_space<vmem>>, vector<16xf32>,
        %parallel_loop3A_647 = arith.addf %parallel_loop3A_634, %parallel_loop3A_643 : vector<16xf32>
        %parallel_loop3A_648 = arith.mulf %parallel_loop3A_643, %parallel_loop3A_643 : vector<16xf32>
        %parallel_loop3A_649 = arith.addf %parallel_loop3A_636, %parallel_loop3A_648 : vector<16xf32>
        %parallel_loop3A_650 = arith.index_cast %parallel_loop3A_112 : i32 to index
        %parallel_loop3A_651 = arith.constant 656 : index
        %parallel_loop3A_652 = tpu.vector_load %arg10[%parallel_loop3A_650, %parallel_loop3A_651] {strides = array<i32>} : memref<16x768xf32, #tpu.memory_space<vmem>>, vector<16xf32>,
        %parallel_loop3A_653 = arith.index_cast %parallel_loop3A_112 : i32 to index
        %parallel_loop3A_654 = arith.constant 656 : index
        %parallel_loop3A_655 = tpu.vector_load %arg12[%parallel_loop3A_653, %parallel_loop3A_654] {strides = array<i32>} : memref<16x768xf32, #tpu.memory_space<vmem>>, vector<16xf32>,
        %parallel_loop3A_656 = arith.addf %parallel_loop3A_652, %parallel_loop3A_655 : vector<16xf32>
        %parallel_loop3A_657 = arith.index_cast %parallel_loop3A_112 : i32 to index
        %parallel_loop3A_658 = arith.constant 656 : index
        %parallel_loop3A_659 = tpu.vector_load %arg10[%parallel_loop3A_657, %parallel_loop3A_658] {strides = array<i32>} : memref<16x768xf32, #tpu.memory_space<vmem>>, vector<16xf32>,
        tpu.vector_store %arg10[%parallel_loop3A_657, %parallel_loop3A_658], %parallel_loop3A_656 {strides = array<i32>} : memref<16x768xf32, #tpu.memory_space<vmem>>, vector<16xf32>,
        %parallel_loop3A_660 = arith.addf %parallel_loop3A_647, %parallel_loop3A_656 : vector<16xf32>
        %parallel_loop3A_661 = arith.mulf %parallel_loop3A_656, %parallel_loop3A_656 : vector<16xf32>
        %parallel_loop3A_662 = arith.addf %parallel_loop3A_649, %parallel_loop3A_661 : vector<16xf32>
        %parallel_loop3A_663 = arith.index_cast %parallel_loop3A_112 : i32 to index
        %parallel_loop3A_664 = arith.constant 672 : index
        %parallel_loop3A_665 = tpu.vector_load %arg10[%parallel_loop3A_663, %parallel_loop3A_664] {strides = array<i32>} : memref<16x768xf32, #tpu.memory_space<vmem>>, vector<16xf32>,
        %parallel_loop3A_666 = arith.index_cast %parallel_loop3A_112 : i32 to index
        %parallel_loop3A_667 = arith.constant 672 : index
        %parallel_loop3A_668 = tpu.vector_load %arg12[%parallel_loop3A_666, %parallel_loop3A_667] {strides = array<i32>} : memref<16x768xf32, #tpu.memory_space<vmem>>, vector<16xf32>,
        %parallel_loop3A_669 = arith.addf %parallel_loop3A_665, %parallel_loop3A_668 : vector<16xf32>
        %parallel_loop3A_670 = arith.index_cast %parallel_loop3A_112 : i32 to index
        %parallel_loop3A_671 = arith.constant 672 : index
        %parallel_loop3A_672 = tpu.vector_load %arg10[%parallel_loop3A_670, %parallel_loop3A_671] {strides = array<i32>} : memref<16x768xf32, #tpu.memory_space<vmem>>, vector<16xf32>,
        tpu.vector_store %arg10[%parallel_loop3A_670, %parallel_loop3A_671], %parallel_loop3A_669 {strides = array<i32>} : memref<16x768xf32, #tpu.memory_space<vmem>>, vector<16xf32>,
        %parallel_loop3A_673 = arith.addf %parallel_loop3A_660, %parallel_loop3A_669 : vector<16xf32>
        %parallel_loop3A_674 = arith.mulf %parallel_loop3A_669, %parallel_loop3A_669 : vector<16xf32>
        %parallel_loop3A_675 = arith.addf %parallel_loop3A_662, %parallel_loop3A_674 : vector<16xf32>
        %parallel_loop3A_676 = arith.index_cast %parallel_loop3A_112 : i32 to index
        %parallel_loop3A_677 = arith.constant 688 : index
        %parallel_loop3A_678 = tpu.vector_load %arg10[%parallel_loop3A_676, %parallel_loop3A_677] {strides = array<i32>} : memref<16x768xf32, #tpu.memory_space<vmem>>, vector<16xf32>,
        %parallel_loop3A_679 = arith.index_cast %parallel_loop3A_112 : i32 to index
        %parallel_loop3A_680 = arith.constant 688 : index
        %parallel_loop3A_681 = tpu.vector_load %arg12[%parallel_loop3A_679, %parallel_loop3A_680] {strides = array<i32>} : memref<16x768xf32, #tpu.memory_space<vmem>>, vector<16xf32>,
        %parallel_loop3A_682 = arith.addf %parallel_loop3A_678, %parallel_loop3A_681 : vector<16xf32>
        %parallel_loop3A_683 = arith.index_cast %parallel_loop3A_112 : i32 to index
        %parallel_loop3A_684 = arith.constant 688 : index
        %parallel_loop3A_685 = tpu.vector_load %arg10[%parallel_loop3A_683, %parallel_loop3A_684] {strides = array<i32>} : memref<16x768xf32, #tpu.memory_space<vmem>>, vector<16xf32>,
        tpu.vector_store %arg10[%parallel_loop3A_683, %parallel_loop3A_684], %parallel_loop3A_682 {strides = array<i32>} : memref<16x768xf32, #tpu.memory_space<vmem>>, vector<16xf32>,
        %parallel_loop3A_686 = arith.addf %parallel_loop3A_673, %parallel_loop3A_682 : vector<16xf32>
        %parallel_loop3A_687 = arith.mulf %parallel_loop3A_682, %parallel_loop3A_682 : vector<16xf32>
        %parallel_loop3A_688 = arith.addf %parallel_loop3A_675, %parallel_loop3A_687 : vector<16xf32>
        %parallel_loop3A_689 = arith.index_cast %parallel_loop3A_112 : i32 to index
        %parallel_loop3A_690 = arith.constant 704 : index
        %parallel_loop3A_691 = tpu.vector_load %arg10[%parallel_loop3A_689, %parallel_loop3A_690] {strides = array<i32>} : memref<16x768xf32, #tpu.memory_space<vmem>>, vector<16xf32>,
        %parallel_loop3A_692 = arith.index_cast %parallel_loop3A_112 : i32 to index
        %parallel_loop3A_693 = arith.constant 704 : index
        %parallel_loop3A_694 = tpu.vector_load %arg12[%parallel_loop3A_692, %parallel_loop3A_693] {strides = array<i32>} : memref<16x768xf32, #tpu.memory_space<vmem>>, vector<16xf32>,
        %parallel_loop3A_695 = arith.addf %parallel_loop3A_691, %parallel_loop3A_694 : vector<16xf32>
        %parallel_loop3A_696 = arith.index_cast %parallel_loop3A_112 : i32 to index
        %parallel_loop3A_697 = arith.constant 704 : index
        %parallel_loop3A_698 = tpu.vector_load %arg10[%parallel_loop3A_696, %parallel_loop3A_697] {strides = array<i32>} : memref<16x768xf32, #tpu.memory_space<vmem>>, vector<16xf32>,
        tpu.vector_store %arg10[%parallel_loop3A_696, %parallel_loop3A_697], %parallel_loop3A_695 {strides = array<i32>} : memref<16x768xf32, #tpu.memory_space<vmem>>, vector<16xf32>,
        %parallel_loop3A_699 = arith.addf %parallel_loop3A_686, %parallel_loop3A_695 : vector<16xf32>
        %parallel_loop3A_700 = arith.mulf %parallel_loop3A_695, %parallel_loop3A_695 : vector<16xf32>
        %parallel_loop3A_701 = arith.addf %parallel_loop3A_688, %parallel_loop3A_700 : vector<16xf32>
        %parallel_loop3A_702 = arith.index_cast %parallel_loop3A_112 : i32 to index
        %parallel_loop3A_703 = arith.constant 720 : index
        %parallel_loop3A_704 = tpu.vector_load %arg10[%parallel_loop3A_702, %parallel_loop3A_703] {strides = array<i32>} : memref<16x768xf32, #tpu.memory_space<vmem>>, vector<16xf32>,
        %parallel_loop3A_705 = arith.index_cast %parallel_loop3A_112 : i32 to index
        %parallel_loop3A_706 = arith.constant 720 : index
        %parallel_loop3A_707 = tpu.vector_load %arg12[%parallel_loop3A_705, %parallel_loop3A_706] {strides = array<i32>} : memref<16x768xf32, #tpu.memory_space<vmem>>, vector<16xf32>,
        %parallel_loop3A_708 = arith.addf %parallel_loop3A_704, %parallel_loop3A_707 : vector<16xf32>
        %parallel_loop3A_709 = arith.index_cast %parallel_loop3A_112 : i32 to index
        %parallel_loop3A_710 = arith.constant 720 : index
        %parallel_loop3A_711 = tpu.vector_load %arg10[%parallel_loop3A_709, %parallel_loop3A_710] {strides = array<i32>} : memref<16x768xf32, #tpu.memory_space<vmem>>, vector<16xf32>,
        tpu.vector_store %arg10[%parallel_loop3A_709, %parallel_loop3A_710], %parallel_loop3A_708 {strides = array<i32>} : memref<16x768xf32, #tpu.memory_space<vmem>>, vector<16xf32>,
        %parallel_loop3A_712 = arith.addf %parallel_loop3A_699, %parallel_loop3A_708 : vector<16xf32>
        %parallel_loop3A_713 = arith.mulf %parallel_loop3A_708, %parallel_loop3A_708 : vector<16xf32>
        %parallel_loop3A_714 = arith.addf %parallel_loop3A_701, %parallel_loop3A_713 : vector<16xf32>
        %parallel_loop3A_715 = arith.index_cast %parallel_loop3A_112 : i32 to index
        %parallel_loop3A_716 = arith.constant 736 : index
        %parallel_loop3A_717 = tpu.vector_load %arg10[%parallel_loop3A_715, %parallel_loop3A_716] {strides = array<i32>} : memref<16x768xf32, #tpu.memory_space<vmem>>, vector<16xf32>,
        %parallel_loop3A_718 = arith.index_cast %parallel_loop3A_112 : i32 to index
        %parallel_loop3A_719 = arith.constant 736 : index
        %parallel_loop3A_720 = tpu.vector_load %arg12[%parallel_loop3A_718, %parallel_loop3A_719] {strides = array<i32>} : memref<16x768xf32, #tpu.memory_space<vmem>>, vector<16xf32>,
        %parallel_loop3A_721 = arith.addf %parallel_loop3A_717, %parallel_loop3A_720 : vector<16xf32>
        %parallel_loop3A_722 = arith.index_cast %parallel_loop3A_112 : i32 to index
        %parallel_loop3A_723 = arith.constant 736 : index
        %parallel_loop3A_724 = tpu.vector_load %arg10[%parallel_loop3A_722, %parallel_loop3A_723] {strides = array<i32>} : memref<16x768xf32, #tpu.memory_space<vmem>>, vector<16xf32>,
        tpu.vector_store %arg10[%parallel_loop3A_722, %parallel_loop3A_723], %parallel_loop3A_721 {strides = array<i32>} : memref<16x768xf32, #tpu.memory_space<vmem>>, vector<16xf32>,
        %parallel_loop3A_725 = arith.addf %parallel_loop3A_712, %parallel_loop3A_721 : vector<16xf32>
        %parallel_loop3A_726 = arith.mulf %parallel_loop3A_721, %parallel_loop3A_721 : vector<16xf32>
        %parallel_loop3A_727 = arith.addf %parallel_loop3A_714, %parallel_loop3A_726 : vector<16xf32>
        %parallel_loop3A_728 = arith.index_cast %parallel_loop3A_112 : i32 to index
        %parallel_loop3A_729 = arith.constant 752 : index
        %parallel_loop3A_730 = tpu.vector_load %arg10[%parallel_loop3A_728, %parallel_loop3A_729] {strides = array<i32>} : memref<16x768xf32, #tpu.memory_space<vmem>>, vector<16xf32>,
        %parallel_loop3A_731 = arith.index_cast %parallel_loop3A_112 : i32 to index
        %parallel_loop3A_732 = arith.constant 752 : index
        %parallel_loop3A_733 = tpu.vector_load %arg12[%parallel_loop3A_731, %parallel_loop3A_732] {strides = array<i32>} : memref<16x768xf32, #tpu.memory_space<vmem>>, vector<16xf32>,
        %parallel_loop3A_734 = arith.addf %parallel_loop3A_730, %parallel_loop3A_733 : vector<16xf32>
        %parallel_loop3A_735 = arith.index_cast %parallel_loop3A_112 : i32 to index
        %parallel_loop3A_736 = arith.constant 752 : index
        %parallel_loop3A_737 = tpu.vector_load %arg10[%parallel_loop3A_735, %parallel_loop3A_736] {strides = array<i32>} : memref<16x768xf32, #tpu.memory_space<vmem>>, vector<16xf32>,
        tpu.vector_store %arg10[%parallel_loop3A_735, %parallel_loop3A_736], %parallel_loop3A_734 {strides = array<i32>} : memref<16x768xf32, #tpu.memory_space<vmem>>, vector<16xf32>,
        %parallel_loop3A_738 = arith.addf %parallel_loop3A_725, %parallel_loop3A_734 : vector<16xf32>
        %parallel_loop3A_739 = arith.mulf %parallel_loop3A_734, %parallel_loop3A_734 : vector<16xf32>
        %parallel_loop3A_740 = arith.addf %parallel_loop3A_727, %parallel_loop3A_739 : vector<16xf32>
        %parallel_loop3A_741 = arith.constant true
        %parallel_loop3A_742 = vector.broadcast %parallel_loop3A_741 : i1 to vector<16xi1>
        %parallel_loop3A_743 = tpu.scan <sum>, %parallel_loop3A_738 masked %parallel_loop3A_742 : vector<16xf32>, vector<16xi1> -> vector<16xf32>
        %parallel_loop3A_744 = vector.extract %parallel_loop3A_743[15] : f32 from vector<16xf32>
        %parallel_loop3A_745 = arith.constant 0.00130208337 : f32
        %parallel_loop3A_746 = arith.mulf %parallel_loop3A_744, %parallel_loop3A_745 : f32
        %parallel_loop3A_747 = arith.constant true
        %parallel_loop3A_748 = vector.broadcast %parallel_loop3A_747 : i1 to vector<16xi1>
        %parallel_loop3A_749 = tpu.scan <sum>, %parallel_loop3A_740 masked %parallel_loop3A_748 : vector<16xf32>, vector<16xi1> -> vector<16xf32>
        %parallel_loop3A_750 = vector.extract %parallel_loop3A_749[15] : f32 from vector<16xf32>
        %parallel_loop3A_751 = arith.constant 0.00130208337 : f32
        %parallel_loop3A_752 = arith.mulf %parallel_loop3A_750, %parallel_loop3A_751 : f32
        %parallel_loop3A_753 = arith.mulf %parallel_loop3A_746, %parallel_loop3A_746 : f32
        %parallel_loop3A_754 = arith.subf %parallel_loop3A_752, %parallel_loop3A_753 : f32
        %parallel_loop3A_755 = arith.constant 0.000000e+00 : f32
        %parallel_loop3A_756 = vector.broadcast %parallel_loop3A_755 : f32 to vector<16xf32>
        %parallel_loop3A_757 = arith.constant 9.99999996E-13 : f32
        %parallel_loop3A_758 = arith.addf %parallel_loop3A_754, %parallel_loop3A_757 : f32
        %parallel_loop3A_759 = vector.broadcast %parallel_loop3A_758 : f32 to vector<16xf32>
        %parallel_loop3A_760 = arith.addf %parallel_loop3A_756, %parallel_loop3A_759 : vector<16xf32>
        %parallel_loop3A_761 = vector.bitcast %parallel_loop3A_760 : vector<16xf32> to vector<16xi32>
        %parallel_loop3A_762 = arith.constant 1 : i32
        %parallel_loop3A_763 = vector.broadcast %parallel_loop3A_762 : i32 to vector<16xi32>
        %parallel_loop3A_764 = arith.shrsi %parallel_loop3A_761, %parallel_loop3A_763 : vector<16xi32>
        %parallel_loop3A_765 = arith.constant 1597463007 : i32
        %parallel_loop3A_766 = vector.broadcast %parallel_loop3A_765 : i32 to vector<16xi32>
        %parallel_loop3A_767 = arith.subi %parallel_loop3A_766, %parallel_loop3A_764 : vector<16xi32>
        %parallel_loop3A_768 = vector.bitcast %parallel_loop3A_767 : vector<16xi32> to vector<16xf32>
        %parallel_loop3A_769 = arith.constant 5.000000e-01 : f32
        %parallel_loop3A_770 = vector.broadcast %parallel_loop3A_769 : f32 to vector<16xf32>
        %parallel_loop3A_771 = arith.mulf %parallel_loop3A_760, %parallel_loop3A_770 : vector<16xf32>
        %parallel_loop3A_772 = arith.mulf %parallel_loop3A_771, %parallel_loop3A_768 : vector<16xf32>
        %parallel_loop3A_773 = arith.mulf %parallel_loop3A_772, %parallel_loop3A_768 : vector<16xf32>
        %parallel_loop3A_774 = arith.constant 1.500000e+00 : f32
        %parallel_loop3A_775 = vector.broadcast %parallel_loop3A_774 : f32 to vector<16xf32>
        %parallel_loop3A_776 = arith.subf %parallel_loop3A_775, %parallel_loop3A_773 : vector<16xf32>
        %parallel_loop3A_777 = arith.mulf %parallel_loop3A_768, %parallel_loop3A_776 : vector<16xf32>
        %parallel_loop3A_778 = arith.mulf %parallel_loop3A_771, %parallel_loop3A_777 : vector<16xf32>
        %parallel_loop3A_779 = arith.mulf %parallel_loop3A_778, %parallel_loop3A_777 : vector<16xf32>
        %parallel_loop3A_780 = arith.constant 1.500000e+00 : f32
        %parallel_loop3A_781 = vector.broadcast %parallel_loop3A_780 : f32 to vector<16xf32>
        %parallel_loop3A_782 = arith.subf %parallel_loop3A_781, %parallel_loop3A_779 : vector<16xf32>
        %parallel_loop3A_783 = arith.mulf %parallel_loop3A_777, %parallel_loop3A_782 : vector<16xf32>
        %parallel_loop3A_784 = arith.constant 0 : index
        %parallel_loop3A_785 = tpu.vector_load %arg15[%parallel_loop3A_784] {strides = array<i32>} : memref<768xf32, #tpu.memory_space<vmem>>, vector<16xf32>,
        %parallel_loop3A_786 = arith.constant 16 : index
        %parallel_loop3A_787 = tpu.vector_load %arg15[%parallel_loop3A_786] {strides = array<i32>} : memref<768xf32, #tpu.memory_space<vmem>>, vector<16xf32>,
        %parallel_loop3A_788 = arith.constant 32 : index
        %parallel_loop3A_789 = tpu.vector_load %arg15[%parallel_loop3A_788] {strides = array<i32>} : memref<768xf32, #tpu.memory_space<vmem>>, vector<16xf32>,
        %parallel_loop3A_790 = arith.constant 48 : index
        %parallel_loop3A_791 = tpu.vector_load %arg15[%parallel_loop3A_790] {strides = array<i32>} : memref<768xf32, #tpu.memory_space<vmem>>, vector<16xf32>,
        %parallel_loop3A_792 = arith.constant 64 : index
        %parallel_loop3A_793 = tpu.vector_load %arg15[%parallel_loop3A_792] {strides = array<i32>} : memref<768xf32, #tpu.memory_space<vmem>>, vector<16xf32>,
        %parallel_loop3A_794 = arith.constant 80 : index
        %parallel_loop3A_795 = tpu.vector_load %arg15[%parallel_loop3A_794] {strides = array<i32>} : memref<768xf32, #tpu.memory_space<vmem>>, vector<16xf32>,
        %parallel_loop3A_796 = arith.constant 96 : index
        %parallel_loop3A_797 = tpu.vector_load %arg15[%parallel_loop3A_796] {strides = array<i32>} : memref<768xf32, #tpu.memory_space<vmem>>, vector<16xf32>,
        %parallel_loop3A_798 = arith.constant 112 : index
        %parallel_loop3A_799 = tpu.vector_load %arg15[%parallel_loop3A_798] {strides = array<i32>} : memref<768xf32, #tpu.memory_space<vmem>>, vector<16xf32>,
        %parallel_loop3A_800 = arith.constant 128 : index
        %parallel_loop3A_801 = tpu.vector_load %arg15[%parallel_loop3A_800] {strides = array<i32>} : memref<768xf32, #tpu.memory_space<vmem>>, vector<16xf32>,
        %parallel_loop3A_802 = arith.constant 144 : index
        %parallel_loop3A_803 = tpu.vector_load %arg15[%parallel_loop3A_802] {strides = array<i32>} : memref<768xf32, #tpu.memory_space<vmem>>, vector<16xf32>,
        %parallel_loop3A_804 = arith.constant 160 : index
        %parallel_loop3A_805 = tpu.vector_load %arg15[%parallel_loop3A_804] {strides = array<i32>} : memref<768xf32, #tpu.memory_space<vmem>>, vector<16xf32>,
        %parallel_loop3A_806 = arith.constant 176 : index
        %parallel_loop3A_807 = tpu.vector_load %arg15[%parallel_loop3A_806] {strides = array<i32>} : memref<768xf32, #tpu.memory_space<vmem>>, vector<16xf32>,
        %parallel_loop3A_808 = arith.constant 0 : index
        %parallel_loop3A_809 = tpu.vector_load %arg16[%parallel_loop3A_808] {strides = array<i32>} : memref<768xf32, #tpu.memory_space<vmem>>, vector<16xf32>,
        %parallel_loop3A_810 = arith.constant 16 : index
        %parallel_loop3A_811 = tpu.vector_load %arg16[%parallel_loop3A_810] {strides = array<i32>} : memref<768xf32, #tpu.memory_space<vmem>>, vector<16xf32>,
        %parallel_loop3A_812 = arith.constant 32 : index
        %parallel_loop3A_813 = tpu.vector_load %arg16[%parallel_loop3A_812] {strides = array<i32>} : memref<768xf32, #tpu.memory_space<vmem>>, vector<16xf32>,
        %parallel_loop3A_814 = arith.constant 48 : index
        %parallel_loop3A_815 = tpu.vector_load %arg16[%parallel_loop3A_814] {strides = array<i32>} : memref<768xf32, #tpu.memory_space<vmem>>, vector<16xf32>,
        %parallel_loop3A_816 = arith.constant 64 : index
        %parallel_loop3A_817 = tpu.vector_load %arg16[%parallel_loop3A_816] {strides = array<i32>} : memref<768xf32, #tpu.memory_space<vmem>>, vector<16xf32>,
        %parallel_loop3A_818 = arith.constant 80 : index
        %parallel_loop3A_819 = tpu.vector_load %arg16[%parallel_loop3A_818] {strides = array<i32>} : memref<768xf32, #tpu.memory_space<vmem>>, vector<16xf32>,
        %parallel_loop3A_820 = arith.constant 96 : index
        %parallel_loop3A_821 = tpu.vector_load %arg16[%parallel_loop3A_820] {strides = array<i32>} : memref<768xf32, #tpu.memory_space<vmem>>, vector<16xf32>,
        %parallel_loop3A_822 = arith.constant 112 : index
        %parallel_loop3A_823 = tpu.vector_load %arg16[%parallel_loop3A_822] {strides = array<i32>} : memref<768xf32, #tpu.memory_space<vmem>>, vector<16xf32>,
        %parallel_loop3A_824 = arith.constant 128 : index
        %parallel_loop3A_825 = tpu.vector_load %arg16[%parallel_loop3A_824] {strides = array<i32>} : memref<768xf32, #tpu.memory_space<vmem>>, vector<16xf32>,
        %parallel_loop3A_826 = arith.constant 144 : index
        %parallel_loop3A_827 = tpu.vector_load %arg16[%parallel_loop3A_826] {strides = array<i32>} : memref<768xf32, #tpu.memory_space<vmem>>, vector<16xf32>,
        %parallel_loop3A_828 = arith.constant 160 : index
        %parallel_loop3A_829 = tpu.vector_load %arg16[%parallel_loop3A_828] {strides = array<i32>} : memref<768xf32, #tpu.memory_space<vmem>>, vector<16xf32>,
        %parallel_loop3A_830 = arith.constant 176 : index
        %parallel_loop3A_831 = tpu.vector_load %arg16[%parallel_loop3A_830] {strides = array<i32>} : memref<768xf32, #tpu.memory_space<vmem>>, vector<16xf32>,
        %parallel_loop3A_832 = arith.index_cast %parallel_loop3A_112 : i32 to index
        %parallel_loop3A_833 = arith.constant 0 : index
        %parallel_loop3A_834 = tpu.vector_load %arg10[%parallel_loop3A_832, %parallel_loop3A_833] {strides = array<i32>} : memref<16x768xf32, #tpu.memory_space<vmem>>, vector<16xf32>,
        %parallel_loop3A_835 = arith.index_cast %parallel_loop3A_112 : i32 to index
        %parallel_loop3A_836 = arith.constant 16 : index
        %parallel_loop3A_837 = tpu.vector_load %arg10[%parallel_loop3A_835, %parallel_loop3A_836] {strides = array<i32>} : memref<16x768xf32, #tpu.memory_space<vmem>>, vector<16xf32>,
        %parallel_loop3A_838 = arith.index_cast %parallel_loop3A_112 : i32 to index
        %parallel_loop3A_839 = arith.constant 32 : index
        %parallel_loop3A_840 = tpu.vector_load %arg10[%parallel_loop3A_838, %parallel_loop3A_839] {strides = array<i32>} : memref<16x768xf32, #tpu.memory_space<vmem>>, vector<16xf32>,
        %parallel_loop3A_841 = arith.index_cast %parallel_loop3A_112 : i32 to index
        %parallel_loop3A_842 = arith.constant 48 : index
        %parallel_loop3A_843 = tpu.vector_load %arg10[%parallel_loop3A_841, %parallel_loop3A_842] {strides = array<i32>} : memref<16x768xf32, #tpu.memory_space<vmem>>, vector<16xf32>,
        %parallel_loop3A_844 = arith.index_cast %parallel_loop3A_112 : i32 to index
        %parallel_loop3A_845 = arith.constant 64 : index
        %parallel_loop3A_846 = tpu.vector_load %arg10[%parallel_loop3A_844, %parallel_loop3A_845] {strides = array<i32>} : memref<16x768xf32, #tpu.memory_space<vmem>>, vector<16xf32>,
        %parallel_loop3A_847 = arith.index_cast %parallel_loop3A_112 : i32 to index
        %parallel_loop3A_848 = arith.constant 80 : index
        %parallel_loop3A_849 = tpu.vector_load %arg10[%parallel_loop3A_847, %parallel_loop3A_848] {strides = array<i32>} : memref<16x768xf32, #tpu.memory_space<vmem>>, vector<16xf32>,
        %parallel_loop3A_850 = arith.index_cast %parallel_loop3A_112 : i32 to index
        %parallel_loop3A_851 = arith.constant 96 : index
        %parallel_loop3A_852 = tpu.vector_load %arg10[%parallel_loop3A_850, %parallel_loop3A_851] {strides = array<i32>} : memref<16x768xf32, #tpu.memory_space<vmem>>, vector<16xf32>,
        %parallel_loop3A_853 = arith.index_cast %parallel_loop3A_112 : i32 to index
        %parallel_loop3A_854 = arith.constant 112 : index
        %parallel_loop3A_855 = tpu.vector_load %arg10[%parallel_loop3A_853, %parallel_loop3A_854] {strides = array<i32>} : memref<16x768xf32, #tpu.memory_space<vmem>>, vector<16xf32>,
        %parallel_loop3A_856 = arith.index_cast %parallel_loop3A_112 : i32 to index
        %parallel_loop3A_857 = arith.constant 128 : index
        %parallel_loop3A_858 = tpu.vector_load %arg10[%parallel_loop3A_856, %parallel_loop3A_857] {strides = array<i32>} : memref<16x768xf32, #tpu.memory_space<vmem>>, vector<16xf32>,
        %parallel_loop3A_859 = arith.index_cast %parallel_loop3A_112 : i32 to index
        %parallel_loop3A_860 = arith.constant 144 : index
        %parallel_loop3A_861 = tpu.vector_load %arg10[%parallel_loop3A_859, %parallel_loop3A_860] {strides = array<i32>} : memref<16x768xf32, #tpu.memory_space<vmem>>, vector<16xf32>,
        %parallel_loop3A_862 = arith.index_cast %parallel_loop3A_112 : i32 to index
        %parallel_loop3A_863 = arith.constant 160 : index
        %parallel_loop3A_864 = tpu.vector_load %arg10[%parallel_loop3A_862, %parallel_loop3A_863] {strides = array<i32>} : memref<16x768xf32, #tpu.memory_space<vmem>>, vector<16xf32>,
        %parallel_loop3A_865 = arith.index_cast %parallel_loop3A_112 : i32 to index
        %parallel_loop3A_866 = arith.constant 176 : index
        %parallel_loop3A_867 = tpu.vector_load %arg10[%parallel_loop3A_865, %parallel_loop3A_866] {strides = array<i32>} : memref<16x768xf32, #tpu.memory_space<vmem>>, vector<16xf32>,
        %parallel_loop3A_868 = vector.broadcast %parallel_loop3A_746 : f32 to vector<16xf32>
        %parallel_loop3A_869 = arith.subf %parallel_loop3A_834, %parallel_loop3A_868 : vector<16xf32>
        %parallel_loop3A_870 = arith.mulf %parallel_loop3A_869, %parallel_loop3A_783 : vector<16xf32>
        %parallel_loop3A_871 = arith.mulf %parallel_loop3A_870, %parallel_loop3A_785 : vector<16xf32>
        %parallel_loop3A_872 = arith.addf %parallel_loop3A_871, %parallel_loop3A_809 : vector<16xf32>
        %parallel_loop3A_873 = vector.broadcast %parallel_loop3A_746 : f32 to vector<16xf32>
        %parallel_loop3A_874 = arith.subf %parallel_loop3A_837, %parallel_loop3A_873 : vector<16xf32>
        %parallel_loop3A_875 = arith.mulf %parallel_loop3A_874, %parallel_loop3A_783 : vector<16xf32>
        %parallel_loop3A_876 = arith.mulf %parallel_loop3A_875, %parallel_loop3A_787 : vector<16xf32>
        %parallel_loop3A_877 = arith.addf %parallel_loop3A_876, %parallel_loop3A_811 : vector<16xf32>
        %parallel_loop3A_878 = vector.broadcast %parallel_loop3A_746 : f32 to vector<16xf32>
        %parallel_loop3A_879 = arith.subf %parallel_loop3A_840, %parallel_loop3A_878 : vector<16xf32>
        %parallel_loop3A_880 = arith.mulf %parallel_loop3A_879, %parallel_loop3A_783 : vector<16xf32>
        %parallel_loop3A_881 = arith.mulf %parallel_loop3A_880, %parallel_loop3A_789 : vector<16xf32>
        %parallel_loop3A_882 = arith.addf %parallel_loop3A_881, %parallel_loop3A_813 : vector<16xf32>
        %parallel_loop3A_883 = vector.broadcast %parallel_loop3A_746 : f32 to vector<16xf32>
        %parallel_loop3A_884 = arith.subf %parallel_loop3A_843, %parallel_loop3A_883 : vector<16xf32>
        %parallel_loop3A_885 = arith.mulf %parallel_loop3A_884, %parallel_loop3A_783 : vector<16xf32>
        %parallel_loop3A_886 = arith.mulf %parallel_loop3A_885, %parallel_loop3A_791 : vector<16xf32>
        %parallel_loop3A_887 = arith.addf %parallel_loop3A_886, %parallel_loop3A_815 : vector<16xf32>
        %parallel_loop3A_888 = vector.broadcast %parallel_loop3A_746 : f32 to vector<16xf32>
        %parallel_loop3A_889 = arith.subf %parallel_loop3A_846, %parallel_loop3A_888 : vector<16xf32>
        %parallel_loop3A_890 = arith.mulf %parallel_loop3A_889, %parallel_loop3A_783 : vector<16xf32>
        %parallel_loop3A_891 = arith.mulf %parallel_loop3A_890, %parallel_loop3A_793 : vector<16xf32>
        %parallel_loop3A_892 = arith.addf %parallel_loop3A_891, %parallel_loop3A_817 : vector<16xf32>
        %parallel_loop3A_893 = vector.broadcast %parallel_loop3A_746 : f32 to vector<16xf32>
        %parallel_loop3A_894 = arith.subf %parallel_loop3A_849, %parallel_loop3A_893 : vector<16xf32>
        %parallel_loop3A_895 = arith.mulf %parallel_loop3A_894, %parallel_loop3A_783 : vector<16xf32>
        %parallel_loop3A_896 = arith.mulf %parallel_loop3A_895, %parallel_loop3A_795 : vector<16xf32>
        %parallel_loop3A_897 = arith.addf %parallel_loop3A_896, %parallel_loop3A_819 : vector<16xf32>
        %parallel_loop3A_898 = vector.broadcast %parallel_loop3A_746 : f32 to vector<16xf32>
        %parallel_loop3A_899 = arith.subf %parallel_loop3A_852, %parallel_loop3A_898 : vector<16xf32>
        %parallel_loop3A_900 = arith.mulf %parallel_loop3A_899, %parallel_loop3A_783 : vector<16xf32>
        %parallel_loop3A_901 = arith.mulf %parallel_loop3A_900, %parallel_loop3A_797 : vector<16xf32>
        %parallel_loop3A_902 = arith.addf %parallel_loop3A_901, %parallel_loop3A_821 : vector<16xf32>
        %parallel_loop3A_903 = vector.broadcast %parallel_loop3A_746 : f32 to vector<16xf32>
        %parallel_loop3A_904 = arith.subf %parallel_loop3A_855, %parallel_loop3A_903 : vector<16xf32>
        %parallel_loop3A_905 = arith.mulf %parallel_loop3A_904, %parallel_loop3A_783 : vector<16xf32>
        %parallel_loop3A_906 = arith.mulf %parallel_loop3A_905, %parallel_loop3A_799 : vector<16xf32>
        %parallel_loop3A_907 = arith.addf %parallel_loop3A_906, %parallel_loop3A_823 : vector<16xf32>
        %parallel_loop3A_908 = vector.broadcast %parallel_loop3A_746 : f32 to vector<16xf32>
        %parallel_loop3A_909 = arith.subf %parallel_loop3A_858, %parallel_loop3A_908 : vector<16xf32>
        %parallel_loop3A_910 = arith.mulf %parallel_loop3A_909, %parallel_loop3A_783 : vector<16xf32>
        %parallel_loop3A_911 = arith.mulf %parallel_loop3A_910, %parallel_loop3A_801 : vector<16xf32>
        %parallel_loop3A_912 = arith.addf %parallel_loop3A_911, %parallel_loop3A_825 : vector<16xf32>
        %parallel_loop3A_913 = vector.broadcast %parallel_loop3A_746 : f32 to vector<16xf32>
        %parallel_loop3A_914 = arith.subf %parallel_loop3A_861, %parallel_loop3A_913 : vector<16xf32>
        %parallel_loop3A_915 = arith.mulf %parallel_loop3A_914, %parallel_loop3A_783 : vector<16xf32>
        %parallel_loop3A_916 = arith.mulf %parallel_loop3A_915, %parallel_loop3A_803 : vector<16xf32>
        %parallel_loop3A_917 = arith.addf %parallel_loop3A_916, %parallel_loop3A_827 : vector<16xf32>
        %parallel_loop3A_918 = vector.broadcast %parallel_loop3A_746 : f32 to vector<16xf32>
        %parallel_loop3A_919 = arith.subf %parallel_loop3A_864, %parallel_loop3A_918 : vector<16xf32>
        %parallel_loop3A_920 = arith.mulf %parallel_loop3A_919, %parallel_loop3A_783 : vector<16xf32>
        %parallel_loop3A_921 = arith.mulf %parallel_loop3A_920, %parallel_loop3A_805 : vector<16xf32>
        %parallel_loop3A_922 = arith.addf %parallel_loop3A_921, %parallel_loop3A_829 : vector<16xf32>
        %parallel_loop3A_923 = vector.broadcast %parallel_loop3A_746 : f32 to vector<16xf32>
        %parallel_loop3A_924 = arith.subf %parallel_loop3A_867, %parallel_loop3A_923 : vector<16xf32>
        %parallel_loop3A_925 = arith.mulf %parallel_loop3A_924, %parallel_loop3A_783 : vector<16xf32>
        %parallel_loop3A_926 = arith.mulf %parallel_loop3A_925, %parallel_loop3A_807 : vector<16xf32>
        %parallel_loop3A_927 = arith.addf %parallel_loop3A_926, %parallel_loop3A_831 : vector<16xf32>
        %parallel_loop3A_928 = arith.index_cast %parallel_loop3A_112 : i32 to index
        %parallel_loop3A_929 = arith.constant 0 : index
        %parallel_loop3A_930 = tpu.vector_load %arg14[%parallel_loop3A_928, %parallel_loop3A_929] {strides = array<i32>} : memref<16x768xf32, #tpu.memory_space<vmem>>, vector<16xf32>,
        tpu.vector_store %arg14[%parallel_loop3A_928, %parallel_loop3A_929], %parallel_loop3A_872 {strides = array<i32>} : memref<16x768xf32, #tpu.memory_space<vmem>>, vector<16xf32>,
        %parallel_loop3A_931 = arith.index_cast %parallel_loop3A_112 : i32 to index
        %parallel_loop3A_932 = arith.constant 16 : index
        %parallel_loop3A_933 = tpu.vector_load %arg14[%parallel_loop3A_931, %parallel_loop3A_932] {strides = array<i32>} : memref<16x768xf32, #tpu.memory_space<vmem>>, vector<16xf32>,
        tpu.vector_store %arg14[%parallel_loop3A_931, %parallel_loop3A_932], %parallel_loop3A_877 {strides = array<i32>} : memref<16x768xf32, #tpu.memory_space<vmem>>, vector<16xf32>,
        %parallel_loop3A_934 = arith.index_cast %parallel_loop3A_112 : i32 to index
        %parallel_loop3A_935 = arith.constant 32 : index
        %parallel_loop3A_936 = tpu.vector_load %arg14[%parallel_loop3A_934, %parallel_loop3A_935] {strides = array<i32>} : memref<16x768xf32, #tpu.memory_space<vmem>>, vector<16xf32>,
        tpu.vector_store %arg14[%parallel_loop3A_934, %parallel_loop3A_935], %parallel_loop3A_882 {strides = array<i32>} : memref<16x768xf32, #tpu.memory_space<vmem>>, vector<16xf32>,
        %parallel_loop3A_937 = arith.index_cast %parallel_loop3A_112 : i32 to index
        %parallel_loop3A_938 = arith.constant 48 : index
        %parallel_loop3A_939 = tpu.vector_load %arg14[%parallel_loop3A_937, %parallel_loop3A_938] {strides = array<i32>} : memref<16x768xf32, #tpu.memory_space<vmem>>, vector<16xf32>,
        tpu.vector_store %arg14[%parallel_loop3A_937, %parallel_loop3A_938], %parallel_loop3A_887 {strides = array<i32>} : memref<16x768xf32, #tpu.memory_space<vmem>>, vector<16xf32>,
        %parallel_loop3A_940 = arith.index_cast %parallel_loop3A_112 : i32 to index
        %parallel_loop3A_941 = arith.constant 64 : index
        %parallel_loop3A_942 = tpu.vector_load %arg14[%parallel_loop3A_940, %parallel_loop3A_941] {strides = array<i32>} : memref<16x768xf32, #tpu.memory_space<vmem>>, vector<16xf32>,
        tpu.vector_store %arg14[%parallel_loop3A_940, %parallel_loop3A_941], %parallel_loop3A_892 {strides = array<i32>} : memref<16x768xf32, #tpu.memory_space<vmem>>, vector<16xf32>,
        %parallel_loop3A_943 = arith.index_cast %parallel_loop3A_112 : i32 to index
        %parallel_loop3A_944 = arith.constant 80 : index
        %parallel_loop3A_945 = tpu.vector_load %arg14[%parallel_loop3A_943, %parallel_loop3A_944] {strides = array<i32>} : memref<16x768xf32, #tpu.memory_space<vmem>>, vector<16xf32>,
        tpu.vector_store %arg14[%parallel_loop3A_943, %parallel_loop3A_944], %parallel_loop3A_897 {strides = array<i32>} : memref<16x768xf32, #tpu.memory_space<vmem>>, vector<16xf32>,
        %parallel_loop3A_946 = arith.index_cast %parallel_loop3A_112 : i32 to index
        %parallel_loop3A_947 = arith.constant 96 : index
        %parallel_loop3A_948 = tpu.vector_load %arg14[%parallel_loop3A_946, %parallel_loop3A_947] {strides = array<i32>} : memref<16x768xf32, #tpu.memory_space<vmem>>, vector<16xf32>,
        tpu.vector_store %arg14[%parallel_loop3A_946, %parallel_loop3A_947], %parallel_loop3A_902 {strides = array<i32>} : memref<16x768xf32, #tpu.memory_space<vmem>>, vector<16xf32>,
        %parallel_loop3A_949 = arith.index_cast %parallel_loop3A_112 : i32 to index
        %parallel_loop3A_950 = arith.constant 112 : index
        %parallel_loop3A_951 = tpu.vector_load %arg14[%parallel_loop3A_949, %parallel_loop3A_950] {strides = array<i32>} : memref<16x768xf32, #tpu.memory_space<vmem>>, vector<16xf32>,
        tpu.vector_store %arg14[%parallel_loop3A_949, %parallel_loop3A_950], %parallel_loop3A_907 {strides = array<i32>} : memref<16x768xf32, #tpu.memory_space<vmem>>, vector<16xf32>,
        %parallel_loop3A_952 = arith.index_cast %parallel_loop3A_112 : i32 to index
        %parallel_loop3A_953 = arith.constant 128 : index
        %parallel_loop3A_954 = tpu.vector_load %arg14[%parallel_loop3A_952, %parallel_loop3A_953] {strides = array<i32>} : memref<16x768xf32, #tpu.memory_space<vmem>>, vector<16xf32>,
        tpu.vector_store %arg14[%parallel_loop3A_952, %parallel_loop3A_953], %parallel_loop3A_912 {strides = array<i32>} : memref<16x768xf32, #tpu.memory_space<vmem>>, vector<16xf32>,
        %parallel_loop3A_955 = arith.index_cast %parallel_loop3A_112 : i32 to index
        %parallel_loop3A_956 = arith.constant 144 : index
        %parallel_loop3A_957 = tpu.vector_load %arg14[%parallel_loop3A_955, %parallel_loop3A_956] {strides = array<i32>} : memref<16x768xf32, #tpu.memory_space<vmem>>, vector<16xf32>,
        tpu.vector_store %arg14[%parallel_loop3A_955, %parallel_loop3A_956], %parallel_loop3A_917 {strides = array<i32>} : memref<16x768xf32, #tpu.memory_space<vmem>>, vector<16xf32>,
        %parallel_loop3A_958 = arith.index_cast %parallel_loop3A_112 : i32 to index
        %parallel_loop3A_959 = arith.constant 160 : index
        %parallel_loop3A_960 = tpu.vector_load %arg14[%parallel_loop3A_958, %parallel_loop3A_959] {strides = array<i32>} : memref<16x768xf32, #tpu.memory_space<vmem>>, vector<16xf32>,
        tpu.vector_store %arg14[%parallel_loop3A_958, %parallel_loop3A_959], %parallel_loop3A_922 {strides = array<i32>} : memref<16x768xf32, #tpu.memory_space<vmem>>, vector<16xf32>,
        %parallel_loop3A_961 = arith.index_cast %parallel_loop3A_112 : i32 to index
        %parallel_loop3A_962 = arith.constant 176 : index
        %parallel_loop3A_963 = tpu.vector_load %arg14[%parallel_loop3A_961, %parallel_loop3A_962] {strides = array<i32>} : memref<16x768xf32, #tpu.memory_space<vmem>>, vector<16xf32>,
        tpu.vector_store %arg14[%parallel_loop3A_961, %parallel_loop3A_962], %parallel_loop3A_927 {strides = array<i32>} : memref<16x768xf32, #tpu.memory_space<vmem>>, vector<16xf32>,
        %parallel_loop3A_964 = arith.constant 192 : index
        %parallel_loop3A_965 = tpu.vector_load %arg15[%parallel_loop3A_964] {strides = array<i32>} : memref<768xf32, #tpu.memory_space<vmem>>, vector<16xf32>,
        %parallel_loop3A_966 = arith.constant 208 : index
        %parallel_loop3A_967 = tpu.vector_load %arg15[%parallel_loop3A_966] {strides = array<i32>} : memref<768xf32, #tpu.memory_space<vmem>>, vector<16xf32>,
        %parallel_loop3A_968 = arith.constant 224 : index
        %parallel_loop3A_969 = tpu.vector_load %arg15[%parallel_loop3A_968] {strides = array<i32>} : memref<768xf32, #tpu.memory_space<vmem>>, vector<16xf32>,
        %parallel_loop3A_970 = arith.constant 240 : index
        %parallel_loop3A_971 = tpu.vector_load %arg15[%parallel_loop3A_970] {strides = array<i32>} : memref<768xf32, #tpu.memory_space<vmem>>, vector<16xf32>,
        %parallel_loop3A_972 = arith.constant 256 : index
        %parallel_loop3A_973 = tpu.vector_load %arg15[%parallel_loop3A_972] {strides = array<i32>} : memref<768xf32, #tpu.memory_space<vmem>>, vector<16xf32>,
        %parallel_loop3A_974 = arith.constant 272 : index
        %parallel_loop3A_975 = tpu.vector_load %arg15[%parallel_loop3A_974] {strides = array<i32>} : memref<768xf32, #tpu.memory_space<vmem>>, vector<16xf32>,
        %parallel_loop3A_976 = arith.constant 288 : index
        %parallel_loop3A_977 = tpu.vector_load %arg15[%parallel_loop3A_976] {strides = array<i32>} : memref<768xf32, #tpu.memory_space<vmem>>, vector<16xf32>,
        %parallel_loop3A_978 = arith.constant 304 : index
        %parallel_loop3A_979 = tpu.vector_load %arg15[%parallel_loop3A_978] {strides = array<i32>} : memref<768xf32, #tpu.memory_space<vmem>>, vector<16xf32>,
        %parallel_loop3A_980 = arith.constant 320 : index
        %parallel_loop3A_981 = tpu.vector_load %arg15[%parallel_loop3A_980] {strides = array<i32>} : memref<768xf32, #tpu.memory_space<vmem>>, vector<16xf32>,
        %parallel_loop3A_982 = arith.constant 336 : index
        %parallel_loop3A_983 = tpu.vector_load %arg15[%parallel_loop3A_982] {strides = array<i32>} : memref<768xf32, #tpu.memory_space<vmem>>, vector<16xf32>,
        %parallel_loop3A_984 = arith.constant 352 : index
        %parallel_loop3A_985 = tpu.vector_load %arg15[%parallel_loop3A_984] {strides = array<i32>} : memref<768xf32, #tpu.memory_space<vmem>>, vector<16xf32>,
        %parallel_loop3A_986 = arith.constant 368 : index
        %parallel_loop3A_987 = tpu.vector_load %arg15[%parallel_loop3A_986] {strides = array<i32>} : memref<768xf32, #tpu.memory_space<vmem>>, vector<16xf32>,
        %parallel_loop3A_988 = arith.constant 192 : index
        %parallel_loop3A_989 = tpu.vector_load %arg16[%parallel_loop3A_988] {strides = array<i32>} : memref<768xf32, #tpu.memory_space<vmem>>, vector<16xf32>,
        %parallel_loop3A_990 = arith.constant 208 : index
        %parallel_loop3A_991 = tpu.vector_load %arg16[%parallel_loop3A_990] {strides = array<i32>} : memref<768xf32, #tpu.memory_space<vmem>>, vector<16xf32>,
        %parallel_loop3A_992 = arith.constant 224 : index
        %parallel_loop3A_993 = tpu.vector_load %arg16[%parallel_loop3A_992] {strides = array<i32>} : memref<768xf32, #tpu.memory_space<vmem>>, vector<16xf32>,
        %parallel_loop3A_994 = arith.constant 240 : index
        %parallel_loop3A_995 = tpu.vector_load %arg16[%parallel_loop3A_994] {strides = array<i32>} : memref<768xf32, #tpu.memory_space<vmem>>, vector<16xf32>,
        %parallel_loop3A_996 = arith.constant 256 : index
        %parallel_loop3A_997 = tpu.vector_load %arg16[%parallel_loop3A_996] {strides = array<i32>} : memref<768xf32, #tpu.memory_space<vmem>>, vector<16xf32>,
        %parallel_loop3A_998 = arith.constant 272 : index
        %parallel_loop3A_999 = tpu.vector_load %arg16[%parallel_loop3A_998] {strides = array<i32>} : memref<768xf32, #tpu.memory_space<vmem>>, vector<16xf32>,
        %parallel_loop3A_1000 = arith.constant 288 : index
        %parallel_loop3A_1001 = tpu.vector_load %arg16[%parallel_loop3A_1000] {strides = array<i32>} : memref<768xf32, #tpu.memory_space<vmem>>, vector<16xf32>,
        %parallel_loop3A_1002 = arith.constant 304 : index
        %parallel_loop3A_1003 = tpu.vector_load %arg16[%parallel_loop3A_1002] {strides = array<i32>} : memref<768xf32, #tpu.memory_space<vmem>>, vector<16xf32>,
        %parallel_loop3A_1004 = arith.constant 320 : index
        %parallel_loop3A_1005 = tpu.vector_load %arg16[%parallel_loop3A_1004] {strides = array<i32>} : memref<768xf32, #tpu.memory_space<vmem>>, vector<16xf32>,
        %parallel_loop3A_1006 = arith.constant 336 : index
        %parallel_loop3A_1007 = tpu.vector_load %arg16[%parallel_loop3A_1006] {strides = array<i32>} : memref<768xf32, #tpu.memory_space<vmem>>, vector<16xf32>,
        %parallel_loop3A_1008 = arith.constant 352 : index
        %parallel_loop3A_1009 = tpu.vector_load %arg16[%parallel_loop3A_1008] {strides = array<i32>} : memref<768xf32, #tpu.memory_space<vmem>>, vector<16xf32>,
        %parallel_loop3A_1010 = arith.constant 368 : index
        %parallel_loop3A_1011 = tpu.vector_load %arg16[%parallel_loop3A_1010] {strides = array<i32>} : memref<768xf32, #tpu.memory_space<vmem>>, vector<16xf32>,
        %parallel_loop3A_1012 = arith.index_cast %parallel_loop3A_112 : i32 to index
        %parallel_loop3A_1013 = arith.constant 192 : index
        %parallel_loop3A_1014 = tpu.vector_load %arg10[%parallel_loop3A_1012, %parallel_loop3A_1013] {strides = array<i32>} : memref<16x768xf32, #tpu.memory_space<vmem>>, vector<16xf32>,
        %parallel_loop3A_1015 = arith.index_cast %parallel_loop3A_112 : i32 to index
        %parallel_loop3A_1016 = arith.constant 208 : index
        %parallel_loop3A_1017 = tpu.vector_load %arg10[%parallel_loop3A_1015, %parallel_loop3A_1016] {strides = array<i32>} : memref<16x768xf32, #tpu.memory_space<vmem>>, vector<16xf32>,
        %parallel_loop3A_1018 = arith.index_cast %parallel_loop3A_112 : i32 to index
        %parallel_loop3A_1019 = arith.constant 224 : index
        %parallel_loop3A_1020 = tpu.vector_load %arg10[%parallel_loop3A_1018, %parallel_loop3A_1019] {strides = array<i32>} : memref<16x768xf32, #tpu.memory_space<vmem>>, vector<16xf32>,
        %parallel_loop3A_1021 = arith.index_cast %parallel_loop3A_112 : i32 to index
        %parallel_loop3A_1022 = arith.constant 240 : index
        %parallel_loop3A_1023 = tpu.vector_load %arg10[%parallel_loop3A_1021, %parallel_loop3A_1022] {strides = array<i32>} : memref<16x768xf32, #tpu.memory_space<vmem>>, vector<16xf32>,
        %parallel_loop3A_1024 = arith.index_cast %parallel_loop3A_112 : i32 to index
        %parallel_loop3A_1025 = arith.constant 256 : index
        %parallel_loop3A_1026 = tpu.vector_load %arg10[%parallel_loop3A_1024, %parallel_loop3A_1025] {strides = array<i32>} : memref<16x768xf32, #tpu.memory_space<vmem>>, vector<16xf32>,
        %parallel_loop3A_1027 = arith.index_cast %parallel_loop3A_112 : i32 to index
        %parallel_loop3A_1028 = arith.constant 272 : index
        %parallel_loop3A_1029 = tpu.vector_load %arg10[%parallel_loop3A_1027, %parallel_loop3A_1028] {strides = array<i32>} : memref<16x768xf32, #tpu.memory_space<vmem>>, vector<16xf32>,
        %parallel_loop3A_1030 = arith.index_cast %parallel_loop3A_112 : i32 to index
        %parallel_loop3A_1031 = arith.constant 288 : index
        %parallel_loop3A_1032 = tpu.vector_load %arg10[%parallel_loop3A_1030, %parallel_loop3A_1031] {strides = array<i32>} : memref<16x768xf32, #tpu.memory_space<vmem>>, vector<16xf32>,
        %parallel_loop3A_1033 = arith.index_cast %parallel_loop3A_112 : i32 to index
        %parallel_loop3A_1034 = arith.constant 304 : index
        %parallel_loop3A_1035 = tpu.vector_load %arg10[%parallel_loop3A_1033, %parallel_loop3A_1034] {strides = array<i32>} : memref<16x768xf32, #tpu.memory_space<vmem>>, vector<16xf32>,
        %parallel_loop3A_1036 = arith.index_cast %parallel_loop3A_112 : i32 to index
        %parallel_loop3A_1037 = arith.constant 320 : index
        %parallel_loop3A_1038 = tpu.vector_load %arg10[%parallel_loop3A_1036, %parallel_loop3A_1037] {strides = array<i32>} : memref<16x768xf32, #tpu.memory_space<vmem>>, vector<16xf32>,
        %parallel_loop3A_1039 = arith.index_cast %parallel_loop3A_112 : i32 to index
        %parallel_loop3A_1040 = arith.constant 336 : index
        %parallel_loop3A_1041 = tpu.vector_load %arg10[%parallel_loop3A_1039, %parallel_loop3A_1040] {strides = array<i32>} : memref<16x768xf32, #tpu.memory_space<vmem>>, vector<16xf32>,
        %parallel_loop3A_1042 = arith.index_cast %parallel_loop3A_112 : i32 to index
        %parallel_loop3A_1043 = arith.constant 352 : index
        %parallel_loop3A_1044 = tpu.vector_load %arg10[%parallel_loop3A_1042, %parallel_loop3A_1043] {strides = array<i32>} : memref<16x768xf32, #tpu.memory_space<vmem>>, vector<16xf32>,
        %parallel_loop3A_1045 = arith.index_cast %parallel_loop3A_112 : i32 to index
        %parallel_loop3A_1046 = arith.constant 368 : index
        %parallel_loop3A_1047 = tpu.vector_load %arg10[%parallel_loop3A_1045, %parallel_loop3A_1046] {strides = array<i32>} : memref<16x768xf32, #tpu.memory_space<vmem>>, vector<16xf32>,
        %parallel_loop3A_1048 = vector.broadcast %parallel_loop3A_746 : f32 to vector<16xf32>
        %parallel_loop3A_1049 = arith.subf %parallel_loop3A_1014, %parallel_loop3A_1048 : vector<16xf32>
        %parallel_loop3A_1050 = arith.mulf %parallel_loop3A_1049, %parallel_loop3A_783 : vector<16xf32>
        %parallel_loop3A_1051 = arith.mulf %parallel_loop3A_1050, %parallel_loop3A_965 : vector<16xf32>
        %parallel_loop3A_1052 = arith.addf %parallel_loop3A_1051, %parallel_loop3A_989 : vector<16xf32>
        %parallel_loop3A_1053 = vector.broadcast %parallel_loop3A_746 : f32 to vector<16xf32>
        %parallel_loop3A_1054 = arith.subf %parallel_loop3A_1017, %parallel_loop3A_1053 : vector<16xf32>
        %parallel_loop3A_1055 = arith.mulf %parallel_loop3A_1054, %parallel_loop3A_783 : vector<16xf32>
        %parallel_loop3A_1056 = arith.mulf %parallel_loop3A_1055, %parallel_loop3A_967 : vector<16xf32>
        %parallel_loop3A_1057 = arith.addf %parallel_loop3A_1056, %parallel_loop3A_991 : vector<16xf32>
        %parallel_loop3A_1058 = vector.broadcast %parallel_loop3A_746 : f32 to vector<16xf32>
        %parallel_loop3A_1059 = arith.subf %parallel_loop3A_1020, %parallel_loop3A_1058 : vector<16xf32>
        %parallel_loop3A_1060 = arith.mulf %parallel_loop3A_1059, %parallel_loop3A_783 : vector<16xf32>
        %parallel_loop3A_1061 = arith.mulf %parallel_loop3A_1060, %parallel_loop3A_969 : vector<16xf32>
        %parallel_loop3A_1062 = arith.addf %parallel_loop3A_1061, %parallel_loop3A_993 : vector<16xf32>
        %parallel_loop3A_1063 = vector.broadcast %parallel_loop3A_746 : f32 to vector<16xf32>
        %parallel_loop3A_1064 = arith.subf %parallel_loop3A_1023, %parallel_loop3A_1063 : vector<16xf32>
        %parallel_loop3A_1065 = arith.mulf %parallel_loop3A_1064, %parallel_loop3A_783 : vector<16xf32>
        %parallel_loop3A_1066 = arith.mulf %parallel_loop3A_1065, %parallel_loop3A_971 : vector<16xf32>
        %parallel_loop3A_1067 = arith.addf %parallel_loop3A_1066, %parallel_loop3A_995 : vector<16xf32>
        %parallel_loop3A_1068 = vector.broadcast %parallel_loop3A_746 : f32 to vector<16xf32>
        %parallel_loop3A_1069 = arith.subf %parallel_loop3A_1026, %parallel_loop3A_1068 : vector<16xf32>
        %parallel_loop3A_1070 = arith.mulf %parallel_loop3A_1069, %parallel_loop3A_783 : vector<16xf32>
        %parallel_loop3A_1071 = arith.mulf %parallel_loop3A_1070, %parallel_loop3A_973 : vector<16xf32>
        %parallel_loop3A_1072 = arith.addf %parallel_loop3A_1071, %parallel_loop3A_997 : vector<16xf32>
        %parallel_loop3A_1073 = vector.broadcast %parallel_loop3A_746 : f32 to vector<16xf32>
        %parallel_loop3A_1074 = arith.subf %parallel_loop3A_1029, %parallel_loop3A_1073 : vector<16xf32>
        %parallel_loop3A_1075 = arith.mulf %parallel_loop3A_1074, %parallel_loop3A_783 : vector<16xf32>
        %parallel_loop3A_1076 = arith.mulf %parallel_loop3A_1075, %parallel_loop3A_975 : vector<16xf32>
        %parallel_loop3A_1077 = arith.addf %parallel_loop3A_1076, %parallel_loop3A_999 : vector<16xf32>
        %parallel_loop3A_1078 = vector.broadcast %parallel_loop3A_746 : f32 to vector<16xf32>
        %parallel_loop3A_1079 = arith.subf %parallel_loop3A_1032, %parallel_loop3A_1078 : vector<16xf32>
        %parallel_loop3A_1080 = arith.mulf %parallel_loop3A_1079, %parallel_loop3A_783 : vector<16xf32>
        %parallel_loop3A_1081 = arith.mulf %parallel_loop3A_1080, %parallel_loop3A_977 : vector<16xf32>
        %parallel_loop3A_1082 = arith.addf %parallel_loop3A_1081, %parallel_loop3A_1001 : vector<16xf32>
        %parallel_loop3A_1083 = vector.broadcast %parallel_loop3A_746 : f32 to vector<16xf32>
        %parallel_loop3A_1084 = arith.subf %parallel_loop3A_1035, %parallel_loop3A_1083 : vector<16xf32>
        %parallel_loop3A_1085 = arith.mulf %parallel_loop3A_1084, %parallel_loop3A_783 : vector<16xf32>
        %parallel_loop3A_1086 = arith.mulf %parallel_loop3A_1085, %parallel_loop3A_979 : vector<16xf32>
        %parallel_loop3A_1087 = arith.addf %parallel_loop3A_1086, %parallel_loop3A_1003 : vector<16xf32>
        %parallel_loop3A_1088 = vector.broadcast %parallel_loop3A_746 : f32 to vector<16xf32>
        %parallel_loop3A_1089 = arith.subf %parallel_loop3A_1038, %parallel_loop3A_1088 : vector<16xf32>
        %parallel_loop3A_1090 = arith.mulf %parallel_loop3A_1089, %parallel_loop3A_783 : vector<16xf32>
        %parallel_loop3A_1091 = arith.mulf %parallel_loop3A_1090, %parallel_loop3A_981 : vector<16xf32>
        %parallel_loop3A_1092 = arith.addf %parallel_loop3A_1091, %parallel_loop3A_1005 : vector<16xf32>
        %parallel_loop3A_1093 = vector.broadcast %parallel_loop3A_746 : f32 to vector<16xf32>
        %parallel_loop3A_1094 = arith.subf %parallel_loop3A_1041, %parallel_loop3A_1093 : vector<16xf32>
        %parallel_loop3A_1095 = arith.mulf %parallel_loop3A_1094, %parallel_loop3A_783 : vector<16xf32>
        %parallel_loop3A_1096 = arith.mulf %parallel_loop3A_1095, %parallel_loop3A_983 : vector<16xf32>
        %parallel_loop3A_1097 = arith.addf %parallel_loop3A_1096, %parallel_loop3A_1007 : vector<16xf32>
        %parallel_loop3A_1098 = vector.broadcast %parallel_loop3A_746 : f32 to vector<16xf32>
        %parallel_loop3A_1099 = arith.subf %parallel_loop3A_1044, %parallel_loop3A_1098 : vector<16xf32>
        %parallel_loop3A_1100 = arith.mulf %parallel_loop3A_1099, %parallel_loop3A_783 : vector<16xf32>
        %parallel_loop3A_1101 = arith.mulf %parallel_loop3A_1100, %parallel_loop3A_985 : vector<16xf32>
        %parallel_loop3A_1102 = arith.addf %parallel_loop3A_1101, %parallel_loop3A_1009 : vector<16xf32>
        %parallel_loop3A_1103 = vector.broadcast %parallel_loop3A_746 : f32 to vector<16xf32>
        %parallel_loop3A_1104 = arith.subf %parallel_loop3A_1047, %parallel_loop3A_1103 : vector<16xf32>
        %parallel_loop3A_1105 = arith.mulf %parallel_loop3A_1104, %parallel_loop3A_783 : vector<16xf32>
        %parallel_loop3A_1106 = arith.mulf %parallel_loop3A_1105, %parallel_loop3A_987 : vector<16xf32>
        %parallel_loop3A_1107 = arith.addf %parallel_loop3A_1106, %parallel_loop3A_1011 : vector<16xf32>
        %parallel_loop3A_1108 = arith.index_cast %parallel_loop3A_112 : i32 to index
        %parallel_loop3A_1109 = arith.constant 192 : index
        %parallel_loop3A_1110 = tpu.vector_load %arg14[%parallel_loop3A_1108, %parallel_loop3A_1109] {strides = array<i32>} : memref<16x768xf32, #tpu.memory_space<vmem>>, vector<16xf32>,
        tpu.vector_store %arg14[%parallel_loop3A_1108, %parallel_loop3A_1109], %parallel_loop3A_1052 {strides = array<i32>} : memref<16x768xf32, #tpu.memory_space<vmem>>, vector<16xf32>,
        %parallel_loop3A_1111 = arith.index_cast %parallel_loop3A_112 : i32 to index
        %parallel_loop3A_1112 = arith.constant 208 : index
        %parallel_loop3A_1113 = tpu.vector_load %arg14[%parallel_loop3A_1111, %parallel_loop3A_1112] {strides = array<i32>} : memref<16x768xf32, #tpu.memory_space<vmem>>, vector<16xf32>,
        tpu.vector_store %arg14[%parallel_loop3A_1111, %parallel_loop3A_1112], %parallel_loop3A_1057 {strides = array<i32>} : memref<16x768xf32, #tpu.memory_space<vmem>>, vector<16xf32>,
        %parallel_loop3A_1114 = arith.index_cast %parallel_loop3A_112 : i32 to index
        %parallel_loop3A_1115 = arith.constant 224 : index
        %parallel_loop3A_1116 = tpu.vector_load %arg14[%parallel_loop3A_1114, %parallel_loop3A_1115] {strides = array<i32>} : memref<16x768xf32, #tpu.memory_space<vmem>>, vector<16xf32>,
        tpu.vector_store %arg14[%parallel_loop3A_1114, %parallel_loop3A_1115], %parallel_loop3A_1062 {strides = array<i32>} : memref<16x768xf32, #tpu.memory_space<vmem>>, vector<16xf32>,
        %parallel_loop3A_1117 = arith.index_cast %parallel_loop3A_112 : i32 to index
        %parallel_loop3A_1118 = arith.constant 240 : index
        %parallel_loop3A_1119 = tpu.vector_load %arg14[%parallel_loop3A_1117, %parallel_loop3A_1118] {strides = array<i32>} : memref<16x768xf32, #tpu.memory_space<vmem>>, vector<16xf32>,
        tpu.vector_store %arg14[%parallel_loop3A_1117, %parallel_loop3A_1118], %parallel_loop3A_1067 {strides = array<i32>} : memref<16x768xf32, #tpu.memory_space<vmem>>, vector<16xf32>,
        %parallel_loop3A_1120 = arith.index_cast %parallel_loop3A_112 : i32 to index
        %parallel_loop3A_1121 = arith.constant 256 : index
        %parallel_loop3A_1122 = tpu.vector_load %arg14[%parallel_loop3A_1120, %parallel_loop3A_1121] {strides = array<i32>} : memref<16x768xf32, #tpu.memory_space<vmem>>, vector<16xf32>,
        tpu.vector_store %arg14[%parallel_loop3A_1120, %parallel_loop3A_1121], %parallel_loop3A_1072 {strides = array<i32>} : memref<16x768xf32, #tpu.memory_space<vmem>>, vector<16xf32>,
        %parallel_loop3A_1123 = arith.index_cast %parallel_loop3A_112 : i32 to index
        %parallel_loop3A_1124 = arith.constant 272 : index
        %parallel_loop3A_1125 = tpu.vector_load %arg14[%parallel_loop3A_1123, %parallel_loop3A_1124] {strides = array<i32>} : memref<16x768xf32, #tpu.memory_space<vmem>>, vector<16xf32>,
        tpu.vector_store %arg14[%parallel_loop3A_1123, %parallel_loop3A_1124], %parallel_loop3A_1077 {strides = array<i32>} : memref<16x768xf32, #tpu.memory_space<vmem>>, vector<16xf32>,
        %parallel_loop3A_1126 = arith.index_cast %parallel_loop3A_112 : i32 to index
        %parallel_loop3A_1127 = arith.constant 288 : index
        %parallel_loop3A_1128 = tpu.vector_load %arg14[%parallel_loop3A_1126, %parallel_loop3A_1127] {strides = array<i32>} : memref<16x768xf32, #tpu.memory_space<vmem>>, vector<16xf32>,
        tpu.vector_store %arg14[%parallel_loop3A_1126, %parallel_loop3A_1127], %parallel_loop3A_1082 {strides = array<i32>} : memref<16x768xf32, #tpu.memory_space<vmem>>, vector<16xf32>,
        %parallel_loop3A_1129 = arith.index_cast %parallel_loop3A_112 : i32 to index
        %parallel_loop3A_1130 = arith.constant 304 : index
        %parallel_loop3A_1131 = tpu.vector_load %arg14[%parallel_loop3A_1129, %parallel_loop3A_1130] {strides = array<i32>} : memref<16x768xf32, #tpu.memory_space<vmem>>, vector<16xf32>,
        tpu.vector_store %arg14[%parallel_loop3A_1129, %parallel_loop3A_1130], %parallel_loop3A_1087 {strides = array<i32>} : memref<16x768xf32, #tpu.memory_space<vmem>>, vector<16xf32>,
        %parallel_loop3A_1132 = arith.index_cast %parallel_loop3A_112 : i32 to index
        %parallel_loop3A_1133 = arith.constant 320 : index
        %parallel_loop3A_1134 = tpu.vector_load %arg14[%parallel_loop3A_1132, %parallel_loop3A_1133] {strides = array<i32>} : memref<16x768xf32, #tpu.memory_space<vmem>>, vector<16xf32>,
        tpu.vector_store %arg14[%parallel_loop3A_1132, %parallel_loop3A_1133], %parallel_loop3A_1092 {strides = array<i32>} : memref<16x768xf32, #tpu.memory_space<vmem>>, vector<16xf32>,
        %parallel_loop3A_1135 = arith.index_cast %parallel_loop3A_112 : i32 to index
        %parallel_loop3A_1136 = arith.constant 336 : index
        %parallel_loop3A_1137 = tpu.vector_load %arg14[%parallel_loop3A_1135, %parallel_loop3A_1136] {strides = array<i32>} : memref<16x768xf32, #tpu.memory_space<vmem>>, vector<16xf32>,
        tpu.vector_store %arg14[%parallel_loop3A_1135, %parallel_loop3A_1136], %parallel_loop3A_1097 {strides = array<i32>} : memref<16x768xf32, #tpu.memory_space<vmem>>, vector<16xf32>,
        %parallel_loop3A_1138 = arith.index_cast %parallel_loop3A_112 : i32 to index
        %parallel_loop3A_1139 = arith.constant 352 : index
        %parallel_loop3A_1140 = tpu.vector_load %arg14[%parallel_loop3A_1138, %parallel_loop3A_1139] {strides = array<i32>} : memref<16x768xf32, #tpu.memory_space<vmem>>, vector<16xf32>,
        tpu.vector_store %arg14[%parallel_loop3A_1138, %parallel_loop3A_1139], %parallel_loop3A_1102 {strides = array<i32>} : memref<16x768xf32, #tpu.memory_space<vmem>>, vector<16xf32>,
        %parallel_loop3A_1141 = arith.index_cast %parallel_loop3A_112 : i32 to index
        %parallel_loop3A_1142 = arith.constant 368 : index
        %parallel_loop3A_1143 = tpu.vector_load %arg14[%parallel_loop3A_1141, %parallel_loop3A_1142] {strides = array<i32>} : memref<16x768xf32, #tpu.memory_space<vmem>>, vector<16xf32>,
        tpu.vector_store %arg14[%parallel_loop3A_1141, %parallel_loop3A_1142], %parallel_loop3A_1107 {strides = array<i32>} : memref<16x768xf32, #tpu.memory_space<vmem>>, vector<16xf32>,
        %parallel_loop3A_1144 = arith.constant 384 : index
        %parallel_loop3A_1145 = tpu.vector_load %arg15[%parallel_loop3A_1144] {strides = array<i32>} : memref<768xf32, #tpu.memory_space<vmem>>, vector<16xf32>,
        %parallel_loop3A_1146 = arith.constant 400 : index
        %parallel_loop3A_1147 = tpu.vector_load %arg15[%parallel_loop3A_1146] {strides = array<i32>} : memref<768xf32, #tpu.memory_space<vmem>>, vector<16xf32>,
        %parallel_loop3A_1148 = arith.constant 416 : index
        %parallel_loop3A_1149 = tpu.vector_load %arg15[%parallel_loop3A_1148] {strides = array<i32>} : memref<768xf32, #tpu.memory_space<vmem>>, vector<16xf32>,
        %parallel_loop3A_1150 = arith.constant 432 : index
        %parallel_loop3A_1151 = tpu.vector_load %arg15[%parallel_loop3A_1150] {strides = array<i32>} : memref<768xf32, #tpu.memory_space<vmem>>, vector<16xf32>,
        %parallel_loop3A_1152 = arith.constant 448 : index
        %parallel_loop3A_1153 = tpu.vector_load %arg15[%parallel_loop3A_1152] {strides = array<i32>} : memref<768xf32, #tpu.memory_space<vmem>>, vector<16xf32>,
        %parallel_loop3A_1154 = arith.constant 464 : index
        %parallel_loop3A_1155 = tpu.vector_load %arg15[%parallel_loop3A_1154] {strides = array<i32>} : memref<768xf32, #tpu.memory_space<vmem>>, vector<16xf32>,
        %parallel_loop3A_1156 = arith.constant 480 : index
        %parallel_loop3A_1157 = tpu.vector_load %arg15[%parallel_loop3A_1156] {strides = array<i32>} : memref<768xf32, #tpu.memory_space<vmem>>, vector<16xf32>,
        %parallel_loop3A_1158 = arith.constant 496 : index
        %parallel_loop3A_1159 = tpu.vector_load %arg15[%parallel_loop3A_1158] {strides = array<i32>} : memref<768xf32, #tpu.memory_space<vmem>>, vector<16xf32>,
        %parallel_loop3A_1160 = arith.constant 512 : index
        %parallel_loop3A_1161 = tpu.vector_load %arg15[%parallel_loop3A_1160] {strides = array<i32>} : memref<768xf32, #tpu.memory_space<vmem>>, vector<16xf32>,
        %parallel_loop3A_1162 = arith.constant 528 : index
        %parallel_loop3A_1163 = tpu.vector_load %arg15[%parallel_loop3A_1162] {strides = array<i32>} : memref<768xf32, #tpu.memory_space<vmem>>, vector<16xf32>,
        %parallel_loop3A_1164 = arith.constant 544 : index
        %parallel_loop3A_1165 = tpu.vector_load %arg15[%parallel_loop3A_1164] {strides = array<i32>} : memref<768xf32, #tpu.memory_space<vmem>>, vector<16xf32>,
        %parallel_loop3A_1166 = arith.constant 560 : index
        %parallel_loop3A_1167 = tpu.vector_load %arg15[%parallel_loop3A_1166] {strides = array<i32>} : memref<768xf32, #tpu.memory_space<vmem>>, vector<16xf32>,
        %parallel_loop3A_1168 = arith.constant 384 : index
        %parallel_loop3A_1169 = tpu.vector_load %arg16[%parallel_loop3A_1168] {strides = array<i32>} : memref<768xf32, #tpu.memory_space<vmem>>, vector<16xf32>,
        %parallel_loop3A_1170 = arith.constant 400 : index
        %parallel_loop3A_1171 = tpu.vector_load %arg16[%parallel_loop3A_1170] {strides = array<i32>} : memref<768xf32, #tpu.memory_space<vmem>>, vector<16xf32>,
        %parallel_loop3A_1172 = arith.constant 416 : index
        %parallel_loop3A_1173 = tpu.vector_load %arg16[%parallel_loop3A_1172] {strides = array<i32>} : memref<768xf32, #tpu.memory_space<vmem>>, vector<16xf32>,
        %parallel_loop3A_1174 = arith.constant 432 : index
        %parallel_loop3A_1175 = tpu.vector_load %arg16[%parallel_loop3A_1174] {strides = array<i32>} : memref<768xf32, #tpu.memory_space<vmem>>, vector<16xf32>,
        %parallel_loop3A_1176 = arith.constant 448 : index
        %parallel_loop3A_1177 = tpu.vector_load %arg16[%parallel_loop3A_1176] {strides = array<i32>} : memref<768xf32, #tpu.memory_space<vmem>>, vector<16xf32>,
        %parallel_loop3A_1178 = arith.constant 464 : index
        %parallel_loop3A_1179 = tpu.vector_load %arg16[%parallel_loop3A_1178] {strides = array<i32>} : memref<768xf32, #tpu.memory_space<vmem>>, vector<16xf32>,
        %parallel_loop3A_1180 = arith.constant 480 : index
        %parallel_loop3A_1181 = tpu.vector_load %arg16[%parallel_loop3A_1180] {strides = array<i32>} : memref<768xf32, #tpu.memory_space<vmem>>, vector<16xf32>,
        %parallel_loop3A_1182 = arith.constant 496 : index
        %parallel_loop3A_1183 = tpu.vector_load %arg16[%parallel_loop3A_1182] {strides = array<i32>} : memref<768xf32, #tpu.memory_space<vmem>>, vector<16xf32>,
        %parallel_loop3A_1184 = arith.constant 512 : index
        %parallel_loop3A_1185 = tpu.vector_load %arg16[%parallel_loop3A_1184] {strides = array<i32>} : memref<768xf32, #tpu.memory_space<vmem>>, vector<16xf32>,
        %parallel_loop3A_1186 = arith.constant 528 : index
        %parallel_loop3A_1187 = tpu.vector_load %arg16[%parallel_loop3A_1186] {strides = array<i32>} : memref<768xf32, #tpu.memory_space<vmem>>, vector<16xf32>,
        %parallel_loop3A_1188 = arith.constant 544 : index
        %parallel_loop3A_1189 = tpu.vector_load %arg16[%parallel_loop3A_1188] {strides = array<i32>} : memref<768xf32, #tpu.memory_space<vmem>>, vector<16xf32>,
        %parallel_loop3A_1190 = arith.constant 560 : index
        %parallel_loop3A_1191 = tpu.vector_load %arg16[%parallel_loop3A_1190] {strides = array<i32>} : memref<768xf32, #tpu.memory_space<vmem>>, vector<16xf32>,
        %parallel_loop3A_1192 = arith.index_cast %parallel_loop3A_112 : i32 to index
        %parallel_loop3A_1193 = arith.constant 384 : index
        %parallel_loop3A_1194 = tpu.vector_load %arg10[%parallel_loop3A_1192, %parallel_loop3A_1193] {strides = array<i32>} : memref<16x768xf32, #tpu.memory_space<vmem>>, vector<16xf32>,
        %parallel_loop3A_1195 = arith.index_cast %parallel_loop3A_112 : i32 to index
        %parallel_loop3A_1196 = arith.constant 400 : index
        %parallel_loop3A_1197 = tpu.vector_load %arg10[%parallel_loop3A_1195, %parallel_loop3A_1196] {strides = array<i32>} : memref<16x768xf32, #tpu.memory_space<vmem>>, vector<16xf32>,
        %parallel_loop3A_1198 = arith.index_cast %parallel_loop3A_112 : i32 to index
        %parallel_loop3A_1199 = arith.constant 416 : index
        %parallel_loop3A_1200 = tpu.vector_load %arg10[%parallel_loop3A_1198, %parallel_loop3A_1199] {strides = array<i32>} : memref<16x768xf32, #tpu.memory_space<vmem>>, vector<16xf32>,
        %parallel_loop3A_1201 = arith.index_cast %parallel_loop3A_112 : i32 to index
        %parallel_loop3A_1202 = arith.constant 432 : index
        %parallel_loop3A_1203 = tpu.vector_load %arg10[%parallel_loop3A_1201, %parallel_loop3A_1202] {strides = array<i32>} : memref<16x768xf32, #tpu.memory_space<vmem>>, vector<16xf32>,
        %parallel_loop3A_1204 = arith.index_cast %parallel_loop3A_112 : i32 to index
        %parallel_loop3A_1205 = arith.constant 448 : index
        %parallel_loop3A_1206 = tpu.vector_load %arg10[%parallel_loop3A_1204, %parallel_loop3A_1205] {strides = array<i32>} : memref<16x768xf32, #tpu.memory_space<vmem>>, vector<16xf32>,
        %parallel_loop3A_1207 = arith.index_cast %parallel_loop3A_112 : i32 to index
        %parallel_loop3A_1208 = arith.constant 464 : index
        %parallel_loop3A_1209 = tpu.vector_load %arg10[%parallel_loop3A_1207, %parallel_loop3A_1208] {strides = array<i32>} : memref<16x768xf32, #tpu.memory_space<vmem>>, vector<16xf32>,
        %parallel_loop3A_1210 = arith.index_cast %parallel_loop3A_112 : i32 to index
        %parallel_loop3A_1211 = arith.constant 480 : index
        %parallel_loop3A_1212 = tpu.vector_load %arg10[%parallel_loop3A_1210, %parallel_loop3A_1211] {strides = array<i32>} : memref<16x768xf32, #tpu.memory_space<vmem>>, vector<16xf32>,
        %parallel_loop3A_1213 = arith.index_cast %parallel_loop3A_112 : i32 to index
        %parallel_loop3A_1214 = arith.constant 496 : index
        %parallel_loop3A_1215 = tpu.vector_load %arg10[%parallel_loop3A_1213, %parallel_loop3A_1214] {strides = array<i32>} : memref<16x768xf32, #tpu.memory_space<vmem>>, vector<16xf32>,
        %parallel_loop3A_1216 = arith.index_cast %parallel_loop3A_112 : i32 to index
        %parallel_loop3A_1217 = arith.constant 512 : index
        %parallel_loop3A_1218 = tpu.vector_load %arg10[%parallel_loop3A_1216, %parallel_loop3A_1217] {strides = array<i32>} : memref<16x768xf32, #tpu.memory_space<vmem>>, vector<16xf32>,
        %parallel_loop3A_1219 = arith.index_cast %parallel_loop3A_112 : i32 to index
        %parallel_loop3A_1220 = arith.constant 528 : index
        %parallel_loop3A_1221 = tpu.vector_load %arg10[%parallel_loop3A_1219, %parallel_loop3A_1220] {strides = array<i32>} : memref<16x768xf32, #tpu.memory_space<vmem>>, vector<16xf32>,
        %parallel_loop3A_1222 = arith.index_cast %parallel_loop3A_112 : i32 to index
        %parallel_loop3A_1223 = arith.constant 544 : index
        %parallel_loop3A_1224 = tpu.vector_load %arg10[%parallel_loop3A_1222, %parallel_loop3A_1223] {strides = array<i32>} : memref<16x768xf32, #tpu.memory_space<vmem>>, vector<16xf32>,
        %parallel_loop3A_1225 = arith.index_cast %parallel_loop3A_112 : i32 to index
        %parallel_loop3A_1226 = arith.constant 560 : index
        %parallel_loop3A_1227 = tpu.vector_load %arg10[%parallel_loop3A_1225, %parallel_loop3A_1226] {strides = array<i32>} : memref<16x768xf32, #tpu.memory_space<vmem>>, vector<16xf32>,
        %parallel_loop3A_1228 = vector.broadcast %parallel_loop3A_746 : f32 to vector<16xf32>
        %parallel_loop3A_1229 = arith.subf %parallel_loop3A_1194, %parallel_loop3A_1228 : vector<16xf32>
        %parallel_loop3A_1230 = arith.mulf %parallel_loop3A_1229, %parallel_loop3A_783 : vector<16xf32>
        %parallel_loop3A_1231 = arith.mulf %parallel_loop3A_1230, %parallel_loop3A_1145 : vector<16xf32>
        %parallel_loop3A_1232 = arith.addf %parallel_loop3A_1231, %parallel_loop3A_1169 : vector<16xf32>
        %parallel_loop3A_1233 = vector.broadcast %parallel_loop3A_746 : f32 to vector<16xf32>
        %parallel_loop3A_1234 = arith.subf %parallel_loop3A_1197, %parallel_loop3A_1233 : vector<16xf32>
        %parallel_loop3A_1235 = arith.mulf %parallel_loop3A_1234, %parallel_loop3A_783 : vector<16xf32>
        %parallel_loop3A_1236 = arith.mulf %parallel_loop3A_1235, %parallel_loop3A_1147 : vector<16xf32>
        %parallel_loop3A_1237 = arith.addf %parallel_loop3A_1236, %parallel_loop3A_1171 : vector<16xf32>
        %parallel_loop3A_1238 = vector.broadcast %parallel_loop3A_746 : f32 to vector<16xf32>
        %parallel_loop3A_1239 = arith.subf %parallel_loop3A_1200, %parallel_loop3A_1238 : vector<16xf32>
        %parallel_loop3A_1240 = arith.mulf %parallel_loop3A_1239, %parallel_loop3A_783 : vector<16xf32>
        %parallel_loop3A_1241 = arith.mulf %parallel_loop3A_1240, %parallel_loop3A_1149 : vector<16xf32>
        %parallel_loop3A_1242 = arith.addf %parallel_loop3A_1241, %parallel_loop3A_1173 : vector<16xf32>
        %parallel_loop3A_1243 = vector.broadcast %parallel_loop3A_746 : f32 to vector<16xf32>
        %parallel_loop3A_1244 = arith.subf %parallel_loop3A_1203, %parallel_loop3A_1243 : vector<16xf32>
        %parallel_loop3A_1245 = arith.mulf %parallel_loop3A_1244, %parallel_loop3A_783 : vector<16xf32>
        %parallel_loop3A_1246 = arith.mulf %parallel_loop3A_1245, %parallel_loop3A_1151 : vector<16xf32>
        %parallel_loop3A_1247 = arith.addf %parallel_loop3A_1246, %parallel_loop3A_1175 : vector<16xf32>
        %parallel_loop3A_1248 = vector.broadcast %parallel_loop3A_746 : f32 to vector<16xf32>
        %parallel_loop3A_1249 = arith.subf %parallel_loop3A_1206, %parallel_loop3A_1248 : vector<16xf32>
        %parallel_loop3A_1250 = arith.mulf %parallel_loop3A_1249, %parallel_loop3A_783 : vector<16xf32>
        %parallel_loop3A_1251 = arith.mulf %parallel_loop3A_1250, %parallel_loop3A_1153 : vector<16xf32>
        %parallel_loop3A_1252 = arith.addf %parallel_loop3A_1251, %parallel_loop3A_1177 : vector<16xf32>
        %parallel_loop3A_1253 = vector.broadcast %parallel_loop3A_746 : f32 to vector<16xf32>
        %parallel_loop3A_1254 = arith.subf %parallel_loop3A_1209, %parallel_loop3A_1253 : vector<16xf32>
        %parallel_loop3A_1255 = arith.mulf %parallel_loop3A_1254, %parallel_loop3A_783 : vector<16xf32>
        %parallel_loop3A_1256 = arith.mulf %parallel_loop3A_1255, %parallel_loop3A_1155 : vector<16xf32>
        %parallel_loop3A_1257 = arith.addf %parallel_loop3A_1256, %parallel_loop3A_1179 : vector<16xf32>
        %parallel_loop3A_1258 = vector.broadcast %parallel_loop3A_746 : f32 to vector<16xf32>
        %parallel_loop3A_1259 = arith.subf %parallel_loop3A_1212, %parallel_loop3A_1258 : vector<16xf32>
        %parallel_loop3A_1260 = arith.mulf %parallel_loop3A_1259, %parallel_loop3A_783 : vector<16xf32>
        %parallel_loop3A_1261 = arith.mulf %parallel_loop3A_1260, %parallel_loop3A_1157 : vector<16xf32>
        %parallel_loop3A_1262 = arith.addf %parallel_loop3A_1261, %parallel_loop3A_1181 : vector<16xf32>
        %parallel_loop3A_1263 = vector.broadcast %parallel_loop3A_746 : f32 to vector<16xf32>
        %parallel_loop3A_1264 = arith.subf %parallel_loop3A_1215, %parallel_loop3A_1263 : vector<16xf32>
        %parallel_loop3A_1265 = arith.mulf %parallel_loop3A_1264, %parallel_loop3A_783 : vector<16xf32>
        %parallel_loop3A_1266 = arith.mulf %parallel_loop3A_1265, %parallel_loop3A_1159 : vector<16xf32>
        %parallel_loop3A_1267 = arith.addf %parallel_loop3A_1266, %parallel_loop3A_1183 : vector<16xf32>
        %parallel_loop3A_1268 = vector.broadcast %parallel_loop3A_746 : f32 to vector<16xf32>
        %parallel_loop3A_1269 = arith.subf %parallel_loop3A_1218, %parallel_loop3A_1268 : vector<16xf32>
        %parallel_loop3A_1270 = arith.mulf %parallel_loop3A_1269, %parallel_loop3A_783 : vector<16xf32>
        %parallel_loop3A_1271 = arith.mulf %parallel_loop3A_1270, %parallel_loop3A_1161 : vector<16xf32>
        %parallel_loop3A_1272 = arith.addf %parallel_loop3A_1271, %parallel_loop3A_1185 : vector<16xf32>
        %parallel_loop3A_1273 = vector.broadcast %parallel_loop3A_746 : f32 to vector<16xf32>
        %parallel_loop3A_1274 = arith.subf %parallel_loop3A_1221, %parallel_loop3A_1273 : vector<16xf32>
        %parallel_loop3A_1275 = arith.mulf %parallel_loop3A_1274, %parallel_loop3A_783 : vector<16xf32>
        %parallel_loop3A_1276 = arith.mulf %parallel_loop3A_1275, %parallel_loop3A_1163 : vector<16xf32>
        %parallel_loop3A_1277 = arith.addf %parallel_loop3A_1276, %parallel_loop3A_1187 : vector<16xf32>
        %parallel_loop3A_1278 = vector.broadcast %parallel_loop3A_746 : f32 to vector<16xf32>
        %parallel_loop3A_1279 = arith.subf %parallel_loop3A_1224, %parallel_loop3A_1278 : vector<16xf32>
        %parallel_loop3A_1280 = arith.mulf %parallel_loop3A_1279, %parallel_loop3A_783 : vector<16xf32>
        %parallel_loop3A_1281 = arith.mulf %parallel_loop3A_1280, %parallel_loop3A_1165 : vector<16xf32>
        %parallel_loop3A_1282 = arith.addf %parallel_loop3A_1281, %parallel_loop3A_1189 : vector<16xf32>
        %parallel_loop3A_1283 = vector.broadcast %parallel_loop3A_746 : f32 to vector<16xf32>
        %parallel_loop3A_1284 = arith.subf %parallel_loop3A_1227, %parallel_loop3A_1283 : vector<16xf32>
        %parallel_loop3A_1285 = arith.mulf %parallel_loop3A_1284, %parallel_loop3A_783 : vector<16xf32>
        %parallel_loop3A_1286 = arith.mulf %parallel_loop3A_1285, %parallel_loop3A_1167 : vector<16xf32>
        %parallel_loop3A_1287 = arith.addf %parallel_loop3A_1286, %parallel_loop3A_1191 : vector<16xf32>
        %parallel_loop3A_1288 = arith.index_cast %parallel_loop3A_112 : i32 to index
        %parallel_loop3A_1289 = arith.constant 384 : index
        %parallel_loop3A_1290 = tpu.vector_load %arg14[%parallel_loop3A_1288, %parallel_loop3A_1289] {strides = array<i32>} : memref<16x768xf32, #tpu.memory_space<vmem>>, vector<16xf32>,
        tpu.vector_store %arg14[%parallel_loop3A_1288, %parallel_loop3A_1289], %parallel_loop3A_1232 {strides = array<i32>} : memref<16x768xf32, #tpu.memory_space<vmem>>, vector<16xf32>,
        %parallel_loop3A_1291 = arith.index_cast %parallel_loop3A_112 : i32 to index
        %parallel_loop3A_1292 = arith.constant 400 : index
        %parallel_loop3A_1293 = tpu.vector_load %arg14[%parallel_loop3A_1291, %parallel_loop3A_1292] {strides = array<i32>} : memref<16x768xf32, #tpu.memory_space<vmem>>, vector<16xf32>,
        tpu.vector_store %arg14[%parallel_loop3A_1291, %parallel_loop3A_1292], %parallel_loop3A_1237 {strides = array<i32>} : memref<16x768xf32, #tpu.memory_space<vmem>>, vector<16xf32>,
        %parallel_loop3A_1294 = arith.index_cast %parallel_loop3A_112 : i32 to index
        %parallel_loop3A_1295 = arith.constant 416 : index
        %parallel_loop3A_1296 = tpu.vector_load %arg14[%parallel_loop3A_1294, %parallel_loop3A_1295] {strides = array<i32>} : memref<16x768xf32, #tpu.memory_space<vmem>>, vector<16xf32>,
        tpu.vector_store %arg14[%parallel_loop3A_1294, %parallel_loop3A_1295], %parallel_loop3A_1242 {strides = array<i32>} : memref<16x768xf32, #tpu.memory_space<vmem>>, vector<16xf32>,
        %parallel_loop3A_1297 = arith.index_cast %parallel_loop3A_112 : i32 to index
        %parallel_loop3A_1298 = arith.constant 432 : index
        %parallel_loop3A_1299 = tpu.vector_load %arg14[%parallel_loop3A_1297, %parallel_loop3A_1298] {strides = array<i32>} : memref<16x768xf32, #tpu.memory_space<vmem>>, vector<16xf32>,
        tpu.vector_store %arg14[%parallel_loop3A_1297, %parallel_loop3A_1298], %parallel_loop3A_1247 {strides = array<i32>} : memref<16x768xf32, #tpu.memory_space<vmem>>, vector<16xf32>,
        %parallel_loop3A_1300 = arith.index_cast %parallel_loop3A_112 : i32 to index
        %parallel_loop3A_1301 = arith.constant 448 : index
        %parallel_loop3A_1302 = tpu.vector_load %arg14[%parallel_loop3A_1300, %parallel_loop3A_1301] {strides = array<i32>} : memref<16x768xf32, #tpu.memory_space<vmem>>, vector<16xf32>,
        tpu.vector_store %arg14[%parallel_loop3A_1300, %parallel_loop3A_1301], %parallel_loop3A_1252 {strides = array<i32>} : memref<16x768xf32, #tpu.memory_space<vmem>>, vector<16xf32>,
        %parallel_loop3A_1303 = arith.index_cast %parallel_loop3A_112 : i32 to index
        %parallel_loop3A_1304 = arith.constant 464 : index
        %parallel_loop3A_1305 = tpu.vector_load %arg14[%parallel_loop3A_1303, %parallel_loop3A_1304] {strides = array<i32>} : memref<16x768xf32, #tpu.memory_space<vmem>>, vector<16xf32>,
        tpu.vector_store %arg14[%parallel_loop3A_1303, %parallel_loop3A_1304], %parallel_loop3A_1257 {strides = array<i32>} : memref<16x768xf32, #tpu.memory_space<vmem>>, vector<16xf32>,
        %parallel_loop3A_1306 = arith.index_cast %parallel_loop3A_112 : i32 to index
        %parallel_loop3A_1307 = arith.constant 480 : index
        %parallel_loop3A_1308 = tpu.vector_load %arg14[%parallel_loop3A_1306, %parallel_loop3A_1307] {strides = array<i32>} : memref<16x768xf32, #tpu.memory_space<vmem>>, vector<16xf32>,
        tpu.vector_store %arg14[%parallel_loop3A_1306, %parallel_loop3A_1307], %parallel_loop3A_1262 {strides = array<i32>} : memref<16x768xf32, #tpu.memory_space<vmem>>, vector<16xf32>,
        %parallel_loop3A_1309 = arith.index_cast %parallel_loop3A_112 : i32 to index
        %parallel_loop3A_1310 = arith.constant 496 : index
        %parallel_loop3A_1311 = tpu.vector_load %arg14[%parallel_loop3A_1309, %parallel_loop3A_1310] {strides = array<i32>} : memref<16x768xf32, #tpu.memory_space<vmem>>, vector<16xf32>,
        tpu.vector_store %arg14[%parallel_loop3A_1309, %parallel_loop3A_1310], %parallel_loop3A_1267 {strides = array<i32>} : memref<16x768xf32, #tpu.memory_space<vmem>>, vector<16xf32>,
        %parallel_loop3A_1312 = arith.index_cast %parallel_loop3A_112 : i32 to index
        %parallel_loop3A_1313 = arith.constant 512 : index
        %parallel_loop3A_1314 = tpu.vector_load %arg14[%parallel_loop3A_1312, %parallel_loop3A_1313] {strides = array<i32>} : memref<16x768xf32, #tpu.memory_space<vmem>>, vector<16xf32>,
        tpu.vector_store %arg14[%parallel_loop3A_1312, %parallel_loop3A_1313], %parallel_loop3A_1272 {strides = array<i32>} : memref<16x768xf32, #tpu.memory_space<vmem>>, vector<16xf32>,
        %parallel_loop3A_1315 = arith.index_cast %parallel_loop3A_112 : i32 to index
        %parallel_loop3A_1316 = arith.constant 528 : index
        %parallel_loop3A_1317 = tpu.vector_load %arg14[%parallel_loop3A_1315, %parallel_loop3A_1316] {strides = array<i32>} : memref<16x768xf32, #tpu.memory_space<vmem>>, vector<16xf32>,
        tpu.vector_store %arg14[%parallel_loop3A_1315, %parallel_loop3A_1316], %parallel_loop3A_1277 {strides = array<i32>} : memref<16x768xf32, #tpu.memory_space<vmem>>, vector<16xf32>,
        %parallel_loop3A_1318 = arith.index_cast %parallel_loop3A_112 : i32 to index
        %parallel_loop3A_1319 = arith.constant 544 : index
        %parallel_loop3A_1320 = tpu.vector_load %arg14[%parallel_loop3A_1318, %parallel_loop3A_1319] {strides = array<i32>} : memref<16x768xf32, #tpu.memory_space<vmem>>, vector<16xf32>,
        tpu.vector_store %arg14[%parallel_loop3A_1318, %parallel_loop3A_1319], %parallel_loop3A_1282 {strides = array<i32>} : memref<16x768xf32, #tpu.memory_space<vmem>>, vector<16xf32>,
        %parallel_loop3A_1321 = arith.index_cast %parallel_loop3A_112 : i32 to index
        %parallel_loop3A_1322 = arith.constant 560 : index
        %parallel_loop3A_1323 = tpu.vector_load %arg14[%parallel_loop3A_1321, %parallel_loop3A_1322] {strides = array<i32>} : memref<16x768xf32, #tpu.memory_space<vmem>>, vector<16xf32>,
        tpu.vector_store %arg14[%parallel_loop3A_1321, %parallel_loop3A_1322], %parallel_loop3A_1287 {strides = array<i32>} : memref<16x768xf32, #tpu.memory_space<vmem>>, vector<16xf32>,
        %parallel_loop3A_1324 = arith.constant 576 : index
        %parallel_loop3A_1325 = tpu.vector_load %arg15[%parallel_loop3A_1324] {strides = array<i32>} : memref<768xf32, #tpu.memory_space<vmem>>, vector<16xf32>,
        %parallel_loop3A_1326 = arith.constant 592 : index
        %parallel_loop3A_1327 = tpu.vector_load %arg15[%parallel_loop3A_1326] {strides = array<i32>} : memref<768xf32, #tpu.memory_space<vmem>>, vector<16xf32>,
        %parallel_loop3A_1328 = arith.constant 608 : index
        %parallel_loop3A_1329 = tpu.vector_load %arg15[%parallel_loop3A_1328] {strides = array<i32>} : memref<768xf32, #tpu.memory_space<vmem>>, vector<16xf32>,
        %parallel_loop3A_1330 = arith.constant 624 : index
        %parallel_loop3A_1331 = tpu.vector_load %arg15[%parallel_loop3A_1330] {strides = array<i32>} : memref<768xf32, #tpu.memory_space<vmem>>, vector<16xf32>,
        %parallel_loop3A_1332 = arith.constant 640 : index
        %parallel_loop3A_1333 = tpu.vector_load %arg15[%parallel_loop3A_1332] {strides = array<i32>} : memref<768xf32, #tpu.memory_space<vmem>>, vector<16xf32>,
        %parallel_loop3A_1334 = arith.constant 656 : index
        %parallel_loop3A_1335 = tpu.vector_load %arg15[%parallel_loop3A_1334] {strides = array<i32>} : memref<768xf32, #tpu.memory_space<vmem>>, vector<16xf32>,
        %parallel_loop3A_1336 = arith.constant 672 : index
        %parallel_loop3A_1337 = tpu.vector_load %arg15[%parallel_loop3A_1336] {strides = array<i32>} : memref<768xf32, #tpu.memory_space<vmem>>, vector<16xf32>,
        %parallel_loop3A_1338 = arith.constant 688 : index
        %parallel_loop3A_1339 = tpu.vector_load %arg15[%parallel_loop3A_1338] {strides = array<i32>} : memref<768xf32, #tpu.memory_space<vmem>>, vector<16xf32>,
        %parallel_loop3A_1340 = arith.constant 704 : index
        %parallel_loop3A_1341 = tpu.vector_load %arg15[%parallel_loop3A_1340] {strides = array<i32>} : memref<768xf32, #tpu.memory_space<vmem>>, vector<16xf32>,
        %parallel_loop3A_1342 = arith.constant 720 : index
        %parallel_loop3A_1343 = tpu.vector_load %arg15[%parallel_loop3A_1342] {strides = array<i32>} : memref<768xf32, #tpu.memory_space<vmem>>, vector<16xf32>,
        %parallel_loop3A_1344 = arith.constant 736 : index
        %parallel_loop3A_1345 = tpu.vector_load %arg15[%parallel_loop3A_1344] {strides = array<i32>} : memref<768xf32, #tpu.memory_space<vmem>>, vector<16xf32>,
        %parallel_loop3A_1346 = arith.constant 752 : index
        %parallel_loop3A_1347 = tpu.vector_load %arg15[%parallel_loop3A_1346] {strides = array<i32>} : memref<768xf32, #tpu.memory_space<vmem>>, vector<16xf32>,
        %parallel_loop3A_1348 = arith.constant 576 : index
        %parallel_loop3A_1349 = tpu.vector_load %arg16[%parallel_loop3A_1348] {strides = array<i32>} : memref<768xf32, #tpu.memory_space<vmem>>, vector<16xf32>,
        %parallel_loop3A_1350 = arith.constant 592 : index
        %parallel_loop3A_1351 = tpu.vector_load %arg16[%parallel_loop3A_1350] {strides = array<i32>} : memref<768xf32, #tpu.memory_space<vmem>>, vector<16xf32>,
        %parallel_loop3A_1352 = arith.constant 608 : index
        %parallel_loop3A_1353 = tpu.vector_load %arg16[%parallel_loop3A_1352] {strides = array<i32>} : memref<768xf32, #tpu.memory_space<vmem>>, vector<16xf32>,
        %parallel_loop3A_1354 = arith.constant 624 : index
        %parallel_loop3A_1355 = tpu.vector_load %arg16[%parallel_loop3A_1354] {strides = array<i32>} : memref<768xf32, #tpu.memory_space<vmem>>, vector<16xf32>,
        %parallel_loop3A_1356 = arith.constant 640 : index
        %parallel_loop3A_1357 = tpu.vector_load %arg16[%parallel_loop3A_1356] {strides = array<i32>} : memref<768xf32, #tpu.memory_space<vmem>>, vector<16xf32>,
        %parallel_loop3A_1358 = arith.constant 656 : index
        %parallel_loop3A_1359 = tpu.vector_load %arg16[%parallel_loop3A_1358] {strides = array<i32>} : memref<768xf32, #tpu.memory_space<vmem>>, vector<16xf32>,
        %parallel_loop3A_1360 = arith.constant 672 : index
        %parallel_loop3A_1361 = tpu.vector_load %arg16[%parallel_loop3A_1360] {strides = array<i32>} : memref<768xf32, #tpu.memory_space<vmem>>, vector<16xf32>,
        %parallel_loop3A_1362 = arith.constant 688 : index
        %parallel_loop3A_1363 = tpu.vector_load %arg16[%parallel_loop3A_1362] {strides = array<i32>} : memref<768xf32, #tpu.memory_space<vmem>>, vector<16xf32>,
        %parallel_loop3A_1364 = arith.constant 704 : index
        %parallel_loop3A_1365 = tpu.vector_load %arg16[%parallel_loop3A_1364] {strides = array<i32>} : memref<768xf32, #tpu.memory_space<vmem>>, vector<16xf32>,
        %parallel_loop3A_1366 = arith.constant 720 : index
        %parallel_loop3A_1367 = tpu.vector_load %arg16[%parallel_loop3A_1366] {strides = array<i32>} : memref<768xf32, #tpu.memory_space<vmem>>, vector<16xf32>,
        %parallel_loop3A_1368 = arith.constant 736 : index
        %parallel_loop3A_1369 = tpu.vector_load %arg16[%parallel_loop3A_1368] {strides = array<i32>} : memref<768xf32, #tpu.memory_space<vmem>>, vector<16xf32>,
        %parallel_loop3A_1370 = arith.constant 752 : index
        %parallel_loop3A_1371 = tpu.vector_load %arg16[%parallel_loop3A_1370] {strides = array<i32>} : memref<768xf32, #tpu.memory_space<vmem>>, vector<16xf32>,
        %parallel_loop3A_1372 = arith.index_cast %parallel_loop3A_112 : i32 to index
        %parallel_loop3A_1373 = arith.constant 576 : index
        %parallel_loop3A_1374 = tpu.vector_load %arg10[%parallel_loop3A_1372, %parallel_loop3A_1373] {strides = array<i32>} : memref<16x768xf32, #tpu.memory_space<vmem>>, vector<16xf32>,
        %parallel_loop3A_1375 = arith.index_cast %parallel_loop3A_112 : i32 to index
        %parallel_loop3A_1376 = arith.constant 592 : index
        %parallel_loop3A_1377 = tpu.vector_load %arg10[%parallel_loop3A_1375, %parallel_loop3A_1376] {strides = array<i32>} : memref<16x768xf32, #tpu.memory_space<vmem>>, vector<16xf32>,
        %parallel_loop3A_1378 = arith.index_cast %parallel_loop3A_112 : i32 to index
        %parallel_loop3A_1379 = arith.constant 608 : index
        %parallel_loop3A_1380 = tpu.vector_load %arg10[%parallel_loop3A_1378, %parallel_loop3A_1379] {strides = array<i32>} : memref<16x768xf32, #tpu.memory_space<vmem>>, vector<16xf32>,
        %parallel_loop3A_1381 = arith.index_cast %parallel_loop3A_112 : i32 to index
        %parallel_loop3A_1382 = arith.constant 624 : index
        %parallel_loop3A_1383 = tpu.vector_load %arg10[%parallel_loop3A_1381, %parallel_loop3A_1382] {strides = array<i32>} : memref<16x768xf32, #tpu.memory_space<vmem>>, vector<16xf32>,
        %parallel_loop3A_1384 = arith.index_cast %parallel_loop3A_112 : i32 to index
        %parallel_loop3A_1385 = arith.constant 640 : index
        %parallel_loop3A_1386 = tpu.vector_load %arg10[%parallel_loop3A_1384, %parallel_loop3A_1385] {strides = array<i32>} : memref<16x768xf32, #tpu.memory_space<vmem>>, vector<16xf32>,
        %parallel_loop3A_1387 = arith.index_cast %parallel_loop3A_112 : i32 to index
        %parallel_loop3A_1388 = arith.constant 656 : index
        %parallel_loop3A_1389 = tpu.vector_load %arg10[%parallel_loop3A_1387, %parallel_loop3A_1388] {strides = array<i32>} : memref<16x768xf32, #tpu.memory_space<vmem>>, vector<16xf32>,
        %parallel_loop3A_1390 = arith.index_cast %parallel_loop3A_112 : i32 to index
        %parallel_loop3A_1391 = arith.constant 672 : index
        %parallel_loop3A_1392 = tpu.vector_load %arg10[%parallel_loop3A_1390, %parallel_loop3A_1391] {strides = array<i32>} : memref<16x768xf32, #tpu.memory_space<vmem>>, vector<16xf32>,
        %parallel_loop3A_1393 = arith.index_cast %parallel_loop3A_112 : i32 to index
        %parallel_loop3A_1394 = arith.constant 688 : index
        %parallel_loop3A_1395 = tpu.vector_load %arg10[%parallel_loop3A_1393, %parallel_loop3A_1394] {strides = array<i32>} : memref<16x768xf32, #tpu.memory_space<vmem>>, vector<16xf32>,
        %parallel_loop3A_1396 = arith.index_cast %parallel_loop3A_112 : i32 to index
        %parallel_loop3A_1397 = arith.constant 704 : index
        %parallel_loop3A_1398 = tpu.vector_load %arg10[%parallel_loop3A_1396, %parallel_loop3A_1397] {strides = array<i32>} : memref<16x768xf32, #tpu.memory_space<vmem>>, vector<16xf32>,
        %parallel_loop3A_1399 = arith.index_cast %parallel_loop3A_112 : i32 to index
        %parallel_loop3A_1400 = arith.constant 720 : index
        %parallel_loop3A_1401 = tpu.vector_load %arg10[%parallel_loop3A_1399, %parallel_loop3A_1400] {strides = array<i32>} : memref<16x768xf32, #tpu.memory_space<vmem>>, vector<16xf32>,
        %parallel_loop3A_1402 = arith.index_cast %parallel_loop3A_112 : i32 to index
        %parallel_loop3A_1403 = arith.constant 736 : index
        %parallel_loop3A_1404 = tpu.vector_load %arg10[%parallel_loop3A_1402, %parallel_loop3A_1403] {strides = array<i32>} : memref<16x768xf32, #tpu.memory_space<vmem>>, vector<16xf32>,
        %parallel_loop3A_1405 = arith.index_cast %parallel_loop3A_112 : i32 to index
        %parallel_loop3A_1406 = arith.constant 752 : index
        %parallel_loop3A_1407 = tpu.vector_load %arg10[%parallel_loop3A_1405, %parallel_loop3A_1406] {strides = array<i32>} : memref<16x768xf32, #tpu.memory_space<vmem>>, vector<16xf32>,
        %parallel_loop3A_1408 = vector.broadcast %parallel_loop3A_746 : f32 to vector<16xf32>
        %parallel_loop3A_1409 = arith.subf %parallel_loop3A_1374, %parallel_loop3A_1408 : vector<16xf32>
        %parallel_loop3A_1410 = arith.mulf %parallel_loop3A_1409, %parallel_loop3A_783 : vector<16xf32>
        %parallel_loop3A_1411 = arith.mulf %parallel_loop3A_1410, %parallel_loop3A_1325 : vector<16xf32>
        %parallel_loop3A_1412 = arith.addf %parallel_loop3A_1411, %parallel_loop3A_1349 : vector<16xf32>
        %parallel_loop3A_1413 = vector.broadcast %parallel_loop3A_746 : f32 to vector<16xf32>
        %parallel_loop3A_1414 = arith.subf %parallel_loop3A_1377, %parallel_loop3A_1413 : vector<16xf32>
        %parallel_loop3A_1415 = arith.mulf %parallel_loop3A_1414, %parallel_loop3A_783 : vector<16xf32>
        %parallel_loop3A_1416 = arith.mulf %parallel_loop3A_1415, %parallel_loop3A_1327 : vector<16xf32>
        %parallel_loop3A_1417 = arith.addf %parallel_loop3A_1416, %parallel_loop3A_1351 : vector<16xf32>
        %parallel_loop3A_1418 = vector.broadcast %parallel_loop3A_746 : f32 to vector<16xf32>
        %parallel_loop3A_1419 = arith.subf %parallel_loop3A_1380, %parallel_loop3A_1418 : vector<16xf32>
        %parallel_loop3A_1420 = arith.mulf %parallel_loop3A_1419, %parallel_loop3A_783 : vector<16xf32>
        %parallel_loop3A_1421 = arith.mulf %parallel_loop3A_1420, %parallel_loop3A_1329 : vector<16xf32>
        %parallel_loop3A_1422 = arith.addf %parallel_loop3A_1421, %parallel_loop3A_1353 : vector<16xf32>
        %parallel_loop3A_1423 = vector.broadcast %parallel_loop3A_746 : f32 to vector<16xf32>
        %parallel_loop3A_1424 = arith.subf %parallel_loop3A_1383, %parallel_loop3A_1423 : vector<16xf32>
        %parallel_loop3A_1425 = arith.mulf %parallel_loop3A_1424, %parallel_loop3A_783 : vector<16xf32>
        %parallel_loop3A_1426 = arith.mulf %parallel_loop3A_1425, %parallel_loop3A_1331 : vector<16xf32>
        %parallel_loop3A_1427 = arith.addf %parallel_loop3A_1426, %parallel_loop3A_1355 : vector<16xf32>
        %parallel_loop3A_1428 = vector.broadcast %parallel_loop3A_746 : f32 to vector<16xf32>
        %parallel_loop3A_1429 = arith.subf %parallel_loop3A_1386, %parallel_loop3A_1428 : vector<16xf32>
        %parallel_loop3A_1430 = arith.mulf %parallel_loop3A_1429, %parallel_loop3A_783 : vector<16xf32>
        %parallel_loop3A_1431 = arith.mulf %parallel_loop3A_1430, %parallel_loop3A_1333 : vector<16xf32>
        %parallel_loop3A_1432 = arith.addf %parallel_loop3A_1431, %parallel_loop3A_1357 : vector<16xf32>
        %parallel_loop3A_1433 = vector.broadcast %parallel_loop3A_746 : f32 to vector<16xf32>
        %parallel_loop3A_1434 = arith.subf %parallel_loop3A_1389, %parallel_loop3A_1433 : vector<16xf32>
        %parallel_loop3A_1435 = arith.mulf %parallel_loop3A_1434, %parallel_loop3A_783 : vector<16xf32>
        %parallel_loop3A_1436 = arith.mulf %parallel_loop3A_1435, %parallel_loop3A_1335 : vector<16xf32>
        %parallel_loop3A_1437 = arith.addf %parallel_loop3A_1436, %parallel_loop3A_1359 : vector<16xf32>
        %parallel_loop3A_1438 = vector.broadcast %parallel_loop3A_746 : f32 to vector<16xf32>
        %parallel_loop3A_1439 = arith.subf %parallel_loop3A_1392, %parallel_loop3A_1438 : vector<16xf32>
        %parallel_loop3A_1440 = arith.mulf %parallel_loop3A_1439, %parallel_loop3A_783 : vector<16xf32>
        %parallel_loop3A_1441 = arith.mulf %parallel_loop3A_1440, %parallel_loop3A_1337 : vector<16xf32>
        %parallel_loop3A_1442 = arith.addf %parallel_loop3A_1441, %parallel_loop3A_1361 : vector<16xf32>
        %parallel_loop3A_1443 = vector.broadcast %parallel_loop3A_746 : f32 to vector<16xf32>
        %parallel_loop3A_1444 = arith.subf %parallel_loop3A_1395, %parallel_loop3A_1443 : vector<16xf32>
        %parallel_loop3A_1445 = arith.mulf %parallel_loop3A_1444, %parallel_loop3A_783 : vector<16xf32>
        %parallel_loop3A_1446 = arith.mulf %parallel_loop3A_1445, %parallel_loop3A_1339 : vector<16xf32>
        %parallel_loop3A_1447 = arith.addf %parallel_loop3A_1446, %parallel_loop3A_1363 : vector<16xf32>
        %parallel_loop3A_1448 = vector.broadcast %parallel_loop3A_746 : f32 to vector<16xf32>
        %parallel_loop3A_1449 = arith.subf %parallel_loop3A_1398, %parallel_loop3A_1448 : vector<16xf32>
        %parallel_loop3A_1450 = arith.mulf %parallel_loop3A_1449, %parallel_loop3A_783 : vector<16xf32>
        %parallel_loop3A_1451 = arith.mulf %parallel_loop3A_1450, %parallel_loop3A_1341 : vector<16xf32>
        %parallel_loop3A_1452 = arith.addf %parallel_loop3A_1451, %parallel_loop3A_1365 : vector<16xf32>
        %parallel_loop3A_1453 = vector.broadcast %parallel_loop3A_746 : f32 to vector<16xf32>
        %parallel_loop3A_1454 = arith.subf %parallel_loop3A_1401, %parallel_loop3A_1453 : vector<16xf32>
        %parallel_loop3A_1455 = arith.mulf %parallel_loop3A_1454, %parallel_loop3A_783 : vector<16xf32>
        %parallel_loop3A_1456 = arith.mulf %parallel_loop3A_1455, %parallel_loop3A_1343 : vector<16xf32>
        %parallel_loop3A_1457 = arith.addf %parallel_loop3A_1456, %parallel_loop3A_1367 : vector<16xf32>
        %parallel_loop3A_1458 = vector.broadcast %parallel_loop3A_746 : f32 to vector<16xf32>
        %parallel_loop3A_1459 = arith.subf %parallel_loop3A_1404, %parallel_loop3A_1458 : vector<16xf32>
        %parallel_loop3A_1460 = arith.mulf %parallel_loop3A_1459, %parallel_loop3A_783 : vector<16xf32>
        %parallel_loop3A_1461 = arith.mulf %parallel_loop3A_1460, %parallel_loop3A_1345 : vector<16xf32>
        %parallel_loop3A_1462 = arith.addf %parallel_loop3A_1461, %parallel_loop3A_1369 : vector<16xf32>
        %parallel_loop3A_1463 = vector.broadcast %parallel_loop3A_746 : f32 to vector<16xf32>
        %parallel_loop3A_1464 = arith.subf %parallel_loop3A_1407, %parallel_loop3A_1463 : vector<16xf32>
        %parallel_loop3A_1465 = arith.mulf %parallel_loop3A_1464, %parallel_loop3A_783 : vector<16xf32>
        %parallel_loop3A_1466 = arith.mulf %parallel_loop3A_1465, %parallel_loop3A_1347 : vector<16xf32>
        %parallel_loop3A_1467 = arith.addf %parallel_loop3A_1466, %parallel_loop3A_1371 : vector<16xf32>
        %parallel_loop3A_1468 = arith.index_cast %parallel_loop3A_112 : i32 to index
        %parallel_loop3A_1469 = arith.constant 576 : index
        %parallel_loop3A_1470 = tpu.vector_load %arg14[%parallel_loop3A_1468, %parallel_loop3A_1469] {strides = array<i32>} : memref<16x768xf32, #tpu.memory_space<vmem>>, vector<16xf32>,
        tpu.vector_store %arg14[%parallel_loop3A_1468, %parallel_loop3A_1469], %parallel_loop3A_1412 {strides = array<i32>} : memref<16x768xf32, #tpu.memory_space<vmem>>, vector<16xf32>,
        %parallel_loop3A_1471 = arith.index_cast %parallel_loop3A_112 : i32 to index
        %parallel_loop3A_1472 = arith.constant 592 : index
        %parallel_loop3A_1473 = tpu.vector_load %arg14[%parallel_loop3A_1471, %parallel_loop3A_1472] {strides = array<i32>} : memref<16x768xf32, #tpu.memory_space<vmem>>, vector<16xf32>,
        tpu.vector_store %arg14[%parallel_loop3A_1471, %parallel_loop3A_1472], %parallel_loop3A_1417 {strides = array<i32>} : memref<16x768xf32, #tpu.memory_space<vmem>>, vector<16xf32>,
        %parallel_loop3A_1474 = arith.index_cast %parallel_loop3A_112 : i32 to index
        %parallel_loop3A_1475 = arith.constant 608 : index
        %parallel_loop3A_1476 = tpu.vector_load %arg14[%parallel_loop3A_1474, %parallel_loop3A_1475] {strides = array<i32>} : memref<16x768xf32, #tpu.memory_space<vmem>>, vector<16xf32>,
        tpu.vector_store %arg14[%parallel_loop3A_1474, %parallel_loop3A_1475], %parallel_loop3A_1422 {strides = array<i32>} : memref<16x768xf32, #tpu.memory_space<vmem>>, vector<16xf32>,
        %parallel_loop3A_1477 = arith.index_cast %parallel_loop3A_112 : i32 to index
        %parallel_loop3A_1478 = arith.constant 624 : index
        %parallel_loop3A_1479 = tpu.vector_load %arg14[%parallel_loop3A_1477, %parallel_loop3A_1478] {strides = array<i32>} : memref<16x768xf32, #tpu.memory_space<vmem>>, vector<16xf32>,
        tpu.vector_store %arg14[%parallel_loop3A_1477, %parallel_loop3A_1478], %parallel_loop3A_1427 {strides = array<i32>} : memref<16x768xf32, #tpu.memory_space<vmem>>, vector<16xf32>,
        %parallel_loop3A_1480 = arith.index_cast %parallel_loop3A_112 : i32 to index
        %parallel_loop3A_1481 = arith.constant 640 : index
        %parallel_loop3A_1482 = tpu.vector_load %arg14[%parallel_loop3A_1480, %parallel_loop3A_1481] {strides = array<i32>} : memref<16x768xf32, #tpu.memory_space<vmem>>, vector<16xf32>,
        tpu.vector_store %arg14[%parallel_loop3A_1480, %parallel_loop3A_1481], %parallel_loop3A_1432 {strides = array<i32>} : memref<16x768xf32, #tpu.memory_space<vmem>>, vector<16xf32>,
        %parallel_loop3A_1483 = arith.index_cast %parallel_loop3A_112 : i32 to index
        %parallel_loop3A_1484 = arith.constant 656 : index
        %parallel_loop3A_1485 = tpu.vector_load %arg14[%parallel_loop3A_1483, %parallel_loop3A_1484] {strides = array<i32>} : memref<16x768xf32, #tpu.memory_space<vmem>>, vector<16xf32>,
        tpu.vector_store %arg14[%parallel_loop3A_1483, %parallel_loop3A_1484], %parallel_loop3A_1437 {strides = array<i32>} : memref<16x768xf32, #tpu.memory_space<vmem>>, vector<16xf32>,
        %parallel_loop3A_1486 = arith.index_cast %parallel_loop3A_112 : i32 to index
        %parallel_loop3A_1487 = arith.constant 672 : index
        %parallel_loop3A_1488 = tpu.vector_load %arg14[%parallel_loop3A_1486, %parallel_loop3A_1487] {strides = array<i32>} : memref<16x768xf32, #tpu.memory_space<vmem>>, vector<16xf32>,
        tpu.vector_store %arg14[%parallel_loop3A_1486, %parallel_loop3A_1487], %parallel_loop3A_1442 {strides = array<i32>} : memref<16x768xf32, #tpu.memory_space<vmem>>, vector<16xf32>,
        %parallel_loop3A_1489 = arith.index_cast %parallel_loop3A_112 : i32 to index
        %parallel_loop3A_1490 = arith.constant 688 : index
        %parallel_loop3A_1491 = tpu.vector_load %arg14[%parallel_loop3A_1489, %parallel_loop3A_1490] {strides = array<i32>} : memref<16x768xf32, #tpu.memory_space<vmem>>, vector<16xf32>,
        tpu.vector_store %arg14[%parallel_loop3A_1489, %parallel_loop3A_1490], %parallel_loop3A_1447 {strides = array<i32>} : memref<16x768xf32, #tpu.memory_space<vmem>>, vector<16xf32>,
        %parallel_loop3A_1492 = arith.index_cast %parallel_loop3A_112 : i32 to index
        %parallel_loop3A_1493 = arith.constant 704 : index
        %parallel_loop3A_1494 = tpu.vector_load %arg14[%parallel_loop3A_1492, %parallel_loop3A_1493] {strides = array<i32>} : memref<16x768xf32, #tpu.memory_space<vmem>>, vector<16xf32>,
        tpu.vector_store %arg14[%parallel_loop3A_1492, %parallel_loop3A_1493], %parallel_loop3A_1452 {strides = array<i32>} : memref<16x768xf32, #tpu.memory_space<vmem>>, vector<16xf32>,
        %parallel_loop3A_1495 = arith.index_cast %parallel_loop3A_112 : i32 to index
        %parallel_loop3A_1496 = arith.constant 720 : index
        %parallel_loop3A_1497 = tpu.vector_load %arg14[%parallel_loop3A_1495, %parallel_loop3A_1496] {strides = array<i32>} : memref<16x768xf32, #tpu.memory_space<vmem>>, vector<16xf32>,
        tpu.vector_store %arg14[%parallel_loop3A_1495, %parallel_loop3A_1496], %parallel_loop3A_1457 {strides = array<i32>} : memref<16x768xf32, #tpu.memory_space<vmem>>, vector<16xf32>,
        %parallel_loop3A_1498 = arith.index_cast %parallel_loop3A_112 : i32 to index
        %parallel_loop3A_1499 = arith.constant 736 : index
        %parallel_loop3A_1500 = tpu.vector_load %arg14[%parallel_loop3A_1498, %parallel_loop3A_1499] {strides = array<i32>} : memref<16x768xf32, #tpu.memory_space<vmem>>, vector<16xf32>,
        tpu.vector_store %arg14[%parallel_loop3A_1498, %parallel_loop3A_1499], %parallel_loop3A_1462 {strides = array<i32>} : memref<16x768xf32, #tpu.memory_space<vmem>>, vector<16xf32>,
        %parallel_loop3A_1501 = arith.index_cast %parallel_loop3A_112 : i32 to index
        %parallel_loop3A_1502 = arith.constant 752 : index
        %parallel_loop3A_1503 = tpu.vector_load %arg14[%parallel_loop3A_1501, %parallel_loop3A_1502] {strides = array<i32>} : memref<16x768xf32, #tpu.memory_space<vmem>>, vector<16xf32>,
        tpu.vector_store %arg14[%parallel_loop3A_1501, %parallel_loop3A_1502], %parallel_loop3A_1467 {strides = array<i32>} : memref<16x768xf32, #tpu.memory_space<vmem>>, vector<16xf32>,
      } {sc.loop_unroll_factor = 2 : i64, sc.parallel_access}
      %add3A_98 = arith.constant 1 : i32
      %add3A_99 = arith.addi %mul3A_53, %add3A_98 : i32
      %mul3A_100 = arith.constant 16 : i32
      %mul3A_101 = arith.muli %add3A_99, %mul3A_100 : i32
      %add3A_102 = arith.addi %mul3A_2, %mul3A_101 : i32
      %dma_start3A_103 = arith.constant 0 : i32
      %dma_start3A_104 = tpu.memref_slice %arg7[%add3A_102, %dma_start3A_103] : memref<8192x768xf32, #tpu.memory_space<hbm>> -> memref<16x768xf32, #tpu.memory_space<hbm>>
      %dma_start3A_105 = arith.constant 0 : i32
      %dma_start3A_106 = tpu.memref_slice %arg7[%add3A_102, %dma_start3A_105] : memref<8192x768xf32, #tpu.memory_space<hbm>> -> memref<16x768xf32, #tpu.memory_space<hbm>>
      tpu.enqueue_dma source(%arg14 : memref<16x768xf32, #tpu.memory_space<vmem>>) target(%dma_start3A_106 : memref<16x768xf32, #tpu.memory_space<hbm>>) target_semaphore(%arg22 : memref<!tpu.dma_semaphore, #tpu.memory_space<semaphore_mem>>)
      %lt3A_107 = arith.constant 7 : i32
      %lt3A_108 = arith.cmpi slt, %scan3A_49, %lt3A_107 : i32
      %convert_element_type3A_109 = arith.extui %lt3A_108 : i1 to i32
      %cond3A_110 = arith.constant 0 : i32
      %cond3A_111 = arith.cmpi ne, %convert_element_type3A_109, %cond3A_110 : i32
      scf.if %cond3A_111 {
        %add3A_112 = arith.constant 3 : i32
        %add3A_113 = arith.addi %mul3A_53, %add3A_112 : i32
        %mul3A_114 = arith.constant 16 : i32
        %mul3A_115 = arith.muli %add3A_113, %mul3A_114 : i32
        %dma_start3A_116 = tpu.memref_slice %arg8[%mul3A_115] : memref<256xi32, #tpu.memory_space<vmem>> -> memref<16xi32, #tpu.memory_space<vmem>>
        %dma_start3A_117 = arith.constant 0 : i32
        %dma_start3A_118 = arith.constant 0 : i32
        %dma_start3A_119 = tpu.memref_slice %arg3[%dma_start3A_117, %dma_start3A_118] : memref<32000x768xf32, #tpu.memory_space<hbm>> -> memref<32000x768xf32, #tpu.memory_space<hbm>>
        tpu.enqueue_indirect_dma source(%dma_start3A_119 : memref<32000x768xf32, #tpu.memory_space<hbm>>) target(%arg10 : memref<16x768xf32, #tpu.memory_space<vmem>>) offsets(%dma_start3A_116 : memref<16xi32, #tpu.memory_space<vmem>>) semaphore(%arg18 : memref<!tpu.dma_semaphore, #tpu.memory_space<semaphore_mem>>)
        %mul3A_120 = arith.constant 16 : i32
        %mul3A_121 = arith.muli %add3A_113, %mul3A_120 : i32
        %add3A_122 = arith.addi %select_n3A_11, %mul3A_121 : i32
        %dma_start3A_123 = arith.constant 0 : i32
        %dma_start3A_124 = tpu.memref_slice %arg4[%add3A_122, %dma_start3A_123] : memref<2048x768xf32, #tpu.memory_space<hbm>> -> memref<16x768xf32, #tpu.memory_space<hbm>>
        %dma_start3A_125 = arith.constant 0 : i32
        %dma_start3A_126 = tpu.memref_slice %arg4[%add3A_122, %dma_start3A_125] : memref<2048x768xf32, #tpu.memory_space<hbm>> -> memref<16x768xf32, #tpu.memory_space<hbm>>
        tpu.enqueue_dma source(%dma_start3A_126 : memref<16x768xf32, #tpu.memory_space<hbm>>) target(%arg12 : memref<16x768xf32, #tpu.memory_space<vmem>>) target_semaphore(%arg20 : memref<!tpu.dma_semaphore, #tpu.memory_space<semaphore_mem>>)
      } else {
      }
    }
    %scan3A_37 = arith.constant 8 : i32
    %dma_wait3A = arith.constant 0 : i32
    %dma_wait3A_38 = arith.constant 0 : i32
    %dma_wait3A_39 = tpu.memref_slice %arg7[%dma_wait3A, %dma_wait3A_38] : memref<8192x768xf32, #tpu.memory_space<hbm>> -> memref<16x768xf32, #tpu.memory_space<hbm>>
    %dma_wait3A_40 = arith.constant 0 : i32
    %dma_wait3A_41 = arith.constant 0 : i32
    %dma_wait3A_42 = tpu.memref_slice %arg7[%dma_wait3A_40, %dma_wait3A_41] : memref<8192x768xf32, #tpu.memory_space<hbm>> -> memref<16x768xf32, #tpu.memory_space<hbm>>
    tpu.wait_dma2 semaphore(%arg21 : memref<!tpu.dma_semaphore, #tpu.memory_space<semaphore_mem>>) src(%arg13 : memref<16x768xf32, #tpu.memory_space<vmem>>) dst(%dma_wait3A_42 : memref<16x768xf32, #tpu.memory_space<hbm>>)
    %dma_wait3A_43 = arith.constant 0 : i32
    %dma_wait3A_44 = arith.constant 0 : i32
    %dma_wait3A_45 = tpu.memref_slice %arg7[%dma_wait3A_43, %dma_wait3A_44] : memref<8192x768xf32, #tpu.memory_space<hbm>> -> memref<16x768xf32, #tpu.memory_space<hbm>>
    %dma_wait3A_46 = arith.constant 0 : i32
    %dma_wait3A_47 = arith.constant 0 : i32
    %dma_wait3A_48 = tpu.memref_slice %arg7[%dma_wait3A_46, %dma_wait3A_47] : memref<8192x768xf32, #tpu.memory_space<hbm>> -> memref<16x768xf32, #tpu.memory_space<hbm>>
    tpu.wait_dma2 semaphore(%arg22 : memref<!tpu.dma_semaphore, #tpu.memory_space<semaphore_mem>>) src(%arg14 : memref<16x768xf32, #tpu.memory_space<vmem>>) dst(%dma_wait3A_48 : memref<16x768xf32, #tpu.memory_space<hbm>>)
    return
  }
}

</mosaic_0001>

<sc_bundles>
// kernel: _embed_ln.3.cloned.1.call-start
scs
__scs_entry_jumppad:
0x0: {  	(pc) =	sbr.rel $0x88, $3  }
0x1: {  	(tag) =	ssettag $0x0;
	lr =	simm.s32 $0x1  }
0x2: {  	[smem:$0x3F9C] =	sst lr;
	_ =	strace $0xD0000000  }
0x3: {  	_ = 	snop  }
0x4: {  	_ = 	snop  }
0x5: {  	_ = 	snop  }
0x6: {  	_ = 	snop  }
0x7: {  	_ = 	snop  }
__scs_overlays_trampoline_lowered:
0x8: {  	[smem:$0x3FAB] =	sst s0  }
0x9: {  	[smem:$0x3FAC] =	sst s1  }
0xa: {  	[smem:$0x3FAD] =	sst s2  }
0xb: {  	[smem:$0x3FAE] =	sst s3  }
0xc: {  	[smem:$0x3FAF] =	sst s4  }
0xd: {  	[smem:$0x3FB0] =	sst s5  }
0xe: {  	[smem:$0x3FB1] =	sst s6  }
0xf: {  	[smem:$0x3FB2] =	sst s7  }
0x10: {  	[smem:$0x3FB3] =	sst s8  }
0x11: {  	[smem:$0x3FB4] =	sst s9;
	s0 =	simm.s32 @!p0 $0x0  }
0x12: {  	s1 =	sld [smem:$0x3F9A];
	s0 =	simm.s32 @p0 $0x1  }
0x13: {  	[smem:$0x3FB5] =	sst s0;
	s0 =	simm.s32 @!p1 $0x0  }
0x14: {  	s2 =	sld [smem:$0x3F99];
	s0 =	simm.s32 @p1 $0x1  }
0x15: {  	[smem:$0x3FB6] =	sst s0;
	s0 =	simm.s32 @!p2 $0x0  }
0x16: {  	s3 =	sld [smem:$0x3FDB];
	s0 =	simm.s32 @p2 $0x1  }
0x17: {  	s4 =	simm.s32 $0x1BF5;
	[smem:$0x3FB8] =	sst s0  }
0x18: {  	s0 =	sld [smem:$0x3F9B];
	_ =	swait.ge [sflag:s4], $0x0  }
0x19: {  	s7 =	sld [smem:$0x3F9C]  }
0x1a: {  	s8 =	sadd.s32 $0xFFFFE003, lr  }
0x1b: {  	s9 =	sadd.s32 $0xFFFFFEF7, lr;
	s5 =	simm.s32 $0xFFFFFFFF;
	p2 =	slt.u32 s8, $0xFFFFF086  }
0x1c: {  	p1 =	slt.u32 s9, $0xF7A;
	s5 =	simm.s32 @!p2 $0x0  }
0x1d: {  	s5 =	simm.s32 @p1 $0x1;
	p0 =	seq.s32 s7, s2  }
0x1e: {  	s7 =	smul.u32 @!p0 $0xF7A, s2;
	p2 =	seq.s32 @!p0 s5, $0x0  }
0x1f: {  	s9 =	smul.u32 $0xF7A, s1;
	s8 =	simm.s32 @!p0 $0x1BF5;
	p2 =	por !p2, p0  }
0x20: {  	[sflag:s8] =	ssyncset.s32 @!p0 $0xFFFFF086;
	s6 =	sadd.s32 @!p0 s3, s7;
	s7 =	simm.s32 @!p0 $0x108  }
0x21: {  	s3 =	sadd.s32 s3, s9;
	s6 =	sadd.s32 @!p0 $0x88, s6;
	s7 =	simm.s32 @p2 $0x1082  }
0x22: {  	[simem:s7], [sflag:s8] =	dma.local @!p0 [hbm:s6], $0xF7A  }
0x23: {  	s9 =	sor.u32 $0xD0000000, s2;
	s6 =	simm.s32 $0x108;
	_ =	swait.ge @!p0 [sflag:s8], $0x0  }
0x24: {  	s3 =	sadd.s32 $0x88, s3;
	s6 =	simm.s32 @!p1 $0x1082;
	[sflag:s4] =	ssyncset.s32 $0xFFFFF086  }
0x25: {  	[simem:s6], [sflag:s4] =	dma.local [hbm:s3], $0xF7A  }
0x26: {  	[smem:$0x3F9C] =	sst s1;
	(tag) =	ssettag s2;
	_ =	strace s9  }
0x27: {  	s1 =	sld [smem:$0x3FAC]  }
0x28: {  	s2 =	sld [smem:$0x3FAD]  }
0x29: {  	s4 =	sld [smem:$0x3FAF]  }
0x2a: {  	p0 =	seq.s32 s5, $0x0;
	s5 =	sld [smem:$0x3FB0]  }
0x2b: {  	s6 =	sld [smem:$0x3FB1]  }
0x2c: {  	s7 =	sld [smem:$0x3FB2]  }
0x2d: {  	s3 =	simm.s32 $0x108;
	s8 =	sld [smem:$0x3FB3]  }
0x2e: {  	s3 =	simm.s32 @!p0 $0x1082;
	s9 =	sld [smem:$0x3FB4]  }
0x2f: {  	lr =	sadd.s32 s0, s3;
	s0 =	sld [smem:$0x3FAB]  }
0x30: {  	s3 =	sld [smem:$0x3FAE]  }
0x31: {  	[smem:$0x3FB7] =	sst s10  }
0x32: {  	s10 =	sld [smem:$0x3FB5];
	_ =	sdelay $0x3  }
0x33: {  	p0 =	seq.s32 s10, $0x1;
	s10 =	sld [smem:$0x3FB7];
	_ =	sdelay $0x3  }
0x34: {  	[smem:$0x3FB7] =	sst s10  }
0x35: {  	s10 =	sld [smem:$0x3FB6];
	_ =	sdelay $0x3  }
0x36: {  	p1 =	seq.s32 s10, $0x1;
	s10 =	sld [smem:$0x3FB7];
	_ =	sdelay $0x3  }
0x37: {  	[smem:$0x3FB7] =	sst s10  }
0x38: {  	s10 =	sld [smem:$0x3FB8]  }
0x39: {  	_ = 	snop;
	(pc) =	sbr.ind lr, $3  }
0x3a: {  	_ = 	snop  }
0x3b: {  	_ = 	snop  }
0x3c: {  	p2 =	seq.s32 s10, $0x1;
	s10 =	sld [smem:$0x3FB7]  }
0x3d: {  	_ =	shalt  }
0x3e: {  	_ =	shalt  }
0x3f: {  	_ =	shalt  }
0x40: {  	_ =	shalt  }
0x41: {  	_ =	shalt  }
0x42: {  	_ =	shalt  }
0x43: {  	_ =	shalt  }
0x44: {  	_ =	shalt  }
0x45: {  	_ =	shalt  }
0x46: {  	_ =	shalt  }
0x47: {  	_ =	shalt  }
0x48: {  	_ =	shalt  }
0x49: {  	_ =	shalt  }
0x4a: {  	_ =	shalt  }
0x4b: {  	_ =	shalt  }
0x4c: {  	_ =	shalt  }
0x4d: {  	_ =	shalt  }
0x4e: {  	_ =	shalt  }
0x4f: {  	_ =	shalt  }
0x50: {  	_ =	shalt  }
0x51: {  	_ =	shalt  }
0x52: {  	_ =	shalt  }
0x53: {  	_ =	shalt  }
0x54: {  	_ =	shalt  }
0x55: {  	_ =	shalt  }
0x56: {  	_ =	shalt  }
0x57: {  	_ =	shalt  }
0x58: {  	_ =	shalt  }
0x59: {  	_ =	shalt  }
0x5a: {  	_ =	shalt  }
0x5b: {  	_ =	shalt  }
0x5c: {  	_ =	shalt  }
0x5d: {  	_ =	shalt  }
0x5e: {  	_ =	shalt  }
0x5f: {  	_ =	shalt  }
0x60: {  	_ =	shalt  }
0x61: {  	_ =	shalt  }
0x62: {  	_ =	shalt  }
0x63: {  	_ =	shalt  }
0x64: {  	_ =	shalt  }
0x65: {  	_ =	shalt  }
0x66: {  	_ =	shalt  }
0x67: {  	_ =	shalt  }
0x68: {  	_ =	shalt  }
0x69: {  	_ =	shalt  }
0x6a: {  	_ =	shalt  }
0x6b: {  	_ =	shalt  }
0x6c: {  	_ =	shalt  }
0x6d: {  	_ =	shalt  }
0x6e: {  	_ =	shalt  }
0x6f: {  	_ =	shalt  }
0x70: {  	_ =	shalt  }
0x71: {  	_ =	shalt  }
0x72: {  	_ =	shalt  }
0x73: {  	_ =	shalt  }
0x74: {  	_ =	shalt  }
0x75: {  	_ =	shalt  }
0x76: {  	_ =	shalt  }
0x77: {  	_ =	shalt  }
0x78: {  	_ =	shalt  }
0x79: {  	_ =	shalt  }
0x7a: {  	_ =	shalt  }
0x7b: {  	_ =	shalt  }
0x7c: {  	_ =	shalt  }
0x7d: {  	_ =	shalt  }
0x7e: {  	_ =	shalt  }
0x7f: {  	_ =	shalt  }
0x80: {  	_ =	shalt  }
0x81: {  	_ =	shalt  }
0x82: {  	_ =	shalt  }
0x83: {  	_ =	shalt  }
0x84: {  	_ =	shalt  }
0x85: {  	_ =	shalt  }
0x86: {  	_ =	shalt  }
0x87: {  	_ =	shalt  }
.Lfunc_end0:
.L_simem_size_0:
called_computation_lowered:
.L_overlay_start_0:
0x88: {  	s2 =	sld [smem:$0x3FD9]  }
0x89: {  	s3 =	sld [smem:$0x3FFE];
	_ =	sdelay $0x1  }
0x8a: {  	s1 =	srdreg.scid  }
0x8b: {  	s0 =	sand.u32 $0x1, s1  }
0x8c: {  	s18 =	sshll.u32 s0, $0xA;
	s2 =	sadd.s32 s3, s2  }
0x8d: {  	s2 =	sadd.s32 s2, s18  }
0x8e: {  	[smem:$0x3FC3] =	sst s2  }
0x8f: {  	_ = 	snop  }
0x90: {  	s2 =	sld [smem:$0x3FC9]  }
0x91: {  	s19 =	sld [smem:$0x3FC8]  }
0x92: {  	s4 =	sld [smem:$0x3FC7]  }
0x93: {  	s5 =	sld [smem:$0x3FC6]  }
0x94: {  	s6 =	sld [smem:$0x3FC5]  }
0x95: {  	s7 =	sld [smem:$0x3FD0];
	(tm) =	ssettm $0x1  }
0x96: {  	s8 =	sld [smem:$0x3FFB];
	_ =	sdelay $0x3  }
0x97: {  	_ =	strace s8  }
0x98: {  	s8 =	sld [smem:$0x3FFC];
	_ =	sdelay $0x3  }
0x99: {  	_ =	strace s8  }
0x9a: {  	s8 =	sld [smem:$0x3FFD];
	_ =	sdelay $0x3  }
0x9b: {  	_ =	strace s8  }
0x9c: {  	_ =	strace $0x8FFFFFFF  }
0x9d: {  	s20 =	sld [smem:$0x3FDB];
	_ =	sdelay $0x1  }
0x9e: {  	s9 =	simm.s32 $_scs_section_size  }
0x9f: {  	s10 =	simm.s32 $_size__tile_overlayer_lowered;
	s11 =	simm.s32 $_tile_overlayer_lowered  }
0xa0: {  	s23 =	simm.s32 $0x1BFF;
	s22 =	sshll.u32 s11, $0x1;
	s8 =	sadd.s32 s9, s20  }
0xa1: {  	s12 =	simm.s32 $0x0;
	s21 =	sshll.u32 s10, $0x1;
	s10 =	sadd.s32 s22, s8  }
0xa2: {  	[timem:s12], [sflag:s23] =	dma.local [hbm:s10], s21  }
0xa3: {  	_ =	swait.ge [sflag:s23], s21  }
0xa4: {  	s9 =	ssub.s32 $0x0, s21;
	[sflag:s23] =	ssyncset.done $0x0  }
0xa5: {  	[sflag:s23] =	ssyncadd.s32 s9;
	_ =	sdelay $0x1  }
0xa6: {  	s24 =	simm.s32 $0x1B8B  }
0xa7: {  	_ =	swait.ge [sflag:s24], $0x1  }
0xa8: {  	[sflag:s24] =	ssyncset.done $0x0  }
0xa9: {  	s25 =	simm.s32 $0x1B8E;
	[sflag:s24] =	ssyncadd.s32 $0xFFFFFFFF  }
0xaa: {  	s26 =	simm.s32 $execute0_lowered;
	[smem:$0x3FD2] =	sst s25  }
0xab: {  	s9 =	sshll.u32 s26, $0x1;
	_ =	strace $0x80000046;
	[dreg:$0x1] =	wrdreg $0xFFFFFFFF  }
0xac: {  	s28 =	simm.s32 $_size_execute0_lowered;
	s8 =	sadd.s32 s8, s9;
	[dreg:$0x0] =	wrdreg $0x0  }
0xad: {  	s9 =	sshll.u32 s28, $0x1;
	[dreg:$0x2] =	wrdreg s8  }
0xae: {  	[dreg:$0x3] =	wrdreg s9  }
0xaf: {  	[dreg:$0x4] =	wrdreg $0xC0  }
0xb0: {  	_ =	task [dreg:s12], $0x5FFFF  }
0xb1: {  	[dreg:$0x1] =	wrdreg $0xFFFFFFFF  }
0xb2: {  	[dreg:$0x0] =	wrdreg $0x60  }
0xb3: {  	[dreg:$0x2] =	wrdreg s2  }
0xb4: {  	[dreg:$0x3] =	wrdreg s19  }
0xb5: {  	[dreg:$0x4] =	wrdreg s4  }
0xb6: {  	[dreg:$0x5] =	wrdreg s5  }
0xb7: {  	[dreg:$0x6] =	wrdreg s6  }
0xb8: {  	[dreg:$0x7] =	wrdreg s7  }
0xb9: {  	[dreg:$0x8] =	wrdreg $0x9  }
0xba: {  	_ =	task.clear_ibuf [dreg:s12], $0x9FFFF;
	_ =	strace $0x90000046  }
0xbb: {  	s29 =	simm.s32 $0x9;
	_ =	strace $0x80000048  }
0xbc: {  	_ =	swait.ge [sflag:s29], $0x1  }
0xbd: {  	[sflag:s29] =	ssyncadd.s32 $0xFFFFFFFF  }
0xbe: {  	_ =	strace $0x90000048  }
0xbf: {  	_ =	sfence  }
0xc0: {  	s30 =	sld [smem:$0x0];
	_ =	sdelay $0x2  }
0xc1: {  	s31 =	sshll.u32 s1, $0xD;
	s1 =	sshrl.u32 s1, $0x2  }
0xc2: {  	s3 =	sand.u32 $0x4000, s31;
	s1 =	sadd.s32 s1, s30  }
0xc3: {  	s0 =	sor.u32 s3, s0;
	s1 =	sshll.u32 s1, $0x11  }
0xc4: {  	s0 =	sor.u32 s1, s0  }
0xc5: {  	s0 =	sadd.s32 $0x8F2B, s0  }
0xc6: {  	[sflag:s0] =	ssyncadd.remote.s32 $0x1  }
0xc7: {  	_ =	sfence.sel $0xFFFF  }
0xc8: {  	[dreg:$0x0] =	wrdreg $0xFFFFFFFF;
	(pc) =	sbr.abs _section_cstart, $3  }
0xc9: {  	[dreg:$0x1] =	wrdreg $0xFFFFFFFF  }
0xca: {  	_ =	task.clear_ibuf [dreg:s12], $0x2FFFF;
	_ =	strace $0x9FFFFFFF  }
0xcb: {  	(tm) =	ssettm $0x7FFFFFFF  }
tec
execute0_lowered:
.L_overlay_start_1:
0x0: {  	(tag) =	ssettag $0x1  }
0x1: {  	s0 =	rddreg [dreg:$0x0]  }
0x2: {  	s1 =	rddreg [dreg:$0x1]  }
0x3: {  	s10 =	rddreg [dreg:$0x2]  }
0x4: {  	s3 =	srdreg.scid;
	s2 =	stileid.u32  }
0x5: {  	s26 =	rddreg [dreg:$0x5];
	s8 =	simm.s32 $0x0;
	s3 =	sand.u32 $0x1, s3  }
0x6: {  	s18 =	simm.s32 $0x1;
	s4 =	sshll.u32 s2, $0x9;
	s5 =	sshll.u32 s3, $0x8  }
0x7: {  	s19 =	simm.s32 $0x3;
	s21 =	simm.s32 $0x2;
	s7 =	sor.u32 s5, s4  }
0x8: {  	s22 =	simm.s32 $0x4;
	s25 =	simm.s32 $0x6;
	s9 =	sand.u32 $0x700, s7  }
0x9: {  	[smem:$0x7FF] =	sst s8;
	s3 =	ssub.s32 $0x2, s3;
	s28 =	sshrl.u32 s9, $0x3  }
0xa: {  	s29 =	sshrl.u32 s3, $0x1;
	s6 =	sshrl.u32 s7, $0x3;
	s4 =	smul.u32 $0x300, s28  }
.Ltmp0:
0xb: {  	s3 =	ssub.s32 s3, s29;
	s0 =	sadd.s32 s0, s6;
	(pc) =	sbr.rel .LBB2_1-.Ltmp0, $4  }
0xc: {  	_ =	strace $0x80000047;
	s31 =	smax.u32 s3, $0x1;
	[dreg:$0x7] =	wrdreg s0  }
0xd: {  	v2 =	vlaneseq.u32;
	s11 =	sadd.s32 $0x100, s1;
	[dreg:$0xa] =	wrdreg s31;
	s30 =	sadd.s32 s10, s4  }
0xe: {  	vm0 =	vmmov $0xffff;
	s12 =	sadd.s32 $0x200, s1;
	v1 =	vshrl.u32 v2, $0x3;
	[dreg:$0x8] =	wrdreg s30;
	s0 =	sadd.s32 $0x600, s30  }
0xf: {  	s16 =	sadd.s32 $0x600, s26;
	v0 =	vand.u32 $0x7, v2;
	v2 =	vor.u32 $0x8, v2;
	s2 =	simm.s32 $0x0;
	v1 =	vmul.u32 $0x8, v1;
	[dreg:$0x9] =	wrdreg s0  }
.LBB2_8:
0x10: {  	s0 =	simm.s32 $0x5  }
0x11: {  	_ =	swait.ge [sflag:s0], $0x3000  }
0x12: {  	[sflag:s0] =	ssyncset.done $0x0  }
0x13: {  	[sflag:s0] =	ssyncadd.s32 $0xFFFFD000  }
0x14: {  	_ =	swait.ge [sflag:s25], $0x3000  }
0x15: {  	s2 =	rddreg [dreg:$0xb]  }
0x16: {  	s31 =	rddreg [dreg:$0xa];
	s2 =	sadd.s32 $0x1, s2  }
0x17: {  	p0 =	sne.s32 s2, s31  }
.Ltmp1:
0x18: {  	_ = 	snop;
	(pc) =	sbr.rel @!p0 .LBB2_9-.Ltmp1, $3  }
0x19: {  	_ =	sdelay $0x1  }
0x1a: {  	[sflag:s25] =	ssyncset.done $0x0  }
0x1b: {  	[sflag:s25] =	ssyncadd.s32 $0xFFFFD000  }
.LBB2_1:
0x1c: {  	[dreg:$0xb] =	wrdreg s2  }
0x1d: {  	s0 =	rddreg [dreg:$0x7];
	s28 =	simm.s32 $0x8  }
0x1e: {  	[tilespmem:s8], [sflag:$0x8] =	stream.linear.gather [hbm4b:s0+s8], $0x100, $0x38;
	[tilespmem:$0x12700] =	vst v63  }
0x1f: {  	_ =	swait.ge [sflag:s28], $0x100  }
0x20: {  	[sflag:s28] =	ssyncset.done $0x0  }
0x21: {  	[sflag:s28] =	ssyncadd.s32 $0xFFFFFF00  }
0x22: {  	s29 =	simm.s32 $0x12100;
	s0 =	rddreg [dreg:$0x3]  }
0x23: {  	[tilespmem:s29], [sflag:$0x7] =	stream.linear.gather [hbm4b:s0+s8], $0x300, $0x38;
	[tilespmem:$0x12700] =	vst v63  }
0x24: {  	s31 =	simm.s32 $0x12400;
	s30 =	rddreg [dreg:$0x4]  }
0x25: {  	[tilespmem:s31], [sflag:$0x7] =	stream.linear.gather [hbm4b:s30+s8], $0x300, $0x38;
	[tilespmem:$0x12700] =	vst v63  }
0x26: {  	v3 =	vld [tilespmem:$0x0];
	_ =	sdelay $0x4  }
0x27: {  	v4 =	vshrl.u32 v3, $0x3  }
0x28: {  	v4 =	vmul.u32 $0x30, v4  }
0x29: {  	v3 =	vand.u32 $0x7, v3  }
0x2a: {  	v3 =	vor.u32 v3, v4  }
0x2b: {  	v4 =	vperm.xlane v3, v0;
	_ =	sdelay $0x1  }
0x2c: {  	v4 =	vadd.s32 v1, v4;
	_ =	sdelay $0x3  }
0x2d: {  	s3 =	simm.s32 $0x100;
	v3 =	vperm.xlane v3, v2  }
0x2e: {  	[tilespmem:s3], [sflag:$0x1] =	stream.indirect_vreg.gather [hbm4b:s1+s8], $0x80, v4, vm0, $0xb8;
	[tilespmem:$0x12700] =	vst v63  }
0x2f: {  	s4 =	simm.s32 $0x900;
	v3 =	vadd.s32 v1, v3  }
0x30: {  	[tilespmem:s4], [sflag:$0x1] =	stream.indirect_vreg.gather [hbm4b:s11+s8], $0x80, v4, vm0, $0xb8;
	[tilespmem:$0x12700] =	vst v63  }
0x31: {  	s5 =	simm.s32 $0x1100  }
0x32: {  	[tilespmem:s5], [sflag:$0x1] =	stream.indirect_vreg.gather [hbm4b:s12+s8], $0x80, v4, vm0, $0xb8;
	[tilespmem:$0x12700] =	vst v63  }
0x33: {  	s6 =	simm.s32 $0x1900  }
0x34: {  	[tilespmem:s6], [sflag:$0x1] =	stream.indirect_vreg.gather [hbm4b:s1+s8], $0x80, v3, vm0, $0xb8;
	[tilespmem:$0x12700] =	vst v63  }
0x35: {  	s10 =	simm.s32 $0x2100  }
0x36: {  	[tilespmem:s10], [sflag:$0x1] =	stream.indirect_vreg.gather [hbm4b:s11+s8], $0x80, v3, vm0, $0xb8;
	[tilespmem:$0x12700] =	vst v63  }
0x37: {  	s13 =	simm.s32 $0x2900  }
0x38: {  	[tilespmem:s13], [sflag:$0x1] =	stream.indirect_vreg.gather [hbm4b:s12+s8], $0x80, v3, vm0, $0xb8;
	[tilespmem:$0x12700] =	vst v63  }
0x39: {  	s15 =	simm.s32 $0x6100;
	s14 =	rddreg [dreg:$0x8]  }
0x3a: {  	[tilespmem:s15], [sflag:$0x3] =	stream.linear.gather [hbm4b:s14+s8], $0x3000, $0x38;
	[tilespmem:$0x12700] =	vst v63  }
0x3b: {  	v3 =	vld [tilespmem:$0x10];
	_ =	sdelay $0x4  }
0x3c: {  	v63 =	vshrl.u32 v3, $0x3  }
0x3d: {  	v4 =	vmul.u32 $0x30, v63  }
0x3e: {  	v3 =	vand.u32 $0x7, v3  }
0x3f: {  	v3 =	vor.u32 v3, v4  }
0x40: {  	v4 =	vperm.xlane v3, v0;
	_ =	sdelay $0x1  }
0x41: {  	v4 =	vadd.s32 v1, v4;
	_ =	sdelay $0x3  }
0x42: {  	s17 =	simm.s32 $0x3100;
	v3 =	vperm.xlane v3, v2  }
0x43: {  	[tilespmem:s17], [sflag:$0x2] =	stream.indirect_vreg.gather [hbm4b:s1+s8], $0x80, v4, vm0, $0xb8;
	[tilespmem:$0x12700] =	vst v63  }
0x44: {  	s20 =	simm.s32 $0x3900;
	v3 =	vadd.s32 v1, v3  }
0x45: {  	[tilespmem:s20], [sflag:$0x2] =	stream.indirect_vreg.gather [hbm4b:s11+s8], $0x80, v4, vm0, $0xb8;
	[tilespmem:$0x12700] =	vst v63  }
0x46: {  	s23 =	simm.s32 $0x4100  }
0x47: {  	[tilespmem:s23], [sflag:$0x2] =	stream.indirect_vreg.gather [hbm4b:s12+s8], $0x80, v4, vm0, $0xb8;
	[tilespmem:$0x12700] =	vst v63  }
0x48: {  	s24 =	simm.s32 $0x4900  }
0x49: {  	[tilespmem:s24], [sflag:$0x2] =	stream.indirect_vreg.gather [hbm4b:s1+s8], $0x80, v3, vm0, $0xb8;
	[tilespmem:$0x12700] =	vst v63  }
0x4a: {  	s26 =	simm.s32 $0x5100  }
0x4b: {  	[tilespmem:s26], [sflag:$0x2] =	stream.indirect_vreg.gather [hbm4b:s11+s8], $0x80, v3, vm0, $0xb8;
	[tilespmem:$0x12700] =	vst v63  }
0x4c: {  	s28 =	simm.s32 $0x5900  }
0x4d: {  	[tilespmem:s28], [sflag:$0x2] =	stream.indirect_vreg.gather [hbm4b:s12+s8], $0x80, v3, vm0, $0xb8;
	[tilespmem:$0x12700] =	vst v63  }
0x4e: {  	s29 =	rddreg [dreg:$0x9];
	s30 =	simm.s32 $0x9100;
	s31 =	simm.s32 $0x7  }
0x4f: {  	[tilespmem:s30], [sflag:$0x4] =	stream.linear.gather [hbm4b:s29+s8], $0x3000, $0x38;
	[tilespmem:$0x12700] =	vst v63  }
0x50: {  	_ =	swait.ge [sflag:s31], $0x300  }
0x51: {  	[sflag:s31] =	ssyncset.done $0x0  }
0x52: {  	[sflag:s31] =	ssyncadd.s32 $0xFFFFFD00  }
0x53: {  	_ =	swait.ge [sflag:s31], $0x300  }
0x54: {  	[sflag:s31] =	ssyncset.done $0x0  }
0x55: {  	s10 =	simm.s32 $0x0;
	[sflag:s31] =	ssyncadd.s32 $0xFFFFFD00  }
.LBB2_2:
0x56: {  	p0 =	seq.s32 s10, $0x0  }
0x57: {  	s0 =	simm.s32 @!p0 $0x5  }
0x58: {  	_ =	swait.ge @!p0 [sflag:s0], $0x3000  }
0x59: {  	[sflag:s0] =	ssyncset.done @!p0 $0x0  }
0x5a: {  	[sflag:s0] =	ssyncadd.s32 @!p0 $0xFFFFD000  }
0x5b: {  	_ =	swait.ge [sflag:s18], $0x3000  }
0x5c: {  	[sflag:s18] =	ssyncset.done $0x0  }
0x5d: {  	[sflag:s18] =	ssyncadd.s32 $0xFFFFD000  }
0x5e: {  	_ =	swait.ge [sflag:s19], $0x3000  }
0x5f: {  	[sflag:s19] =	ssyncset.done $0x0  }
0x60: {  	s14 =	simm.s32 $0xFFFFFFFE;
	s13 =	simm.s32 $0x0;
	[sflag:s19] =	ssyncadd.s32 $0xFFFFD000  }
.LBB2_3:
0x61: {  	s14 =	sadd.s32 $0x2, s14  }
0x62: {  	s0 =	sshrl.u32 s14, $0x3  }
0x63: {  	s28 =	smul.u32 $0x1800, s0  }
0x64: {  	s30 =	sand.u32 $0x300, s13  }
0x65: {  	s24 =	sor.u32 s30, s28  }
0x66: {  	v3 =	vld [tilespmem:s24+$0x100]  }
0x67: {  	v4 =	vld [tilespmem:s24+$0x6100]  }
0x68: {  	v5 =	vld [tilespmem:s24+$0x110]  }
0x69: {  	v6 =	vld [tilespmem:s24+$0x6110]  }
0x6a: {  	v7 =	vld [tilespmem:s24+$0x120]  }
0x6b: {  	v8 =	vld [tilespmem:s24+$0x6120]  }
0x6c: {  	v9 =	vld [tilespmem:s24+$0x130]  }
0x6d: {  	v10 =	vld [tilespmem:s24+$0x6130]  }
0x6e: {  	v11 =	vld [tilespmem:s24+$0x140]  }
0x6f: {  	v12 =	vld [tilespmem:s24+$0x6140]  }
0x70: {  	v13 =	vld [tilespmem:s24+$0x150]  }
0x71: {  	v14 =	vld [tilespmem:s24+$0x6150]  }
0x72: {  	v15 =	vld [tilespmem:s24+$0x160]  }
0x73: {  	v16 =	vld [tilespmem:s24+$0x6160]  }
0x74: {  	v17 =	vld [tilespmem:s24+$0x170]  }
0x75: {  	v18 =	vld [tilespmem:s24+$0x6170]  }
0x76: {  	v19 =	vld [tilespmem:s24+$0x500]  }
0x77: {  	v20 =	vld [tilespmem:s24+$0x6500]  }
0x78: {  	v21 =	vld [tilespmem:s24+$0x510]  }
0x79: {  	v22 =	vld [tilespmem:s24+$0x6510]  }
0x7a: {  	v23 =	vld [tilespmem:s24+$0x520]  }
0x7b: {  	v30 =	vld [tilespmem:s24+$0x6520];
	v3 =	vadd.f32 v4, v3  }
0x7c: {  	v31 =	vld [tilespmem:s24+$0x530];
	v5 =	vadd.f32 v6, v5  }
0x7d: {  	v32 =	vld [tilespmem:s24+$0x6530];
	v7 =	vadd.f32 v8, v7;
	[tilespmem:s24+$0x100] =	vst v3  }
0x7e: {  	v33 =	vld [tilespmem:s24+$0x540];
	v9 =	vadd.f32 v10, v9;
	[tilespmem:s24+$0x110] =	vst v5  }
0x7f: {  	v34 =	vld [tilespmem:s24+$0x6540];
	v11 =	vadd.f32 v12, v11;
	[tilespmem:s24+$0x120] =	vst v7  }
0x80: {  	v35 =	vld [tilespmem:s24+$0x550];
	v13 =	vadd.f32 v14, v13;
	[tilespmem:s24+$0x130] =	vst v9  }
0x81: {  	v36 =	vld [tilespmem:s24+$0x6550];
	v15 =	vadd.f32 v16, v15;
	[tilespmem:s24+$0x140] =	vst v11  }
0x82: {  	v37 =	vld [tilespmem:s24+$0x560];
	v17 =	vadd.f32 v18, v17;
	[tilespmem:s24+$0x150] =	vst v13  }
0x83: {  	v38 =	vld [tilespmem:s24+$0x6560];
	v19 =	vadd.f32 v20, v19;
	[tilespmem:s24+$0x160] =	vst v15  }
0x84: {  	v39 =	vld [tilespmem:s24+$0x570];
	v21 =	vadd.f32 v22, v21;
	[tilespmem:s24+$0x170] =	vst v17  }
0x85: {  	v40 =	vld [tilespmem:s24+$0x6570];
	v4 =	vadd.f32 v30, v23;
	[tilespmem:s24+$0x500] =	vst v19  }
0x86: {  	v6 =	vadd.f32 v32, v31;
	[tilespmem:s24+$0x510] =	vst v21;
	v41 =	vadd.f32 $0.0e+00, v3  }
0x87: {  	v10 =	vadd.f32 v34, v33;
	[tilespmem:s24+$0x520] =	vst v4;
	v3 =	vmul.f32 v3, v3;
	v42 =	vmul.f32 v5, v5  }
0x88: {  	v14 =	vadd.f32 v36, v35;
	[tilespmem:s24+$0x530] =	vst v6;
	v5 =	vadd.f32 v5, v41  }
0x89: {  	v43 =	vadd.f32 v38, v37;
	[tilespmem:s24+$0x540] =	vst v10;
	v44 =	vmul.f32 v7, v7;
	v3 =	vadd.f32 v42, v3  }
0x8a: {  	s29 =	sadd.s32 $0x800, s28;
	v45 =	vadd.f32 v40, v39;
	[tilespmem:s24+$0x550] =	vst v14;
	v5 =	vadd.f32 v7, v5  }
0x8b: {  	s26 =	sor.u32 s30, s29;
	[tilespmem:s24+$0x560] =	vst v43;
	v46 =	vmul.f32 v9, v9;
	v3 =	vadd.f32 v44, v3  }
0x8c: {  	[tilespmem:s24+$0x570] =	vst v45;
	v47 =	vld [tilespmem:s26+$0x100];
	v5 =	vadd.f32 v9, v5  }
0x8d: {  	v49 =	vmul.f32 v11, v11;
	v48 =	vld [tilespmem:s26+$0x6100];
	v3 =	vadd.f32 v46, v3  }
0x8e: {  	v50 =	vld [tilespmem:s26+$0x110];
	v5 =	vadd.f32 v11, v5  }
0x8f: {  	v52 =	vmul.f32 v13, v13;
	v51 =	vld [tilespmem:s26+$0x6110];
	v3 =	vadd.f32 v49, v3  }
0x90: {  	v53 =	vld [tilespmem:s26+$0x120];
	v5 =	vadd.f32 v13, v5  }
0x91: {  	v55 =	vmul.f32 v15, v15;
	v54 =	vld [tilespmem:s26+$0x6120];
	v3 =	vadd.f32 v52, v3  }
0x92: {  	v59 =	vld [tilespmem:s26+$0x140];
	v5 =	vadd.f32 v15, v5  }
0x93: {  	v58 =	vmul.f32 v17, v17;
	v60 =	vld [tilespmem:s26+$0x6140];
	v3 =	vadd.f32 v55, v3  }
0x94: {  	v24 =	vld [tilespmem:s26+$0x150];
	v5 =	vadd.f32 v17, v5  }
0x95: {  	v61 =	vmul.f32 v19, v19;
	v62 =	vld [tilespmem:s26+$0x6150];
	v3 =	vadd.f32 v58, v3  }
0x96: {  	v25 =	vld [tilespmem:s26+$0x160];
	v5 =	vadd.f32 v19, v5  }
0x97: {  	v63 =	vmul.f32 v21, v21;
	v26 =	vld [tilespmem:s26+$0x6160];
	v3 =	vadd.f32 v61, v3  }
0x98: {  	v28 =	vld [tilespmem:s26+$0x170];
	v5 =	vadd.f32 v21, v5  }
0x99: {  	v27 =	vmul.f32 v4, v4;
	v30 =	vld [tilespmem:s26+$0x6170];
	v9 =	vadd.f32 v48, v47;
	v3 =	vadd.f32 v63, v3  }
0x9a: {  	v56 =	vld [tilespmem:s26+$0x130];
	v29 =	vadd.f32 v54, v53;
	v4 =	vadd.f32 v4, v5  }
0x9b: {  	v31 =	vmul.f32 v6, v6;
	v57 =	vld [tilespmem:s26+$0x6130];
	v32 =	vadd.f32 v60, v59;
	[tilespmem:s26+$0x100] =	vst v9;
	v3 =	vadd.f32 v27, v3  }
0x9c: {  	v34 =	vadd.f32 v62, v24;
	[tilespmem:s26+$0x120] =	vst v29;
	v4 =	vadd.f32 v6, v4  }
0x9d: {  	v33 =	vmul.f32 v10, v10;
	v35 =	vadd.f32 v26, v25;
	[tilespmem:s26+$0x140] =	vst v32;
	v3 =	vadd.f32 v31, v3  }
0x9e: {  	v37 =	vadd.f32 v30, v28;
	[tilespmem:s26+$0x150] =	vst v34;
	v4 =	vadd.f32 v10, v4  }
0x9f: {  	v36 =	vmul.f32 v14, v14;
	v11 =	vadd.f32 v51, v50;
	[tilespmem:s26+$0x160] =	vst v35;
	v3 =	vadd.f32 v33, v3  }
0xa0: {  	s6 =	sadd.s32 $0xC00, s28;
	[tilespmem:s26+$0x170] =	vst v37;
	v15 =	vadd.f32 v57, v56;
	v4 =	vadd.f32 v14, v4  }
0xa1: {  	s5 =	sor.u32 s30, s6;
	v38 =	vmul.f32 v43, v43;
	[tilespmem:s26+$0x110] =	vst v11;
	v3 =	vadd.f32 v36, v3  }
0xa2: {  	v62 =	vld [tilespmem:s5+$0x170];
	[tilespmem:s26+$0x130] =	vst v15;
	v4 =	vadd.f32 v43, v4  }
0xa3: {  	v41 =	vmul.f32 v45, v45;
	v39 =	vld [tilespmem:s5+$0x100];
	v3 =	vadd.f32 v38, v3  }
0xa4: {  	v40 =	vld [tilespmem:s5+$0x6100];
	v4 =	vadd.f32 v45, v4  }
0xa5: {  	v44 =	vmul.f32 v9, v9;
	v42 =	vld [tilespmem:s5+$0x110];
	v3 =	vadd.f32 v41, v3  }
0xa6: {  	v46 =	vld [tilespmem:s5+$0x6120];
	v4 =	vadd.f32 v9, v4  }
0xa7: {  	v47 =	vmul.f32 v11, v11;
	v48 =	vld [tilespmem:s5+$0x130];
	v3 =	vadd.f32 v44, v3  }
0xa8: {  	v51 =	vld [tilespmem:s5+$0x140];
	v4 =	vadd.f32 v11, v4  }
0xa9: {  	v50 =	vmul.f32 v29, v29;
	v52 =	vld [tilespmem:s5+$0x6140];
	v3 =	vadd.f32 v47, v3  }
0xaa: {  	v54 =	vld [tilespmem:s5+$0x150];
	v4 =	vadd.f32 v29, v4  }
0xab: {  	v53 =	vmul.f32 v15, v15;
	v55 =	vld [tilespmem:s5+$0x6150];
	v3 =	vadd.f32 v50, v3  }
0xac: {  	v57 =	vld [tilespmem:s5+$0x160];
	v4 =	vadd.f32 v15, v4  }
0xad: {  	v56 =	vmul.f32 v32, v32;
	v59 =	vld [tilespmem:s5+$0x6160];
	v3 =	vadd.f32 v53, v3  }
0xae: {  	v63 =	vld [tilespmem:s5+$0x6170];
	v4 =	vadd.f32 v32, v4  }
0xaf: {  	v60 =	vmul.f32 v34, v34;
	v58 =	vadd.f32 v40, v39;
	v43 =	vld [tilespmem:s5+$0x6110];
	v3 =	vadd.f32 v56, v3  }
0xb0: {  	v49 =	vld [tilespmem:s5+$0x6130];
	v5 =	vadd.f32 v52, v51;
	v4 =	vadd.f32 v34, v4  }
0xb1: {  	v18 =	vmul.f32 v35, v35;
	v24 =	vadd.f32 v55, v54;
	[tilespmem:s5+$0x100] =	vst v58;
	v45 =	vld [tilespmem:s5+$0x120];
	v3 =	vadd.f32 v60, v3  }
0xb2: {  	v8 =	vadd.f32 v59, v57;
	[tilespmem:s5+$0x140] =	vst v5;
	v4 =	vadd.f32 v35, v4  }
0xb3: {  	v23 =	vmul.f32 v37, v37;
	[tilespmem:s5+$0x150] =	vst v24;
	v26 =	vadd.f32 v63, v62;
	v3 =	vadd.f32 v18, v3  }
0xb4: {  	[tilespmem:s5+$0x160] =	vst v8;
	v61 =	vadd.f32 v43, v42;
	v4 =	vadd.f32 v37, v4  }
0xb5: {  	s0 =	sadd.s32 $0x1000, s28;
	v25 =	vmul.f32 v58, v58;
	[tilespmem:s5+$0x170] =	vst v26;
	v11 =	vadd.f32 v49, v48;
	v3 =	vadd.f32 v23, v3  }
0xb6: {  	s15 =	sor.u32 s30, s0;
	v9 =	vadd.f32 v46, v45;
	[tilespmem:s5+$0x110] =	vst v61;
	v4 =	vadd.f32 v58, v4  }
0xb7: {  	v49 =	vld [tilespmem:s15+$0x170];
	v27 =	vmul.f32 v61, v61;
	[tilespmem:s5+$0x130] =	vst v11;
	v3 =	vadd.f32 v25, v3  }
0xb8: {  	[tilespmem:s5+$0x120] =	vst v9;
	v46 =	vld [tilespmem:s15+$0x160];
	v4 =	vadd.f32 v61, v4  }
0xb9: {  	v30 =	vmul.f32 v9, v9;
	v28 =	vld [tilespmem:s15+$0x100];
	v3 =	vadd.f32 v27, v3  }
0xba: {  	v29 =	vld [tilespmem:s15+$0x6100];
	v4 =	vadd.f32 v9, v4  }
0xbb: {  	v33 =	vmul.f32 v11, v11;
	v31 =	vld [tilespmem:s15+$0x110];
	v3 =	vadd.f32 v30, v3  }
0xbc: {  	v40 =	vld [tilespmem:s15+$0x140];
	v4 =	vadd.f32 v11, v4  }
0xbd: {  	v36 =	vmul.f32 v5, v5;
	v41 =	vld [tilespmem:s15+$0x6140];
	v3 =	vadd.f32 v33, v3  }
0xbe: {  	v47 =	vld [tilespmem:s15+$0x6160];
	v4 =	vadd.f32 v5, v4  }
0xbf: {  	v39 =	vmul.f32 v24, v24;
	v51 =	vld [tilespmem:s15+$0x6170];
	v3 =	vadd.f32 v36, v3  }
0xc0: {  	v32 =	vld [tilespmem:s15+$0x6110];
	v4 =	vadd.f32 v24, v4  }
0xc1: {  	v42 =	vmul.f32 v8, v8;
	v34 =	vld [tilespmem:s15+$0x120];
	v3 =	vadd.f32 v39, v3  }
0xc2: {  	v7 =	vadd.f32 v29, v28;
	v35 =	vld [tilespmem:s15+$0x6120];
	v4 =	vadd.f32 v8, v4  }
0xc3: {  	v45 =	vmul.f32 v26, v26;
	v38 =	vld [tilespmem:s15+$0x6130];
	v53 =	vadd.f32 v41, v40;
	v3 =	vadd.f32 v42, v3  }
0xc4: {  	v55 =	vadd.f32 v47, v46;
	v37 =	vld [tilespmem:s15+$0x130];
	v4 =	vadd.f32 v26, v4  }
0xc5: {  	v43 =	vld [tilespmem:s15+$0x150];
	v48 =	vmul.f32 v7, v7;
	v9 =	vadd.f32 v32, v31;
	v3 =	vadd.f32 v45, v3  }
0xc6: {  	v44 =	vld [tilespmem:s15+$0x6150];
	v57 =	vadd.f32 v51, v49;
	[tilespmem:s15+$0x100] =	vst v7;
	v4 =	vadd.f32 v7, v4  }
0xc7: {  	[tilespmem:s15+$0x140] =	vst v53;
	v50 =	vadd.f32 v35, v34;
	v52 =	vmul.f32 v9, v9;
	v3 =	vadd.f32 v48, v3  }
0xc8: {  	[tilespmem:s15+$0x160] =	vst v55;
	v4 =	vadd.f32 v9, v4  }
0xc9: {  	[tilespmem:s15+$0x170] =	vst v57;
	v54 =	vmul.f32 v50, v50;
	v5 =	vadd.f32 v38, v37;
	v3 =	vadd.f32 v52, v3  }
0xca: {  	[tilespmem:s15+$0x120] =	vst v50;
	v4 =	vadd.f32 v50, v4  }
0xcb: {  	s4 =	sadd.s32 $0x1400, s28;
	[tilespmem:s15+$0x110] =	vst v9;
	v56 =	vmul.f32 v5, v5;
	v8 =	vadd.f32 v44, v43;
	v3 =	vadd.f32 v54, v3  }
0xcc: {  	s17 =	sor.u32 s30, s4;
	[tilespmem:s15+$0x130] =	vst v5;
	v4 =	vadd.f32 v5, v4  }
0xcd: {  	v58 =	vmul.f32 v53, v53;
	v59 =	vld [tilespmem:s17+$0x100];
	[tilespmem:s15+$0x150] =	vst v8;
	v3 =	vadd.f32 v56, v3  }
0xce: {  	v60 =	vld [tilespmem:s17+$0x6100];
	v4 =	vadd.f32 v53, v4  }
0xcf: {  	v62 =	vld [tilespmem:s17+$0x110];
	v61 =	vmul.f32 v8, v8;
	v3 =	vadd.f32 v58, v3  }
0xd0: {  	v63 =	vld [tilespmem:s17+$0x6110];
	v4 =	vadd.f32 v8, v4  }
0xd1: {  	v16 =	vmul.f32 v55, v55;
	v17 =	vld [tilespmem:s17+$0x120];
	v3 =	vadd.f32 v61, v3  }
0xd2: {  	v18 =	vld [tilespmem:s17+$0x6120];
	v4 =	vadd.f32 v55, v4  }
0xd3: {  	v19 =	vmul.f32 v57, v57;
	v20 =	vld [tilespmem:s17+$0x130];
	v6 =	vadd.f32 v60, v59;
	v3 =	vadd.f32 v16, v3  }
0xd4: {  	v21 =	vld [tilespmem:s17+$0x6130];
	v4 =	vadd.f32 v57, v4  }
0xd5: {  	v23 =	vld [tilespmem:s17+$0x140];
	v22 =	vmul.f32 v6, v6;
	v8 =	vadd.f32 v63, v62;
	v3 =	vadd.f32 v19, v3  }
0xd6: {  	v24 =	vld [tilespmem:s17+$0x6140];
	v4 =	vadd.f32 v6, v4  }
0xd7: {  	v26 =	vld [tilespmem:s17+$0x150];
	v7 =	vadd.f32 v18, v17;
	v25 =	vmul.f32 v8, v8;
	v3 =	vadd.f32 v22, v3  }
0xd8: {  	v27 =	vld [tilespmem:s17+$0x6150];
	v4 =	vadd.f32 v8, v4  }
0xd9: {  	v29 =	vld [tilespmem:s17+$0x160];
	v9 =	vadd.f32 v21, v20;
	v28 =	vmul.f32 v7, v7;
	v3 =	vadd.f32 v25, v3  }
0xda: {  	v30 =	vld [tilespmem:s17+$0x6160];
	v4 =	vadd.f32 v7, v4  }
0xdb: {  	v32 =	vld [tilespmem:s17+$0x170];
	v11 =	vadd.f32 v24, v23;
	v31 =	vmul.f32 v9, v9;
	v3 =	vadd.f32 v28, v3  }
0xdc: {  	v33 =	vld [tilespmem:s17+$0x6170];
	v4 =	vadd.f32 v9, v4  }
0xdd: {  	v12 =	vadd.f32 v27, v26;
	v34 =	vmul.f32 v11, v11;
	v3 =	vadd.f32 v31, v3  }
0xde: {  	v4 =	vadd.f32 v11, v4  }
0xdf: {  	v10 =	vadd.f32 v30, v29;
	v35 =	vmul.f32 v12, v12;
	v3 =	vadd.f32 v34, v3  }
0xe0: {  	v4 =	vadd.f32 v12, v4  }
0xe1: {  	v13 =	vadd.f32 v33, v32;
	v36 =	vmul.f32 v10, v10;
	v3 =	vadd.f32 v35, v3  }
0xe2: {  	v4 =	vadd.f32 v10, v4  }
0xe3: {  	v37 =	vmul.f32 v13, v13;
	v3 =	vadd.f32 v36, v3  }
0xe4: {  	v4 =	vadd.f32 v13, v4  }
0xe5: {  	v3 =	vadd.f32 v37, v3  }
0xe6: {  	(xrf2) =	vadd.scan.msk.f32 $0xffff, v4  }
0xe7: {  	(xrf2) =	vadd.scan.msk.f32 $0xffff, v3;
	_ =	sdelay $0x8  }
0xe8: {  	v3, _, _ =	vpop (xrf2)  }
0xe9: {  	(v2sf) =	vpush v3, $0xF;
	v3, _, _ =	vpop (xrf2)  }
0xea: {  	(v2sf) =	vpush v3, $0xF;
	_ =	sdelay $0x5  }
0xeb: {  	[tilespmem:s17+$0x100] =	vst v6  }
0xec: {  	[tilespmem:s17+$0x120] =	vst v7  }
0xed: {  	[tilespmem:s17+$0x130] =	vst v9  }
0xee: {  	[tilespmem:s17+$0x140] =	vst v11  }
0xef: {  	[tilespmem:s17+$0x150] =	vst v12  }
0xf0: {  	[tilespmem:s17+$0x160] =	vst v10  }
0xf1: {  	[tilespmem:s17+$0x170] =	vst v13  }
0xf2: {  	v50 =	vld [tilespmem:s24+$0x150];
	[tilespmem:s17+$0x110] =	vst v8  }
0xf3: {  	v38 =	vld [tilespmem:$0x12100];
	s3 =	spop (v2sf)  }
0xf4: {  	v39 =	vld [tilespmem:$0x12190];
	s3 =	smul.f32 $1.302083370e-03, s3;
	s31 =	spop (v2sf)  }
0xf5: {  	v15 =	vld [tilespmem:$0x121A0];
	s31 =	smul.f32 $1.302083370e-03, s31  }
0xf6: {  	v16 =	vld [tilespmem:$0x121B0];
	s20 =	smul.f32 s3, s3  }
0xf7: {  	v42 =	vld [tilespmem:$0x12400]  }
0xf8: {  	v43 =	vld [tilespmem:$0x12410];
	s20 =	ssub.f32 s31, s20  }
0xf9: {  	v44 =	vld [tilespmem:$0x12420]  }
0xfa: {  	v45 =	vld [tilespmem:$0x12430];
	s20 =	sadd.f32 $9.999999960e-13, s20  }
0xfb: {  	v46 =	vld [tilespmem:$0x12440]  }
0xfc: {  	v47 =	vld [tilespmem:$0x12450];
	v3 =	vmov s20  }
0xfd: {  	v48 =	vld [tilespmem:$0x12460];
	v40 =	vshra.s32 v3, $0x1;
	v3 =	vmul.f32 $5.000000000e-01, v3  }
0xfe: {  	v49 =	vld [tilespmem:$0x12470];
	v4 =	vsub.s32 $0x5F3759DF, v40  }
0xff: {  	v26 =	vld [tilespmem:$0x12480];
	v41 =	vmul.f32 v4, v3  }
0x100: {  	v27 =	vld [tilespmem:s24+$0x100]  }
0x101: {  	v29 =	vld [tilespmem:s24+$0x120];
	v17 =	vmul.f32 v4, v41  }
0x102: {  	v30 =	vld [tilespmem:s24+$0x130]  }
0x103: {  	v32 =	vld [tilespmem:$0x12490];
	v17 =	vsub.f32 $1.500000000e+00, v17  }
0x104: {  	v33 =	vld [tilespmem:$0x124A0]  }
0x105: {  	v53 =	vld [tilespmem:s24+$0x500];
	v17 =	vmul.f32 v4, v17  }
0x106: {  	v55 =	vld [tilespmem:s24+$0x510]  }
0x107: {  	v58 =	vld [tilespmem:s24+$0x530];
	v3 =	vmul.f32 v17, v3  }
0x108: {  	v60 =	vld [tilespmem:$0x124B0]  }
0x109: {  	v28 =	vld [tilespmem:s24+$0x110];
	v3 =	vmul.f32 v3, v17  }
0x10a: {  	v31 =	vld [tilespmem:s24+$0x140]  }
0x10b: {  	v34 =	vld [tilespmem:s24+$0x160];
	v3 =	vsub.f32 $1.500000000e+00, v3  }
0x10c: {  	v35 =	vld [tilespmem:s24+$0x170];
	v4 =	vmov s3  }
0x10d: {  	v6 =	vld [tilespmem:$0x12110];
	v27 =	vsub.f32 v27, v4;
	v3 =	vmul.f32 v3, v17  }
0x10e: {  	v7 =	vld [tilespmem:$0x12120];
	v28 =	vsub.f32 v28, v4  }
0x10f: {  	v9 =	vld [tilespmem:$0x12140];
	v29 =	vsub.f32 v29, v4;
	v52 =	vsub.f32 v31, v4;
	v27 =	vmul.f32 v27, v3  }
0x110: {  	v10 =	vld [tilespmem:$0x12150];
	v59 =	vsub.f32 v34, v4;
	v17 =	vsub.f32 v50, v4;
	v28 =	vmul.f32 v28, v3  }
0x111: {  	v11 =	vld [tilespmem:$0x12160];
	v61 =	vsub.f32 v35, v4;
	v51 =	vmul.f32 v29, v3;
	v5 =	vmul.f32 v27, v38  }
0x112: {  	v12 =	vld [tilespmem:$0x12170];
	v56 =	vmul.f32 v52, v3;
	v17 =	vmul.f32 v17, v3  }
0x113: {  	v57 =	vld [tilespmem:s24+$0x520];
	v18 =	vmul.f32 v59, v3;
	v22 =	vmul.f32 v61, v3;
	v5 =	vadd.f32 v5, v42  }
0x114: {  	s2 =	sor.u32 $0x80, s30;
	v8 =	vld [tilespmem:$0x12130];
	v6 =	vmul.f32 v28, v6;
	v9 =	vmul.f32 v56, v9  }
0x115: {  	s28 =	sor.u32 s28, s2;
	v13 =	vld [tilespmem:$0x12180];
	v7 =	vmul.f32 v51, v7;
	v10 =	vmul.f32 v17, v10;
	[tilespmem:s24+$0xC100] =	vst v5  }
0x116: {  	v28 =	vmul.f32 v18, v11;
	v6 =	vadd.f32 v6, v43;
	v9 =	vadd.f32 v9, v46;
	v46 =	vld [tilespmem:s28+$0x100]  }
0x117: {  	v31 =	vmul.f32 v22, v12;
	v7 =	vadd.f32 v7, v44;
	v63 =	vadd.f32 v10, v47;
	v47 =	vld [tilespmem:s28+$0x6100]  }
0x118: {  	[tilespmem:s24+$0xC110] =	vst v6;
	v6 =	vadd.f32 v28, v48;
	v48 =	vld [tilespmem:s28+$0x110]  }
0x119: {  	[tilespmem:s24+$0xC120] =	vst v7;
	v7 =	vadd.f32 v31, v49;
	v49 =	vld [tilespmem:s28+$0x6110]  }
0x11a: {  	v30 =	vsub.f32 v30, v4;
	v50 =	vld [tilespmem:s28+$0x120]  }
0x11b: {  	v51 =	vld [tilespmem:s28+$0x6120]  }
0x11c: {  	v54 =	vmul.f32 v30, v3;
	v52 =	vld [tilespmem:s28+$0x130]  }
0x11d: {  	v62 =	vsub.f32 v53, v4;
	v53 =	vld [tilespmem:s28+$0x6130]  }
0x11e: {  	v8 =	vmul.f32 v54, v8;
	v54 =	vld [tilespmem:s28+$0x140]  }
0x11f: {  	v23 =	vsub.f32 v55, v4;
	v29 =	vmul.f32 v62, v3;
	v55 =	vld [tilespmem:s28+$0x6140]  }
0x120: {  	v30 =	vsub.f32 v57, v4;
	v56 =	vld [tilespmem:s28+$0x150]  }
0x121: {  	v34 =	vmul.f32 v23, v3;
	v36 =	vmul.f32 v29, v13;
	v57 =	vld [tilespmem:s28+$0x6150]  }
0x122: {  	v35 =	vsub.f32 v58, v4;
	v37 =	vmul.f32 v30, v3;
	v58 =	vld [tilespmem:s28+$0x160]  }
0x123: {  	v38 =	vmul.f32 v34, v39;
	v40 =	vadd.f32 v36, v26;
	v36 =	vld [tilespmem:s28+$0x6160]  }
0x124: {  	v39 =	vmul.f32 v35, v3;
	v41 =	vmul.f32 v37, v15;
	v37 =	vld [tilespmem:s28+$0x170]  }
0x125: {  	v42 =	vadd.f32 v38, v32;
	v38 =	vld [tilespmem:s28+$0x6170]  }
0x126: {  	v43 =	vmul.f32 v39, v16;
	v39 =	vld [tilespmem:s28+$0x500]  }
0x127: {  	[tilespmem:s24+$0xC500] =	vst v40;
	v40 =	vld [tilespmem:s28+$0x6500]  }
0x128: {  	v8 =	vadd.f32 v8, v45;
	v44 =	vadd.f32 v41, v33;
	v41 =	vld [tilespmem:s28+$0x510]  }
0x129: {  	[tilespmem:s24+$0xC510] =	vst v42;
	v42 =	vld [tilespmem:s28+$0x6510]  }
0x12a: {  	[tilespmem:s24+$0xC130] =	vst v8;
	v45 =	vadd.f32 v43, v60;
	v43 =	vld [tilespmem:s28+$0x520]  }
0x12b: {  	[tilespmem:s24+$0xC140] =	vst v9;
	v59 =	vld [tilespmem:s28+$0x6520]  }
0x12c: {  	[tilespmem:s24+$0xC150] =	vst v63;
	v60 =	vld [tilespmem:s28+$0x530]  }
0x12d: {  	v61 =	vld [tilespmem:s28+$0x6530];
	[tilespmem:s24+$0xC160] =	vst v6  }
0x12e: {  	v62 =	vld [tilespmem:s28+$0x540];
	[tilespmem:s24+$0xC170] =	vst v7  }
0x12f: {  	v63 =	vld [tilespmem:s28+$0x550];
	[tilespmem:s24+$0xC520] =	vst v44  }
0x130: {  	[tilespmem:s24+$0xC530] =	vst v45;
	v45 =	vld [tilespmem:s28+$0x6540]  }
0x131: {  	v23 =	vld [tilespmem:$0x121C0]  }
0x132: {  	v24 =	vld [tilespmem:$0x121D0]  }
0x133: {  	v21 =	vld [tilespmem:$0x121E0]  }
0x134: {  	v16 =	vld [tilespmem:$0x121F0]  }
0x135: {  	v14 =	vld [tilespmem:$0x12200]  }
0x136: {  	v11 =	vld [tilespmem:$0x12210]  }
0x137: {  	v10 =	vld [tilespmem:$0x12220]  }
0x138: {  	v9 =	vld [tilespmem:$0x12230]  }
0x139: {  	v8 =	vld [tilespmem:$0x12240]  }
0x13a: {  	v7 =	vld [tilespmem:$0x12250]  }
0x13b: {  	v6 =	vld [tilespmem:$0x12260]  }
0x13c: {  	v5 =	vld [tilespmem:$0x12270];
	v44 =	vadd.f32 v47, v46  }
0x13d: {  	v25 =	vld [tilespmem:$0x124C0];
	v26 =	vadd.f32 v49, v48  }
0x13e: {  	v22 =	vld [tilespmem:$0x124D0];
	v27 =	vadd.f32 v51, v50;
	[tilespmem:s28+$0x100] =	vst v44  }
0x13f: {  	v20 =	vld [tilespmem:$0x124E0];
	v29 =	vadd.f32 v53, v52;
	[tilespmem:s28+$0x110] =	vst v26  }
0x140: {  	v19 =	vld [tilespmem:$0x124F0];
	v31 =	vadd.f32 v55, v54;
	[tilespmem:s28+$0x120] =	vst v27  }
0x141: {  	v33 =	vadd.f32 v57, v56;
	v48 =	vld [tilespmem:s28+$0x6550];
	[tilespmem:s28+$0x130] =	vst v29  }
0x142: {  	v35 =	vadd.f32 v36, v58;
	v49 =	vld [tilespmem:s28+$0x560];
	[tilespmem:s28+$0x140] =	vst v31  }
0x143: {  	v37 =	vadd.f32 v38, v37;
	v50 =	vld [tilespmem:s28+$0x6560];
	[tilespmem:s28+$0x150] =	vst v33  }
0x144: {  	v39 =	vadd.f32 v40, v39;
	v51 =	vld [tilespmem:s28+$0x570];
	[tilespmem:s28+$0x160] =	vst v35  }
0x145: {  	v41 =	vadd.f32 v42, v41;
	v52 =	vld [tilespmem:s28+$0x6570];
	[tilespmem:s28+$0x170] =	vst v37  }
0x146: {  	v18 =	vld [tilespmem:$0x12500];
	v43 =	vadd.f32 v59, v43;
	[tilespmem:s28+$0x500] =	vst v39  }
0x147: {  	v15 =	vld [tilespmem:$0x12510];
	v28 =	vadd.f32 v61, v60;
	[tilespmem:s28+$0x510] =	vst v41  }
0x148: {  	v17 =	vld [tilespmem:$0x12520];
	[tilespmem:s28+$0x520] =	vst v43;
	v32 =	vadd.f32 v48, v63  }
0x149: {  	v12 =	vld [tilespmem:$0x12530];
	[tilespmem:s28+$0x530] =	vst v28;
	v36 =	vadd.f32 v50, v49  }
0x14a: {  	v55 =	vld [tilespmem:s24+$0x540];
	v46 =	vadd.f32 $0.0e+00, v44;
	v40 =	vadd.f32 v52, v51;
	[tilespmem:s28+$0x550] =	vst v32  }
0x14b: {  	v42 =	vld [tilespmem:s24+$0x550];
	v30 =	vadd.f32 v45, v62;
	v53 =	vmul.f32 v44, v44;
	v54 =	vmul.f32 v26, v26;
	[tilespmem:s28+$0x560] =	vst v36  }
0x14c: {  	s30 =	sor.u32 s2, s29;
	v45 =	vld [tilespmem:s24+$0x560];
	v26 =	vadd.f32 v26, v46;
	[tilespmem:s28+$0x570] =	vst v40  }
0x14d: {  	v56 =	vmul.f32 v27, v27;
	[tilespmem:s28+$0x540] =	vst v30;
	v34 =	vadd.f32 v54, v53;
	v44 =	vld [tilespmem:s30+$0x100]  }
0x14e: {  	v26 =	vadd.f32 v27, v26;
	v59 =	vld [tilespmem:s30+$0x6100]  }
0x14f: {  	v58 =	vmul.f32 v29, v29;
	v57 =	vadd.f32 v56, v34;
	v46 =	vld [tilespmem:s30+$0x110]  }
0x150: {  	v26 =	vadd.f32 v29, v26;
	v47 =	vld [tilespmem:s30+$0x120]  }
0x151: {  	v60 =	vmul.f32 v31, v31;
	v27 =	vadd.f32 v58, v57;
	v62 =	vld [tilespmem:s30+$0x6120]  }
0x152: {  	v48 =	vld [tilespmem:s30+$0x130];
	v26 =	vadd.f32 v31, v26  }
0x153: {  	v61 =	vmul.f32 v33, v33;
	v53 =	vld [tilespmem:s30+$0x150];
	v27 =	vadd.f32 v60, v27  }
0x154: {  	v38 =	vsub.f32 v55, v4;
	v56 =	vld [tilespmem:s30+$0x6150];
	v26 =	vadd.f32 v33, v26  }
0x155: {  	v63 =	vmul.f32 v35, v35;
	v57 =	vld [tilespmem:s30+$0x160];
	v27 =	vadd.f32 v61, v27  }
0x156: {  	v38 =	vmul.f32 v38, v3;
	v49 =	vld [tilespmem:s30+$0x6160];
	v26 =	vadd.f32 v35, v26  }
0x157: {  	v52 =	vmul.f32 v37, v37;
	v42 =	vsub.f32 v42, v4;
	v31 =	vld [tilespmem:s30+$0x6110];
	v27 =	vadd.f32 v63, v27  }
0x158: {  	v45 =	vsub.f32 v45, v4;
	v23 =	vmul.f32 v38, v23;
	v38 =	vld [tilespmem:s30+$0x140];
	v26 =	vadd.f32 v37, v26  }
0x159: {  	v55 =	vmul.f32 v39, v39;
	v33 =	vadd.f32 v62, v47;
	v62 =	vld [tilespmem:s30+$0x6140];
	v54 =	vadd.f32 v52, v27  }
0x15a: {  	v23 =	vadd.f32 v23, v25;
	v35 =	vld [tilespmem:s30+$0x6130];
	v26 =	vadd.f32 v39, v26  }
0x15b: {  	v58 =	vmul.f32 v41, v41;
	v29 =	vadd.f32 v59, v44;
	v52 =	vld [tilespmem:s26+$0x110];
	v25 =	vadd.f32 v55, v54  }
0x15c: {  	v61 =	vld [tilespmem:s30+$0x6170];
	v31 =	vadd.f32 v31, v46;
	v26 =	vadd.f32 v41, v26  }
0x15d: {  	v60 =	vmul.f32 v43, v43;
	v59 =	vld [tilespmem:s30+$0x170];
	[tilespmem:s30+$0x100] =	vst v29;
	v37 =	vadd.f32 v49, v57;
	v25 =	vadd.f32 v58, v25  }
0x15e: {  	v13 =	vld [tilespmem:$0x12540];
	v42 =	vmul.f32 v42, v3;
	[tilespmem:s30+$0x120] =	vst v33;
	v38 =	vadd.f32 v62, v38;
	v26 =	vadd.f32 v43, v26  }
0x15f: {  	v50 =	vmul.f32 v28, v28;
	v63 =	vld [tilespmem:s24+$0x570];
	[tilespmem:s30+$0x110] =	vst v31;
	v35 =	vadd.f32 v35, v48;
	v25 =	vadd.f32 v60, v25  }
0x160: {  	v51 =	vld [tilespmem:s26+$0x100];
	v24 =	vmul.f32 v42, v24;
	[tilespmem:s30+$0x160] =	vst v37;
	v34 =	vsub.f32 v52, v4;
	v26 =	vadd.f32 v28, v26  }
0x161: {  	v42 =	vld [tilespmem:s26+$0x140];
	[tilespmem:s30+$0x140] =	vst v38;
	v28 =	vadd.f32 v56, v53;
	v25 =	vadd.f32 v50, v25;
	v53 =	vmul.f32 v30, v30  }
0x162: {  	v54 =	vld [tilespmem:s26+$0x120];
	[tilespmem:s30+$0x130] =	vst v35;
	v26 =	vadd.f32 v30, v26;
	v30 =	vadd.f32 v61, v59  }
0x163: {  	s6 =	sor.u32 s2, s6;
	v45 =	vmul.f32 v45, v3;
	v55 =	vmul.f32 v32, v32;
	v41 =	vld [tilespmem:s26+$0x130];
	[tilespmem:s30+$0x150] =	vst v28;
	v25 =	vadd.f32 v53, v25  }
0x164: {  	v59 =	vsub.f32 v63, v4;
	v63 =	vmul.f32 v34, v3;
	v34 =	vld [tilespmem:s6+$0x130];
	v56 =	vadd.f32 v32, v26;
	[tilespmem:s30+$0x170] =	vst v30  }
0x165: {  	v21 =	vmul.f32 v45, v21;
	v58 =	vmul.f32 v36, v36;
	v57 =	vadd.f32 v55, v25;
	v26 =	vld [tilespmem:s6+$0x100]  }
0x166: {  	v22 =	vadd.f32 v24, v22;
	v32 =	vld [tilespmem:s6+$0x6100];
	v24 =	vadd.f32 v36, v56  }
0x167: {  	v20 =	vadd.f32 v21, v20;
	v61 =	vmul.f32 v40, v40;
	v43 =	vld [tilespmem:s6+$0x110];
	v21 =	vadd.f32 v58, v57  }
0x168: {  	v49 =	vmul.f32 v33, v33;
	v44 =	vld [tilespmem:s6+$0x120];
	v24 =	vadd.f32 v40, v24  }
0x169: {  	v62 =	vmul.f32 v29, v29;
	v60 =	vsub.f32 v51, v4;
	v45 =	vld [tilespmem:s6+$0x6120];
	v21 =	vadd.f32 v61, v21  }
0x16a: {  	v46 =	vmul.f32 v31, v31;
	v52 =	vsub.f32 v54, v4;
	v25 =	vld [tilespmem:s6+$0x140];
	v24 =	vadd.f32 v29, v24  }
0x16b: {  	v11 =	vmul.f32 v63, v11;
	v51 =	vld [tilespmem:s6+$0x150];
	v36 =	vmul.f32 v60, v3;
	v21 =	vadd.f32 v62, v21  }
0x16c: {  	v27 =	vmul.f32 v59, v3;
	v55 =	vsub.f32 v41, v4;
	v54 =	vld [tilespmem:s6+$0x6150];
	v47 =	vadd.f32 v31, v24  }
0x16d: {  	v59 =	vld [tilespmem:s6+$0x6160];
	v11 =	vadd.f32 v11, v15;
	v14 =	vmul.f32 v36, v14;
	v48 =	vadd.f32 v46, v21  }
0x16e: {  	v63 =	vld [tilespmem:s6+$0x6170];
	v16 =	vmul.f32 v27, v16;
	v57 =	vsub.f32 v42, v4;
	v50 =	vadd.f32 v33, v47  }
0x16f: {  	v53 =	vmul.f32 v35, v35;
	v40 =	vld [tilespmem:s6+$0x6110];
	v14 =	vadd.f32 v14, v18;
	v18 =	vadd.f32 v49, v48  }
0x170: {  	v56 =	vld [tilespmem:s6+$0x160];
	v16 =	vadd.f32 v16, v19;
	v15 =	vadd.f32 v35, v50  }
0x171: {  	v58 =	vmul.f32 v38, v38;
	v26 =	vadd.f32 v32, v26;
	v24 =	vld [tilespmem:s6+$0x6130];
	v18 =	vadd.f32 v53, v18  }
0x172: {  	v45 =	vadd.f32 v45, v44;
	v46 =	vld [tilespmem:s6+$0x6140];
	v15 =	vadd.f32 v38, v15  }
0x173: {  	v60 =	vld [tilespmem:s6+$0x170];
	v61 =	vmul.f32 v28, v28;
	v19 =	vadd.f32 v54, v51;
	[tilespmem:s6+$0x100] =	vst v26;
	v18 =	vadd.f32 v58, v18  }
0x174: {  	v27 =	vmul.f32 v52, v3;
	v52 =	vld [tilespmem:s26+$0x160];
	[tilespmem:s6+$0x120] =	vst v45;
	v62 =	vadd.f32 v40, v43;
	v15 =	vadd.f32 v28, v15  }
0x175: {  	v51 =	vld [tilespmem:s26+$0x150];
	[tilespmem:s6+$0x150] =	vst v19;
	v48 =	vmul.f32 v37, v37;
	v35 =	vadd.f32 v59, v56;
	v18 =	vadd.f32 v61, v18  }
0x176: {  	v10 =	vmul.f32 v27, v10;
	v54 =	vld [tilespmem:s26+$0x170];
	[tilespmem:s6+$0x110] =	vst v62;
	v24 =	vadd.f32 v24, v34;
	v15 =	vadd.f32 v37, v15  }
0x177: {  	v31 =	vld [tilespmem:$0x12570];
	v50 =	vmul.f32 v30, v30;
	v25 =	vadd.f32 v46, v25;
	[tilespmem:s6+$0x160] =	vst v35;
	v18 =	vadd.f32 v48, v18  }
0x178: {  	v36 =	vmul.f32 v57, v3;
	v47 =	vld [tilespmem:$0x12550];
	[tilespmem:s6+$0x130] =	vst v24;
	v15 =	vadd.f32 v30, v15;
	v30 =	vadd.f32 v63, v60  }
0x179: {  	s23 =	sor.u32 s2, s0;
	v49 =	vld [tilespmem:$0x12560];
	v33 =	vmul.f32 v55, v3;
	v53 =	vmul.f32 v26, v26;
	[tilespmem:s6+$0x140] =	vst v25;
	v18 =	vadd.f32 v50, v18  }
0x17a: {  	v10 =	vadd.f32 v10, v17;
	v8 =	vmul.f32 v36, v8;
	v41 =	vld [tilespmem:s23+$0x130];
	v15 =	vadd.f32 v26, v15;
	[tilespmem:s6+$0x170] =	vst v30  }
0x17b: {  	v9 =	vmul.f32 v33, v9;
	v56 =	vmul.f32 v62, v62;
	v55 =	vadd.f32 v53, v18;
	v57 =	vld [tilespmem:s23+$0x100]  }
0x17c: {  	v8 =	vadd.f32 v8, v13;
	v59 =	vld [tilespmem:s23+$0x6100];
	v58 =	vadd.f32 v62, v15  }
0x17d: {  	v9 =	vadd.f32 v9, v12;
	v61 =	vmul.f32 v45, v45;
	v18 =	vld [tilespmem:s23+$0x110];
	v60 =	vadd.f32 v56, v55  }
0x17e: {  	[tilespmem:s24+$0xC540] =	vst v23;
	v63 =	vld [tilespmem:s23+$0x6110];
	v62 =	vsub.f32 v51, v4;
	v12 =	vadd.f32 v45, v58  }
0x17f: {  	[tilespmem:s24+$0xC550] =	vst v22;
	v33 =	vsub.f32 v52, v4;
	v36 =	vmul.f32 v24, v24;
	v37 =	vld [tilespmem:s23+$0x120];
	v13 =	vadd.f32 v61, v60  }
0x180: {  	[tilespmem:s24+$0xC560] =	vst v20;
	v28 =	vsub.f32 v54, v4;
	v38 =	vld [tilespmem:s23+$0x6120];
	v26 =	vmul.f32 v62, v3;
	v12 =	vadd.f32 v24, v12  }
0x181: {  	[tilespmem:s24+$0xC570] =	vst v16;
	v39 =	vmul.f32 v33, v3;
	v40 =	vmul.f32 v25, v25;
	v43 =	vld [tilespmem:s23+$0x6130];
	v13 =	vadd.f32 v36, v13  }
0x182: {  	[tilespmem:s26+$0xC100] =	vst v14;
	v42 =	vmul.f32 v28, v3;
	v46 =	vld [tilespmem:s23+$0x140];
	v7 =	vmul.f32 v26, v7;
	v12 =	vadd.f32 v25, v12  }
0x183: {  	[tilespmem:s26+$0xC110] =	vst v11;
	v6 =	vmul.f32 v39, v6;
	v48 =	vld [tilespmem:s23+$0x150];
	v45 =	vmul.f32 v19, v19;
	v44 =	vadd.f32 v40, v13  }
0x184: {  	[tilespmem:s26+$0xC120] =	vst v10;
	v5 =	vmul.f32 v42, v5;
	v53 =	vld [tilespmem:s23+$0x160];
	v7 =	vadd.f32 v7, v47;
	v47 =	vadd.f32 v19, v12  }
0x185: {  	[tilespmem:s26+$0xC140] =	vst v8;
	v6 =	vadd.f32 v6, v49;
	v50 =	vmul.f32 v35, v35;
	v22 =	vld [tilespmem:s23+$0x6140];
	v49 =	vadd.f32 v45, v44  }
0x186: {  	[tilespmem:s26+$0xC130] =	vst v9;
	v5 =	vadd.f32 v5, v31;
	v51 =	vld [tilespmem:s23+$0x6150];
	v52 =	vadd.f32 v35, v47  }
0x187: {  	[tilespmem:s26+$0xC160] =	vst v6;
	v55 =	vmul.f32 v30, v30;
	v56 =	vadd.f32 v59, v57;
	v57 =	vld [tilespmem:s23+$0x6160];
	v54 =	vadd.f32 v50, v49  }
0x188: {  	[tilespmem:s26+$0xC170] =	vst v5;
	v59 =	vld [tilespmem:s23+$0x170];
	v62 =	vadd.f32 v63, v18;
	v58 =	vadd.f32 v30, v52  }
0x189: {  	v63 =	vld [tilespmem:s23+$0x6170];
	v21 =	vadd.f32 v38, v37;
	v61 =	vmul.f32 v56, v56;
	[tilespmem:s23+$0x100] =	vst v56;
	v60 =	vadd.f32 v55, v54  }
0x18a: {  	v14 =	vadd.f32 v43, v41;
	[tilespmem:s26+$0xC150] =	vst v7;
	v6 =	vadd.f32 v56, v58  }
0x18b: {  	v27 =	vadd.f32 v22, v46;
	[tilespmem:s23+$0x110] =	vst v62;
	v23 =	vmul.f32 v62, v62;
	v20 =	vld [tilespmem:$0x12290];
	v5 =	vadd.f32 v61, v60  }
0x18c: {  	v24 =	vadd.f32 v51, v48;
	[tilespmem:s23+$0x120] =	vst v21;
	v17 =	vld [tilespmem:$0x122A0];
	v6 =	vadd.f32 v62, v6  }
0x18d: {  	v25 =	vmul.f32 v21, v21;
	[tilespmem:s23+$0x130] =	vst v14;
	v10 =	vadd.f32 v57, v53;
	v22 =	vld [tilespmem:$0x122C0];
	v5 =	vadd.f32 v23, v5  }
0x18e: {  	[tilespmem:s23+$0x150] =	vst v24;
	v8 =	vadd.f32 v63, v59;
	v13 =	vld [tilespmem:$0x12330];
	v6 =	vadd.f32 v21, v6  }
0x18f: {  	v26 =	vmul.f32 v14, v14;
	v59 =	vld [tilespmem:s5+$0x110];
	[tilespmem:s23+$0x160] =	vst v10;
	v7 =	vadd.f32 v25, v5  }
0x190: {  	s4 =	sor.u32 s2, s4;
	v63 =	vld [tilespmem:s5+$0x150];
	[tilespmem:s23+$0x170] =	vst v8;
	v6 =	vadd.f32 v14, v6  }
0x191: {  	[tilespmem:s23+$0x140] =	vst v27;
	v28 =	vmul.f32 v27, v27;
	v29 =	vld [tilespmem:s4+$0x100];
	v7 =	vadd.f32 v26, v7  }
0x192: {  	v30 =	vld [tilespmem:s4+$0x6100];
	v6 =	vadd.f32 v27, v6  }
0x193: {  	v31 =	vmul.f32 v24, v24;
	v32 =	vld [tilespmem:s4+$0x110];
	v7 =	vadd.f32 v28, v7  }
0x194: {  	v33 =	vld [tilespmem:s4+$0x6110];
	v6 =	vadd.f32 v24, v6  }
0x195: {  	v34 =	vmul.f32 v10, v10;
	v35 =	vld [tilespmem:s4+$0x120];
	v7 =	vadd.f32 v31, v7  }
0x196: {  	v36 =	vld [tilespmem:s4+$0x6120];
	v6 =	vadd.f32 v10, v6  }
0x197: {  	v37 =	vmul.f32 v8, v8;
	v38 =	vld [tilespmem:s4+$0x130];
	v12 =	vadd.f32 v30, v29;
	v7 =	vadd.f32 v34, v7  }
0x198: {  	v39 =	vld [tilespmem:s4+$0x6130];
	v6 =	vadd.f32 v8, v6  }
0x199: {  	v41 =	vld [tilespmem:s4+$0x140];
	v9 =	vadd.f32 v33, v32;
	v40 =	vmul.f32 v12, v12;
	v7 =	vadd.f32 v37, v7  }
0x19a: {  	v42 =	vld [tilespmem:s4+$0x6140];
	v6 =	vadd.f32 v12, v6  }
0x19b: {  	v44 =	vld [tilespmem:s4+$0x150];
	v43 =	vmul.f32 v9, v9;
	v10 =	vadd.f32 v36, v35;
	v7 =	vadd.f32 v40, v7  }
0x19c: {  	v45 =	vld [tilespmem:s4+$0x6150];
	v6 =	vadd.f32 v9, v6  }
0x19d: {  	v47 =	vld [tilespmem:s4+$0x160];
	v46 =	vmul.f32 v10, v10;
	v8 =	vadd.f32 v39, v38;
	v7 =	vadd.f32 v43, v7  }
0x19e: {  	v48 =	vld [tilespmem:s4+$0x6160];
	v6 =	vadd.f32 v10, v6  }
0x19f: {  	v50 =	vld [tilespmem:s4+$0x170];
	v16 =	vadd.f32 v42, v41;
	v49 =	vmul.f32 v8, v8;
	v7 =	vadd.f32 v46, v7  }
0x1a0: {  	v51 =	vld [tilespmem:s4+$0x6170];
	v6 =	vadd.f32 v8, v6  }
0x1a1: {  	v58 =	vld [tilespmem:s5+$0x100];
	v15 =	vadd.f32 v45, v44;
	v52 =	vmul.f32 v16, v16;
	v7 =	vadd.f32 v49, v7  }
0x1a2: {  	v60 =	vld [tilespmem:s5+$0x120];
	v6 =	vadd.f32 v16, v6  }
0x1a3: {  	v61 =	vld [tilespmem:s5+$0x130];
	v18 =	vadd.f32 v48, v47;
	v53 =	vmul.f32 v15, v15;
	v7 =	vadd.f32 v52, v7  }
0x1a4: {  	v23 =	vld [tilespmem:$0x122D0];
	v6 =	vadd.f32 v15, v6  }
0x1a5: {  	v62 =	vld [tilespmem:s5+$0x140];
	v19 =	vadd.f32 v51, v50;
	v54 =	vmul.f32 v18, v18;
	v7 =	vadd.f32 v53, v7  }
0x1a6: {  	v29 =	vld [tilespmem:$0x125A0];
	v6 =	vadd.f32 v18, v6  }
0x1a7: {  	v30 =	vld [tilespmem:$0x125B0];
	v55 =	vmul.f32 v19, v19;
	v7 =	vadd.f32 v54, v7  }
0x1a8: {  	v32 =	vld [tilespmem:$0x125D0];
	v6 =	vadd.f32 v19, v6  }
0x1a9: {  	v33 =	vld [tilespmem:$0x125E0];
	v7 =	vadd.f32 v55, v7  }
0x1aa: {  	v44 =	vld [tilespmem:s5+$0x170];
	(xrf2) =	vadd.scan.msk.f32 $0xffff, v6  }
0x1ab: {  	v45 =	vld [tilespmem:s15+$0x100];
	(xrf2) =	vadd.scan.msk.f32 $0xffff, v7  }
0x1ac: {  	v5 =	vld [tilespmem:$0x12280]  }
0x1ad: {  	v21 =	vld [tilespmem:$0x122B0]  }
0x1ae: {  	v25 =	vld [tilespmem:$0x122F0]  }
0x1af: {  	v26 =	vld [tilespmem:$0x12300]  }
0x1b0: {  	v14 =	vld [tilespmem:$0x12320]  }
0x1b1: {  	v27 =	vld [tilespmem:$0x12310]  }
0x1b2: {  	[tilespmem:s4+$0x100] =	vst v12;
	v28 =	vld [tilespmem:$0x12590]  }
0x1b3: {  	[tilespmem:s4+$0x110] =	vst v9;
	v24 =	vld [tilespmem:$0x122E0]  }
0x1b4: {  	[tilespmem:s4+$0x140] =	vst v16;
	v31 =	vld [tilespmem:$0x125C0];
	v56, _, _ =	vpop (xrf2)  }
0x1b5: {  	[tilespmem:s4+$0x150] =	vst v15;
	v34 =	vld [tilespmem:$0x125F0];
	(v2sf) =	vpush v56, $0xF;
	v57, _, _ =	vpop (xrf2)  }
0x1b6: {  	[tilespmem:s4+$0x160] =	vst v18;
	v35 =	vld [tilespmem:$0x12600];
	(v2sf) =	vpush v57, $0xF  }
0x1b7: {  	[tilespmem:s4+$0x170] =	vst v19;
	v36 =	vld [tilespmem:$0x12610]  }
0x1b8: {  	v37 =	vld [tilespmem:$0x12620];
	[tilespmem:s4+$0x120] =	vst v10  }
0x1b9: {  	v38 =	vld [tilespmem:$0x12630];
	[tilespmem:s4+$0x130] =	vst v8  }
0x1ba: {  	v47 =	vld [tilespmem:$0x12120]  }
0x1bb: {  	v48 =	vld [tilespmem:$0x12130]  }
0x1bc: {  	v50 =	vld [tilespmem:$0x12150]  }
0x1bd: {  	v12 =	vld [tilespmem:$0x12160]  }
0x1be: {  	v39 =	vsub.f32 v60, v4;
	v11 =	vld [tilespmem:$0x12170]  }
0x1bf: {  	v41 =	vld [tilespmem:$0x12420]  }
0x1c0: {  	v39 =	vmul.f32 v39, v3;
	v42 =	vld [tilespmem:$0x12430]  }
0x1c1: {  	v9 =	vld [tilespmem:$0x12190]  }
0x1c2: {  	v17 =	vmul.f32 v39, v17;
	v39 =	vld [tilespmem:$0x12410]  }
0x1c3: {  	v16 =	vld [tilespmem:s15+$0x110]  }
0x1c4: {  	v15 =	vld [tilespmem:s15+$0x120];
	s24 =	spop (v2sf)  }
0x1c5: {  	v43 =	vld [tilespmem:$0x12450];
	s0 =	smul.f32 $1.302083370e-03, s24;
	s26 =	spop (v2sf)  }
0x1c6: {  	v46 =	vld [tilespmem:$0x12110];
	s3 =	smul.f32 $1.302083370e-03, s26  }
0x1c7: {  	v40 =	vsub.f32 v61, v4;
	v61 =	vsub.f32 v62, v4;
	v10 =	vld [tilespmem:$0x12180];
	s31 =	smul.f32 s0, s0  }
0x1c8: {  	v17 =	vadd.f32 v17, v29;
	v29 =	vld [tilespmem:$0x12470];
	v16 =	vsub.f32 v16, v4  }
0x1c9: {  	v62 =	vsub.f32 v63, v4;
	v49 =	vld [tilespmem:$0x12140];
	v15 =	vsub.f32 v15, v4;
	s3 =	ssub.f32 s3, s31  }
0x1ca: {  	v53 =	vld [tilespmem:$0x12400];
	v16 =	vmul.f32 v16, v3;
	v7 =	vsub.f32 v58, v4  }
0x1cb: {  	v18 =	vld [tilespmem:s15+$0x130];
	v54 =	vmul.f32 v62, v3;
	v15 =	vmul.f32 v15, v3;
	s3 =	sadd.f32 $9.999999960e-13, s3  }
0x1cc: {  	v6 =	vld [tilespmem:$0x12580];
	v16 =	vmul.f32 v16, v27;
	v7 =	vmul.f32 v7, v3  }
0x1cd: {  	v14 =	vmul.f32 v15, v14;
	v56 =	vld [tilespmem:s5+$0x160];
	v57 =	vsub.f32 v59, v4;
	v58 =	vmov s3  }
0x1ce: {  	v62 =	vld [tilespmem:s28+$0x100];
	v5 =	vmul.f32 v7, v5;
	v51 =	vshra.s32 v58, $0x1;
	v52 =	vmul.f32 $5.000000000e-01, v58  }
0x1cf: {  	v19 =	vld [tilespmem:$0x12100];
	v59 =	vmul.f32 v40, v3;
	v8 =	vmul.f32 v57, v3;
	v51 =	vsub.s32 $0x5F3759DF, v51  }
0x1d0: {  	v16 =	vadd.f32 v16, v36;
	v36 =	vld [tilespmem:s28+$0x520];
	v14 =	vadd.f32 v14, v37;
	v60 =	vmul.f32 v51, v52  }
0x1d1: {  	v7 =	vld [tilespmem:$0x121A0];
	v5 =	vadd.f32 v5, v6;
	v6 =	vmul.f32 v59, v21;
	v20 =	vmul.f32 v8, v20  }
0x1d2: {  	v37 =	vld [tilespmem:s28+$0x530];
	v57 =	vsub.f32 v44, v4;
	v63 =	vsub.f32 v56, v4;
	v40 =	vmul.f32 v51, v60  }
0x1d3: {  	v44 =	vld [tilespmem:$0x12460];
	v30 =	vadd.f32 v6, v30;
	v20 =	vadd.f32 v20, v28;
	v28 =	vmul.f32 v61, v3  }
0x1d4: {  	v8 =	vld [tilespmem:$0x121B0];
	v6 =	vmul.f32 v54, v23;
	v59 =	vmul.f32 v57, v3;
	v55 =	vsub.f32 $1.500000000e+00, v40  }
0x1d5: {  	v54 =	vld [tilespmem:s28+$0x130];
	v56 =	vmul.f32 v63, v3;
	v22 =	vmul.f32 v28, v22  }
0x1d6: {  	v18 =	vsub.f32 v18, v4;
	v63 =	vld [tilespmem:s28+$0x110];
	v58 =	vsub.f32 v45, v4;
	v21 =	vmul.f32 v51, v55  }
0x1d7: {  	[tilespmem:s5+$0xC120] =	vst v17;
	v25 =	vmul.f32 v59, v25;
	v24 =	vmul.f32 v56, v24;
	v56 =	vld [tilespmem:s28+$0x150];
	v22 =	vadd.f32 v22, v31  }
0x1d8: {  	[tilespmem:s5+$0xC100] =	vst v5;
	v31 =	vadd.f32 v6, v32;
	v32 =	vld [tilespmem:$0x12480];
	v60 =	vmul.f32 v58, v3;
	v61 =	vmul.f32 v21, v52  }
0x1d9: {  	v18 =	vmul.f32 v18, v3;
	[tilespmem:s5+$0xC130] =	vst v30;
	v25 =	vadd.f32 v25, v34;
	v24 =	vadd.f32 v24, v33;
	v33 =	vld [tilespmem:s28+$0x500]  }
0x1da: {  	[tilespmem:s5+$0xC110] =	vst v20;
	v45 =	vld [tilespmem:s28+$0x120];
	v6 =	vmul.f32 v60, v26;
	v23 =	vmul.f32 v61, v21  }
0x1db: {  	v13 =	vmul.f32 v18, v13;
	[tilespmem:s5+$0xC170] =	vst v25;
	v55 =	vld [tilespmem:s28+$0x140]  }
0x1dc: {  	[tilespmem:s5+$0xC140] =	vst v22;
	v58 =	vld [tilespmem:$0x12490];
	v51 =	vadd.f32 v6, v35;
	v6 =	vmov s0;
	v52 =	vsub.f32 $1.500000000e+00, v23  }
0x1dd: {  	v13 =	vadd.f32 v13, v38;
	[tilespmem:s5+$0xC150] =	vst v31;
	v40 =	vld [tilespmem:$0x12440];
	v57 =	vsub.f32 v62, v6  }
0x1de: {  	[tilespmem:s5+$0xC160] =	vst v24;
	v60 =	vld [tilespmem:$0x124A0];
	v59 =	vsub.f32 v63, v6;
	v15 =	vsub.f32 v56, v6;
	v5 =	vmul.f32 v52, v21  }
0x1df: {  	[tilespmem:s15+$0xC110] =	vst v16;
	v63 =	vld [tilespmem:s28+$0x170];
	v61 =	vsub.f32 v45, v6;
	v23 =	vsub.f32 v54, v6  }
0x1e0: {  	[tilespmem:s15+$0xC120] =	vst v14;
	v35 =	vld [tilespmem:s28+$0x510];
	v20 =	vsub.f32 v55, v6;
	v17 =	vmul.f32 v57, v5;
	v18 =	vmul.f32 v59, v5  }
0x1e1: {  	[tilespmem:s15+$0xC130] =	vst v13;
	v62 =	vld [tilespmem:s28+$0x160];
	v31 =	vmul.f32 v61, v5;
	v23 =	vmul.f32 v23, v5  }
0x1e2: {  	v25 =	vsub.f32 v33, v6;
	v56 =	vld [tilespmem:s28+$0x540];
	[tilespmem:s15+$0xC100] =	vst v51;
	v20 =	vmul.f32 v20, v5;
	v15 =	vmul.f32 v15, v5  }
0x1e3: {  	v51 =	vsub.f32 v37, v6;
	v13 =	vld [tilespmem:$0x12340];
	v17 =	vmul.f32 v17, v19;
	v18 =	vmul.f32 v18, v46  }
0x1e4: {  	v14 =	vld [tilespmem:$0x12350];
	v24 =	vsub.f32 v63, v6;
	v19 =	vmul.f32 v31, v47;
	v23 =	vmul.f32 v23, v48  }
0x1e5: {  	v16 =	vld [tilespmem:$0x12370];
	v38 =	vmul.f32 v20, v49;
	v15 =	vmul.f32 v15, v50;
	v17 =	vadd.f32 v17, v53  }
0x1e6: {  	v57 =	vld [tilespmem:s28+$0x550];
	v46 =	vmul.f32 v24, v5;
	v47 =	vsub.f32 v35, v6;
	v18 =	vadd.f32 v18, v39  }
0x1e7: {  	v48 =	vmul.f32 v25, v5;
	v19 =	vadd.f32 v19, v41;
	v39 =	vsub.f32 v62, v6;
	v41 =	vld [tilespmem:$0x124B0];
	[tilespmem:s28+$0xC100] =	vst v17  }
0x1e8: {  	v59 =	vld [tilespmem:s28+$0x570];
	v23 =	vadd.f32 v23, v42;
	v42 =	vadd.f32 v38, v40;
	v11 =	vmul.f32 v46, v11;
	[tilespmem:s28+$0xC110] =	vst v18  }
0x1e9: {  	v45 =	vadd.f32 v15, v43;
	v15 =	vld [tilespmem:$0x12360];
	v50 =	vmul.f32 v47, v5;
	v53 =	vmul.f32 v51, v5;
	[tilespmem:s28+$0xC120] =	vst v19  }
0x1ea: {  	v49 =	vsub.f32 v36, v6;
	v10 =	vmul.f32 v48, v10;
	v20 =	vmul.f32 v39, v5;
	[tilespmem:s28+$0xC130] =	vst v23;
	v17 =	vld [tilespmem:$0x12380]  }
0x1eb: {  	[tilespmem:s28+$0xC140] =	vst v42;
	v18 =	vld [tilespmem:$0x12390];
	v52 =	vadd.f32 v11, v29;
	v9 =	vmul.f32 v50, v9;
	v8 =	vmul.f32 v53, v8  }
0x1ec: {  	[tilespmem:s28+$0xC150] =	vst v45;
	v11 =	vld [tilespmem:$0x123A0];
	v54 =	vadd.f32 v10, v32;
	v12 =	vmul.f32 v20, v12;
	v20 =	vmul.f32 v49, v5  }
0x1ed: {  	v10 =	vld [tilespmem:$0x123C0];
	v55 =	vadd.f32 v9, v58;
	[tilespmem:s28+$0xC170] =	vst v52  }
0x1ee: {  	[tilespmem:s28+$0xC500] =	vst v54;
	v9 =	vld [tilespmem:$0x123D0];
	v19 =	vadd.f32 v8, v41;
	v7 =	vmul.f32 v20, v7  }
0x1ef: {  	v58 =	vld [tilespmem:s28+$0x560];
	v12 =	vadd.f32 v12, v44;
	[tilespmem:s28+$0xC510] =	vst v55  }
0x1f0: {  	v8 =	vld [tilespmem:$0x123E0];
	[tilespmem:s28+$0xC530] =	vst v19;
	v7 =	vadd.f32 v7, v60  }
0x1f1: {  	[tilespmem:s28+$0xC160] =	vst v12;
	v12 =	vld [tilespmem:$0x123B0]  }
0x1f2: {  	[tilespmem:s28+$0xC520] =	vst v7;
	v7 =	vld [tilespmem:$0x123F0]  }
0x1f3: {  	v19 =	vld [tilespmem:$0x121C0]  }
0x1f4: {  	v20 =	vld [tilespmem:$0x121D0]  }
0x1f5: {  	v21 =	vld [tilespmem:$0x121E0]  }
0x1f6: {  	v22 =	vld [tilespmem:$0x121F0]  }
0x1f7: {  	v23 =	vld [tilespmem:$0x12200]  }
0x1f8: {  	v24 =	vld [tilespmem:$0x12210]  }
0x1f9: {  	v28 =	vld [tilespmem:$0x12220]  }
0x1fa: {  	v29 =	vld [tilespmem:$0x12230]  }
0x1fb: {  	v30 =	vld [tilespmem:$0x12240]  }
0x1fc: {  	v31 =	vld [tilespmem:$0x12250]  }
0x1fd: {  	v32 =	vld [tilespmem:$0x12260]  }
0x1fe: {  	v33 =	vld [tilespmem:$0x12270]  }
0x1ff: {  	v25 =	vld [tilespmem:$0x124C0]  }
0x200: {  	v26 =	vld [tilespmem:$0x124D0]  }
0x201: {  	v27 =	vld [tilespmem:$0x124E0]  }
0x202: {  	v34 =	vld [tilespmem:$0x124F0]  }
0x203: {  	v35 =	vld [tilespmem:$0x12500]  }
0x204: {  	v36 =	vld [tilespmem:$0x12510]  }
0x205: {  	v37 =	vld [tilespmem:$0x12520]  }
0x206: {  	v60 =	vld [tilespmem:s30+$0x100]  }
0x207: {  	v61 =	vld [tilespmem:s30+$0x110]  }
0x208: {  	v62 =	vld [tilespmem:s30+$0x120]  }
0x209: {  	v40 =	vsub.f32 v56, v6;
	v63 =	vld [tilespmem:s30+$0x130]  }
0x20a: {  	v43 =	vsub.f32 v59, v6;
	v41 =	vsub.f32 v57, v6;
	v53 =	vld [tilespmem:s30+$0x140]  }
0x20b: {  	v40 =	vmul.f32 v40, v5;
	v42 =	vsub.f32 v58, v6;
	v56 =	vld [tilespmem:s30+$0x150]  }
0x20c: {  	v54 =	vmul.f32 v43, v5;
	v41 =	vmul.f32 v41, v5;
	v58 =	vld [tilespmem:s30+$0x160]  }
0x20d: {  	v38 =	vld [tilespmem:$0x12530];
	v51 =	vmul.f32 v42, v5;
	v19 =	vmul.f32 v40, v19  }
0x20e: {  	v39 =	vld [tilespmem:$0x12540];
	v52 =	vsub.f32 v60, v6;
	v20 =	vmul.f32 v41, v20;
	v55 =	vsub.f32 v61, v6  }
0x20f: {  	v46 =	vld [tilespmem:$0x12550];
	v21 =	vmul.f32 v51, v21;
	v61 =	vsub.f32 v62, v6;
	v62 =	vsub.f32 v63, v6  }
0x210: {  	v47 =	vld [tilespmem:$0x12560];
	v22 =	vmul.f32 v54, v22;
	v48 =	vsub.f32 v53, v6;
	v51 =	vsub.f32 v56, v6  }
0x211: {  	v60 =	vld [tilespmem:s30+$0x170];
	v54 =	vsub.f32 v58, v6;
	v19 =	vadd.f32 v19, v25;
	v57 =	vmul.f32 v52, v5  }
0x212: {  	v42 =	vld [tilespmem:$0x12570];
	v20 =	vadd.f32 v20, v26;
	v59 =	vmul.f32 v55, v5;
	v63 =	vmul.f32 v61, v5  }
0x213: {  	v21 =	vadd.f32 v21, v27;
	v25 =	vld [tilespmem:$0x12640];
	v50 =	vmul.f32 v62, v5;
	v23 =	vmul.f32 v57, v23;
	[tilespmem:s28+$0xC540] =	vst v19  }
0x214: {  	v22 =	vadd.f32 v22, v34;
	v26 =	vld [tilespmem:$0x12650];
	v53 =	vmul.f32 v48, v5;
	v24 =	vmul.f32 v59, v24;
	[tilespmem:s28+$0xC550] =	vst v20  }
0x215: {  	v27 =	vld [tilespmem:$0x12660];
	v56 =	vmul.f32 v51, v5;
	v52 =	vmul.f32 v63, v28;
	[tilespmem:s28+$0xC560] =	vst v21;
	v23 =	vadd.f32 v23, v35  }
0x216: {  	v28 =	vld [tilespmem:$0x12670];
	v55 =	vmul.f32 v50, v29;
	[tilespmem:s28+$0xC570] =	vst v22;
	v57 =	vsub.f32 v60, v6;
	v49 =	vadd.f32 v24, v36  }
0x217: {  	v29 =	vld [tilespmem:$0x12680];
	v58 =	vmul.f32 v53, v30;
	v59 =	vmul.f32 v54, v5;
	v20 =	vadd.f32 v52, v37;
	[tilespmem:s30+$0xC100] =	vst v23  }
0x218: {  	v30 =	vld [tilespmem:$0x12690];
	v31 =	vmul.f32 v56, v31;
	v21 =	vadd.f32 v55, v38;
	v34 =	vmul.f32 v57, v5;
	[tilespmem:s30+$0xC110] =	vst v49  }
0x219: {  	v22 =	vld [tilespmem:$0x126C0];
	v60 =	vadd.f32 v58, v39;
	v32 =	vmul.f32 v59, v32;
	[tilespmem:s30+$0xC120] =	vst v20  }
0x21a: {  	v19 =	vld [tilespmem:$0x126F0];
	v61 =	vadd.f32 v31, v46;
	[tilespmem:s30+$0xC130] =	vst v21;
	v62 =	vmul.f32 v34, v33  }
0x21b: {  	v24 =	vld [tilespmem:$0x126A0];
	v32 =	vadd.f32 v32, v47;
	[tilespmem:s30+$0xC140] =	vst v60  }
0x21c: {  	v23 =	vld [tilespmem:$0x126B0];
	[tilespmem:s30+$0xC150] =	vst v61;
	v31 =	vadd.f32 v62, v42  }
0x21d: {  	v21 =	vld [tilespmem:$0x126D0];
	[tilespmem:s30+$0xC160] =	vst v32  }
0x21e: {  	v20 =	vld [tilespmem:$0x126E0];
	[tilespmem:s30+$0xC170] =	vst v31  }
0x21f: {  	v31 =	vld [tilespmem:$0x12280]  }
0x220: {  	v32 =	vld [tilespmem:$0x12290]  }
0x221: {  	v33 =	vld [tilespmem:$0x122A0]  }
0x222: {  	v34 =	vld [tilespmem:$0x122B0]  }
0x223: {  	v35 =	vld [tilespmem:$0x122C0]  }
0x224: {  	v36 =	vld [tilespmem:$0x122D0]  }
0x225: {  	v37 =	vld [tilespmem:$0x122E0]  }
0x226: {  	v38 =	vld [tilespmem:$0x122F0]  }
0x227: {  	v39 =	vld [tilespmem:$0x12300]  }
0x228: {  	v40 =	vld [tilespmem:$0x12310]  }
0x229: {  	v41 =	vld [tilespmem:$0x12320]  }
0x22a: {  	v42 =	vld [tilespmem:$0x12330]  }
0x22b: {  	v43 =	vld [tilespmem:$0x12580]  }
0x22c: {  	v44 =	vld [tilespmem:$0x12590]  }
0x22d: {  	v45 =	vld [tilespmem:$0x125A0]  }
0x22e: {  	v46 =	vld [tilespmem:$0x125B0]  }
0x22f: {  	v47 =	vld [tilespmem:$0x125C0]  }
0x230: {  	v48 =	vld [tilespmem:$0x125D0]  }
0x231: {  	v49 =	vld [tilespmem:$0x125E0]  }
0x232: {  	v50 =	vld [tilespmem:$0x125F0]  }
0x233: {  	v51 =	vld [tilespmem:$0x12600]  }
0x234: {  	v63 =	vld [tilespmem:s6+$0x100]  }
0x235: {  	v60 =	vld [tilespmem:s6+$0x110]  }
0x236: {  	v55 =	vld [tilespmem:s6+$0x130]  }
0x237: {  	v57 =	vld [tilespmem:s6+$0x150]  }
0x238: {  	v56 =	vld [tilespmem:s6+$0x140]  }
0x239: {  	v54 =	vld [tilespmem:s6+$0x120]  }
0x23a: {  	v58 =	vld [tilespmem:$0x12610];
	v52 =	vsub.f32 v63, v6  }
0x23b: {  	v59 =	vld [tilespmem:$0x12620];
	v53 =	vsub.f32 v60, v6;
	v55 =	vsub.f32 v55, v6  }
0x23c: {  	v60 =	vld [tilespmem:s6+$0x160];
	v57 =	vsub.f32 v57, v6;
	v52 =	vmul.f32 v52, v5  }
0x23d: {  	v61 =	vld [tilespmem:s23+$0x100];
	v56 =	vsub.f32 v56, v6;
	v53 =	vmul.f32 v53, v5;
	v55 =	vmul.f32 v55, v5  }
0x23e: {  	v54 =	vsub.f32 v54, v6;
	v63 =	vmul.f32 v57, v5;
	v57 =	vld [tilespmem:s23+$0x130];
	v31 =	vmul.f32 v52, v31  }
0x23f: {  	v62 =	vmul.f32 v56, v5;
	v52 =	vld [tilespmem:s6+$0x170];
	v32 =	vmul.f32 v53, v32  }
0x240: {  	v54 =	vmul.f32 v54, v5;
	v34 =	vmul.f32 v55, v34;
	v31 =	vadd.f32 v31, v43;
	v43 =	vld [tilespmem:s23+$0x110]  }
0x241: {  	v35 =	vmul.f32 v62, v35;
	v60 =	vsub.f32 v60, v6;
	v32 =	vadd.f32 v32, v44;
	v44 =	vld [tilespmem:s23+$0x120]  }
0x242: {  	v33 =	vmul.f32 v54, v33;
	v53 =	vsub.f32 v61, v6;
	v34 =	vadd.f32 v34, v46;
	v46 =	vld [tilespmem:$0x12630]  }
0x243: {  	v36 =	vmul.f32 v63, v36;
	v35 =	vadd.f32 v35, v47;
	v47 =	vld [tilespmem:s15+$0x140];
	v54 =	vmul.f32 v60, v5  }
0x244: {  	v63 =	vmul.f32 v53, v5;
	v53 =	vld [tilespmem:s15+$0x170];
	v55 =	vsub.f32 v57, v6;
	v52 =	vsub.f32 v52, v6  }
0x245: {  	v33 =	vadd.f32 v33, v45;
	v45 =	vld [tilespmem:s17+$0x100];
	[tilespmem:s6+$0xC100] =	vst v31;
	v62 =	vmul.f32 v54, v37  }
0x246: {  	v36 =	vadd.f32 v36, v48;
	v31 =	vld [tilespmem:s15+$0x150];
	[tilespmem:s6+$0xC110] =	vst v32;
	v60 =	vmul.f32 v55, v5;
	v61 =	vmul.f32 v52, v5  }
0x247: {  	v56 =	vmul.f32 v63, v39;
	[tilespmem:s6+$0xC140] =	vst v35;
	v35 =	vld [tilespmem:s17+$0x110];
	v43 =	vsub.f32 v43, v6;
	v44 =	vsub.f32 v44, v6  }
0x248: {  	[tilespmem:s6+$0xC150] =	vst v36;
	v36 =	vld [tilespmem:s17+$0x120];
	v32 =	vadd.f32 v62, v49;
	v62 =	vmul.f32 v60, v42;
	v48 =	vmul.f32 v61, v38  }
0x249: {  	[tilespmem:s6+$0xC130] =	vst v34;
	v63 =	vld [tilespmem:s17+$0x140];
	v34 =	vadd.f32 v56, v51;
	v54 =	vmul.f32 v43, v5;
	v57 =	vmul.f32 v44, v5  }
0x24a: {  	[tilespmem:s6+$0xC120] =	vst v33;
	v52 =	vld [tilespmem:s15+$0x160];
	v47 =	vsub.f32 v47, v4;
	v56 =	vadd.f32 v62, v46  }
0x24b: {  	[tilespmem:s6+$0xC160] =	vst v32;
	v33 =	vadd.f32 v48, v50;
	v38 =	vmul.f32 v54, v40;
	v37 =	vmul.f32 v57, v41;
	v40 =	vld [tilespmem:s17+$0x130]  }
0x24c: {  	v35 =	vsub.f32 v35, v4;
	v41 =	vld [tilespmem:s17+$0x170];
	[tilespmem:s23+$0xC130] =	vst v56  }
0x24d: {  	v47 =	vmul.f32 v47, v3;
	v61 =	vadd.f32 v38, v58;
	[tilespmem:s6+$0xC170] =	vst v33;
	v55 =	vadd.f32 v37, v59;
	v37 =	vld [tilespmem:s17+$0x150]  }
0x24e: {  	v60 =	vmul.f32 v35, v3;
	v38 =	vld [tilespmem:s17+$0x160];
	[tilespmem:s23+$0xC100] =	vst v34  }
0x24f: {  	v13 =	vmul.f32 v47, v13;
	v47 =	vld [tilespmem:s23+$0x140];
	[tilespmem:s23+$0xC110] =	vst v61  }
0x250: {  	v18 =	vmul.f32 v60, v18;
	v60 =	vld [tilespmem:s23+$0x160];
	[tilespmem:s23+$0xC120] =	vst v55  }
0x251: {  	v42 =	vld [tilespmem:$0x12340]  }
0x252: {  	v43 =	vld [tilespmem:$0x12350]  }
0x253: {  	v44 =	vld [tilespmem:$0x12360]  }
0x254: {  	v46 =	vld [tilespmem:$0x12370]  }
0x255: {  	v48 =	vld [tilespmem:$0x12380]  }
0x256: {  	v49 =	vld [tilespmem:$0x12390]  }
0x257: {  	v50 =	vld [tilespmem:$0x123A0]  }
0x258: {  	v51 =	vld [tilespmem:$0x123B0]  }
0x259: {  	v53 =	vsub.f32 v53, v4;
	v34 =	vld [tilespmem:$0x123C0]  }
0x25a: {  	v33 =	vld [tilespmem:$0x123D0]  }
0x25b: {  	v53 =	vmul.f32 v53, v3;
	v32 =	vld [tilespmem:$0x123E0]  }
0x25c: {  	v63 =	vsub.f32 v63, v4;
	v57 =	vsub.f32 v31, v4;
	v31 =	vld [tilespmem:$0x123F0]  }
0x25d: {  	v45 =	vsub.f32 v45, v4;
	v16 =	vmul.f32 v53, v16;
	v52 =	vsub.f32 v52, v4;
	v55 =	vld [tilespmem:$0x12640]  }
0x25e: {  	v53 =	vmul.f32 v63, v3;
	v54 =	vmul.f32 v57, v3;
	v56 =	vld [tilespmem:$0x12650]  }
0x25f: {  	v13 =	vadd.f32 v13, v25;
	v59 =	vmul.f32 v45, v3;
	v58 =	vmul.f32 v52, v3;
	v52 =	vld [tilespmem:$0x12660]  }
0x260: {  	v16 =	vadd.f32 v16, v28;
	v10 =	vmul.f32 v53, v10;
	v14 =	vmul.f32 v54, v14;
	v54 =	vld [tilespmem:$0x12670]  }
0x261: {  	v17 =	vmul.f32 v59, v17;
	v61 =	vsub.f32 v36, v4;
	v18 =	vadd.f32 v18, v30;
	v45 =	vld [tilespmem:$0x12680]  }
0x262: {  	v10 =	vadd.f32 v10, v22;
	v15 =	vmul.f32 v58, v15;
	v62 =	vsub.f32 v40, v4;
	v58 =	vld [tilespmem:s23+$0x150]  }
0x263: {  	v63 =	vld [tilespmem:s4+$0x100];
	v14 =	vadd.f32 v14, v26;
	v17 =	vadd.f32 v17, v29;
	v25 =	vmul.f32 v61, v3  }
0x264: {  	v53 =	vld [tilespmem:s4+$0x150];
	v15 =	vadd.f32 v15, v27;
	v26 =	vmul.f32 v62, v3;
	v40 =	vsub.f32 v37, v4  }
0x265: {  	[tilespmem:s15+$0xC140] =	vst v13;
	v35 =	vld [tilespmem:$0x12690];
	v57 =	vsub.f32 v38, v4;
	v4 =	vsub.f32 v41, v4;
	v11 =	vmul.f32 v25, v11  }
0x266: {  	[tilespmem:s15+$0xC170] =	vst v16;
	v62 =	vld [tilespmem:s23+$0x170];
	v39 =	vsub.f32 v60, v6;
	v12 =	vmul.f32 v26, v12;
	v59 =	vmul.f32 v40, v3  }
0x267: {  	v41 =	vld [tilespmem:s4+$0x130];
	[tilespmem:s15+$0xC150] =	vst v14;
	v61 =	vmul.f32 v57, v3;
	v26 =	vsub.f32 v47, v6;
	v11 =	vadd.f32 v11, v24  }
0x268: {  	v28 =	vld [tilespmem:$0x126B0];
	v3 =	vmul.f32 v4, v3;
	[tilespmem:s15+$0xC160] =	vst v15;
	v37 =	vsub.f32 v58, v6;
	v4 =	vsub.f32 v63, v6  }
0x269: {  	v25 =	vld [tilespmem:s4+$0x110];
	[tilespmem:s17+$0xC140] =	vst v10;
	v10 =	vsub.f32 v53, v6;
	v9 =	vmul.f32 v59, v9;
	v8 =	vmul.f32 v61, v8  }
0x26a: {  	v40 =	vld [tilespmem:s4+$0x120];
	v12 =	vadd.f32 v12, v23;
	v3 =	vmul.f32 v3, v7;
	v15 =	vmul.f32 v26, v5  }
0x26b: {  	v36 =	vld [tilespmem:$0x126C0];
	[tilespmem:s17+$0xC110] =	vst v18;
	v16 =	vmul.f32 v37, v5;
	v13 =	vsub.f32 v62, v6;
	v4 =	vmul.f32 v4, v5  }
0x26c: {  	v47 =	vld [tilespmem:s4+$0x140];
	[tilespmem:s17+$0xC120] =	vst v11;
	v11 =	vsub.f32 v41, v6;
	v10 =	vmul.f32 v10, v5;
	v9 =	vadd.f32 v9, v21  }
0x26d: {  	v29 =	vld [tilespmem:$0x126D0];
	[tilespmem:s17+$0xC100] =	vst v17;
	v8 =	vadd.f32 v8, v20;
	v3 =	vadd.f32 v3, v19;
	v15 =	vmul.f32 v15, v42  }
0x26e: {  	v57 =	vld [tilespmem:s4+$0x160];
	v42 =	vmul.f32 v39, v5;
	[tilespmem:s17+$0xC130] =	vst v12;
	v14 =	vsub.f32 v25, v6;
	v16 =	vmul.f32 v16, v43  }
0x26f: {  	v27 =	vld [tilespmem:$0x126A0];
	v13 =	vmul.f32 v13, v5;
	v4 =	vmul.f32 v4, v48;
	v18 =	vsub.f32 v40, v6;
	[tilespmem:s17+$0xC150] =	vst v9  }
0x270: {  	v58 =	vld [tilespmem:s4+$0x170];
	v11 =	vmul.f32 v11, v5;
	v15 =	vadd.f32 v15, v55;
	v19 =	vmul.f32 v42, v44;
	[tilespmem:s17+$0xC160] =	vst v8  }
0x271: {  	v38 =	vld [tilespmem:$0x126E0];
	v12 =	vsub.f32 v47, v6;
	[tilespmem:s17+$0xC170] =	vst v3;
	v16 =	vadd.f32 v16, v56;
	v13 =	vmul.f32 v13, v46  }
0x272: {  	v14 =	vmul.f32 v14, v5;
	v3 =	vld [tilespmem:$0x126F0];
	v11 =	vmul.f32 v11, v51;
	v19 =	vadd.f32 v19, v52;
	[tilespmem:s23+$0xC140] =	vst v15  }
0x273: {  	v10 =	vmul.f32 v10, v33;
	v9 =	vsub.f32 v57, v6;
	v13 =	vadd.f32 v13, v54;
	[tilespmem:s23+$0xC150] =	vst v16  }
0x274: {  	v18 =	vmul.f32 v18, v5;
	v14 =	vmul.f32 v14, v49;
	v61 =	vadd.f32 v11, v28;
	[tilespmem:s23+$0xC160] =	vst v19  }
0x275: {  	v6 =	vsub.f32 v58, v6;
	v4 =	vadd.f32 v4, v45;
	v12 =	vmul.f32 v12, v5;
	[tilespmem:s23+$0xC170] =	vst v13  }
0x276: {  	v9 =	vmul.f32 v9, v5;
	v59 =	vmul.f32 v18, v50;
	v14 =	vadd.f32 v14, v35;
	[tilespmem:s4+$0xC130] =	vst v61  }
0x277: {  	v7 =	vadd.f32 v10, v29;
	v5 =	vmul.f32 v6, v5;
	v12 =	vmul.f32 v12, v34;
	[tilespmem:s4+$0xC100] =	vst v4  }
0x278: {  	p0 =	slt.u32 s14, $0xE;
	v9 =	vmul.f32 v9, v32;
	v60 =	vadd.f32 v59, v27;
	[tilespmem:s4+$0xC110] =	vst v14  }
.Ltmp2:
0x279: {  	v5 =	vmul.f32 v5, v31;
	v62 =	vadd.f32 v12, v36;
	[tilespmem:s4+$0xC150] =	vst v7;
	(pc) =	sbr.rel @p0 .LBB2_3-.Ltmp2, $4  }
0x27a: {  	v63 =	vadd.f32 v9, v38;
	[tilespmem:s4+$0xC120] =	vst v60  }
0x27b: {  	v3 =	vadd.f32 v5, v3;
	[tilespmem:s4+$0xC140] =	vst v62  }
0x27c: {  	[tilespmem:s4+$0xC160] =	vst v63  }
0x27d: {  	s13 =	sadd.s32 $0x100, s13;
	[tilespmem:s4+$0xC170] =	vst v3  }
0x27e: {  	s14 =	sshll.u32 s10, $0x5  }
0x27f: {  	s0 =	sor.u32 s7, s14  }
0x280: {  	s0 =	sshrl.u32 s0, $0x3  }
0x281: {  	s15 =	smul.u32 $0x300, s0  }
0x282: {  	s31 =	rddreg [dreg:$0x5]  }
0x283: {  	s2 =	simm.s32 $0xC100;
	p0 =	seq.s32 s10, $0x7;
	s0 =	sadd.s32 s31, s15  }
0x284: {  	[hbm4b:s0+s8] =	stream.linear.scatter [tilespmem:s2], [sflag:$0x5], $0x3000, $0x38;
	[tilespmem:$0x12700] =	vst v63  }
0x285: {  	v3 =	vld @!p0 [tilespmem:s14+$0x20];
	_ =	sdelay $0x4  }
0x286: {  	v4 =	vshrl.u32 @!p0 v3, $0x3  }
0x287: {  	v4 =	vmul.u32 @!p0 $0x30, v4  }
0x288: {  	v5 =	vlaneseq.u32 @!p0;
	v3 =	vand.u32 @!p0 $0x7, v3  }
0x289: {  	v6 =	vshrl.u32 @!p0 v5, $0x3;
	v3 =	vor.u32 @!p0 v3, v4;
	v4 =	vand.u32 @!p0 $0x7, v5  }
0x28a: {  	v6 =	vmul.u32 @!p0 $0x8, v6;
	v4 =	vperm.xlane @!p0 v3, v4;
	_ =	sdelay $0x1  }
0x28b: {  	v4 =	vadd.s32 @!p0 v6, v4;
	_ =	sdelay $0x2  }
0x28c: {  	v5 =	vor.u32 @!p0 $0x8, v5  }
0x28d: {  	vm1 =	vmmov @!p0 $0xffff;
	s3 =	simm.s32 @!p0 $0x100;
	s0 =	simm.s32 @!p0 $0x0;
	v3 =	vperm.xlane @!p0 v3, v5  }
0x28e: {  	[tilespmem:s3], [sflag:$0x1] =	stream.indirect_vreg.gather @!p0 [hbm4b:s1+s0], $0x80, v4, vm1, $0xb8;
	[tilespmem:$0x12700] =	vst v63  }
0x28f: {  	v3 =	vadd.s32 @!p0 v6, v3;
	s3 =	simm.s32 @!p0 $0x900  }
0x290: {  	[tilespmem:s3], [sflag:$0x1] =	stream.indirect_vreg.gather @!p0 [hbm4b:s11+s0], $0x80, v4, vm1, $0xb8;
	[tilespmem:$0x12700] =	vst v63  }
0x291: {  	s3 =	simm.s32 @!p0 $0x1100  }
0x292: {  	[tilespmem:s3], [sflag:$0x1] =	stream.indirect_vreg.gather @!p0 [hbm4b:s12+s0], $0x80, v4, vm1, $0xb8;
	[tilespmem:$0x12700] =	vst v63  }
0x293: {  	s3 =	simm.s32 @!p0 $0x1900  }
0x294: {  	[tilespmem:s3], [sflag:$0x1] =	stream.indirect_vreg.gather @!p0 [hbm4b:s1+s0], $0x80, v3, vm1, $0xb8;
	[tilespmem:$0x12700] =	vst v63  }
0x295: {  	s3 =	sadd.s32 @!p0 $0x20, s14  }
0x296: {  	s4 =	simm.s32 @!p0 $0x2100;
	s3 =	sadd.s32 @!p0 s9, s3  }
0x297: {  	[tilespmem:s4], [sflag:$0x1] =	stream.indirect_vreg.gather @!p0 [hbm4b:s11+s0], $0x80, v3, vm1, $0xb8;
	[tilespmem:$0x12700] =	vst v63  }
0x298: {  	p1 =	seq.s32 @!p0 s10, $0x0;
	s3 =	sshrl.u32 @!p0 s3, $0x3  }
0x299: {  	s2 =	rddreg [dreg:$0x2];
	s4 =	simm.s32 @!p0 $0x2900;
	s3 =	smul.u32 @!p0 $0x300, s3  }
0x29a: {  	[tilespmem:s4], [sflag:$0x1] =	stream.indirect_vreg.gather @!p0 [hbm4b:s12+s0], $0x80, v3, vm1, $0xb8;
	[tilespmem:$0x12700] =	vst v63  }
0x29b: {  	p1 =	por p0, !p1;
	s4 =	simm.s32 @!p0 $0x6100;
	s3 =	sadd.s32 @!p0 s2, s3  }
0x29c: {  	[tilespmem:s4], [sflag:$0x3] =	stream.linear.gather @!p0 [hbm4b:s3+s0], $0x3000, $0x38;
	[tilespmem:$0x12700] =	vst v63  }
0x29d: {  	_ =	swait.ge @p1 [sflag:s25], $0x3000  }
0x29e: {  	[sflag:s25] =	ssyncset.done @p1 $0x0  }
0x29f: {  	[sflag:s25] =	ssyncadd.s32 @p1 $0xFFFFD000  }
0x2a0: {  	_ =	swait.ge [sflag:s21], $0x3000  }
0x2a1: {  	[sflag:s21] =	ssyncset.done $0x0  }
0x2a2: {  	[sflag:s21] =	ssyncadd.s32 $0xFFFFD000  }
0x2a3: {  	_ =	swait.ge [sflag:s22], $0x3000  }
0x2a4: {  	[sflag:s22] =	ssyncset.done $0x0  }
0x2a5: {  	s13 =	simm.s32 $0xFFFFFFFE;
	s17 =	simm.s32 $0x0;
	[sflag:s22] =	ssyncadd.s32 $0xFFFFD000  }
.LBB2_5:
0x2a6: {  	s13 =	sadd.s32 $0x2, s13  }
0x2a7: {  	s0 =	sshrl.u32 s13, $0x3  }
0x2a8: {  	s30 =	smul.u32 $0x1800, s0  }
0x2a9: {  	s3 =	sand.u32 $0x300, s17  }
0x2aa: {  	s6 =	sor.u32 s3, s30  }
0x2ab: {  	v3 =	vld [tilespmem:s6+$0x3100]  }
0x2ac: {  	v4 =	vld [tilespmem:s6+$0x9100]  }
0x2ad: {  	v5 =	vld [tilespmem:s6+$0x3110]  }
0x2ae: {  	v6 =	vld [tilespmem:s6+$0x9110]  }
0x2af: {  	v7 =	vld [tilespmem:s6+$0x3120]  }
0x2b0: {  	v8 =	vld [tilespmem:s6+$0x9120]  }
0x2b1: {  	v9 =	vld [tilespmem:s6+$0x3130]  }
0x2b2: {  	v10 =	vld [tilespmem:s6+$0x9130]  }
0x2b3: {  	v11 =	vld [tilespmem:s6+$0x3140]  }
0x2b4: {  	v12 =	vld [tilespmem:s6+$0x9140]  }
0x2b5: {  	v13 =	vld [tilespmem:s6+$0x3150]  }
0x2b6: {  	v14 =	vld [tilespmem:s6+$0x9150]  }
0x2b7: {  	v15 =	vld [tilespmem:s6+$0x3160]  }
0x2b8: {  	v16 =	vld [tilespmem:s6+$0x9160]  }
0x2b9: {  	v17 =	vld [tilespmem:s6+$0x3170]  }
0x2ba: {  	v18 =	vld [tilespmem:s6+$0x9170]  }
0x2bb: {  	v19 =	vld [tilespmem:s6+$0x3500]  }
0x2bc: {  	v20 =	vld [tilespmem:s6+$0x9500]  }
0x2bd: {  	v21 =	vld [tilespmem:s6+$0x3510]  }
0x2be: {  	v22 =	vld [tilespmem:s6+$0x9510]  }
0x2bf: {  	v23 =	vld [tilespmem:s6+$0x3520]  }
0x2c0: {  	v30 =	vld [tilespmem:s6+$0x9520];
	v3 =	vadd.f32 v4, v3  }
0x2c1: {  	v31 =	vld [tilespmem:s6+$0x3530];
	v5 =	vadd.f32 v6, v5  }
0x2c2: {  	v32 =	vld [tilespmem:s6+$0x9530];
	v7 =	vadd.f32 v8, v7;
	[tilespmem:s6+$0x3100] =	vst v3  }
0x2c3: {  	v33 =	vld [tilespmem:s6+$0x3540];
	v9 =	vadd.f32 v10, v9;
	[tilespmem:s6+$0x3110] =	vst v5  }
0x2c4: {  	v34 =	vld [tilespmem:s6+$0x9540];
	v11 =	vadd.f32 v12, v11;
	[tilespmem:s6+$0x3120] =	vst v7  }
0x2c5: {  	v35 =	vld [tilespmem:s6+$0x3550];
	v13 =	vadd.f32 v14, v13;
	[tilespmem:s6+$0x3130] =	vst v9  }
0x2c6: {  	v36 =	vld [tilespmem:s6+$0x9550];
	v15 =	vadd.f32 v16, v15;
	[tilespmem:s6+$0x3140] =	vst v11  }
0x2c7: {  	v37 =	vld [tilespmem:s6+$0x3560];
	v17 =	vadd.f32 v18, v17;
	[tilespmem:s6+$0x3150] =	vst v13  }
0x2c8: {  	v38 =	vld [tilespmem:s6+$0x9560];
	v19 =	vadd.f32 v20, v19;
	[tilespmem:s6+$0x3160] =	vst v15  }
0x2c9: {  	v39 =	vld [tilespmem:s6+$0x3570];
	v21 =	vadd.f32 v22, v21;
	[tilespmem:s6+$0x3170] =	vst v17  }
0x2ca: {  	v40 =	vld [tilespmem:s6+$0x9570];
	v4 =	vadd.f32 v30, v23;
	[tilespmem:s6+$0x3500] =	vst v19  }
0x2cb: {  	v6 =	vadd.f32 v32, v31;
	[tilespmem:s6+$0x3510] =	vst v21;
	v41 =	vadd.f32 $0.0e+00, v3  }
0x2cc: {  	v10 =	vadd.f32 v34, v33;
	[tilespmem:s6+$0x3520] =	vst v4;
	v3 =	vmul.f32 v3, v3;
	v42 =	vmul.f32 v5, v5  }
0x2cd: {  	v14 =	vadd.f32 v36, v35;
	[tilespmem:s6+$0x3530] =	vst v6;
	v5 =	vadd.f32 v5, v41  }
0x2ce: {  	v43 =	vadd.f32 v38, v37;
	[tilespmem:s6+$0x3540] =	vst v10;
	v44 =	vmul.f32 v7, v7;
	v3 =	vadd.f32 v42, v3  }
0x2cf: {  	s4 =	sadd.s32 $0x800, s30;
	v45 =	vadd.f32 v40, v39;
	[tilespmem:s6+$0x3550] =	vst v14;
	v5 =	vadd.f32 v7, v5  }
0x2d0: {  	s29 =	sor.u32 s3, s4;
	[tilespmem:s6+$0x3560] =	vst v43;
	v46 =	vmul.f32 v9, v9;
	v3 =	vadd.f32 v44, v3  }
0x2d1: {  	[tilespmem:s6+$0x3570] =	vst v45;
	v47 =	vld [tilespmem:s29+$0x3100];
	v5 =	vadd.f32 v9, v5  }
0x2d2: {  	v49 =	vmul.f32 v11, v11;
	v48 =	vld [tilespmem:s29+$0x9100];
	v3 =	vadd.f32 v46, v3  }
0x2d3: {  	v50 =	vld [tilespmem:s29+$0x3110];
	v5 =	vadd.f32 v11, v5  }
0x2d4: {  	v52 =	vmul.f32 v13, v13;
	v51 =	vld [tilespmem:s29+$0x9110];
	v3 =	vadd.f32 v49, v3  }
0x2d5: {  	v53 =	vld [tilespmem:s29+$0x3120];
	v5 =	vadd.f32 v13, v5  }
0x2d6: {  	v55 =	vmul.f32 v15, v15;
	v54 =	vld [tilespmem:s29+$0x9120];
	v3 =	vadd.f32 v52, v3  }
0x2d7: {  	v59 =	vld [tilespmem:s29+$0x3140];
	v5 =	vadd.f32 v15, v5  }
0x2d8: {  	v58 =	vmul.f32 v17, v17;
	v60 =	vld [tilespmem:s29+$0x9140];
	v3 =	vadd.f32 v55, v3  }
0x2d9: {  	v24 =	vld [tilespmem:s29+$0x3150];
	v5 =	vadd.f32 v17, v5  }
0x2da: {  	v61 =	vmul.f32 v19, v19;
	v62 =	vld [tilespmem:s29+$0x9150];
	v3 =	vadd.f32 v58, v3  }
0x2db: {  	v25 =	vld [tilespmem:s29+$0x3160];
	v5 =	vadd.f32 v19, v5  }
0x2dc: {  	v63 =	vmul.f32 v21, v21;
	v26 =	vld [tilespmem:s29+$0x9160];
	v3 =	vadd.f32 v61, v3  }
0x2dd: {  	v28 =	vld [tilespmem:s29+$0x3170];
	v5 =	vadd.f32 v21, v5  }
0x2de: {  	v27 =	vmul.f32 v4, v4;
	v30 =	vld [tilespmem:s29+$0x9170];
	v9 =	vadd.f32 v48, v47;
	v3 =	vadd.f32 v63, v3  }
0x2df: {  	v56 =	vld [tilespmem:s29+$0x3130];
	v29 =	vadd.f32 v54, v53;
	v4 =	vadd.f32 v4, v5  }
0x2e0: {  	v31 =	vmul.f32 v6, v6;
	v57 =	vld [tilespmem:s29+$0x9130];
	v32 =	vadd.f32 v60, v59;
	[tilespmem:s29+$0x3100] =	vst v9;
	v3 =	vadd.f32 v27, v3  }
0x2e1: {  	v34 =	vadd.f32 v62, v24;
	[tilespmem:s29+$0x3120] =	vst v29;
	v4 =	vadd.f32 v6, v4  }
0x2e2: {  	v33 =	vmul.f32 v10, v10;
	v35 =	vadd.f32 v26, v25;
	[tilespmem:s29+$0x3140] =	vst v32;
	v3 =	vadd.f32 v31, v3  }
0x2e3: {  	v37 =	vadd.f32 v30, v28;
	[tilespmem:s29+$0x3150] =	vst v34;
	v4 =	vadd.f32 v10, v4  }
0x2e4: {  	v36 =	vmul.f32 v14, v14;
	v11 =	vadd.f32 v51, v50;
	[tilespmem:s29+$0x3160] =	vst v35;
	v3 =	vadd.f32 v33, v3  }
0x2e5: {  	s31 =	sadd.s32 $0xC00, s30;
	[tilespmem:s29+$0x3170] =	vst v37;
	v15 =	vadd.f32 v57, v56;
	v4 =	vadd.f32 v14, v4  }
0x2e6: {  	s26 =	sor.u32 s3, s31;
	v38 =	vmul.f32 v43, v43;
	[tilespmem:s29+$0x3110] =	vst v11;
	v3 =	vadd.f32 v36, v3  }
0x2e7: {  	v62 =	vld [tilespmem:s26+$0x3170];
	[tilespmem:s29+$0x3130] =	vst v15;
	v4 =	vadd.f32 v43, v4  }
0x2e8: {  	v41 =	vmul.f32 v45, v45;
	v39 =	vld [tilespmem:s26+$0x3100];
	v3 =	vadd.f32 v38, v3  }
0x2e9: {  	v40 =	vld [tilespmem:s26+$0x9100];
	v4 =	vadd.f32 v45, v4  }
0x2ea: {  	v44 =	vmul.f32 v9, v9;
	v42 =	vld [tilespmem:s26+$0x3110];
	v3 =	vadd.f32 v41, v3  }
0x2eb: {  	v46 =	vld [tilespmem:s26+$0x9120];
	v4 =	vadd.f32 v9, v4  }
0x2ec: {  	v47 =	vmul.f32 v11, v11;
	v48 =	vld [tilespmem:s26+$0x3130];
	v3 =	vadd.f32 v44, v3  }
0x2ed: {  	v51 =	vld [tilespmem:s26+$0x3140];
	v4 =	vadd.f32 v11, v4  }
0x2ee: {  	v50 =	vmul.f32 v29, v29;
	v52 =	vld [tilespmem:s26+$0x9140];
	v3 =	vadd.f32 v47, v3  }
0x2ef: {  	v54 =	vld [tilespmem:s26+$0x3150];
	v4 =	vadd.f32 v29, v4  }
0x2f0: {  	v53 =	vmul.f32 v15, v15;
	v55 =	vld [tilespmem:s26+$0x9150];
	v3 =	vadd.f32 v50, v3  }
0x2f1: {  	v57 =	vld [tilespmem:s26+$0x3160];
	v4 =	vadd.f32 v15, v4  }
0x2f2: {  	v56 =	vmul.f32 v32, v32;
	v59 =	vld [tilespmem:s26+$0x9160];
	v3 =	vadd.f32 v53, v3  }
0x2f3: {  	v63 =	vld [tilespmem:s26+$0x9170];
	v4 =	vadd.f32 v32, v4  }
0x2f4: {  	v60 =	vmul.f32 v34, v34;
	v58 =	vadd.f32 v40, v39;
	v43 =	vld [tilespmem:s26+$0x9110];
	v3 =	vadd.f32 v56, v3  }
0x2f5: {  	v49 =	vld [tilespmem:s26+$0x9130];
	v5 =	vadd.f32 v52, v51;
	v4 =	vadd.f32 v34, v4  }
0x2f6: {  	v18 =	vmul.f32 v35, v35;
	v24 =	vadd.f32 v55, v54;
	[tilespmem:s26+$0x3100] =	vst v58;
	v45 =	vld [tilespmem:s26+$0x3120];
	v3 =	vadd.f32 v60, v3  }
0x2f7: {  	v8 =	vadd.f32 v59, v57;
	[tilespmem:s26+$0x3140] =	vst v5;
	v4 =	vadd.f32 v35, v4  }
0x2f8: {  	v23 =	vmul.f32 v37, v37;
	[tilespmem:s26+$0x3150] =	vst v24;
	v26 =	vadd.f32 v63, v62;
	v3 =	vadd.f32 v18, v3  }
0x2f9: {  	[tilespmem:s26+$0x3160] =	vst v8;
	v61 =	vadd.f32 v43, v42;
	v4 =	vadd.f32 v37, v4  }
0x2fa: {  	s28 =	sadd.s32 $0x1000, s30;
	v25 =	vmul.f32 v58, v58;
	[tilespmem:s26+$0x3170] =	vst v26;
	v11 =	vadd.f32 v49, v48;
	v3 =	vadd.f32 v23, v3  }
0x2fb: {  	s24 =	sor.u32 s3, s28;
	v9 =	vadd.f32 v46, v45;
	[tilespmem:s26+$0x3110] =	vst v61;
	v4 =	vadd.f32 v58, v4  }
0x2fc: {  	v49 =	vld [tilespmem:s24+$0x3170];
	v27 =	vmul.f32 v61, v61;
	[tilespmem:s26+$0x3130] =	vst v11;
	v3 =	vadd.f32 v25, v3  }
0x2fd: {  	[tilespmem:s26+$0x3120] =	vst v9;
	v46 =	vld [tilespmem:s24+$0x3160];
	v4 =	vadd.f32 v61, v4  }
0x2fe: {  	v30 =	vmul.f32 v9, v9;
	v28 =	vld [tilespmem:s24+$0x3100];
	v3 =	vadd.f32 v27, v3  }
0x2ff: {  	v29 =	vld [tilespmem:s24+$0x9100];
	v4 =	vadd.f32 v9, v4  }
0x300: {  	v33 =	vmul.f32 v11, v11;
	v31 =	vld [tilespmem:s24+$0x3110];
	v3 =	vadd.f32 v30, v3  }
0x301: {  	v40 =	vld [tilespmem:s24+$0x3140];
	v4 =	vadd.f32 v11, v4  }
0x302: {  	v36 =	vmul.f32 v5, v5;
	v41 =	vld [tilespmem:s24+$0x9140];
	v3 =	vadd.f32 v33, v3  }
0x303: {  	v47 =	vld [tilespmem:s24+$0x9160];
	v4 =	vadd.f32 v5, v4  }
0x304: {  	v39 =	vmul.f32 v24, v24;
	v51 =	vld [tilespmem:s24+$0x9170];
	v3 =	vadd.f32 v36, v3  }
0x305: {  	v32 =	vld [tilespmem:s24+$0x9110];
	v4 =	vadd.f32 v24, v4  }
0x306: {  	v42 =	vmul.f32 v8, v8;
	v34 =	vld [tilespmem:s24+$0x3120];
	v3 =	vadd.f32 v39, v3  }
0x307: {  	v7 =	vadd.f32 v29, v28;
	v35 =	vld [tilespmem:s24+$0x9120];
	v4 =	vadd.f32 v8, v4  }
0x308: {  	v45 =	vmul.f32 v26, v26;
	v38 =	vld [tilespmem:s24+$0x9130];
	v53 =	vadd.f32 v41, v40;
	v3 =	vadd.f32 v42, v3  }
0x309: {  	v55 =	vadd.f32 v47, v46;
	v37 =	vld [tilespmem:s24+$0x3130];
	v4 =	vadd.f32 v26, v4  }
0x30a: {  	v43 =	vld [tilespmem:s24+$0x3150];
	v48 =	vmul.f32 v7, v7;
	v9 =	vadd.f32 v32, v31;
	v3 =	vadd.f32 v45, v3  }
0x30b: {  	v44 =	vld [tilespmem:s24+$0x9150];
	v57 =	vadd.f32 v51, v49;
	[tilespmem:s24+$0x3100] =	vst v7;
	v4 =	vadd.f32 v7, v4  }
0x30c: {  	[tilespmem:s24+$0x3140] =	vst v53;
	v50 =	vadd.f32 v35, v34;
	v52 =	vmul.f32 v9, v9;
	v3 =	vadd.f32 v48, v3  }
0x30d: {  	[tilespmem:s24+$0x3160] =	vst v55;
	v4 =	vadd.f32 v9, v4  }
0x30e: {  	[tilespmem:s24+$0x3170] =	vst v57;
	v54 =	vmul.f32 v50, v50;
	v5 =	vadd.f32 v38, v37;
	v3 =	vadd.f32 v52, v3  }
0x30f: {  	[tilespmem:s24+$0x3120] =	vst v50;
	v4 =	vadd.f32 v50, v4  }
0x310: {  	s0 =	sadd.s32 $0x1400, s30;
	[tilespmem:s24+$0x3110] =	vst v9;
	v56 =	vmul.f32 v5, v5;
	v8 =	vadd.f32 v44, v43;
	v3 =	vadd.f32 v54, v3  }
0x311: {  	s5 =	sor.u32 s3, s0;
	[tilespmem:s24+$0x3130] =	vst v5;
	v4 =	vadd.f32 v5, v4  }
0x312: {  	v58 =	vmul.f32 v53, v53;
	v59 =	vld [tilespmem:s5+$0x3100];
	[tilespmem:s24+$0x3150] =	vst v8;
	v3 =	vadd.f32 v56, v3  }
0x313: {  	v60 =	vld [tilespmem:s5+$0x9100];
	v4 =	vadd.f32 v53, v4  }
0x314: {  	v62 =	vld [tilespmem:s5+$0x3110];
	v61 =	vmul.f32 v8, v8;
	v3 =	vadd.f32 v58, v3  }
0x315: {  	v63 =	vld [tilespmem:s5+$0x9110];
	v4 =	vadd.f32 v8, v4  }
0x316: {  	v16 =	vmul.f32 v55, v55;
	v17 =	vld [tilespmem:s5+$0x3120];
	v3 =	vadd.f32 v61, v3  }
0x317: {  	v18 =	vld [tilespmem:s5+$0x9120];
	v4 =	vadd.f32 v55, v4  }
0x318: {  	v19 =	vmul.f32 v57, v57;
	v20 =	vld [tilespmem:s5+$0x3130];
	v6 =	vadd.f32 v60, v59;
	v3 =	vadd.f32 v16, v3  }
0x319: {  	v21 =	vld [tilespmem:s5+$0x9130];
	v4 =	vadd.f32 v57, v4  }
0x31a: {  	v23 =	vld [tilespmem:s5+$0x3140];
	v22 =	vmul.f32 v6, v6;
	v8 =	vadd.f32 v63, v62;
	v3 =	vadd.f32 v19, v3  }
0x31b: {  	v24 =	vld [tilespmem:s5+$0x9140];
	v4 =	vadd.f32 v6, v4  }
0x31c: {  	v26 =	vld [tilespmem:s5+$0x3150];
	v7 =	vadd.f32 v18, v17;
	v25 =	vmul.f32 v8, v8;
	v3 =	vadd.f32 v22, v3  }
0x31d: {  	v27 =	vld [tilespmem:s5+$0x9150];
	v4 =	vadd.f32 v8, v4  }
0x31e: {  	v29 =	vld [tilespmem:s5+$0x3160];
	v9 =	vadd.f32 v21, v20;
	v28 =	vmul.f32 v7, v7;
	v3 =	vadd.f32 v25, v3  }
0x31f: {  	v30 =	vld [tilespmem:s5+$0x9160];
	v4 =	vadd.f32 v7, v4  }
0x320: {  	v32 =	vld [tilespmem:s5+$0x3170];
	v11 =	vadd.f32 v24, v23;
	v31 =	vmul.f32 v9, v9;
	v3 =	vadd.f32 v28, v3  }
0x321: {  	v33 =	vld [tilespmem:s5+$0x9170];
	v4 =	vadd.f32 v9, v4  }
0x322: {  	v12 =	vadd.f32 v27, v26;
	v34 =	vmul.f32 v11, v11;
	v3 =	vadd.f32 v31, v3  }
0x323: {  	v4 =	vadd.f32 v11, v4  }
0x324: {  	v10 =	vadd.f32 v30, v29;
	v35 =	vmul.f32 v12, v12;
	v3 =	vadd.f32 v34, v3  }
0x325: {  	v4 =	vadd.f32 v12, v4  }
0x326: {  	v13 =	vadd.f32 v33, v32;
	v36 =	vmul.f32 v10, v10;
	v3 =	vadd.f32 v35, v3  }
0x327: {  	v4 =	vadd.f32 v10, v4  }
0x328: {  	v37 =	vmul.f32 v13, v13;
	v3 =	vadd.f32 v36, v3  }
0x329: {  	v4 =	vadd.f32 v13, v4  }
0x32a: {  	v3 =	vadd.f32 v37, v3  }
0x32b: {  	(xrf2) =	vadd.scan.msk.f32 $0xffff, v4  }
0x32c: {  	(xrf2) =	vadd.scan.msk.f32 $0xffff, v3;
	_ =	sdelay $0x8  }
0x32d: {  	v3, _, _ =	vpop (xrf2)  }
0x32e: {  	(v2sf) =	vpush v3, $0xF;
	v3, _, _ =	vpop (xrf2)  }
0x32f: {  	(v2sf) =	vpush v3, $0xF;
	_ =	sdelay $0x5  }
0x330: {  	[tilespmem:s5+$0x3100] =	vst v6  }
0x331: {  	[tilespmem:s5+$0x3120] =	vst v7  }
0x332: {  	[tilespmem:s5+$0x3130] =	vst v9  }
0x333: {  	[tilespmem:s5+$0x3140] =	vst v11  }
0x334: {  	[tilespmem:s5+$0x3150] =	vst v12  }
0x335: {  	[tilespmem:s5+$0x3160] =	vst v10  }
0x336: {  	[tilespmem:s5+$0x3170] =	vst v13  }
0x337: {  	v50 =	vld [tilespmem:s6+$0x3150];
	[tilespmem:s5+$0x3110] =	vst v8  }
0x338: {  	v38 =	vld [tilespmem:$0x12100];
	s20 =	spop (v2sf)  }
0x339: {  	v39 =	vld [tilespmem:$0x12190];
	s20 =	smul.f32 $1.302083370e-03, s20;
	s23 =	spop (v2sf)  }
0x33a: {  	v15 =	vld [tilespmem:$0x121A0];
	s23 =	smul.f32 $1.302083370e-03, s23  }
0x33b: {  	v16 =	vld [tilespmem:$0x121B0];
	s2 =	smul.f32 s20, s20  }
0x33c: {  	v42 =	vld [tilespmem:$0x12400]  }
0x33d: {  	v43 =	vld [tilespmem:$0x12410];
	s2 =	ssub.f32 s23, s2  }
0x33e: {  	v44 =	vld [tilespmem:$0x12420]  }
0x33f: {  	v45 =	vld [tilespmem:$0x12430];
	s2 =	sadd.f32 $9.999999960e-13, s2  }
0x340: {  	v46 =	vld [tilespmem:$0x12440]  }
0x341: {  	v47 =	vld [tilespmem:$0x12450];
	v3 =	vmov s2  }
0x342: {  	v48 =	vld [tilespmem:$0x12460];
	v40 =	vshra.s32 v3, $0x1;
	v3 =	vmul.f32 $5.000000000e-01, v3  }
0x343: {  	v49 =	vld [tilespmem:$0x12470];
	v4 =	vsub.s32 $0x5F3759DF, v40  }
0x344: {  	v26 =	vld [tilespmem:$0x12480];
	v41 =	vmul.f32 v4, v3  }
0x345: {  	v27 =	vld [tilespmem:s6+$0x3100]  }
0x346: {  	v29 =	vld [tilespmem:s6+$0x3120];
	v17 =	vmul.f32 v4, v41  }
0x347: {  	v30 =	vld [tilespmem:s6+$0x3130]  }
0x348: {  	v32 =	vld [tilespmem:$0x12490];
	v17 =	vsub.f32 $1.500000000e+00, v17  }
0x349: {  	v33 =	vld [tilespmem:$0x124A0]  }
0x34a: {  	v53 =	vld [tilespmem:s6+$0x3500];
	v17 =	vmul.f32 v4, v17  }
0x34b: {  	v55 =	vld [tilespmem:s6+$0x3510]  }
0x34c: {  	v58 =	vld [tilespmem:s6+$0x3530];
	v3 =	vmul.f32 v17, v3  }
0x34d: {  	v60 =	vld [tilespmem:$0x124B0]  }
0x34e: {  	v28 =	vld [tilespmem:s6+$0x3110];
	v3 =	vmul.f32 v3, v17  }
0x34f: {  	v31 =	vld [tilespmem:s6+$0x3140]  }
0x350: {  	v34 =	vld [tilespmem:s6+$0x3160];
	v3 =	vsub.f32 $1.500000000e+00, v3  }
0x351: {  	v35 =	vld [tilespmem:s6+$0x3170];
	v4 =	vmov s20  }
0x352: {  	v6 =	vld [tilespmem:$0x12110];
	v27 =	vsub.f32 v27, v4;
	v3 =	vmul.f32 v3, v17  }
0x353: {  	v7 =	vld [tilespmem:$0x12120];
	v28 =	vsub.f32 v28, v4  }
0x354: {  	v9 =	vld [tilespmem:$0x12140];
	v29 =	vsub.f32 v29, v4;
	v52 =	vsub.f32 v31, v4;
	v27 =	vmul.f32 v27, v3  }
0x355: {  	v10 =	vld [tilespmem:$0x12150];
	v59 =	vsub.f32 v34, v4;
	v17 =	vsub.f32 v50, v4;
	v28 =	vmul.f32 v28, v3  }
0x356: {  	v11 =	vld [tilespmem:$0x12160];
	v61 =	vsub.f32 v35, v4;
	v51 =	vmul.f32 v29, v3;
	v5 =	vmul.f32 v27, v38  }
0x357: {  	v12 =	vld [tilespmem:$0x12170];
	v56 =	vmul.f32 v52, v3;
	v17 =	vmul.f32 v17, v3  }
0x358: {  	v57 =	vld [tilespmem:s6+$0x3520];
	v18 =	vmul.f32 v59, v3;
	v22 =	vmul.f32 v61, v3;
	v5 =	vadd.f32 v5, v42  }
0x359: {  	s3 =	sor.u32 $0x80, s3;
	v8 =	vld [tilespmem:$0x12130];
	v6 =	vmul.f32 v28, v6;
	v9 =	vmul.f32 v56, v9  }
0x35a: {  	s30 =	sor.u32 s30, s3;
	v13 =	vld [tilespmem:$0x12180];
	v7 =	vmul.f32 v51, v7;
	v10 =	vmul.f32 v17, v10;
	[tilespmem:s6+$0xF100] =	vst v5  }
0x35b: {  	v28 =	vmul.f32 v18, v11;
	v6 =	vadd.f32 v6, v43;
	v9 =	vadd.f32 v9, v46;
	v46 =	vld [tilespmem:s30+$0x3100]  }
0x35c: {  	v31 =	vmul.f32 v22, v12;
	v7 =	vadd.f32 v7, v44;
	v63 =	vadd.f32 v10, v47;
	v47 =	vld [tilespmem:s30+$0x9100]  }
0x35d: {  	[tilespmem:s6+$0xF110] =	vst v6;
	v6 =	vadd.f32 v28, v48;
	v48 =	vld [tilespmem:s30+$0x3110]  }
0x35e: {  	[tilespmem:s6+$0xF120] =	vst v7;
	v7 =	vadd.f32 v31, v49;
	v49 =	vld [tilespmem:s30+$0x9110]  }
0x35f: {  	v30 =	vsub.f32 v30, v4;
	v50 =	vld [tilespmem:s30+$0x3120]  }
0x360: {  	v51 =	vld [tilespmem:s30+$0x9120]  }
0x361: {  	v54 =	vmul.f32 v30, v3;
	v52 =	vld [tilespmem:s30+$0x3130]  }
0x362: {  	v62 =	vsub.f32 v53, v4;
	v53 =	vld [tilespmem:s30+$0x9130]  }
0x363: {  	v8 =	vmul.f32 v54, v8;
	v54 =	vld [tilespmem:s30+$0x3140]  }
0x364: {  	v23 =	vsub.f32 v55, v4;
	v29 =	vmul.f32 v62, v3;
	v55 =	vld [tilespmem:s30+$0x9140]  }
0x365: {  	v30 =	vsub.f32 v57, v4;
	v56 =	vld [tilespmem:s30+$0x3150]  }
0x366: {  	v34 =	vmul.f32 v23, v3;
	v36 =	vmul.f32 v29, v13;
	v57 =	vld [tilespmem:s30+$0x9150]  }
0x367: {  	v35 =	vsub.f32 v58, v4;
	v37 =	vmul.f32 v30, v3;
	v58 =	vld [tilespmem:s30+$0x3160]  }
0x368: {  	v38 =	vmul.f32 v34, v39;
	v40 =	vadd.f32 v36, v26;
	v36 =	vld [tilespmem:s30+$0x9160]  }
0x369: {  	v39 =	vmul.f32 v35, v3;
	v41 =	vmul.f32 v37, v15;
	v37 =	vld [tilespmem:s30+$0x3170]  }
0x36a: {  	v42 =	vadd.f32 v38, v32;
	v38 =	vld [tilespmem:s30+$0x9170]  }
0x36b: {  	v43 =	vmul.f32 v39, v16;
	v39 =	vld [tilespmem:s30+$0x3500]  }
0x36c: {  	[tilespmem:s6+$0xF500] =	vst v40;
	v40 =	vld [tilespmem:s30+$0x9500]  }
0x36d: {  	v8 =	vadd.f32 v8, v45;
	v44 =	vadd.f32 v41, v33;
	v41 =	vld [tilespmem:s30+$0x3510]  }
0x36e: {  	[tilespmem:s6+$0xF510] =	vst v42;
	v42 =	vld [tilespmem:s30+$0x9510]  }
0x36f: {  	[tilespmem:s6+$0xF130] =	vst v8;
	v45 =	vadd.f32 v43, v60;
	v43 =	vld [tilespmem:s30+$0x3520]  }
0x370: {  	[tilespmem:s6+$0xF140] =	vst v9;
	v59 =	vld [tilespmem:s30+$0x9520]  }
0x371: {  	[tilespmem:s6+$0xF150] =	vst v63;
	v60 =	vld [tilespmem:s30+$0x3530]  }
0x372: {  	v61 =	vld [tilespmem:s30+$0x9530];
	[tilespmem:s6+$0xF160] =	vst v6  }
0x373: {  	v62 =	vld [tilespmem:s30+$0x3540];
	[tilespmem:s6+$0xF170] =	vst v7  }
0x374: {  	v63 =	vld [tilespmem:s30+$0x3550];
	[tilespmem:s6+$0xF520] =	vst v44  }
0x375: {  	[tilespmem:s6+$0xF530] =	vst v45;
	v45 =	vld [tilespmem:s30+$0x9540]  }
0x376: {  	v23 =	vld [tilespmem:$0x121C0]  }
0x377: {  	v24 =	vld [tilespmem:$0x121D0]  }
0x378: {  	v21 =	vld [tilespmem:$0x121E0]  }
0x379: {  	v16 =	vld [tilespmem:$0x121F0]  }
0x37a: {  	v14 =	vld [tilespmem:$0x12200]  }
0x37b: {  	v11 =	vld [tilespmem:$0x12210]  }
0x37c: {  	v10 =	vld [tilespmem:$0x12220]  }
0x37d: {  	v9 =	vld [tilespmem:$0x12230]  }
0x37e: {  	v8 =	vld [tilespmem:$0x12240]  }
0x37f: {  	v7 =	vld [tilespmem:$0x12250]  }
0x380: {  	v6 =	vld [tilespmem:$0x12260]  }
0x381: {  	v5 =	vld [tilespmem:$0x12270];
	v44 =	vadd.f32 v47, v46  }
0x382: {  	v25 =	vld [tilespmem:$0x124C0];
	v26 =	vadd.f32 v49, v48  }
0x383: {  	v22 =	vld [tilespmem:$0x124D0];
	v27 =	vadd.f32 v51, v50;
	[tilespmem:s30+$0x3100] =	vst v44  }
0x384: {  	v20 =	vld [tilespmem:$0x124E0];
	v29 =	vadd.f32 v53, v52;
	[tilespmem:s30+$0x3110] =	vst v26  }
0x385: {  	v19 =	vld [tilespmem:$0x124F0];
	v31 =	vadd.f32 v55, v54;
	[tilespmem:s30+$0x3120] =	vst v27  }
0x386: {  	v33 =	vadd.f32 v57, v56;
	v48 =	vld [tilespmem:s30+$0x9550];
	[tilespmem:s30+$0x3130] =	vst v29  }
0x387: {  	v35 =	vadd.f32 v36, v58;
	v49 =	vld [tilespmem:s30+$0x3560];
	[tilespmem:s30+$0x3140] =	vst v31  }
0x388: {  	v37 =	vadd.f32 v38, v37;
	v50 =	vld [tilespmem:s30+$0x9560];
	[tilespmem:s30+$0x3150] =	vst v33  }
0x389: {  	v39 =	vadd.f32 v40, v39;
	v51 =	vld [tilespmem:s30+$0x3570];
	[tilespmem:s30+$0x3160] =	vst v35  }
0x38a: {  	v41 =	vadd.f32 v42, v41;
	v52 =	vld [tilespmem:s30+$0x9570];
	[tilespmem:s30+$0x3170] =	vst v37  }
0x38b: {  	v18 =	vld [tilespmem:$0x12500];
	v43 =	vadd.f32 v59, v43;
	[tilespmem:s30+$0x3500] =	vst v39  }
0x38c: {  	v15 =	vld [tilespmem:$0x12510];
	v28 =	vadd.f32 v61, v60;
	[tilespmem:s30+$0x3510] =	vst v41  }
0x38d: {  	v17 =	vld [tilespmem:$0x12520];
	[tilespmem:s30+$0x3520] =	vst v43;
	v32 =	vadd.f32 v48, v63  }
0x38e: {  	v12 =	vld [tilespmem:$0x12530];
	[tilespmem:s30+$0x3530] =	vst v28;
	v36 =	vadd.f32 v50, v49  }
0x38f: {  	v55 =	vld [tilespmem:s6+$0x3540];
	v46 =	vadd.f32 $0.0e+00, v44;
	v40 =	vadd.f32 v52, v51;
	[tilespmem:s30+$0x3550] =	vst v32  }
0x390: {  	v42 =	vld [tilespmem:s6+$0x3550];
	v30 =	vadd.f32 v45, v62;
	v53 =	vmul.f32 v44, v44;
	v54 =	vmul.f32 v26, v26;
	[tilespmem:s30+$0x3560] =	vst v36  }
0x391: {  	s4 =	sor.u32 s3, s4;
	v45 =	vld [tilespmem:s6+$0x3560];
	v26 =	vadd.f32 v26, v46;
	[tilespmem:s30+$0x3570] =	vst v40  }
0x392: {  	v56 =	vmul.f32 v27, v27;
	[tilespmem:s30+$0x3540] =	vst v30;
	v34 =	vadd.f32 v54, v53;
	v44 =	vld [tilespmem:s4+$0x3100]  }
0x393: {  	v26 =	vadd.f32 v27, v26;
	v59 =	vld [tilespmem:s4+$0x9100]  }
0x394: {  	v58 =	vmul.f32 v29, v29;
	v57 =	vadd.f32 v56, v34;
	v46 =	vld [tilespmem:s4+$0x3110]  }
0x395: {  	v26 =	vadd.f32 v29, v26;
	v47 =	vld [tilespmem:s4+$0x3120]  }
0x396: {  	v60 =	vmul.f32 v31, v31;
	v27 =	vadd.f32 v58, v57;
	v62 =	vld [tilespmem:s4+$0x9120]  }
0x397: {  	v48 =	vld [tilespmem:s4+$0x3130];
	v26 =	vadd.f32 v31, v26  }
0x398: {  	v61 =	vmul.f32 v33, v33;
	v53 =	vld [tilespmem:s4+$0x3150];
	v27 =	vadd.f32 v60, v27  }
0x399: {  	v38 =	vsub.f32 v55, v4;
	v56 =	vld [tilespmem:s4+$0x9150];
	v26 =	vadd.f32 v33, v26  }
0x39a: {  	v63 =	vmul.f32 v35, v35;
	v57 =	vld [tilespmem:s4+$0x3160];
	v27 =	vadd.f32 v61, v27  }
0x39b: {  	v38 =	vmul.f32 v38, v3;
	v49 =	vld [tilespmem:s4+$0x9160];
	v26 =	vadd.f32 v35, v26  }
0x39c: {  	v52 =	vmul.f32 v37, v37;
	v42 =	vsub.f32 v42, v4;
	v31 =	vld [tilespmem:s4+$0x9110];
	v27 =	vadd.f32 v63, v27  }
0x39d: {  	v45 =	vsub.f32 v45, v4;
	v23 =	vmul.f32 v38, v23;
	v38 =	vld [tilespmem:s4+$0x3140];
	v26 =	vadd.f32 v37, v26  }
0x39e: {  	v55 =	vmul.f32 v39, v39;
	v33 =	vadd.f32 v62, v47;
	v62 =	vld [tilespmem:s4+$0x9140];
	v54 =	vadd.f32 v52, v27  }
0x39f: {  	v23 =	vadd.f32 v23, v25;
	v35 =	vld [tilespmem:s4+$0x9130];
	v26 =	vadd.f32 v39, v26  }
0x3a0: {  	v58 =	vmul.f32 v41, v41;
	v29 =	vadd.f32 v59, v44;
	v52 =	vld [tilespmem:s29+$0x3110];
	v25 =	vadd.f32 v55, v54  }
0x3a1: {  	v61 =	vld [tilespmem:s4+$0x9170];
	v31 =	vadd.f32 v31, v46;
	v26 =	vadd.f32 v41, v26  }
0x3a2: {  	v60 =	vmul.f32 v43, v43;
	v59 =	vld [tilespmem:s4+$0x3170];
	[tilespmem:s4+$0x3100] =	vst v29;
	v37 =	vadd.f32 v49, v57;
	v25 =	vadd.f32 v58, v25  }
0x3a3: {  	v13 =	vld [tilespmem:$0x12540];
	v42 =	vmul.f32 v42, v3;
	[tilespmem:s4+$0x3120] =	vst v33;
	v38 =	vadd.f32 v62, v38;
	v26 =	vadd.f32 v43, v26  }
0x3a4: {  	v50 =	vmul.f32 v28, v28;
	v63 =	vld [tilespmem:s6+$0x3570];
	[tilespmem:s4+$0x3110] =	vst v31;
	v35 =	vadd.f32 v35, v48;
	v25 =	vadd.f32 v60, v25  }
0x3a5: {  	v51 =	vld [tilespmem:s29+$0x3100];
	v24 =	vmul.f32 v42, v24;
	[tilespmem:s4+$0x3160] =	vst v37;
	v34 =	vsub.f32 v52, v4;
	v26 =	vadd.f32 v28, v26  }
0x3a6: {  	v42 =	vld [tilespmem:s29+$0x3140];
	[tilespmem:s4+$0x3140] =	vst v38;
	v28 =	vadd.f32 v56, v53;
	v25 =	vadd.f32 v50, v25;
	v53 =	vmul.f32 v30, v30  }
0x3a7: {  	v54 =	vld [tilespmem:s29+$0x3120];
	[tilespmem:s4+$0x3130] =	vst v35;
	v26 =	vadd.f32 v30, v26;
	v30 =	vadd.f32 v61, v59  }
0x3a8: {  	s31 =	sor.u32 s3, s31;
	v45 =	vmul.f32 v45, v3;
	v55 =	vmul.f32 v32, v32;
	v41 =	vld [tilespmem:s29+$0x3130];
	[tilespmem:s4+$0x3150] =	vst v28;
	v25 =	vadd.f32 v53, v25  }
0x3a9: {  	v59 =	vsub.f32 v63, v4;
	v63 =	vmul.f32 v34, v3;
	v34 =	vld [tilespmem:s31+$0x3130];
	v56 =	vadd.f32 v32, v26;
	[tilespmem:s4+$0x3170] =	vst v30  }
0x3aa: {  	v21 =	vmul.f32 v45, v21;
	v58 =	vmul.f32 v36, v36;
	v57 =	vadd.f32 v55, v25;
	v26 =	vld [tilespmem:s31+$0x3100]  }
0x3ab: {  	v22 =	vadd.f32 v24, v22;
	v32 =	vld [tilespmem:s31+$0x9100];
	v24 =	vadd.f32 v36, v56  }
0x3ac: {  	v20 =	vadd.f32 v21, v20;
	v61 =	vmul.f32 v40, v40;
	v43 =	vld [tilespmem:s31+$0x3110];
	v21 =	vadd.f32 v58, v57  }
0x3ad: {  	v49 =	vmul.f32 v33, v33;
	v44 =	vld [tilespmem:s31+$0x3120];
	v24 =	vadd.f32 v40, v24  }
0x3ae: {  	v62 =	vmul.f32 v29, v29;
	v60 =	vsub.f32 v51, v4;
	v45 =	vld [tilespmem:s31+$0x9120];
	v21 =	vadd.f32 v61, v21  }
0x3af: {  	v46 =	vmul.f32 v31, v31;
	v52 =	vsub.f32 v54, v4;
	v25 =	vld [tilespmem:s31+$0x3140];
	v24 =	vadd.f32 v29, v24  }
0x3b0: {  	v11 =	vmul.f32 v63, v11;
	v51 =	vld [tilespmem:s31+$0x3150];
	v36 =	vmul.f32 v60, v3;
	v21 =	vadd.f32 v62, v21  }
0x3b1: {  	v27 =	vmul.f32 v59, v3;
	v55 =	vsub.f32 v41, v4;
	v54 =	vld [tilespmem:s31+$0x9150];
	v47 =	vadd.f32 v31, v24  }
0x3b2: {  	v59 =	vld [tilespmem:s31+$0x9160];
	v11 =	vadd.f32 v11, v15;
	v14 =	vmul.f32 v36, v14;
	v48 =	vadd.f32 v46, v21  }
0x3b3: {  	v63 =	vld [tilespmem:s31+$0x9170];
	v16 =	vmul.f32 v27, v16;
	v57 =	vsub.f32 v42, v4;
	v50 =	vadd.f32 v33, v47  }
0x3b4: {  	v53 =	vmul.f32 v35, v35;
	v40 =	vld [tilespmem:s31+$0x9110];
	v14 =	vadd.f32 v14, v18;
	v18 =	vadd.f32 v49, v48  }
0x3b5: {  	v56 =	vld [tilespmem:s31+$0x3160];
	v16 =	vadd.f32 v16, v19;
	v15 =	vadd.f32 v35, v50  }
0x3b6: {  	v58 =	vmul.f32 v38, v38;
	v26 =	vadd.f32 v32, v26;
	v24 =	vld [tilespmem:s31+$0x9130];
	v18 =	vadd.f32 v53, v18  }
0x3b7: {  	v45 =	vadd.f32 v45, v44;
	v46 =	vld [tilespmem:s31+$0x9140];
	v15 =	vadd.f32 v38, v15  }
0x3b8: {  	v60 =	vld [tilespmem:s31+$0x3170];
	v61 =	vmul.f32 v28, v28;
	v19 =	vadd.f32 v54, v51;
	[tilespmem:s31+$0x3100] =	vst v26;
	v18 =	vadd.f32 v58, v18  }
0x3b9: {  	v27 =	vmul.f32 v52, v3;
	v52 =	vld [tilespmem:s29+$0x3160];
	[tilespmem:s31+$0x3120] =	vst v45;
	v62 =	vadd.f32 v40, v43;
	v15 =	vadd.f32 v28, v15  }
0x3ba: {  	v51 =	vld [tilespmem:s29+$0x3150];
	[tilespmem:s31+$0x3150] =	vst v19;
	v48 =	vmul.f32 v37, v37;
	v35 =	vadd.f32 v59, v56;
	v18 =	vadd.f32 v61, v18  }
0x3bb: {  	v10 =	vmul.f32 v27, v10;
	v54 =	vld [tilespmem:s29+$0x3170];
	[tilespmem:s31+$0x3110] =	vst v62;
	v24 =	vadd.f32 v24, v34;
	v15 =	vadd.f32 v37, v15  }
0x3bc: {  	v31 =	vld [tilespmem:$0x12570];
	v50 =	vmul.f32 v30, v30;
	v25 =	vadd.f32 v46, v25;
	[tilespmem:s31+$0x3160] =	vst v35;
	v18 =	vadd.f32 v48, v18  }
0x3bd: {  	v36 =	vmul.f32 v57, v3;
	v47 =	vld [tilespmem:$0x12550];
	[tilespmem:s31+$0x3130] =	vst v24;
	v15 =	vadd.f32 v30, v15;
	v30 =	vadd.f32 v63, v60  }
0x3be: {  	s28 =	sor.u32 s3, s28;
	v49 =	vld [tilespmem:$0x12560];
	v33 =	vmul.f32 v55, v3;
	v53 =	vmul.f32 v26, v26;
	[tilespmem:s31+$0x3140] =	vst v25;
	v18 =	vadd.f32 v50, v18  }
0x3bf: {  	v10 =	vadd.f32 v10, v17;
	v8 =	vmul.f32 v36, v8;
	v41 =	vld [tilespmem:s28+$0x3130];
	v15 =	vadd.f32 v26, v15;
	[tilespmem:s31+$0x3170] =	vst v30  }
0x3c0: {  	v9 =	vmul.f32 v33, v9;
	v56 =	vmul.f32 v62, v62;
	v55 =	vadd.f32 v53, v18;
	v57 =	vld [tilespmem:s28+$0x3100]  }
0x3c1: {  	v8 =	vadd.f32 v8, v13;
	v59 =	vld [tilespmem:s28+$0x9100];
	v58 =	vadd.f32 v62, v15  }
0x3c2: {  	v9 =	vadd.f32 v9, v12;
	v61 =	vmul.f32 v45, v45;
	v18 =	vld [tilespmem:s28+$0x3110];
	v60 =	vadd.f32 v56, v55  }
0x3c3: {  	[tilespmem:s6+$0xF540] =	vst v23;
	v63 =	vld [tilespmem:s28+$0x9110];
	v62 =	vsub.f32 v51, v4;
	v12 =	vadd.f32 v45, v58  }
0x3c4: {  	[tilespmem:s6+$0xF550] =	vst v22;
	v33 =	vsub.f32 v52, v4;
	v36 =	vmul.f32 v24, v24;
	v37 =	vld [tilespmem:s28+$0x3120];
	v13 =	vadd.f32 v61, v60  }
0x3c5: {  	[tilespmem:s6+$0xF560] =	vst v20;
	v28 =	vsub.f32 v54, v4;
	v38 =	vld [tilespmem:s28+$0x9120];
	v26 =	vmul.f32 v62, v3;
	v12 =	vadd.f32 v24, v12  }
0x3c6: {  	[tilespmem:s6+$0xF570] =	vst v16;
	v39 =	vmul.f32 v33, v3;
	v40 =	vmul.f32 v25, v25;
	v43 =	vld [tilespmem:s28+$0x9130];
	v13 =	vadd.f32 v36, v13  }
0x3c7: {  	[tilespmem:s29+$0xF100] =	vst v14;
	v42 =	vmul.f32 v28, v3;
	v46 =	vld [tilespmem:s28+$0x3140];
	v7 =	vmul.f32 v26, v7;
	v12 =	vadd.f32 v25, v12  }
0x3c8: {  	[tilespmem:s29+$0xF110] =	vst v11;
	v6 =	vmul.f32 v39, v6;
	v48 =	vld [tilespmem:s28+$0x3150];
	v45 =	vmul.f32 v19, v19;
	v44 =	vadd.f32 v40, v13  }
0x3c9: {  	[tilespmem:s29+$0xF120] =	vst v10;
	v5 =	vmul.f32 v42, v5;
	v53 =	vld [tilespmem:s28+$0x3160];
	v7 =	vadd.f32 v7, v47;
	v47 =	vadd.f32 v19, v12  }
0x3ca: {  	[tilespmem:s29+$0xF140] =	vst v8;
	v6 =	vadd.f32 v6, v49;
	v50 =	vmul.f32 v35, v35;
	v22 =	vld [tilespmem:s28+$0x9140];
	v49 =	vadd.f32 v45, v44  }
0x3cb: {  	[tilespmem:s29+$0xF130] =	vst v9;
	v5 =	vadd.f32 v5, v31;
	v51 =	vld [tilespmem:s28+$0x9150];
	v52 =	vadd.f32 v35, v47  }
0x3cc: {  	[tilespmem:s29+$0xF160] =	vst v6;
	v55 =	vmul.f32 v30, v30;
	v56 =	vadd.f32 v59, v57;
	v57 =	vld [tilespmem:s28+$0x9160];
	v54 =	vadd.f32 v50, v49  }
0x3cd: {  	[tilespmem:s29+$0xF170] =	vst v5;
	v59 =	vld [tilespmem:s28+$0x3170];
	v62 =	vadd.f32 v63, v18;
	v58 =	vadd.f32 v30, v52  }
0x3ce: {  	v63 =	vld [tilespmem:s28+$0x9170];
	v21 =	vadd.f32 v38, v37;
	v61 =	vmul.f32 v56, v56;
	[tilespmem:s28+$0x3100] =	vst v56;
	v60 =	vadd.f32 v55, v54  }
0x3cf: {  	v14 =	vadd.f32 v43, v41;
	[tilespmem:s29+$0xF150] =	vst v7;
	v6 =	vadd.f32 v56, v58  }
0x3d0: {  	v27 =	vadd.f32 v22, v46;
	[tilespmem:s28+$0x3110] =	vst v62;
	v23 =	vmul.f32 v62, v62;
	v20 =	vld [tilespmem:$0x12290];
	v5 =	vadd.f32 v61, v60  }
0x3d1: {  	v24 =	vadd.f32 v51, v48;
	[tilespmem:s28+$0x3120] =	vst v21;
	v17 =	vld [tilespmem:$0x122A0];
	v6 =	vadd.f32 v62, v6  }
0x3d2: {  	v25 =	vmul.f32 v21, v21;
	[tilespmem:s28+$0x3130] =	vst v14;
	v10 =	vadd.f32 v57, v53;
	v22 =	vld [tilespmem:$0x122C0];
	v5 =	vadd.f32 v23, v5  }
0x3d3: {  	[tilespmem:s28+$0x3150] =	vst v24;
	v8 =	vadd.f32 v63, v59;
	v13 =	vld [tilespmem:$0x12330];
	v6 =	vadd.f32 v21, v6  }
0x3d4: {  	v26 =	vmul.f32 v14, v14;
	v59 =	vld [tilespmem:s26+$0x3110];
	[tilespmem:s28+$0x3160] =	vst v10;
	v7 =	vadd.f32 v25, v5  }
0x3d5: {  	s6 =	sor.u32 s3, s0;
	v63 =	vld [tilespmem:s26+$0x3150];
	[tilespmem:s28+$0x3170] =	vst v8;
	v6 =	vadd.f32 v14, v6  }
0x3d6: {  	[tilespmem:s28+$0x3140] =	vst v27;
	v28 =	vmul.f32 v27, v27;
	v29 =	vld [tilespmem:s6+$0x3100];
	v7 =	vadd.f32 v26, v7  }
0x3d7: {  	v30 =	vld [tilespmem:s6+$0x9100];
	v6 =	vadd.f32 v27, v6  }
0x3d8: {  	v31 =	vmul.f32 v24, v24;
	v32 =	vld [tilespmem:s6+$0x3110];
	v7 =	vadd.f32 v28, v7  }
0x3d9: {  	v33 =	vld [tilespmem:s6+$0x9110];
	v6 =	vadd.f32 v24, v6  }
0x3da: {  	v34 =	vmul.f32 v10, v10;
	v35 =	vld [tilespmem:s6+$0x3120];
	v7 =	vadd.f32 v31, v7  }
0x3db: {  	v36 =	vld [tilespmem:s6+$0x9120];
	v6 =	vadd.f32 v10, v6  }
0x3dc: {  	v37 =	vmul.f32 v8, v8;
	v38 =	vld [tilespmem:s6+$0x3130];
	v12 =	vadd.f32 v30, v29;
	v7 =	vadd.f32 v34, v7  }
0x3dd: {  	v39 =	vld [tilespmem:s6+$0x9130];
	v6 =	vadd.f32 v8, v6  }
0x3de: {  	v41 =	vld [tilespmem:s6+$0x3140];
	v9 =	vadd.f32 v33, v32;
	v40 =	vmul.f32 v12, v12;
	v7 =	vadd.f32 v37, v7  }
0x3df: {  	v42 =	vld [tilespmem:s6+$0x9140];
	v6 =	vadd.f32 v12, v6  }
0x3e0: {  	v44 =	vld [tilespmem:s6+$0x3150];
	v43 =	vmul.f32 v9, v9;
	v10 =	vadd.f32 v36, v35;
	v7 =	vadd.f32 v40, v7  }
0x3e1: {  	v45 =	vld [tilespmem:s6+$0x9150];
	v6 =	vadd.f32 v9, v6  }
0x3e2: {  	v47 =	vld [tilespmem:s6+$0x3160];
	v46 =	vmul.f32 v10, v10;
	v8 =	vadd.f32 v39, v38;
	v7 =	vadd.f32 v43, v7  }
0x3e3: {  	v48 =	vld [tilespmem:s6+$0x9160];
	v6 =	vadd.f32 v10, v6  }
0x3e4: {  	v50 =	vld [tilespmem:s6+$0x3170];
	v16 =	vadd.f32 v42, v41;
	v49 =	vmul.f32 v8, v8;
	v7 =	vadd.f32 v46, v7  }
0x3e5: {  	v51 =	vld [tilespmem:s6+$0x9170];
	v6 =	vadd.f32 v8, v6  }
0x3e6: {  	v58 =	vld [tilespmem:s26+$0x3100];
	v15 =	vadd.f32 v45, v44;
	v52 =	vmul.f32 v16, v16;
	v7 =	vadd.f32 v49, v7  }
0x3e7: {  	v60 =	vld [tilespmem:s26+$0x3120];
	v6 =	vadd.f32 v16, v6  }
0x3e8: {  	v61 =	vld [tilespmem:s26+$0x3130];
	v18 =	vadd.f32 v48, v47;
	v53 =	vmul.f32 v15, v15;
	v7 =	vadd.f32 v52, v7  }
0x3e9: {  	v23 =	vld [tilespmem:$0x122D0];
	v6 =	vadd.f32 v15, v6  }
0x3ea: {  	v62 =	vld [tilespmem:s26+$0x3140];
	v19 =	vadd.f32 v51, v50;
	v54 =	vmul.f32 v18, v18;
	v7 =	vadd.f32 v53, v7  }
0x3eb: {  	v29 =	vld [tilespmem:$0x125A0];
	v6 =	vadd.f32 v18, v6  }
0x3ec: {  	v30 =	vld [tilespmem:$0x125B0];
	v55 =	vmul.f32 v19, v19;
	v7 =	vadd.f32 v54, v7  }
0x3ed: {  	v32 =	vld [tilespmem:$0x125D0];
	v6 =	vadd.f32 v19, v6  }
0x3ee: {  	v33 =	vld [tilespmem:$0x125E0];
	v7 =	vadd.f32 v55, v7  }
0x3ef: {  	v44 =	vld [tilespmem:s26+$0x3170];
	(xrf2) =	vadd.scan.msk.f32 $0xffff, v6  }
0x3f0: {  	v45 =	vld [tilespmem:s24+$0x3100];
	(xrf2) =	vadd.scan.msk.f32 $0xffff, v7  }
0x3f1: {  	v5 =	vld [tilespmem:$0x12280]  }
0x3f2: {  	v21 =	vld [tilespmem:$0x122B0]  }
0x3f3: {  	v25 =	vld [tilespmem:$0x122F0]  }
0x3f4: {  	v26 =	vld [tilespmem:$0x12300]  }
0x3f5: {  	v14 =	vld [tilespmem:$0x12320]  }
0x3f6: {  	v27 =	vld [tilespmem:$0x12310]  }
0x3f7: {  	[tilespmem:s6+$0x3100] =	vst v12;
	v28 =	vld [tilespmem:$0x12590]  }
0x3f8: {  	[tilespmem:s6+$0x3110] =	vst v9;
	v24 =	vld [tilespmem:$0x122E0]  }
0x3f9: {  	[tilespmem:s6+$0x3140] =	vst v16;
	v31 =	vld [tilespmem:$0x125C0];
	v56, _, _ =	vpop (xrf2)  }
0x3fa: {  	[tilespmem:s6+$0x3150] =	vst v15;
	v34 =	vld [tilespmem:$0x125F0];
	(v2sf) =	vpush v56, $0xF;
	v57, _, _ =	vpop (xrf2)  }
0x3fb: {  	[tilespmem:s6+$0x3160] =	vst v18;
	v35 =	vld [tilespmem:$0x12600];
	(v2sf) =	vpush v57, $0xF  }
0x3fc: {  	[tilespmem:s6+$0x3170] =	vst v19;
	v36 =	vld [tilespmem:$0x12610]  }
0x3fd: {  	v37 =	vld [tilespmem:$0x12620];
	[tilespmem:s6+$0x3120] =	vst v10  }
0x3fe: {  	v38 =	vld [tilespmem:$0x12630];
	[tilespmem:s6+$0x3130] =	vst v8  }
0x3ff: {  	v47 =	vld [tilespmem:$0x12120]  }
0x400: {  	v48 =	vld [tilespmem:$0x12130]  }
0x401: {  	v50 =	vld [tilespmem:$0x12150]  }
0x402: {  	v12 =	vld [tilespmem:$0x12160]  }
0x403: {  	v39 =	vsub.f32 v60, v4;
	v11 =	vld [tilespmem:$0x12170]  }
0x404: {  	v41 =	vld [tilespmem:$0x12420]  }
0x405: {  	v39 =	vmul.f32 v39, v3;
	v42 =	vld [tilespmem:$0x12430]  }
0x406: {  	v9 =	vld [tilespmem:$0x12190]  }
0x407: {  	v17 =	vmul.f32 v39, v17;
	v39 =	vld [tilespmem:$0x12410]  }
0x408: {  	v16 =	vld [tilespmem:s24+$0x3110]  }
0x409: {  	v15 =	vld [tilespmem:s24+$0x3120];
	s20 =	spop (v2sf)  }
0x40a: {  	v43 =	vld [tilespmem:$0x12450];
	s0 =	smul.f32 $1.302083370e-03, s20;
	s23 =	spop (v2sf)  }
0x40b: {  	v46 =	vld [tilespmem:$0x12110];
	s2 =	smul.f32 $1.302083370e-03, s23  }
0x40c: {  	v40 =	vsub.f32 v61, v4;
	v61 =	vsub.f32 v62, v4;
	v10 =	vld [tilespmem:$0x12180];
	s29 =	smul.f32 s0, s0  }
0x40d: {  	v17 =	vadd.f32 v17, v29;
	v29 =	vld [tilespmem:$0x12470];
	v16 =	vsub.f32 v16, v4  }
0x40e: {  	v62 =	vsub.f32 v63, v4;
	v49 =	vld [tilespmem:$0x12140];
	v15 =	vsub.f32 v15, v4;
	s2 =	ssub.f32 s2, s29  }
0x40f: {  	v53 =	vld [tilespmem:$0x12400];
	v16 =	vmul.f32 v16, v3;
	v7 =	vsub.f32 v58, v4  }
0x410: {  	v18 =	vld [tilespmem:s24+$0x3130];
	v54 =	vmul.f32 v62, v3;
	v15 =	vmul.f32 v15, v3;
	s2 =	sadd.f32 $9.999999960e-13, s2  }
0x411: {  	v6 =	vld [tilespmem:$0x12580];
	v16 =	vmul.f32 v16, v27;
	v7 =	vmul.f32 v7, v3  }
0x412: {  	v14 =	vmul.f32 v15, v14;
	v56 =	vld [tilespmem:s26+$0x3160];
	v57 =	vsub.f32 v59, v4;
	v58 =	vmov s2  }
0x413: {  	v62 =	vld [tilespmem:s30+$0x3100];
	v5 =	vmul.f32 v7, v5;
	v51 =	vshra.s32 v58, $0x1;
	v52 =	vmul.f32 $5.000000000e-01, v58  }
0x414: {  	v19 =	vld [tilespmem:$0x12100];
	v59 =	vmul.f32 v40, v3;
	v8 =	vmul.f32 v57, v3;
	v51 =	vsub.s32 $0x5F3759DF, v51  }
0x415: {  	v16 =	vadd.f32 v16, v36;
	v36 =	vld [tilespmem:s30+$0x3520];
	v14 =	vadd.f32 v14, v37;
	v60 =	vmul.f32 v51, v52  }
0x416: {  	v7 =	vld [tilespmem:$0x121A0];
	v5 =	vadd.f32 v5, v6;
	v6 =	vmul.f32 v59, v21;
	v20 =	vmul.f32 v8, v20  }
0x417: {  	v37 =	vld [tilespmem:s30+$0x3530];
	v57 =	vsub.f32 v44, v4;
	v63 =	vsub.f32 v56, v4;
	v40 =	vmul.f32 v51, v60  }
0x418: {  	v44 =	vld [tilespmem:$0x12460];
	v30 =	vadd.f32 v6, v30;
	v20 =	vadd.f32 v20, v28;
	v28 =	vmul.f32 v61, v3  }
0x419: {  	v8 =	vld [tilespmem:$0x121B0];
	v6 =	vmul.f32 v54, v23;
	v59 =	vmul.f32 v57, v3;
	v55 =	vsub.f32 $1.500000000e+00, v40  }
0x41a: {  	v54 =	vld [tilespmem:s30+$0x3130];
	v56 =	vmul.f32 v63, v3;
	v22 =	vmul.f32 v28, v22  }
0x41b: {  	v18 =	vsub.f32 v18, v4;
	v63 =	vld [tilespmem:s30+$0x3110];
	v58 =	vsub.f32 v45, v4;
	v21 =	vmul.f32 v51, v55  }
0x41c: {  	[tilespmem:s26+$0xF120] =	vst v17;
	v25 =	vmul.f32 v59, v25;
	v24 =	vmul.f32 v56, v24;
	v56 =	vld [tilespmem:s30+$0x3150];
	v22 =	vadd.f32 v22, v31  }
0x41d: {  	[tilespmem:s26+$0xF100] =	vst v5;
	v31 =	vadd.f32 v6, v32;
	v32 =	vld [tilespmem:$0x12480];
	v60 =	vmul.f32 v58, v3;
	v61 =	vmul.f32 v21, v52  }
0x41e: {  	v18 =	vmul.f32 v18, v3;
	[tilespmem:s26+$0xF130] =	vst v30;
	v25 =	vadd.f32 v25, v34;
	v24 =	vadd.f32 v24, v33;
	v33 =	vld [tilespmem:s30+$0x3500]  }
0x41f: {  	[tilespmem:s26+$0xF110] =	vst v20;
	v45 =	vld [tilespmem:s30+$0x3120];
	v6 =	vmul.f32 v60, v26;
	v23 =	vmul.f32 v61, v21  }
0x420: {  	v13 =	vmul.f32 v18, v13;
	[tilespmem:s26+$0xF170] =	vst v25;
	v55 =	vld [tilespmem:s30+$0x3140]  }
0x421: {  	[tilespmem:s26+$0xF140] =	vst v22;
	v58 =	vld [tilespmem:$0x12490];
	v51 =	vadd.f32 v6, v35;
	v6 =	vmov s0;
	v52 =	vsub.f32 $1.500000000e+00, v23  }
0x422: {  	v13 =	vadd.f32 v13, v38;
	[tilespmem:s26+$0xF150] =	vst v31;
	v40 =	vld [tilespmem:$0x12440];
	v57 =	vsub.f32 v62, v6  }
0x423: {  	[tilespmem:s26+$0xF160] =	vst v24;
	v60 =	vld [tilespmem:$0x124A0];
	v59 =	vsub.f32 v63, v6;
	v15 =	vsub.f32 v56, v6;
	v5 =	vmul.f32 v52, v21  }
0x424: {  	[tilespmem:s24+$0xF110] =	vst v16;
	v63 =	vld [tilespmem:s30+$0x3170];
	v61 =	vsub.f32 v45, v6;
	v23 =	vsub.f32 v54, v6  }
0x425: {  	[tilespmem:s24+$0xF120] =	vst v14;
	v35 =	vld [tilespmem:s30+$0x3510];
	v20 =	vsub.f32 v55, v6;
	v17 =	vmul.f32 v57, v5;
	v18 =	vmul.f32 v59, v5  }
0x426: {  	[tilespmem:s24+$0xF130] =	vst v13;
	v62 =	vld [tilespmem:s30+$0x3160];
	v31 =	vmul.f32 v61, v5;
	v23 =	vmul.f32 v23, v5  }
0x427: {  	v25 =	vsub.f32 v33, v6;
	v56 =	vld [tilespmem:s30+$0x3540];
	[tilespmem:s24+$0xF100] =	vst v51;
	v20 =	vmul.f32 v20, v5;
	v15 =	vmul.f32 v15, v5  }
0x428: {  	v51 =	vsub.f32 v37, v6;
	v13 =	vld [tilespmem:$0x12340];
	v17 =	vmul.f32 v17, v19;
	v18 =	vmul.f32 v18, v46  }
0x429: {  	v14 =	vld [tilespmem:$0x12350];
	v24 =	vsub.f32 v63, v6;
	v19 =	vmul.f32 v31, v47;
	v23 =	vmul.f32 v23, v48  }
0x42a: {  	v16 =	vld [tilespmem:$0x12370];
	v38 =	vmul.f32 v20, v49;
	v15 =	vmul.f32 v15, v50;
	v17 =	vadd.f32 v17, v53  }
0x42b: {  	v57 =	vld [tilespmem:s30+$0x3550];
	v46 =	vmul.f32 v24, v5;
	v47 =	vsub.f32 v35, v6;
	v18 =	vadd.f32 v18, v39  }
0x42c: {  	v48 =	vmul.f32 v25, v5;
	v19 =	vadd.f32 v19, v41;
	v39 =	vsub.f32 v62, v6;
	v41 =	vld [tilespmem:$0x124B0];
	[tilespmem:s30+$0xF100] =	vst v17  }
0x42d: {  	v59 =	vld [tilespmem:s30+$0x3570];
	v23 =	vadd.f32 v23, v42;
	v42 =	vadd.f32 v38, v40;
	v11 =	vmul.f32 v46, v11;
	[tilespmem:s30+$0xF110] =	vst v18  }
0x42e: {  	v45 =	vadd.f32 v15, v43;
	v15 =	vld [tilespmem:$0x12360];
	v50 =	vmul.f32 v47, v5;
	v53 =	vmul.f32 v51, v5;
	[tilespmem:s30+$0xF120] =	vst v19  }
0x42f: {  	v49 =	vsub.f32 v36, v6;
	v10 =	vmul.f32 v48, v10;
	v20 =	vmul.f32 v39, v5;
	[tilespmem:s30+$0xF130] =	vst v23;
	v17 =	vld [tilespmem:$0x12380]  }
0x430: {  	[tilespmem:s30+$0xF140] =	vst v42;
	v18 =	vld [tilespmem:$0x12390];
	v52 =	vadd.f32 v11, v29;
	v9 =	vmul.f32 v50, v9;
	v8 =	vmul.f32 v53, v8  }
0x431: {  	[tilespmem:s30+$0xF150] =	vst v45;
	v11 =	vld [tilespmem:$0x123A0];
	v54 =	vadd.f32 v10, v32;
	v12 =	vmul.f32 v20, v12;
	v20 =	vmul.f32 v49, v5  }
0x432: {  	v10 =	vld [tilespmem:$0x123C0];
	v55 =	vadd.f32 v9, v58;
	[tilespmem:s30+$0xF170] =	vst v52  }
0x433: {  	[tilespmem:s30+$0xF500] =	vst v54;
	v9 =	vld [tilespmem:$0x123D0];
	v19 =	vadd.f32 v8, v41;
	v7 =	vmul.f32 v20, v7  }
0x434: {  	v58 =	vld [tilespmem:s30+$0x3560];
	v12 =	vadd.f32 v12, v44;
	[tilespmem:s30+$0xF510] =	vst v55  }
0x435: {  	v8 =	vld [tilespmem:$0x123E0];
	[tilespmem:s30+$0xF530] =	vst v19;
	v7 =	vadd.f32 v7, v60  }
0x436: {  	[tilespmem:s30+$0xF160] =	vst v12;
	v12 =	vld [tilespmem:$0x123B0]  }
0x437: {  	[tilespmem:s30+$0xF520] =	vst v7;
	v7 =	vld [tilespmem:$0x123F0]  }
0x438: {  	v19 =	vld [tilespmem:$0x121C0]  }
0x439: {  	v20 =	vld [tilespmem:$0x121D0]  }
0x43a: {  	v21 =	vld [tilespmem:$0x121E0]  }
0x43b: {  	v22 =	vld [tilespmem:$0x121F0]  }
0x43c: {  	v23 =	vld [tilespmem:$0x12200]  }
0x43d: {  	v24 =	vld [tilespmem:$0x12210]  }
0x43e: {  	v28 =	vld [tilespmem:$0x12220]  }
0x43f: {  	v29 =	vld [tilespmem:$0x12230]  }
0x440: {  	v30 =	vld [tilespmem:$0x12240]  }
0x441: {  	v31 =	vld [tilespmem:$0x12250]  }
0x442: {  	v32 =	vld [tilespmem:$0x12260]  }
0x443: {  	v33 =	vld [tilespmem:$0x12270]  }
0x444: {  	v25 =	vld [tilespmem:$0x124C0]  }
0x445: {  	v26 =	vld [tilespmem:$0x124D0]  }
0x446: {  	v27 =	vld [tilespmem:$0x124E0]  }
0x447: {  	v34 =	vld [tilespmem:$0x124F0]  }
0x448: {  	v35 =	vld [tilespmem:$0x12500]  }
0x449: {  	v36 =	vld [tilespmem:$0x12510]  }
0x44a: {  	v37 =	vld [tilespmem:$0x12520]  }
0x44b: {  	v60 =	vld [tilespmem:s4+$0x3100]  }
0x44c: {  	v61 =	vld [tilespmem:s4+$0x3110]  }
0x44d: {  	v62 =	vld [tilespmem:s4+$0x3120]  }
0x44e: {  	v40 =	vsub.f32 v56, v6;
	v63 =	vld [tilespmem:s4+$0x3130]  }
0x44f: {  	v43 =	vsub.f32 v59, v6;
	v41 =	vsub.f32 v57, v6;
	v53 =	vld [tilespmem:s4+$0x3140]  }
0x450: {  	v40 =	vmul.f32 v40, v5;
	v42 =	vsub.f32 v58, v6;
	v56 =	vld [tilespmem:s4+$0x3150]  }
0x451: {  	v54 =	vmul.f32 v43, v5;
	v41 =	vmul.f32 v41, v5;
	v58 =	vld [tilespmem:s4+$0x3160]  }
0x452: {  	v38 =	vld [tilespmem:$0x12530];
	v51 =	vmul.f32 v42, v5;
	v19 =	vmul.f32 v40, v19  }
0x453: {  	v39 =	vld [tilespmem:$0x12540];
	v52 =	vsub.f32 v60, v6;
	v20 =	vmul.f32 v41, v20;
	v55 =	vsub.f32 v61, v6  }
0x454: {  	v46 =	vld [tilespmem:$0x12550];
	v21 =	vmul.f32 v51, v21;
	v61 =	vsub.f32 v62, v6;
	v62 =	vsub.f32 v63, v6  }
0x455: {  	v47 =	vld [tilespmem:$0x12560];
	v22 =	vmul.f32 v54, v22;
	v48 =	vsub.f32 v53, v6;
	v51 =	vsub.f32 v56, v6  }
0x456: {  	v60 =	vld [tilespmem:s4+$0x3170];
	v54 =	vsub.f32 v58, v6;
	v19 =	vadd.f32 v19, v25;
	v57 =	vmul.f32 v52, v5  }
0x457: {  	v42 =	vld [tilespmem:$0x12570];
	v20 =	vadd.f32 v20, v26;
	v59 =	vmul.f32 v55, v5;
	v63 =	vmul.f32 v61, v5  }
0x458: {  	v21 =	vadd.f32 v21, v27;
	v25 =	vld [tilespmem:$0x12640];
	v50 =	vmul.f32 v62, v5;
	v23 =	vmul.f32 v57, v23;
	[tilespmem:s30+$0xF540] =	vst v19  }
0x459: {  	v22 =	vadd.f32 v22, v34;
	v26 =	vld [tilespmem:$0x12650];
	v53 =	vmul.f32 v48, v5;
	v24 =	vmul.f32 v59, v24;
	[tilespmem:s30+$0xF550] =	vst v20  }
0x45a: {  	v27 =	vld [tilespmem:$0x12660];
	v56 =	vmul.f32 v51, v5;
	v52 =	vmul.f32 v63, v28;
	[tilespmem:s30+$0xF560] =	vst v21;
	v23 =	vadd.f32 v23, v35  }
0x45b: {  	v28 =	vld [tilespmem:$0x12670];
	v55 =	vmul.f32 v50, v29;
	[tilespmem:s30+$0xF570] =	vst v22;
	v57 =	vsub.f32 v60, v6;
	v49 =	vadd.f32 v24, v36  }
0x45c: {  	v29 =	vld [tilespmem:$0x12680];
	v58 =	vmul.f32 v53, v30;
	v59 =	vmul.f32 v54, v5;
	v20 =	vadd.f32 v52, v37;
	[tilespmem:s4+$0xF100] =	vst v23  }
0x45d: {  	v30 =	vld [tilespmem:$0x12690];
	v31 =	vmul.f32 v56, v31;
	v21 =	vadd.f32 v55, v38;
	v34 =	vmul.f32 v57, v5;
	[tilespmem:s4+$0xF110] =	vst v49  }
0x45e: {  	v22 =	vld [tilespmem:$0x126C0];
	v60 =	vadd.f32 v58, v39;
	v32 =	vmul.f32 v59, v32;
	[tilespmem:s4+$0xF120] =	vst v20  }
0x45f: {  	v19 =	vld [tilespmem:$0x126F0];
	v61 =	vadd.f32 v31, v46;
	[tilespmem:s4+$0xF130] =	vst v21;
	v62 =	vmul.f32 v34, v33  }
0x460: {  	v24 =	vld [tilespmem:$0x126A0];
	v32 =	vadd.f32 v32, v47;
	[tilespmem:s4+$0xF140] =	vst v60  }
0x461: {  	v23 =	vld [tilespmem:$0x126B0];
	[tilespmem:s4+$0xF150] =	vst v61;
	v31 =	vadd.f32 v62, v42  }
0x462: {  	v21 =	vld [tilespmem:$0x126D0];
	[tilespmem:s4+$0xF160] =	vst v32  }
0x463: {  	v20 =	vld [tilespmem:$0x126E0];
	[tilespmem:s4+$0xF170] =	vst v31  }
0x464: {  	v31 =	vld [tilespmem:$0x12280]  }
0x465: {  	v32 =	vld [tilespmem:$0x12290]  }
0x466: {  	v33 =	vld [tilespmem:$0x122A0]  }
0x467: {  	v34 =	vld [tilespmem:$0x122B0]  }
0x468: {  	v35 =	vld [tilespmem:$0x122C0]  }
0x469: {  	v36 =	vld [tilespmem:$0x122D0]  }
0x46a: {  	v37 =	vld [tilespmem:$0x122E0]  }
0x46b: {  	v38 =	vld [tilespmem:$0x122F0]  }
0x46c: {  	v39 =	vld [tilespmem:$0x12300]  }
0x46d: {  	v40 =	vld [tilespmem:$0x12310]  }
0x46e: {  	v41 =	vld [tilespmem:$0x12320]  }
0x46f: {  	v42 =	vld [tilespmem:$0x12330]  }
0x470: {  	v43 =	vld [tilespmem:$0x12580]  }
0x471: {  	v44 =	vld [tilespmem:$0x12590]  }
0x472: {  	v45 =	vld [tilespmem:$0x125A0]  }
0x473: {  	v46 =	vld [tilespmem:$0x125B0]  }
0x474: {  	v47 =	vld [tilespmem:$0x125C0]  }
0x475: {  	v48 =	vld [tilespmem:$0x125D0]  }
0x476: {  	v49 =	vld [tilespmem:$0x125E0]  }
0x477: {  	v50 =	vld [tilespmem:$0x125F0]  }
0x478: {  	v51 =	vld [tilespmem:$0x12600]  }
0x479: {  	v63 =	vld [tilespmem:s31+$0x3100]  }
0x47a: {  	v60 =	vld [tilespmem:s31+$0x3110]  }
0x47b: {  	v55 =	vld [tilespmem:s31+$0x3130]  }
0x47c: {  	v57 =	vld [tilespmem:s31+$0x3150]  }
0x47d: {  	v56 =	vld [tilespmem:s31+$0x3140]  }
0x47e: {  	v54 =	vld [tilespmem:s31+$0x3120]  }
0x47f: {  	v58 =	vld [tilespmem:$0x12610];
	v52 =	vsub.f32 v63, v6  }
0x480: {  	v59 =	vld [tilespmem:$0x12620];
	v53 =	vsub.f32 v60, v6;
	v55 =	vsub.f32 v55, v6  }
0x481: {  	v60 =	vld [tilespmem:s31+$0x3160];
	v57 =	vsub.f32 v57, v6;
	v52 =	vmul.f32 v52, v5  }
0x482: {  	v61 =	vld [tilespmem:s28+$0x3100];
	v56 =	vsub.f32 v56, v6;
	v53 =	vmul.f32 v53, v5;
	v55 =	vmul.f32 v55, v5  }
0x483: {  	v54 =	vsub.f32 v54, v6;
	v63 =	vmul.f32 v57, v5;
	v57 =	vld [tilespmem:s28+$0x3130];
	v31 =	vmul.f32 v52, v31  }
0x484: {  	v62 =	vmul.f32 v56, v5;
	v52 =	vld [tilespmem:s31+$0x3170];
	v32 =	vmul.f32 v53, v32  }
0x485: {  	v54 =	vmul.f32 v54, v5;
	v34 =	vmul.f32 v55, v34;
	v31 =	vadd.f32 v31, v43;
	v43 =	vld [tilespmem:s28+$0x3110]  }
0x486: {  	v35 =	vmul.f32 v62, v35;
	v60 =	vsub.f32 v60, v6;
	v32 =	vadd.f32 v32, v44;
	v44 =	vld [tilespmem:s28+$0x3120]  }
0x487: {  	v33 =	vmul.f32 v54, v33;
	v53 =	vsub.f32 v61, v6;
	v34 =	vadd.f32 v34, v46;
	v46 =	vld [tilespmem:$0x12630]  }
0x488: {  	v36 =	vmul.f32 v63, v36;
	v35 =	vadd.f32 v35, v47;
	v47 =	vld [tilespmem:s24+$0x3140];
	v54 =	vmul.f32 v60, v5  }
0x489: {  	v63 =	vmul.f32 v53, v5;
	v53 =	vld [tilespmem:s24+$0x3170];
	v55 =	vsub.f32 v57, v6;
	v52 =	vsub.f32 v52, v6  }
0x48a: {  	v33 =	vadd.f32 v33, v45;
	v45 =	vld [tilespmem:s5+$0x3100];
	[tilespmem:s31+$0xF100] =	vst v31;
	v62 =	vmul.f32 v54, v37  }
0x48b: {  	v36 =	vadd.f32 v36, v48;
	v31 =	vld [tilespmem:s24+$0x3150];
	[tilespmem:s31+$0xF110] =	vst v32;
	v60 =	vmul.f32 v55, v5;
	v61 =	vmul.f32 v52, v5  }
0x48c: {  	v56 =	vmul.f32 v63, v39;
	[tilespmem:s31+$0xF140] =	vst v35;
	v35 =	vld [tilespmem:s5+$0x3110];
	v43 =	vsub.f32 v43, v6;
	v44 =	vsub.f32 v44, v6  }
0x48d: {  	[tilespmem:s31+$0xF150] =	vst v36;
	v36 =	vld [tilespmem:s5+$0x3120];
	v32 =	vadd.f32 v62, v49;
	v62 =	vmul.f32 v60, v42;
	v48 =	vmul.f32 v61, v38  }
0x48e: {  	[tilespmem:s31+$0xF130] =	vst v34;
	v63 =	vld [tilespmem:s5+$0x3140];
	v34 =	vadd.f32 v56, v51;
	v54 =	vmul.f32 v43, v5;
	v57 =	vmul.f32 v44, v5  }
0x48f: {  	[tilespmem:s31+$0xF120] =	vst v33;
	v52 =	vld [tilespmem:s24+$0x3160];
	v47 =	vsub.f32 v47, v4;
	v56 =	vadd.f32 v62, v46  }
0x490: {  	[tilespmem:s31+$0xF160] =	vst v32;
	v33 =	vadd.f32 v48, v50;
	v38 =	vmul.f32 v54, v40;
	v37 =	vmul.f32 v57, v41;
	v40 =	vld [tilespmem:s5+$0x3130]  }
0x491: {  	v35 =	vsub.f32 v35, v4;
	v41 =	vld [tilespmem:s5+$0x3170];
	[tilespmem:s28+$0xF130] =	vst v56  }
0x492: {  	v47 =	vmul.f32 v47, v3;
	v61 =	vadd.f32 v38, v58;
	[tilespmem:s31+$0xF170] =	vst v33;
	v55 =	vadd.f32 v37, v59;
	v37 =	vld [tilespmem:s5+$0x3150]  }
0x493: {  	v60 =	vmul.f32 v35, v3;
	v38 =	vld [tilespmem:s5+$0x3160];
	[tilespmem:s28+$0xF100] =	vst v34  }
0x494: {  	v13 =	vmul.f32 v47, v13;
	v47 =	vld [tilespmem:s28+$0x3140];
	[tilespmem:s28+$0xF110] =	vst v61  }
0x495: {  	v18 =	vmul.f32 v60, v18;
	v60 =	vld [tilespmem:s28+$0x3160];
	[tilespmem:s28+$0xF120] =	vst v55  }
0x496: {  	v42 =	vld [tilespmem:$0x12340]  }
0x497: {  	v43 =	vld [tilespmem:$0x12350]  }
0x498: {  	v44 =	vld [tilespmem:$0x12360]  }
0x499: {  	v46 =	vld [tilespmem:$0x12370]  }
0x49a: {  	v48 =	vld [tilespmem:$0x12380]  }
0x49b: {  	v49 =	vld [tilespmem:$0x12390]  }
0x49c: {  	v50 =	vld [tilespmem:$0x123A0]  }
0x49d: {  	v51 =	vld [tilespmem:$0x123B0]  }
0x49e: {  	v53 =	vsub.f32 v53, v4;
	v34 =	vld [tilespmem:$0x123C0]  }
0x49f: {  	v33 =	vld [tilespmem:$0x123D0]  }
0x4a0: {  	v53 =	vmul.f32 v53, v3;
	v32 =	vld [tilespmem:$0x123E0]  }
0x4a1: {  	v63 =	vsub.f32 v63, v4;
	v57 =	vsub.f32 v31, v4;
	v31 =	vld [tilespmem:$0x123F0]  }
0x4a2: {  	v45 =	vsub.f32 v45, v4;
	v16 =	vmul.f32 v53, v16;
	v52 =	vsub.f32 v52, v4;
	v55 =	vld [tilespmem:$0x12640]  }
0x4a3: {  	v53 =	vmul.f32 v63, v3;
	v54 =	vmul.f32 v57, v3;
	v56 =	vld [tilespmem:$0x12650]  }
0x4a4: {  	v13 =	vadd.f32 v13, v25;
	v59 =	vmul.f32 v45, v3;
	v58 =	vmul.f32 v52, v3;
	v52 =	vld [tilespmem:$0x12660]  }
0x4a5: {  	v16 =	vadd.f32 v16, v28;
	v10 =	vmul.f32 v53, v10;
	v14 =	vmul.f32 v54, v14;
	v54 =	vld [tilespmem:$0x12670]  }
0x4a6: {  	v17 =	vmul.f32 v59, v17;
	v61 =	vsub.f32 v36, v4;
	v18 =	vadd.f32 v18, v30;
	v45 =	vld [tilespmem:$0x12680]  }
0x4a7: {  	v10 =	vadd.f32 v10, v22;
	v15 =	vmul.f32 v58, v15;
	v62 =	vsub.f32 v40, v4;
	v58 =	vld [tilespmem:s28+$0x3150]  }
0x4a8: {  	v63 =	vld [tilespmem:s6+$0x3100];
	v14 =	vadd.f32 v14, v26;
	v17 =	vadd.f32 v17, v29;
	v25 =	vmul.f32 v61, v3  }
0x4a9: {  	v53 =	vld [tilespmem:s6+$0x3150];
	v15 =	vadd.f32 v15, v27;
	v26 =	vmul.f32 v62, v3;
	v40 =	vsub.f32 v37, v4  }
0x4aa: {  	[tilespmem:s24+$0xF140] =	vst v13;
	v35 =	vld [tilespmem:$0x12690];
	v57 =	vsub.f32 v38, v4;
	v4 =	vsub.f32 v41, v4;
	v11 =	vmul.f32 v25, v11  }
0x4ab: {  	[tilespmem:s24+$0xF170] =	vst v16;
	v62 =	vld [tilespmem:s28+$0x3170];
	v39 =	vsub.f32 v60, v6;
	v12 =	vmul.f32 v26, v12;
	v59 =	vmul.f32 v40, v3  }
0x4ac: {  	v41 =	vld [tilespmem:s6+$0x3130];
	[tilespmem:s24+$0xF150] =	vst v14;
	v61 =	vmul.f32 v57, v3;
	v26 =	vsub.f32 v47, v6;
	v11 =	vadd.f32 v11, v24  }
0x4ad: {  	v28 =	vld [tilespmem:$0x126B0];
	v3 =	vmul.f32 v4, v3;
	[tilespmem:s24+$0xF160] =	vst v15;
	v37 =	vsub.f32 v58, v6;
	v4 =	vsub.f32 v63, v6  }
0x4ae: {  	v25 =	vld [tilespmem:s6+$0x3110];
	[tilespmem:s5+$0xF140] =	vst v10;
	v10 =	vsub.f32 v53, v6;
	v9 =	vmul.f32 v59, v9;
	v8 =	vmul.f32 v61, v8  }
0x4af: {  	v40 =	vld [tilespmem:s6+$0x3120];
	v12 =	vadd.f32 v12, v23;
	v3 =	vmul.f32 v3, v7;
	v15 =	vmul.f32 v26, v5  }
0x4b0: {  	v36 =	vld [tilespmem:$0x126C0];
	[tilespmem:s5+$0xF110] =	vst v18;
	v16 =	vmul.f32 v37, v5;
	v13 =	vsub.f32 v62, v6;
	v4 =	vmul.f32 v4, v5  }
0x4b1: {  	v47 =	vld [tilespmem:s6+$0x3140];
	[tilespmem:s5+$0xF120] =	vst v11;
	v11 =	vsub.f32 v41, v6;
	v10 =	vmul.f32 v10, v5;
	v9 =	vadd.f32 v9, v21  }
0x4b2: {  	v29 =	vld [tilespmem:$0x126D0];
	[tilespmem:s5+$0xF100] =	vst v17;
	v8 =	vadd.f32 v8, v20;
	v3 =	vadd.f32 v3, v19;
	v15 =	vmul.f32 v15, v42  }
0x4b3: {  	v57 =	vld [tilespmem:s6+$0x3160];
	v42 =	vmul.f32 v39, v5;
	[tilespmem:s5+$0xF130] =	vst v12;
	v14 =	vsub.f32 v25, v6;
	v16 =	vmul.f32 v16, v43  }
0x4b4: {  	v27 =	vld [tilespmem:$0x126A0];
	v13 =	vmul.f32 v13, v5;
	v4 =	vmul.f32 v4, v48;
	v18 =	vsub.f32 v40, v6;
	[tilespmem:s5+$0xF150] =	vst v9  }
0x4b5: {  	v58 =	vld [tilespmem:s6+$0x3170];
	v11 =	vmul.f32 v11, v5;
	v15 =	vadd.f32 v15, v55;
	v19 =	vmul.f32 v42, v44;
	[tilespmem:s5+$0xF160] =	vst v8  }
0x4b6: {  	v38 =	vld [tilespmem:$0x126E0];
	v12 =	vsub.f32 v47, v6;
	[tilespmem:s5+$0xF170] =	vst v3;
	v16 =	vadd.f32 v16, v56;
	v13 =	vmul.f32 v13, v46  }
0x4b7: {  	v14 =	vmul.f32 v14, v5;
	v3 =	vld [tilespmem:$0x126F0];
	v11 =	vmul.f32 v11, v51;
	v19 =	vadd.f32 v19, v52;
	[tilespmem:s28+$0xF140] =	vst v15  }
0x4b8: {  	v10 =	vmul.f32 v10, v33;
	v9 =	vsub.f32 v57, v6;
	v13 =	vadd.f32 v13, v54;
	[tilespmem:s28+$0xF150] =	vst v16  }
0x4b9: {  	v18 =	vmul.f32 v18, v5;
	v14 =	vmul.f32 v14, v49;
	v61 =	vadd.f32 v11, v28;
	[tilespmem:s28+$0xF160] =	vst v19  }
0x4ba: {  	v6 =	vsub.f32 v58, v6;
	v4 =	vadd.f32 v4, v45;
	v12 =	vmul.f32 v12, v5;
	[tilespmem:s28+$0xF170] =	vst v13  }
0x4bb: {  	v9 =	vmul.f32 v9, v5;
	v59 =	vmul.f32 v18, v50;
	v14 =	vadd.f32 v14, v35;
	[tilespmem:s6+$0xF130] =	vst v61  }
0x4bc: {  	v7 =	vadd.f32 v10, v29;
	v5 =	vmul.f32 v6, v5;
	v12 =	vmul.f32 v12, v34;
	[tilespmem:s6+$0xF100] =	vst v4  }
0x4bd: {  	p1 =	slt.u32 s13, $0xE;
	v9 =	vmul.f32 v9, v32;
	v60 =	vadd.f32 v59, v27;
	[tilespmem:s6+$0xF110] =	vst v14  }
.Ltmp3:
0x4be: {  	v5 =	vmul.f32 v5, v31;
	v62 =	vadd.f32 v12, v36;
	[tilespmem:s6+$0xF150] =	vst v7;
	(pc) =	sbr.rel @p1 .LBB2_5-.Ltmp3, $4  }
0x4bf: {  	v63 =	vadd.f32 v9, v38;
	[tilespmem:s6+$0xF120] =	vst v60  }
0x4c0: {  	v3 =	vadd.f32 v5, v3;
	[tilespmem:s6+$0xF140] =	vst v62  }
0x4c1: {  	[tilespmem:s6+$0xF160] =	vst v63  }
0x4c2: {  	s17 =	sadd.s32 $0x100, s17;
	[tilespmem:s6+$0xF170] =	vst v3  }
.Ltmp4:
0x4c3: {  	(pc) =	sbr.rel @p0 .LBB2_8-.Ltmp4, $3  }
0x4c4: {  	_ =	sdelay $0x1  }
0x4c5: {  	s0 =	sadd.s32 s16, s15;
	s2 =	simm.s32 $0xF100  }
0x4c6: {  	[hbm4b:s0+s8] =	stream.linear.scatter [tilespmem:s2], [sflag:$0x6], $0x3000, $0x38;
	[tilespmem:$0x12700] =	vst v63  }
0x4c7: {  	v3 =	vld [tilespmem:s14+$0x30];
	_ =	sdelay $0x4  }
0x4c8: {  	v4 =	vshrl.u32 v3, $0x3  }
0x4c9: {  	v4 =	vmul.u32 $0x30, v4  }
0x4ca: {  	v3 =	vand.u32 $0x7, v3  }
0x4cb: {  	v3 =	vor.u32 v3, v4  }
0x4cc: {  	v4 =	vperm.xlane v3, v0;
	_ =	sdelay $0x1  }
0x4cd: {  	v4 =	vadd.s32 v1, v4;
	_ =	sdelay $0x3  }
0x4ce: {  	s0 =	simm.s32 $0x3100;
	v3 =	vperm.xlane v3, v2  }
0x4cf: {  	[tilespmem:s0], [sflag:$0x2] =	stream.indirect_vreg.gather [hbm4b:s1+s8], $0x80, v4, vm0, $0xb8;
	[tilespmem:$0x12700] =	vst v63  }
0x4d0: {  	s23 =	simm.s32 $0x3900;
	v3 =	vadd.s32 v1, v3  }
0x4d1: {  	[tilespmem:s23], [sflag:$0x2] =	stream.indirect_vreg.gather [hbm4b:s11+s8], $0x80, v4, vm0, $0xb8;
	[tilespmem:$0x12700] =	vst v63  }
0x4d2: {  	s24 =	simm.s32 $0x4100  }
0x4d3: {  	[tilespmem:s24], [sflag:$0x2] =	stream.indirect_vreg.gather [hbm4b:s12+s8], $0x80, v4, vm0, $0xb8;
	[tilespmem:$0x12700] =	vst v63  }
0x4d4: {  	s26 =	simm.s32 $0x4900;
	s28 =	sadd.s32 $0x30, s14  }
0x4d5: {  	[tilespmem:s26], [sflag:$0x2] =	stream.indirect_vreg.gather [hbm4b:s1+s8], $0x80, v3, vm0, $0xb8;
	[tilespmem:$0x12700] =	vst v63  }
0x4d6: {  	s2 =	simm.s32 $0x5100;
	s0 =	sadd.s32 s9, s28  }
0x4d7: {  	[tilespmem:s2], [sflag:$0x2] =	stream.indirect_vreg.gather [hbm4b:s11+s8], $0x80, v3, vm0, $0xb8;
	[tilespmem:$0x12700] =	vst v63  }
.Ltmp5:
0x4d8: {  	s0 =	sshrl.u32 s0, $0x3;
	(pc) =	sbr.rel .LBB2_2-.Ltmp5, $4  }
0x4d9: {  	s29 =	simm.s32 $0x5900;
	s30 =	rddreg [dreg:$0x2];
	s0 =	smul.u32 $0x300, s0  }
0x4da: {  	[tilespmem:s29], [sflag:$0x2] =	stream.indirect_vreg.gather [hbm4b:s12+s8], $0x80, v3, vm0, $0xb8;
	[tilespmem:$0x12700] =	vst v63  }
0x4db: {  	s31 =	simm.s32 $0x9100;
	s10 =	sadd.s32 $0x1, s10;
	s0 =	sadd.s32 s30, s0  }
0x4dc: {  	[tilespmem:s31], [sflag:$0x4] =	stream.linear.gather [hbm4b:s0+s8], $0x3000, $0x38;
	[tilespmem:$0x12700] =	vst v63  }
.LBB2_9:
0x4dd: {  	_ =	sfence.sel $0x180000  }
0x4de: {  	[bflag:$0x0] =	sbarrier.arrive $0xFFFF  }
0x4df: {  	_ =	strace $0x90000047  }
0x4e0: {  	s0 =	stileid.u32;
	[bflag:$0x2] =	sbarrier.arrive $0xFFFF  }
0x4e1: {  	p0 =	sne.s32 s0, $0x0;
	s0 =	rddreg [dreg:$0x6]  }
0x4e2: {  	s0 =	sadd.s32 @!p0 $0x100000, s0  }
0x4e3: {  	[sflag:s0] =	ssyncadd.tile.s32 @!p0 $0x1;
	_ =	shalt  }
.Lfunc_end2:
_tile_overlayer_lowered:
.L_overlay_start_2:
0x4e4: {  	(tag) =	ssettag $0x2  }
0x4e5: {  	s0 =	rddreg [dreg:$0x0];
	s2 =	stileid.u32  }
0x4e6: {  	s1 =	rddreg [dreg:$0x1];
	p0 =	sne.s32 s2, $0x0  }
0x4e7: {  	s3 =	rddreg [dreg:$0x2];
	[bflag:$0x3] =	sbarrier.arrive $0xFFFF;
	s2 =	simm.s32 @!p0 $0x1C08  }
0x4e8: {  	[timem:s3], [sflag:s2] =	dma.local @!p0 [hbm:s0], s1  }
0x4e9: {  	s0 =	simm.s32 @!p0 $0x8  }
0x4ea: {  	_ =	swait.ge @!p0 [sflag:s0], s1  }
0x4eb: {  	s1 =	ssub.s32 @!p0 $0x0, s1;
	[sflag:s0] =	ssyncset.done @!p0 $0x0  }
0x4ec: {  	[sflag:s0] =	ssyncadd.s32 @!p0 s1  }
0x4ed: {  	[bflag:$0x3] =	sbarrier.arrive $0xFFFF  }
0x4ee: {  	_ =	shalt  }

</sc_bundles>
